<compile_context>
chip_gen: v7x
topology: tpu7x:2x2x1
jax: 0.10.2.dev20260603
libtpu: 0.0.44.dev20260713+nightly
codegen_flags: <defaults>
</compile_context>

<pallas_src>
import functools

import jax
import jax.numpy as jnp
from jax import lax
from jax.experimental import pallas as pl
from jax.experimental.pallas import tpu as pltpu
from jax.experimental.pallas import tpu_sc as plsc

F32 = jnp.float32
HID = 16
CHUNK = 128
NW = 32


def _sc_gather(table, src1, eat=None):
    n_nodes, ncol = table.shape
    n_edges = src1.shape[0]
    slab = n_edges // NW
    sub = 1000 if ncol > 16 else slab
    nsub = slab // sub
    gchunk = 40
    with_ea = eat is not None
    mesh = plsc.VectorSubcoreMesh(core_axis_name="c", subcore_axis_name="s")

    out_type = jax.ShapeDtypeStruct((n_edges, ncol), F32)
    scratch = [
        pltpu.VMEM((slab,), jnp.int32),
        pltpu.VMEM((sub, ncol), F32),
        pltpu.SemaphoreType.DMA,
    ]
    if with_ea:
        out_type = [out_type, jax.ShapeDtypeStruct((n_edges * HID,), F32)]
        scratch.extend(pltpu.VMEM((slab + 128,), F32) for _ in range(4))
        scratch.append(pltpu.VMEM((sub * HID,), F32))

    @functools.partial(
        pl.kernel,
        out_type=out_type,
        mesh=mesh,
        compiler_params=pltpu.CompilerParams(use_tc_tiling_on_sc=False,
                                             needs_layout_passes=False),
        scratch_types=scratch,
    )
    def gather_kernel(table_hbm, idx_hbm, *refs):
        if with_ea:
            (eat_hbm, out_hbm, ea_hbm, idx_v, rows_v, sem,
             ab0, ab1, ab2, ab3, padbuf) = refs
            abufs = (ab0, ab1, ab2, ab3)
        else:
            out_hbm, idx_v, rows_v, sem = refs
        c = lax.axis_index("c")
        s = lax.axis_index("s")
        w = s * 2 + c
        base = w * slab
        pltpu.sync_copy(idx_hbm.at[pl.ds(base, slab)], idx_v)
        if with_ea:
            for d in range(4):
                pltpu.sync_copy(eat_hbm.at[d, pl.ds(base, slab)],
                                abufs[d].at[pl.ds(0, slab)])

        def sub_pass(q, carry):
            def fire(k, cr):
                o = q * sub + k * gchunk
                pltpu.async_copy(
                    table_hbm.at[idx_v.at[pl.ds(o, gchunk)]],
                    rows_v.at[pl.ds(k * gchunk, gchunk)], sem)
                return cr

            def drain(k, cr):
                o = q * sub + k * gchunk
                pltpu.make_async_copy(
                    table_hbm.at[idx_v.at[pl.ds(o, gchunk)]],
                    rows_v.at[pl.ds(k * gchunk, gchunk)], sem).wait()
                return cr

            lax.fori_loop(0, sub // gchunk, fire, 0, unroll=False)
            if with_ea:
                def eabody(jv, cr):
                    eidx = jv * 16 + lax.iota(jnp.int32, 16)
                    msk = eidx < sub
                    for d in range(4):
                        vec = abufs[d][pl.ds(q * sub + jv * 16, 16)]
                        plsc.store_scatter(padbuf, [eidx * HID + d], vec,
                                           mask=msk)
                    return cr

                lax.fori_loop(0, (sub + 15) // 16, eabody, 0, unroll=False)
            lax.fori_loop(0, sub // gchunk, drain, 0, unroll=False)
            pltpu.sync_copy(rows_v,
                            out_hbm.at[pl.ds(base + q * sub, sub)])
            if with_ea:
                pltpu.sync_copy(
                    padbuf,
                    ea_hbm.at[pl.ds((base + q * sub) * HID, sub * HID)])
            return carry

        if with_ea:
            def zfill(i, carry):
                padbuf[pl.ds(i * 16, 16)] = jnp.zeros((16,), F32)
                return carry

            lax.fori_loop(0, sub * HID // 16, zfill, 0, unroll=8)
        lax.fori_loop(0, nsub, sub_pass, 0, unroll=False)

    if with_ea:
        return gather_kernel(table, src1, eat)
    return gather_kernel(table, src1)


def _sc_scatter(msg, dst2, n_nodes, with_counts):
    nrows = dst2.shape[0]
    base = nrows // NW
    rem = nrows - base * NW
    slab = n_nodes // 16
    piece = 125
    mesh = plsc.VectorSubcoreMesh(core_axis_name="c", subcore_axis_name="s")

    out_type = [jax.ShapeDtypeStruct((2, n_nodes, HID), F32)]
    scratch = [
        pltpu.VMEM((CHUNK,), jnp.int32),
        pltpu.VMEM((CHUNK, HID), F32),
        pltpu.VMEM_SHARED((n_nodes, HID), F32),
    ]
    if with_counts:
        out_type.append(jax.ShapeDtypeStruct((2, n_nodes, HID), F32))
        scratch.append(pltpu.VMEM((CHUNK, HID), F32))
        scratch.append(pltpu.VMEM_SHARED((n_nodes, HID), F32))

    @functools.partial(pl.kernel, out_type=out_type, mesh=mesh,
                       compiler_params=pltpu.CompilerParams(
                           use_tc_tiling_on_sc=False),
                       scratch_types=scratch)
    def scatter_kernel(msg_hbm, dst_hbm, *refs):
        if with_counts:
            out_hbm, cnt_hbm, idx_v, row_v, acc, one_v, cacc = refs
        else:
            out_hbm, idx_v, row_v, acc = refs
        c = lax.axis_index("c")
        s = lax.axis_index("s")
        w = s * 2 + c

        def fill(i, carry):
            row_v[i] = jnp.zeros((HID,), F32)
            if with_counts:
                one_v[i] = jnp.full((HID,), 1.0, F32)
            return carry

        lax.fori_loop(0, CHUNK, fill, 0, unroll=False)
        for q in range(slab // piece):
            dst_slice = pl.ds(s * slab + q * piece, piece)
            pltpu.sync_copy(row_v.at[pl.ds(0, piece)], acc.at[dst_slice])
            if with_counts:
                pltpu.sync_copy(row_v.at[pl.ds(0, piece)], cacc.at[dst_slice])
        plsc.subcore_barrier()

        def body(j, carry):
            r = w + NW * j
            pltpu.sync_copy(dst_hbm.at[r], idx_v)
            pltpu.sync_copy(msg_hbm.at[pl.ds(r * CHUNK, CHUNK)], row_v)
            pltpu.sync_copy(row_v, acc.at[idx_v], add=True)
            if with_counts:
                pltpu.sync_copy(one_v, cacc.at[idx_v], add=True)
            return carry

        lax.fori_loop(0, base, body, 0, unroll=False)
        if rem:
            @pl.when(w < rem)
            def _():
                body(base, 0)
        plsc.subcore_barrier()
        pltpu.sync_copy(acc.at[pl.ds(s * slab, slab)],
                        out_hbm.at[c, pl.ds(s * slab, slab)])
        if with_counts:
            pltpu.sync_copy(cacc.at[pl.ds(s * slab, slab)],
                            cnt_hbm.at[c, pl.ds(s * slab, slab)])

    return scatter_kernel(msg, dst2)


MXT = jnp.float32


def _ssum_mat():
    kk = jnp.arange(HID * HID, dtype=jnp.int32)
    return (kk[:, None] % HID == jnp.arange(HID, dtype=jnp.int32)[None, :]
            ).astype(F32)


def _rep_mat():
    kk = jnp.arange(HID * HID, dtype=jnp.int32)
    return (kk[None, :] // HID == jnp.arange(HID, dtype=jnp.int32)[:, None]
            ).astype(F32)


def _tc_he(ea8, ew1, eb1):
    rows = ea8.shape[0]
    tile = 2000
    ew1p = jnp.zeros((HID, HID), F32).at[:4].set(ew1)
    w = jnp.kron(jnp.eye(8, dtype=F32), ew1p).astype(MXT)
    b = jnp.tile(eb1, 8).reshape(1, 128)

    def body(ea_ref, w_ref, b_ref, out_ref):
        out_ref[...] = jnp.maximum(
            jnp.dot(ea_ref[...].astype(MXT), w_ref[...],
                    preferred_element_type=F32) + b_ref[...], 0.0)

    return pl.pallas_call(
        body,
        grid=(rows // tile,),
        in_specs=[
            pl.BlockSpec((tile, 128), lambda i: (i, 0)),
            pl.BlockSpec((128, 128), lambda i: (0, 0)),
            pl.BlockSpec((1, 128), lambda i: (0, 0)),
        ],
        out_specs=pl.BlockSpec((tile, 128), lambda i: (i, 0)),
        out_shape=jax.ShapeDtypeStruct((rows, 128), F32),
    )(ea8, w, b)


def _tc_edge(hg, att, attw, attb, att_relu, w2m, b2m, pack, tile_rows):
    n_edges, in_c = hg.shape
    rows = n_edges // pack
    grid = rows // tile_rows
    eye = jnp.eye(pack, dtype=F32)
    w2big = jnp.kron(eye, w2m).astype(MXT)
    b2big = jnp.kron(eye, b2m).astype(MXT)
    sbig = jnp.kron(eye, _ssum_mat()).astype(MXT)
    hg_p = hg.reshape(rows, pack * in_c)
    attk = attw.shape[0]
    wk = pack * HID * HID

    def body(hg_ref, ea_ref, ewr_ref, ebr_ref, w2_ref, b2_ref, s_ref,
             out_ref):
        hgv = hg_ref[...].astype(MXT)
        her = jnp.dot(ea_ref[...].astype(MXT), ewr_ref[...],
                      preferred_element_type=F32) + ebr_ref[...]
        if att_relu:
            her = jnp.maximum(her, 0.0)
        t = jnp.dot(hgv, w2_ref[...], preferred_element_type=F32)
        prod = her.astype(MXT) * t.astype(MXT)
        out_ref[...] = (
            jnp.dot(prod, s_ref[...], preferred_element_type=F32)
            + jnp.dot(hgv, b2_ref[...], preferred_element_type=F32))

    return pl.pallas_call(
        body,
        grid=(grid,),
        in_specs=[
            pl.BlockSpec((tile_rows, pack * in_c), lambda i: (i, 0)),
            pl.BlockSpec((tile_rows, attk), lambda i: (i, 0)),
            pl.BlockSpec((attk, wk), lambda i: (0, 0)),
            pl.BlockSpec((1, wk), lambda i: (0, 0)),
            pl.BlockSpec((pack * in_c, wk), lambda i: (0, 0)),
            pl.BlockSpec((pack * in_c, pack * HID), lambda i: (0, 0)),
            pl.BlockSpec((wk, pack * HID), lambda i: (0, 0)),
        ],
        out_specs=pl.BlockSpec((tile_rows, pack * HID), lambda i: (i, 0)),
        out_shape=jax.ShapeDtypeStruct((rows, pack * HID), F32),
    )(hg_p, att, attw.astype(MXT), attb, w2big, b2big,
      sbig).reshape(n_edges, HID)


def _recip(x):
    r = 1.0 / x
    return r * (2.0 - x * r)


def _rsqrt_nr(x):
    r = lax.rsqrt(x)
    return r * (1.5 - 0.5 * x * r * r)


def _tc_node(parts, cnts, h, root, bias, bn_g, bn_b, residual):
    n_nodes = h.shape[0]

    def body(p_ref, c_ref, h_ref, root_ref, bias_ref, g_ref, b_ref, out_ref):
        sums = p_ref[0] + p_ref[1]
        cnt = jnp.maximum(c_ref[0] + c_ref[1], 1.0)
        hv = h_ref[...]
        xn = (sums * _recip(cnt)
              + jnp.dot(hv, root_ref[...], preferred_element_type=F32)
              + bias_ref[...])
        mean = jnp.mean(xn, axis=0, keepdims=True)
        ctr = xn - mean
        var = jnp.mean(ctr * ctr, axis=0, keepdims=True)
        xn = ctr * _rsqrt_nr(var + 1e-5) * g_ref[...] + b_ref[...]
        xn = jnp.maximum(xn, 0.0)
        if residual:
            xn = xn + hv
        out_ref[...] = xn

    return pl.pallas_call(
        body,
        out_shape=jax.ShapeDtypeStruct((n_nodes, HID), F32),
    )(parts, cnts, h, root, bias.reshape(1, HID), bn_g.reshape(1, HID),
      bn_b.reshape(1, HID))


def _tc_pool(h, batch2, l1w, l1b, l2w, l2b, n_graphs):
    n_nodes = h.shape[0]

    def body(h_ref, b_ref, w1_ref, b1_ref, w2_ref, b2_ref, out_ref):
        gid = lax.broadcasted_iota(jnp.int32, (n_graphs, n_nodes), 0)
        oh = (gid == b_ref[...]).astype(F32)
        psum = jnp.dot(oh, h_ref[...], preferred_element_type=F32)
        cnt = jnp.maximum(jnp.sum(oh, axis=1, keepdims=True), 1.0)
        pooled = psum * _recip(cnt)
        h1 = jnp.maximum(
            jnp.dot(pooled, w1_ref[...], preferred_element_type=F32)
            + b1_ref[...], 0.0)
        out_ref[...] = (jnp.dot(h1, w2_ref[...], preferred_element_type=F32)
                        + b2_ref[...])

    return pl.pallas_call(
        body,
        out_shape=jax.ShapeDtypeStruct((n_graphs, 1), F32),
    )(h, batch2, l1w, l1b.reshape(1, -1), l2w, l2b.reshape(1, 1))


def kernel(x, edge_index, batch, edge_attr, params):
    n_nodes = x.shape[0]
    n_graphs = 64
    n_edges = edge_attr.shape[0]
    src1 = edge_index[0]
    dst2 = edge_index[1].reshape(-1, CHUNK)
    batch2 = batch.reshape(1, n_nodes)
    eat = edge_attr.T

    h = x
    cnts = None
    ea8 = None
    for l, p in enumerate(params["convs"]):
        in_c = h.shape[1]
        w2m = (p["ew2"].reshape(HID, in_c, HID)
               .transpose(1, 0, 2).reshape(in_c, HID * HID))
        b2m = p["eb2"].reshape(in_c, HID)
        if l == 0:
            hg, ea16 = _sc_gather(h, src1, eat)
            ea8 = ea16.reshape(n_edges // 8, 128)
        else:
            hg = _sc_gather(h, src1)
        if in_c == 64:
            he2 = _tc_he(ea8, p["ew1"], p["eb1"]).reshape(n_edges // 2, 32)
            attw = jnp.kron(jnp.eye(2, dtype=F32), _rep_mat())
            attb = jnp.zeros((1, 2 * HID * HID), F32)
            msg = _tc_edge(hg, he2, attw, attb, False, w2m, b2m, 2, 2000)
        else:
            ew1p = jnp.zeros((HID, HID), F32).at[:4].set(p["ew1"])
            attw = jnp.kron(jnp.eye(8, dtype=F32),
                            jnp.kron(ew1p, jnp.ones((1, HID), F32)))
            attb = jnp.tile(jnp.repeat(p["eb1"], HID), 8).reshape(1, -1)
            msg = _tc_edge(hg, ea8, attw, attb, True, w2m, b2m, 8, 1000)
        if l == 0:
            parts, cnts = _sc_scatter(msg, dst2, n_nodes, with_counts=True)
        else:
            (parts,) = _sc_scatter(msg, dst2, n_nodes, with_counts=False)
        h = _tc_node(parts, cnts, h, p["root"], p["bias"], p["bn_g"],
                     p["bn_b"], residual=(l > 0))
    return _tc_pool(h, batch2, params["lin1_w"], params["lin1_b"],
                    params["lin2_w"], params["lin2_b"], n_graphs)

# --- scband reference (transcript-rebuilt; emitter-appended) ---
"""Pipeline reference for scband-nnconv-model-13202729468407 (READ-ONLY COPY).

The authoritative reference and input builder live on the scoring server;
editing this copy changes nothing except your own understanding.
"""

import jax, jax.numpy as jnp
import numpy as np

N_NODES = 10000
N_EDGES = 160000
IN_CH = 64
HID = 16
N_LAYERS = 3
EDGE_DIM = 4
N_GRAPHS = 64


def _segment_mean(data, ids, num):
    s = jax.ops.segment_sum(data, ids, num_segments=num)
    c = jax.ops.segment_sum(jnp.ones((data.shape[0], 1), data.dtype), ids, num_segments=num)
    return s / jnp.clip(c, 1.0, None)


def _make_params(key):
    params = {"convs": []}
    for l in range(N_LAYERS):
        in_c = IN_CH if l == 0 else HID
        key, k1, k2, k3 = jax.random.split(key, 4)
        p = {
            "ew1": jax.random.normal(k1, (EDGE_DIM, HID), jnp.float32) / np.sqrt(EDGE_DIM),
            "eb1": jnp.zeros((HID,), jnp.float32),
            "ew2": jax.random.normal(k2, (HID, in_c * HID), jnp.float32) / np.sqrt(float(HID * in_c)),
            "eb2": jnp.zeros((in_c * HID,), jnp.float32),
            "root": jax.random.normal(k3, (in_c, HID), jnp.float32) / np.sqrt(float(in_c)),
            "bias": jnp.zeros((HID,), jnp.float32),
            "bn_g": jnp.ones((HID,), jnp.float32),
            "bn_b": jnp.zeros((HID,), jnp.float32),
        }
        params["convs"].append(p)
    key, k1, k2 = jax.random.split(key, 3)
    params["lin1_w"] = jax.random.normal(k1, (HID, HID // 2), jnp.float32) / np.sqrt(float(HID))
    params["lin1_b"] = jnp.zeros((HID // 2,), jnp.float32)
    params["lin2_w"] = jax.random.normal(k2, (HID // 2, 1), jnp.float32) / np.sqrt(float(HID // 2))
    params["lin2_b"] = jnp.zeros((1,), jnp.float32)
    return params


def setup_inputs(seed: int = 0):
    key = jax.random.key(seed)
    k1, k2, k3, k4, k5 = jax.random.split(key, 5)
    x = jax.random.normal(k1, (N_NODES, IN_CH), jnp.float32)
    edge_index = jax.random.randint(k2, (2, N_EDGES), 0, N_NODES, jnp.int32)
    batch = jnp.sort(jax.random.randint(k3, (N_NODES,), 0, N_GRAPHS, jnp.int32))
    edge_attr = jax.random.normal(k4, (N_EDGES, EDGE_DIM), jnp.float32)
    params = _make_params(k5)
    return {"x": x, "edge_index": edge_index, "batch": batch, "edge_attr": edge_attr, "params": params}


def _forward(x, edge_attr, params, edge_index, batch):
    src = edge_index[0]
    dst = edge_index[1]
    h = x
    for l, p in enumerate(params["convs"]):
        in_c = h.shape[-1]
        # edge network: MLP(edge_attr) -> per-edge weight matrix [E, in_c, HID]
        he = jax.nn.relu(edge_attr @ p["ew1"] + p["eb1"])
        w = (he @ p["ew2"] + p["eb2"]).reshape(-1, in_c, HID)
        # message: x_src (gather) bmm per-edge weight
        msg = jnp.einsum('ei,eio->eo', h[src], w)
        # aggr='mean' over incoming edges at dst (scatter-add + count)
        agg = _segment_mean(msg, dst, N_NODES)
        # root weight + bias
        x_new = agg + h @ p["root"] + p["bias"]
        # BatchNorm1d (training-mode batch statistics, deterministic)
        mean = jnp.mean(x_new, axis=0)
        var = jnp.var(x_new, axis=0)
        x_new = (x_new - mean) / jnp.sqrt(var + 1e-5) * p["bn_g"] + p["bn_b"]
        x_new = jax.nn.relu(x_new)
        if l > 0 and h.shape[-1] == x_new.shape[-1]:
            h = h + x_new
        else:
            h = x_new
    # global_mean_pool over graph ids
    pooled = _segment_mean(h, batch, N_GRAPHS)
    # dropout is identity in eval / deterministic reference
    h1 = jax.nn.relu(pooled @ params["lin1_w"] + params["lin1_b"])
    out = h1 @ params["lin2_w"] + params["lin2_b"]
    return out


def reference(x, edge_index, batch, edge_attr, params):
    return _forward(x, edge_attr, params, edge_index, batch)

if __name__ == "__main__":
    import jax
    _d = setup_inputs()
    print(jax.jit(kernel)(*tuple(_d.values())))

</pallas_src>

<mosaic_0001>
#map = affine_map<(d0, d1) -> (0, 0)>
#map1 = affine_map<(d0, d1) -> (0, 0, 0)>
module attributes {stable_mosaic.version = 14 : i64} {
  func.func @scatter_kernel(%arg0: i32, %arg1: i32, %arg2: memref<160000x16xf32, #tpu.memory_space<hbm>>, %arg3: memref<1250x128xi32, #tpu.memory_space<hbm>>, %arg4: memref<2x10000x16xf32, #tpu.memory_space<hbm>>, %arg5: memref<128xi32, #tpu.memory_space<vmem>>, %arg6: memref<128x16xf32, #tpu.memory_space<vmem>>, %arg7: memref<10000x16xf32, #tpu.memory_space<vmem_shared>>) attributes {dimension_semantics = [#tpu.dimension_semantics<core_parallel>, #tpu.dimension_semantics<subcore_parallel>], iteration_bounds = array<i64: 2, 16>, scalar_prefetch = 0 : i64, scratch_operands = 3 : i64, tpu.core_type = #tpu.core_type<sc_vector_subcore>, window_params = [{transform_indices = #map}, {transform_indices = #map}, {transform_indices = #map1}]} {
    %mul3A = arith.constant 2 : i32
    %mul3A_0 = arith.muli %arg1, %mul3A : i32
    %add3A = arith.addi %mul3A_0, %arg0 : i32
    %scan3A = arith.constant 0 : i32
    %scan3A_1 = arith.constant 0 : i32
    %scan3A_2 = arith.constant 128 : i32
    %scan3A_3 = arith.addi %scan3A_1, %scan3A_2 : i32
    %scan3A_4 = arith.constant 1 : i32
    scf.for %scan3A_39 = %scan3A_1 to %scan3A_3 step %scan3A_4  : i32 {
      %broadcast_in_dim3A = arith.constant 0.000000e+00 : f32
      %broadcast_in_dim3A_40 = vector.broadcast %broadcast_in_dim3A : f32 to vector<16xf32>
      %swap3A = arith.index_cast %scan3A_39 : i32 to index
      %swap3A_41 = arith.constant 0 : index
      %swap3A_42 = tpu.vector_load %arg6[%swap3A, %swap3A_41] {strides = array<i32>} : memref<128x16xf32, #tpu.memory_space<vmem>>, vector<1x16xf32>,
      %swap3A_43 = vector.shape_cast %swap3A_42 : vector<1x16xf32> to vector<16xf32>
      %swap3A_44 = vector.shape_cast %broadcast_in_dim3A_40 : vector<16xf32> to vector<1x16xf32>
      tpu.vector_store %arg6[%swap3A, %swap3A_41], %swap3A_44 {strides = array<i32>} : memref<128x16xf32, #tpu.memory_space<vmem>>, vector<1x16xf32>,
    }
    %scan3A_5 = arith.constant 128 : i32
    %mul3A_6 = arith.constant 625 : i32
    %mul3A_7 = arith.muli %arg1, %mul3A_6 : i32
    %add3A_8 = arith.constant 0 : i32
    %add3A_9 = arith.addi %mul3A_7, %add3A_8 : i32
    "tpu.region"() ({
      %run_scoped3A = tpu.sem_alloc : memref<!tpu.dma_semaphore, #tpu.memory_space<semaphore_mem>>
      %dma_start3A = arith.constant 0 : i32
      %dma_start3A_39 = arith.constant 0 : i32
      %dma_start3A_40 = tpu.memref_slice %arg6[%dma_start3A, %dma_start3A_39] : memref<128x16xf32, #tpu.memory_space<vmem>> -> memref<125x16xf32, #tpu.memory_space<vmem>>
      %dma_start3A_41 = arith.constant 0 : i32
      %dma_start3A_42 = tpu.memref_slice %arg7[%add3A_9, %dma_start3A_41] : memref<10000x16xf32, #tpu.memory_space<vmem_shared>> -> memref<125x16xf32, #tpu.memory_space<vmem_shared>>
      %dma_start3A_43 = arith.constant 0 : i32
      %dma_start3A_44 = tpu.memref_slice %arg7[%add3A_9, %dma_start3A_43] : memref<10000x16xf32, #tpu.memory_space<vmem_shared>> -> memref<125x16xf32, #tpu.memory_space<vmem_shared>>
      %dma_start3A_45 = arith.constant 0 : i32
      %dma_start3A_46 = arith.constant 0 : i32
      %dma_start3A_47 = tpu.memref_slice %arg6[%dma_start3A_45, %dma_start3A_46] : memref<128x16xf32, #tpu.memory_space<vmem>> -> memref<125x16xf32, #tpu.memory_space<vmem>>
      tpu.enqueue_dma source(%dma_start3A_47 : memref<125x16xf32, #tpu.memory_space<vmem>>) target(%dma_start3A_44 : memref<125x16xf32, #tpu.memory_space<vmem_shared>>) target_semaphore(%run_scoped3A : memref<!tpu.dma_semaphore, #tpu.memory_space<semaphore_mem>>)
      %dma_wait3A = arith.constant 0 : i32
      %dma_wait3A_48 = arith.constant 0 : i32
      %dma_wait3A_49 = tpu.memref_slice %arg6[%dma_wait3A, %dma_wait3A_48] : memref<128x16xf32, #tpu.memory_space<vmem>> -> memref<125x16xf32, #tpu.memory_space<vmem>>
      %dma_wait3A_50 = arith.constant 0 : i32
      %dma_wait3A_51 = tpu.memref_slice %arg7[%add3A_9, %dma_wait3A_50] : memref<10000x16xf32, #tpu.memory_space<vmem_shared>> -> memref<125x16xf32, #tpu.memory_space<vmem_shared>>
      %dma_wait3A_52 = arith.constant 0 : i32
      %dma_wait3A_53 = tpu.memref_slice %arg7[%add3A_9, %dma_wait3A_52] : memref<10000x16xf32, #tpu.memory_space<vmem_shared>> -> memref<125x16xf32, #tpu.memory_space<vmem_shared>>
      %dma_wait3A_54 = arith.constant 0 : i32
      %dma_wait3A_55 = arith.constant 0 : i32
      %dma_wait3A_56 = tpu.memref_slice %arg6[%dma_wait3A_54, %dma_wait3A_55] : memref<128x16xf32, #tpu.memory_space<vmem>> -> memref<125x16xf32, #tpu.memory_space<vmem>>
      tpu.wait_dma2 semaphore(%run_scoped3A : memref<!tpu.dma_semaphore, #tpu.memory_space<semaphore_mem>>) src(%dma_wait3A_56 : memref<125x16xf32, #tpu.memory_space<vmem>>) dst(%dma_wait3A_53 : memref<125x16xf32, #tpu.memory_space<vmem_shared>>)
      tpu.yield
    }) : () -> ()
    %mul3A_10 = arith.constant 625 : i32
    %mul3A_11 = arith.muli %arg1, %mul3A_10 : i32
    %add3A_12 = arith.constant 125 : i32
    %add3A_13 = arith.addi %mul3A_11, %add3A_12 : i32
    "tpu.region"() ({
      %run_scoped3A = tpu.sem_alloc : memref<!tpu.dma_semaphore, #tpu.memory_space<semaphore_mem>>
      %dma_start3A = arith.constant 0 : i32
      %dma_start3A_39 = arith.constant 0 : i32
      %dma_start3A_40 = tpu.memref_slice %arg6[%dma_start3A, %dma_start3A_39] : memref<128x16xf32, #tpu.memory_space<vmem>> -> memref<125x16xf32, #tpu.memory_space<vmem>>
      %dma_start3A_41 = arith.constant 0 : i32
      %dma_start3A_42 = tpu.memref_slice %arg7[%add3A_13, %dma_start3A_41] : memref<10000x16xf32, #tpu.memory_space<vmem_shared>> -> memref<125x16xf32, #tpu.memory_space<vmem_shared>>
      %dma_start3A_43 = arith.constant 0 : i32
      %dma_start3A_44 = tpu.memref_slice %arg7[%add3A_13, %dma_start3A_43] : memref<10000x16xf32, #tpu.memory_space<vmem_shared>> -> memref<125x16xf32, #tpu.memory_space<vmem_shared>>
      %dma_start3A_45 = arith.constant 0 : i32
      %dma_start3A_46 = arith.constant 0 : i32
      %dma_start3A_47 = tpu.memref_slice %arg6[%dma_start3A_45, %dma_start3A_46] : memref<128x16xf32, #tpu.memory_space<vmem>> -> memref<125x16xf32, #tpu.memory_space<vmem>>
      tpu.enqueue_dma source(%dma_start3A_47 : memref<125x16xf32, #tpu.memory_space<vmem>>) target(%dma_start3A_44 : memref<125x16xf32, #tpu.memory_space<vmem_shared>>) target_semaphore(%run_scoped3A : memref<!tpu.dma_semaphore, #tpu.memory_space<semaphore_mem>>)
      %dma_wait3A = arith.constant 0 : i32
      %dma_wait3A_48 = arith.constant 0 : i32
      %dma_wait3A_49 = tpu.memref_slice %arg6[%dma_wait3A, %dma_wait3A_48] : memref<128x16xf32, #tpu.memory_space<vmem>> -> memref<125x16xf32, #tpu.memory_space<vmem>>
      %dma_wait3A_50 = arith.constant 0 : i32
      %dma_wait3A_51 = tpu.memref_slice %arg7[%add3A_13, %dma_wait3A_50] : memref<10000x16xf32, #tpu.memory_space<vmem_shared>> -> memref<125x16xf32, #tpu.memory_space<vmem_shared>>
      %dma_wait3A_52 = arith.constant 0 : i32
      %dma_wait3A_53 = tpu.memref_slice %arg7[%add3A_13, %dma_wait3A_52] : memref<10000x16xf32, #tpu.memory_space<vmem_shared>> -> memref<125x16xf32, #tpu.memory_space<vmem_shared>>
      %dma_wait3A_54 = arith.constant 0 : i32
      %dma_wait3A_55 = arith.constant 0 : i32
      %dma_wait3A_56 = tpu.memref_slice %arg6[%dma_wait3A_54, %dma_wait3A_55] : memref<128x16xf32, #tpu.memory_space<vmem>> -> memref<125x16xf32, #tpu.memory_space<vmem>>
      tpu.wait_dma2 semaphore(%run_scoped3A : memref<!tpu.dma_semaphore, #tpu.memory_space<semaphore_mem>>) src(%dma_wait3A_56 : memref<125x16xf32, #tpu.memory_space<vmem>>) dst(%dma_wait3A_53 : memref<125x16xf32, #tpu.memory_space<vmem_shared>>)
      tpu.yield
    }) : () -> ()
    %mul3A_14 = arith.constant 625 : i32
    %mul3A_15 = arith.muli %arg1, %mul3A_14 : i32
    %add3A_16 = arith.constant 250 : i32
    %add3A_17 = arith.addi %mul3A_15, %add3A_16 : i32
    "tpu.region"() ({
      %run_scoped3A = tpu.sem_alloc : memref<!tpu.dma_semaphore, #tpu.memory_space<semaphore_mem>>
      %dma_start3A = arith.constant 0 : i32
      %dma_start3A_39 = arith.constant 0 : i32
      %dma_start3A_40 = tpu.memref_slice %arg6[%dma_start3A, %dma_start3A_39] : memref<128x16xf32, #tpu.memory_space<vmem>> -> memref<125x16xf32, #tpu.memory_space<vmem>>
      %dma_start3A_41 = arith.constant 0 : i32
      %dma_start3A_42 = tpu.memref_slice %arg7[%add3A_17, %dma_start3A_41] : memref<10000x16xf32, #tpu.memory_space<vmem_shared>> -> memref<125x16xf32, #tpu.memory_space<vmem_shared>>
      %dma_start3A_43 = arith.constant 0 : i32
      %dma_start3A_44 = tpu.memref_slice %arg7[%add3A_17, %dma_start3A_43] : memref<10000x16xf32, #tpu.memory_space<vmem_shared>> -> memref<125x16xf32, #tpu.memory_space<vmem_shared>>
      %dma_start3A_45 = arith.constant 0 : i32
      %dma_start3A_46 = arith.constant 0 : i32
      %dma_start3A_47 = tpu.memref_slice %arg6[%dma_start3A_45, %dma_start3A_46] : memref<128x16xf32, #tpu.memory_space<vmem>> -> memref<125x16xf32, #tpu.memory_space<vmem>>
      tpu.enqueue_dma source(%dma_start3A_47 : memref<125x16xf32, #tpu.memory_space<vmem>>) target(%dma_start3A_44 : memref<125x16xf32, #tpu.memory_space<vmem_shared>>) target_semaphore(%run_scoped3A : memref<!tpu.dma_semaphore, #tpu.memory_space<semaphore_mem>>)
      %dma_wait3A = arith.constant 0 : i32
      %dma_wait3A_48 = arith.constant 0 : i32
      %dma_wait3A_49 = tpu.memref_slice %arg6[%dma_wait3A, %dma_wait3A_48] : memref<128x16xf32, #tpu.memory_space<vmem>> -> memref<125x16xf32, #tpu.memory_space<vmem>>
      %dma_wait3A_50 = arith.constant 0 : i32
      %dma_wait3A_51 = tpu.memref_slice %arg7[%add3A_17, %dma_wait3A_50] : memref<10000x16xf32, #tpu.memory_space<vmem_shared>> -> memref<125x16xf32, #tpu.memory_space<vmem_shared>>
      %dma_wait3A_52 = arith.constant 0 : i32
      %dma_wait3A_53 = tpu.memref_slice %arg7[%add3A_17, %dma_wait3A_52] : memref<10000x16xf32, #tpu.memory_space<vmem_shared>> -> memref<125x16xf32, #tpu.memory_space<vmem_shared>>
      %dma_wait3A_54 = arith.constant 0 : i32
      %dma_wait3A_55 = arith.constant 0 : i32
      %dma_wait3A_56 = tpu.memref_slice %arg6[%dma_wait3A_54, %dma_wait3A_55] : memref<128x16xf32, #tpu.memory_space<vmem>> -> memref<125x16xf32, #tpu.memory_space<vmem>>
      tpu.wait_dma2 semaphore(%run_scoped3A : memref<!tpu.dma_semaphore, #tpu.memory_space<semaphore_mem>>) src(%dma_wait3A_56 : memref<125x16xf32, #tpu.memory_space<vmem>>) dst(%dma_wait3A_53 : memref<125x16xf32, #tpu.memory_space<vmem_shared>>)
      tpu.yield
    }) : () -> ()
    %mul3A_18 = arith.constant 625 : i32
    %mul3A_19 = arith.muli %arg1, %mul3A_18 : i32
    %add3A_20 = arith.constant 375 : i32
    %add3A_21 = arith.addi %mul3A_19, %add3A_20 : i32
    "tpu.region"() ({
      %run_scoped3A = tpu.sem_alloc : memref<!tpu.dma_semaphore, #tpu.memory_space<semaphore_mem>>
      %dma_start3A = arith.constant 0 : i32
      %dma_start3A_39 = arith.constant 0 : i32
      %dma_start3A_40 = tpu.memref_slice %arg6[%dma_start3A, %dma_start3A_39] : memref<128x16xf32, #tpu.memory_space<vmem>> -> memref<125x16xf32, #tpu.memory_space<vmem>>
      %dma_start3A_41 = arith.constant 0 : i32
      %dma_start3A_42 = tpu.memref_slice %arg7[%add3A_21, %dma_start3A_41] : memref<10000x16xf32, #tpu.memory_space<vmem_shared>> -> memref<125x16xf32, #tpu.memory_space<vmem_shared>>
      %dma_start3A_43 = arith.constant 0 : i32
      %dma_start3A_44 = tpu.memref_slice %arg7[%add3A_21, %dma_start3A_43] : memref<10000x16xf32, #tpu.memory_space<vmem_shared>> -> memref<125x16xf32, #tpu.memory_space<vmem_shared>>
      %dma_start3A_45 = arith.constant 0 : i32
      %dma_start3A_46 = arith.constant 0 : i32
      %dma_start3A_47 = tpu.memref_slice %arg6[%dma_start3A_45, %dma_start3A_46] : memref<128x16xf32, #tpu.memory_space<vmem>> -> memref<125x16xf32, #tpu.memory_space<vmem>>
      tpu.enqueue_dma source(%dma_start3A_47 : memref<125x16xf32, #tpu.memory_space<vmem>>) target(%dma_start3A_44 : memref<125x16xf32, #tpu.memory_space<vmem_shared>>) target_semaphore(%run_scoped3A : memref<!tpu.dma_semaphore, #tpu.memory_space<semaphore_mem>>)
      %dma_wait3A = arith.constant 0 : i32
      %dma_wait3A_48 = arith.constant 0 : i32
      %dma_wait3A_49 = tpu.memref_slice %arg6[%dma_wait3A, %dma_wait3A_48] : memref<128x16xf32, #tpu.memory_space<vmem>> -> memref<125x16xf32, #tpu.memory_space<vmem>>
      %dma_wait3A_50 = arith.constant 0 : i32
      %dma_wait3A_51 = tpu.memref_slice %arg7[%add3A_21, %dma_wait3A_50] : memref<10000x16xf32, #tpu.memory_space<vmem_shared>> -> memref<125x16xf32, #tpu.memory_space<vmem_shared>>
      %dma_wait3A_52 = arith.constant 0 : i32
      %dma_wait3A_53 = tpu.memref_slice %arg7[%add3A_21, %dma_wait3A_52] : memref<10000x16xf32, #tpu.memory_space<vmem_shared>> -> memref<125x16xf32, #tpu.memory_space<vmem_shared>>
      %dma_wait3A_54 = arith.constant 0 : i32
      %dma_wait3A_55 = arith.constant 0 : i32
      %dma_wait3A_56 = tpu.memref_slice %arg6[%dma_wait3A_54, %dma_wait3A_55] : memref<128x16xf32, #tpu.memory_space<vmem>> -> memref<125x16xf32, #tpu.memory_space<vmem>>
      tpu.wait_dma2 semaphore(%run_scoped3A : memref<!tpu.dma_semaphore, #tpu.memory_space<semaphore_mem>>) src(%dma_wait3A_56 : memref<125x16xf32, #tpu.memory_space<vmem>>) dst(%dma_wait3A_53 : memref<125x16xf32, #tpu.memory_space<vmem_shared>>)
      tpu.yield
    }) : () -> ()
    %mul3A_22 = arith.constant 625 : i32
    %mul3A_23 = arith.muli %arg1, %mul3A_22 : i32
    %add3A_24 = arith.constant 500 : i32
    %add3A_25 = arith.addi %mul3A_23, %add3A_24 : i32
    "tpu.region"() ({
      %run_scoped3A = tpu.sem_alloc : memref<!tpu.dma_semaphore, #tpu.memory_space<semaphore_mem>>
      %dma_start3A = arith.constant 0 : i32
      %dma_start3A_39 = arith.constant 0 : i32
      %dma_start3A_40 = tpu.memref_slice %arg6[%dma_start3A, %dma_start3A_39] : memref<128x16xf32, #tpu.memory_space<vmem>> -> memref<125x16xf32, #tpu.memory_space<vmem>>
      %dma_start3A_41 = arith.constant 0 : i32
      %dma_start3A_42 = tpu.memref_slice %arg7[%add3A_25, %dma_start3A_41] : memref<10000x16xf32, #tpu.memory_space<vmem_shared>> -> memref<125x16xf32, #tpu.memory_space<vmem_shared>>
      %dma_start3A_43 = arith.constant 0 : i32
      %dma_start3A_44 = tpu.memref_slice %arg7[%add3A_25, %dma_start3A_43] : memref<10000x16xf32, #tpu.memory_space<vmem_shared>> -> memref<125x16xf32, #tpu.memory_space<vmem_shared>>
      %dma_start3A_45 = arith.constant 0 : i32
      %dma_start3A_46 = arith.constant 0 : i32
      %dma_start3A_47 = tpu.memref_slice %arg6[%dma_start3A_45, %dma_start3A_46] : memref<128x16xf32, #tpu.memory_space<vmem>> -> memref<125x16xf32, #tpu.memory_space<vmem>>
      tpu.enqueue_dma source(%dma_start3A_47 : memref<125x16xf32, #tpu.memory_space<vmem>>) target(%dma_start3A_44 : memref<125x16xf32, #tpu.memory_space<vmem_shared>>) target_semaphore(%run_scoped3A : memref<!tpu.dma_semaphore, #tpu.memory_space<semaphore_mem>>)
      %dma_wait3A = arith.constant 0 : i32
      %dma_wait3A_48 = arith.constant 0 : i32
      %dma_wait3A_49 = tpu.memref_slice %arg6[%dma_wait3A, %dma_wait3A_48] : memref<128x16xf32, #tpu.memory_space<vmem>> -> memref<125x16xf32, #tpu.memory_space<vmem>>
      %dma_wait3A_50 = arith.constant 0 : i32
      %dma_wait3A_51 = tpu.memref_slice %arg7[%add3A_25, %dma_wait3A_50] : memref<10000x16xf32, #tpu.memory_space<vmem_shared>> -> memref<125x16xf32, #tpu.memory_space<vmem_shared>>
      %dma_wait3A_52 = arith.constant 0 : i32
      %dma_wait3A_53 = tpu.memref_slice %arg7[%add3A_25, %dma_wait3A_52] : memref<10000x16xf32, #tpu.memory_space<vmem_shared>> -> memref<125x16xf32, #tpu.memory_space<vmem_shared>>
      %dma_wait3A_54 = arith.constant 0 : i32
      %dma_wait3A_55 = arith.constant 0 : i32
      %dma_wait3A_56 = tpu.memref_slice %arg6[%dma_wait3A_54, %dma_wait3A_55] : memref<128x16xf32, #tpu.memory_space<vmem>> -> memref<125x16xf32, #tpu.memory_space<vmem>>
      tpu.wait_dma2 semaphore(%run_scoped3A : memref<!tpu.dma_semaphore, #tpu.memory_space<semaphore_mem>>) src(%dma_wait3A_56 : memref<125x16xf32, #tpu.memory_space<vmem>>) dst(%dma_wait3A_53 : memref<125x16xf32, #tpu.memory_space<vmem_shared>>)
      tpu.yield
    }) : () -> ()
    %barrier3A = arith.constant 0 : index
    tpu.barrier barrier_id(%barrier3A)
    %scan3A_26 = arith.constant 0 : i32
    %scan3A_27 = arith.constant 0 : i32
    %scan3A_28 = arith.constant 39 : i32
    %scan3A_29 = arith.addi %scan3A_27, %scan3A_28 : i32
    %scan3A_30 = arith.constant 1 : i32
    scf.for %scan3A_39 = %scan3A_27 to %scan3A_29 step %scan3A_30  : i32 {
      %mul3A_40 = arith.constant 32 : i32
      %mul3A_41 = arith.muli %mul3A_40, %scan3A_39 : i32
      %add3A_42 = arith.addi %add3A, %mul3A_41 : i32
      "tpu.region"() ({
        %run_scoped3A = tpu.sem_alloc : memref<!tpu.dma_semaphore, #tpu.memory_space<semaphore_mem>>
        %dma_start3A = arith.constant 0 : i32
        %dma_start3A_45 = tpu.memref_slice %arg3[%add3A_42, %dma_start3A] : memref<1250x128xi32, #tpu.memory_space<hbm>> -> memref<1x128xi32, #tpu.memory_space<hbm>>
        %dma_start3A_46 = tpu.memref_squeeze %dma_start3A_45 : memref<1x128xi32, #tpu.memory_space<hbm>> -> memref<128xi32, #tpu.memory_space<hbm>>
        %dma_start3A_47 = arith.constant 0 : i32
        %dma_start3A_48 = tpu.memref_slice %arg3[%add3A_42, %dma_start3A_47] : memref<1250x128xi32, #tpu.memory_space<hbm>> -> memref<1x128xi32, #tpu.memory_space<hbm>>
        %dma_start3A_49 = tpu.memref_squeeze %dma_start3A_48 : memref<1x128xi32, #tpu.memory_space<hbm>> -> memref<128xi32, #tpu.memory_space<hbm>>
        tpu.enqueue_dma source(%dma_start3A_49 : memref<128xi32, #tpu.memory_space<hbm>>) target(%arg5 : memref<128xi32, #tpu.memory_space<vmem>>) target_semaphore(%run_scoped3A : memref<!tpu.dma_semaphore, #tpu.memory_space<semaphore_mem>>)
        %dma_wait3A = arith.constant 0 : i32
        %dma_wait3A_50 = tpu.memref_slice %arg3[%add3A_42, %dma_wait3A] : memref<1250x128xi32, #tpu.memory_space<hbm>> -> memref<1x128xi32, #tpu.memory_space<hbm>>
        %dma_wait3A_51 = tpu.memref_squeeze %dma_wait3A_50 : memref<1x128xi32, #tpu.memory_space<hbm>> -> memref<128xi32, #tpu.memory_space<hbm>>
        %dma_wait3A_52 = arith.constant 0 : i32
        %dma_wait3A_53 = tpu.memref_slice %arg3[%add3A_42, %dma_wait3A_52] : memref<1250x128xi32, #tpu.memory_space<hbm>> -> memref<1x128xi32, #tpu.memory_space<hbm>>
        %dma_wait3A_54 = tpu.memref_squeeze %dma_wait3A_53 : memref<1x128xi32, #tpu.memory_space<hbm>> -> memref<128xi32, #tpu.memory_space<hbm>>
        tpu.wait_dma2 semaphore(%run_scoped3A : memref<!tpu.dma_semaphore, #tpu.memory_space<semaphore_mem>>) src(%dma_wait3A_54 : memref<128xi32, #tpu.memory_space<hbm>>) dst(%arg5 : memref<128xi32, #tpu.memory_space<vmem>>)
        tpu.yield
      }) : () -> ()
      %mul3A_43 = arith.constant 128 : i32
      %mul3A_44 = arith.muli %add3A_42, %mul3A_43 : i32
      "tpu.region"() ({
        %run_scoped3A = tpu.sem_alloc : memref<!tpu.dma_semaphore, #tpu.memory_space<semaphore_mem>>
        %dma_start3A = arith.constant 0 : i32
        %dma_start3A_45 = tpu.memref_slice %arg2[%mul3A_44, %dma_start3A] : memref<160000x16xf32, #tpu.memory_space<hbm>> -> memref<128x16xf32, #tpu.memory_space<hbm>>
        %dma_start3A_46 = arith.constant 0 : i32
        %dma_start3A_47 = tpu.memref_slice %arg2[%mul3A_44, %dma_start3A_46] : memref<160000x16xf32, #tpu.memory_space<hbm>> -> memref<128x16xf32, #tpu.memory_space<hbm>>
        tpu.enqueue_dma source(%dma_start3A_47 : memref<128x16xf32, #tpu.memory_space<hbm>>) target(%arg6 : memref<128x16xf32, #tpu.memory_space<vmem>>) target_semaphore(%run_scoped3A : memref<!tpu.dma_semaphore, #tpu.memory_space<semaphore_mem>>)
        %dma_wait3A = arith.constant 0 : i32
        %dma_wait3A_48 = tpu.memref_slice %arg2[%mul3A_44, %dma_wait3A] : memref<160000x16xf32, #tpu.memory_space<hbm>> -> memref<128x16xf32, #tpu.memory_space<hbm>>
        %dma_wait3A_49 = arith.constant 0 : i32
        %dma_wait3A_50 = tpu.memref_slice %arg2[%mul3A_44, %dma_wait3A_49] : memref<160000x16xf32, #tpu.memory_space<hbm>> -> memref<128x16xf32, #tpu.memory_space<hbm>>
        tpu.wait_dma2 semaphore(%run_scoped3A : memref<!tpu.dma_semaphore, #tpu.memory_space<semaphore_mem>>) src(%dma_wait3A_50 : memref<128x16xf32, #tpu.memory_space<hbm>>) dst(%arg6 : memref<128x16xf32, #tpu.memory_space<vmem>>)
        tpu.yield
      }) : () -> ()
      "tpu.region"() ({
        %run_scoped3A = tpu.sem_alloc : memref<!tpu.dma_semaphore, #tpu.memory_space<semaphore_mem>>
        %dma_start3A = arith.constant 0 : i32
        %dma_start3A_45 = arith.constant 0 : i32
        %dma_start3A_46 = tpu.memref_slice %arg7[%dma_start3A, %dma_start3A_45] : memref<10000x16xf32, #tpu.memory_space<vmem_shared>> -> memref<10000x16xf32, #tpu.memory_space<vmem_shared>>
        tpu.enqueue_indirect_dma source(%arg6 : memref<128x16xf32, #tpu.memory_space<vmem>>) target(%dma_start3A_46 : memref<10000x16xf32, #tpu.memory_space<vmem_shared>>) offsets(%arg5 : memref<128xi32, #tpu.memory_space<vmem>>) semaphore(%run_scoped3A : memref<!tpu.dma_semaphore, #tpu.memory_space<semaphore_mem>>) {add = true}
        %dma_wait3A = arith.constant 0 : i32
        %dma_wait3A_47 = arith.constant 0 : i32
        %dma_wait3A_48 = tpu.memref_slice %arg7[%dma_wait3A, %dma_wait3A_47] : memref<10000x16xf32, #tpu.memory_space<vmem_shared>> -> memref<10000x16xf32, #tpu.memory_space<vmem_shared>>
        tpu.wait_indirect_dma semaphore(%run_scoped3A : memref<!tpu.dma_semaphore, #tpu.memory_space<semaphore_mem>>) src(%arg6 : memref<128x16xf32, #tpu.memory_space<vmem>>) dst(%dma_wait3A_48 : memref<10000x16xf32, #tpu.memory_space<vmem_shared>>)
        tpu.yield
      }) : () -> ()
    }
    %scan3A_31 = arith.constant 39 : i32
    %lt3A = arith.constant 2 : i32
    %lt3A_32 = arith.cmpi slt, %add3A, %lt3A : i32
    %convert_element_type3A = arith.extui %lt3A_32 : i1 to i32
    %cond3A = arith.constant 0 : i32
    %cond3A_33 = arith.cmpi ne, %convert_element_type3A, %cond3A : i32
    scf.if %cond3A_33 {
      %add3A_39 = arith.constant 1248 : i32
      %add3A_40 = arith.addi %add3A, %add3A_39 : i32
      "tpu.region"() ({
        %run_scoped3A = tpu.sem_alloc : memref<!tpu.dma_semaphore, #tpu.memory_space<semaphore_mem>>
        %dma_start3A = arith.constant 0 : i32
        %dma_start3A_43 = tpu.memref_slice %arg3[%add3A_40, %dma_start3A] : memref<1250x128xi32, #tpu.memory_space<hbm>> -> memref<1x128xi32, #tpu.memory_space<hbm>>
        %dma_start3A_44 = tpu.memref_squeeze %dma_start3A_43 : memref<1x128xi32, #tpu.memory_space<hbm>> -> memref<128xi32, #tpu.memory_space<hbm>>
        %dma_start3A_45 = arith.constant 0 : i32
        %dma_start3A_46 = tpu.memref_slice %arg3[%add3A_40, %dma_start3A_45] : memref<1250x128xi32, #tpu.memory_space<hbm>> -> memref<1x128xi32, #tpu.memory_space<hbm>>
        %dma_start3A_47 = tpu.memref_squeeze %dma_start3A_46 : memref<1x128xi32, #tpu.memory_space<hbm>> -> memref<128xi32, #tpu.memory_space<hbm>>
        tpu.enqueue_dma source(%dma_start3A_47 : memref<128xi32, #tpu.memory_space<hbm>>) target(%arg5 : memref<128xi32, #tpu.memory_space<vmem>>) target_semaphore(%run_scoped3A : memref<!tpu.dma_semaphore, #tpu.memory_space<semaphore_mem>>)
        %dma_wait3A = arith.constant 0 : i32
        %dma_wait3A_48 = tpu.memref_slice %arg3[%add3A_40, %dma_wait3A] : memref<1250x128xi32, #tpu.memory_space<hbm>> -> memref<1x128xi32, #tpu.memory_space<hbm>>
        %dma_wait3A_49 = tpu.memref_squeeze %dma_wait3A_48 : memref<1x128xi32, #tpu.memory_space<hbm>> -> memref<128xi32, #tpu.memory_space<hbm>>
        %dma_wait3A_50 = arith.constant 0 : i32
        %dma_wait3A_51 = tpu.memref_slice %arg3[%add3A_40, %dma_wait3A_50] : memref<1250x128xi32, #tpu.memory_space<hbm>> -> memref<1x128xi32, #tpu.memory_space<hbm>>
        %dma_wait3A_52 = tpu.memref_squeeze %dma_wait3A_51 : memref<1x128xi32, #tpu.memory_space<hbm>> -> memref<128xi32, #tpu.memory_space<hbm>>
        tpu.wait_dma2 semaphore(%run_scoped3A : memref<!tpu.dma_semaphore, #tpu.memory_space<semaphore_mem>>) src(%dma_wait3A_52 : memref<128xi32, #tpu.memory_space<hbm>>) dst(%arg5 : memref<128xi32, #tpu.memory_space<vmem>>)
        tpu.yield
      }) : () -> ()
      %mul3A_41 = arith.constant 128 : i32
      %mul3A_42 = arith.muli %add3A_40, %mul3A_41 : i32
      "tpu.region"() ({
        %run_scoped3A = tpu.sem_alloc : memref<!tpu.dma_semaphore, #tpu.memory_space<semaphore_mem>>
        %dma_start3A = arith.constant 0 : i32
        %dma_start3A_43 = tpu.memref_slice %arg2[%mul3A_42, %dma_start3A] : memref<160000x16xf32, #tpu.memory_space<hbm>> -> memref<128x16xf32, #tpu.memory_space<hbm>>
        %dma_start3A_44 = arith.constant 0 : i32
        %dma_start3A_45 = tpu.memref_slice %arg2[%mul3A_42, %dma_start3A_44] : memref<160000x16xf32, #tpu.memory_space<hbm>> -> memref<128x16xf32, #tpu.memory_space<hbm>>
        tpu.enqueue_dma source(%dma_start3A_45 : memref<128x16xf32, #tpu.memory_space<hbm>>) target(%arg6 : memref<128x16xf32, #tpu.memory_space<vmem>>) target_semaphore(%run_scoped3A : memref<!tpu.dma_semaphore, #tpu.memory_space<semaphore_mem>>)
        %dma_wait3A = arith.constant 0 : i32
        %dma_wait3A_46 = tpu.memref_slice %arg2[%mul3A_42, %dma_wait3A] : memref<160000x16xf32, #tpu.memory_space<hbm>> -> memref<128x16xf32, #tpu.memory_space<hbm>>
        %dma_wait3A_47 = arith.constant 0 : i32
        %dma_wait3A_48 = tpu.memref_slice %arg2[%mul3A_42, %dma_wait3A_47] : memref<160000x16xf32, #tpu.memory_space<hbm>> -> memref<128x16xf32, #tpu.memory_space<hbm>>
        tpu.wait_dma2 semaphore(%run_scoped3A : memref<!tpu.dma_semaphore, #tpu.memory_space<semaphore_mem>>) src(%dma_wait3A_48 : memref<128x16xf32, #tpu.memory_space<hbm>>) dst(%arg6 : memref<128x16xf32, #tpu.memory_space<vmem>>)
        tpu.yield
      }) : () -> ()
      "tpu.region"() ({
        %run_scoped3A = tpu.sem_alloc : memref<!tpu.dma_semaphore, #tpu.memory_space<semaphore_mem>>
        %dma_start3A = arith.constant 0 : i32
        %dma_start3A_43 = arith.constant 0 : i32
        %dma_start3A_44 = tpu.memref_slice %arg7[%dma_start3A, %dma_start3A_43] : memref<10000x16xf32, #tpu.memory_space<vmem_shared>> -> memref<10000x16xf32, #tpu.memory_space<vmem_shared>>
        tpu.enqueue_indirect_dma source(%arg6 : memref<128x16xf32, #tpu.memory_space<vmem>>) target(%dma_start3A_44 : memref<10000x16xf32, #tpu.memory_space<vmem_shared>>) offsets(%arg5 : memref<128xi32, #tpu.memory_space<vmem>>) semaphore(%run_scoped3A : memref<!tpu.dma_semaphore, #tpu.memory_space<semaphore_mem>>) {add = true}
        %dma_wait3A = arith.constant 0 : i32
        %dma_wait3A_45 = arith.constant 0 : i32
        %dma_wait3A_46 = tpu.memref_slice %arg7[%dma_wait3A, %dma_wait3A_45] : memref<10000x16xf32, #tpu.memory_space<vmem_shared>> -> memref<10000x16xf32, #tpu.memory_space<vmem_shared>>
        tpu.wait_indirect_dma semaphore(%run_scoped3A : memref<!tpu.dma_semaphore, #tpu.memory_space<semaphore_mem>>) src(%arg6 : memref<128x16xf32, #tpu.memory_space<vmem>>) dst(%dma_wait3A_46 : memref<10000x16xf32, #tpu.memory_space<vmem_shared>>)
        tpu.yield
      }) : () -> ()
    } else {
    }
    %barrier3A_34 = arith.constant 0 : index
    tpu.barrier barrier_id(%barrier3A_34)
    %mul3A_35 = arith.constant 625 : i32
    %mul3A_36 = arith.muli %arg1, %mul3A_35 : i32
    %mul3A_37 = arith.constant 625 : i32
    %mul3A_38 = arith.muli %arg1, %mul3A_37 : i32
    "tpu.region"() ({
      %run_scoped3A = tpu.sem_alloc : memref<!tpu.dma_semaphore, #tpu.memory_space<semaphore_mem>>
      %dma_start3A = arith.constant 0 : i32
      %dma_start3A_39 = tpu.memref_slice %arg4[%arg0, %mul3A_38, %dma_start3A] : memref<2x10000x16xf32, #tpu.memory_space<hbm>> -> memref<1x625x16xf32, #tpu.memory_space<hbm>>
      %dma_start3A_40 = tpu.memref_squeeze %dma_start3A_39 : memref<1x625x16xf32, #tpu.memory_space<hbm>> -> memref<625x16xf32, #tpu.memory_space<hbm>>
      %dma_start3A_41 = arith.constant 0 : i32
      %dma_start3A_42 = tpu.memref_slice %arg7[%mul3A_36, %dma_start3A_41] : memref<10000x16xf32, #tpu.memory_space<vmem_shared>> -> memref<625x16xf32, #tpu.memory_space<vmem_shared>>
      tpu.enqueue_dma source(%dma_start3A_42 : memref<625x16xf32, #tpu.memory_space<vmem_shared>>) target(%dma_start3A_40 : memref<625x16xf32, #tpu.memory_space<hbm>>) target_semaphore(%run_scoped3A : memref<!tpu.dma_semaphore, #tpu.memory_space<semaphore_mem>>)
      %dma_wait3A = arith.constant 0 : i32
      %dma_wait3A_43 = tpu.memref_slice %arg4[%arg0, %mul3A_38, %dma_wait3A] : memref<2x10000x16xf32, #tpu.memory_space<hbm>> -> memref<1x625x16xf32, #tpu.memory_space<hbm>>
      %dma_wait3A_44 = tpu.memref_squeeze %dma_wait3A_43 : memref<1x625x16xf32, #tpu.memory_space<hbm>> -> memref<625x16xf32, #tpu.memory_space<hbm>>
      %dma_wait3A_45 = arith.constant 0 : i32
      %dma_wait3A_46 = tpu.memref_slice %arg7[%mul3A_36, %dma_wait3A_45] : memref<10000x16xf32, #tpu.memory_space<vmem_shared>> -> memref<625x16xf32, #tpu.memory_space<vmem_shared>>
      tpu.wait_dma2 semaphore(%run_scoped3A : memref<!tpu.dma_semaphore, #tpu.memory_space<semaphore_mem>>) src(%dma_wait3A_46 : memref<625x16xf32, #tpu.memory_space<vmem_shared>>) dst(%dma_wait3A_44 : memref<625x16xf32, #tpu.memory_space<hbm>>)
      tpu.yield
    }) : () -> ()
    return
  }
}

#map = affine_map<(d0, d1) -> (0, 0)>
#map1 = affine_map<(d0, d1) -> (0)>
module attributes {stable_mosaic.version = 14 : i64} {
  func.func @gather_kernel(%arg0: i32, %arg1: i32, %arg2: memref<10000x16xf32, #tpu.memory_space<hbm>>, %arg3: memref<160000xi32, #tpu.memory_space<hbm>>, %arg4: memref<160000x16xf32, #tpu.memory_space<hbm>>, %arg5: memref<5000xi32, #tpu.memory_space<vmem>>, %arg6: memref<5000x16xf32, #tpu.memory_space<vmem>>, %arg7: memref<!tpu.dma_semaphore, #tpu.memory_space<semaphore_mem>>) attributes {dimension_semantics = [#tpu.dimension_semantics<core_parallel>, #tpu.dimension_semantics<subcore_parallel>], iteration_bounds = array<i64: 2, 16>, scalar_prefetch = 0 : i64, scratch_operands = 3 : i64, tpu.core_type = #tpu.core_type<sc_vector_subcore>, window_params = [{transform_indices = #map}, {transform_indices = #map1}, {transform_indices = #map}]} {
    %mul3A = arith.constant 2 : i32
    %mul3A_0 = arith.muli %arg1, %mul3A : i32
    %add3A = arith.addi %mul3A_0, %arg0 : i32
    %mul3A_1 = arith.constant 5000 : i32
    %mul3A_2 = arith.muli %add3A, %mul3A_1 : i32
    "tpu.region"() ({
      %run_scoped3A = tpu.sem_alloc : memref<!tpu.dma_semaphore, #tpu.memory_space<semaphore_mem>>
      %dma_start3A = tpu.memref_slice %arg3[%mul3A_2] : memref<160000xi32, #tpu.memory_space<hbm>> -> memref<5000xi32, #tpu.memory_space<hbm>>
      %dma_start3A_20 = tpu.memref_slice %arg3[%mul3A_2] : memref<160000xi32, #tpu.memory_space<hbm>> -> memref<5000xi32, #tpu.memory_space<hbm>>
      tpu.enqueue_dma source(%dma_start3A_20 : memref<5000xi32, #tpu.memory_space<hbm>>) target(%arg5 : memref<5000xi32, #tpu.memory_space<vmem>>) target_semaphore(%run_scoped3A : memref<!tpu.dma_semaphore, #tpu.memory_space<semaphore_mem>>)
      %dma_wait3A = tpu.memref_slice %arg3[%mul3A_2] : memref<160000xi32, #tpu.memory_space<hbm>> -> memref<5000xi32, #tpu.memory_space<hbm>>
      %dma_wait3A_21 = tpu.memref_slice %arg3[%mul3A_2] : memref<160000xi32, #tpu.memory_space<hbm>> -> memref<5000xi32, #tpu.memory_space<hbm>>
      tpu.wait_dma2 semaphore(%run_scoped3A : memref<!tpu.dma_semaphore, #tpu.memory_space<semaphore_mem>>) src(%dma_wait3A_21 : memref<5000xi32, #tpu.memory_space<hbm>>) dst(%arg5 : memref<5000xi32, #tpu.memory_space<vmem>>)
      tpu.yield
    }) : () -> ()
    %scan3A = arith.constant 0 : i32
    %scan3A_3 = arith.constant 0 : i32
    %scan3A_4 = arith.constant 0 : i32
    %scan3A_5 = arith.constant 0 : i32
    %scan3A_6 = arith.constant 125 : i32
    %scan3A_7 = arith.addi %scan3A_5, %scan3A_6 : i32
    %scan3A_8 = arith.constant 1 : i32
    scf.for %scan3A_20 = %scan3A_5 to %scan3A_7 step %scan3A_8  : i32 {
      %mul3A_21 = arith.constant 5000 : i32
      %mul3A_22 = arith.muli %scan3A_3, %mul3A_21 : i32
      %mul3A_23 = arith.constant 40 : i32
      %mul3A_24 = arith.muli %scan3A_20, %mul3A_23 : i32
      %add3A_25 = arith.addi %mul3A_22, %mul3A_24 : i32
      %mul3A_26 = arith.constant 40 : i32
      %mul3A_27 = arith.muli %scan3A_20, %mul3A_26 : i32
      %dma_start3A = arith.constant 0 : i32
      %dma_start3A_28 = tpu.memref_slice %arg6[%mul3A_27, %dma_start3A] : memref<5000x16xf32, #tpu.memory_space<vmem>> -> memref<40x16xf32, #tpu.memory_space<vmem>>
      %dma_start3A_29 = tpu.memref_slice %arg5[%add3A_25] : memref<5000xi32, #tpu.memory_space<vmem>> -> memref<40xi32, #tpu.memory_space<vmem>>
      %dma_start3A_30 = arith.constant 0 : i32
      %dma_start3A_31 = arith.constant 0 : i32
      %dma_start3A_32 = tpu.memref_slice %arg2[%dma_start3A_30, %dma_start3A_31] : memref<10000x16xf32, #tpu.memory_space<hbm>> -> memref<10000x16xf32, #tpu.memory_space<hbm>>
      tpu.enqueue_indirect_dma source(%dma_start3A_32 : memref<10000x16xf32, #tpu.memory_space<hbm>>) target(%dma_start3A_28 : memref<40x16xf32, #tpu.memory_space<vmem>>) offsets(%dma_start3A_29 : memref<40xi32, #tpu.memory_space<vmem>>) semaphore(%arg7 : memref<!tpu.dma_semaphore, #tpu.memory_space<semaphore_mem>>)
    }
    %scan3A_9 = arith.constant 125 : i32
    %scan3A_10 = arith.constant 0 : i32
    %scan3A_11 = arith.constant 0 : i32
    %scan3A_12 = arith.constant 125 : i32
    %scan3A_13 = arith.addi %scan3A_11, %scan3A_12 : i32
    %scan3A_14 = arith.constant 1 : i32
    scf.for %scan3A_20 = %scan3A_11 to %scan3A_13 step %scan3A_14  : i32 {
      %mul3A_21 = arith.constant 5000 : i32
      %mul3A_22 = arith.muli %scan3A_3, %mul3A_21 : i32
      %mul3A_23 = arith.constant 40 : i32
      %mul3A_24 = arith.muli %scan3A_20, %mul3A_23 : i32
      %add3A_25 = arith.addi %mul3A_22, %mul3A_24 : i32
      %mul3A_26 = arith.constant 40 : i32
      %mul3A_27 = arith.muli %scan3A_20, %mul3A_26 : i32
      %dma_wait3A = arith.constant 0 : i32
      %dma_wait3A_28 = tpu.memref_slice %arg6[%mul3A_27, %dma_wait3A] : memref<5000x16xf32, #tpu.memory_space<vmem>> -> memref<40x16xf32, #tpu.memory_space<vmem>>
      %dma_wait3A_29 = tpu.memref_slice %arg5[%add3A_25] : memref<5000xi32, #tpu.memory_space<vmem>> -> memref<40xi32, #tpu.memory_space<vmem>>
      %dma_wait3A_30 = arith.constant 0 : i32
      %dma_wait3A_31 = arith.constant 0 : i32
      %dma_wait3A_32 = tpu.memref_slice %arg2[%dma_wait3A_30, %dma_wait3A_31] : memref<10000x16xf32, #tpu.memory_space<hbm>> -> memref<10000x16xf32, #tpu.memory_space<hbm>>
      tpu.wait_indirect_dma semaphore(%arg7 : memref<!tpu.dma_semaphore, #tpu.memory_space<semaphore_mem>>) src(%dma_wait3A_32 : memref<10000x16xf32, #tpu.memory_space<hbm>>) dst(%dma_wait3A_28 : memref<40x16xf32, #tpu.memory_space<vmem>>)
    }
    %scan3A_15 = arith.constant 125 : i32
    %mul3A_16 = arith.constant 5000 : i32
    %mul3A_17 = arith.muli %scan3A_3, %mul3A_16 : i32
    %add3A_18 = arith.addi %mul3A_2, %mul3A_17 : i32
    "tpu.region"() ({
      %run_scoped3A = tpu.sem_alloc : memref<!tpu.dma_semaphore, #tpu.memory_space<semaphore_mem>>
      %dma_start3A = arith.constant 0 : i32
      %dma_start3A_20 = tpu.memref_slice %arg4[%add3A_18, %dma_start3A] : memref<160000x16xf32, #tpu.memory_space<hbm>> -> memref<5000x16xf32, #tpu.memory_space<hbm>>
      %dma_start3A_21 = arith.constant 0 : i32
      %dma_start3A_22 = tpu.memref_slice %arg4[%add3A_18, %dma_start3A_21] : memref<160000x16xf32, #tpu.memory_space<hbm>> -> memref<5000x16xf32, #tpu.memory_space<hbm>>
      tpu.enqueue_dma source(%arg6 : memref<5000x16xf32, #tpu.memory_space<vmem>>) target(%dma_start3A_22 : memref<5000x16xf32, #tpu.memory_space<hbm>>) target_semaphore(%run_scoped3A : memref<!tpu.dma_semaphore, #tpu.memory_space<semaphore_mem>>)
      %dma_wait3A = arith.constant 0 : i32
      %dma_wait3A_23 = tpu.memref_slice %arg4[%add3A_18, %dma_wait3A] : memref<160000x16xf32, #tpu.memory_space<hbm>> -> memref<5000x16xf32, #tpu.memory_space<hbm>>
      %dma_wait3A_24 = arith.constant 0 : i32
      %dma_wait3A_25 = tpu.memref_slice %arg4[%add3A_18, %dma_wait3A_24] : memref<160000x16xf32, #tpu.memory_space<hbm>> -> memref<5000x16xf32, #tpu.memory_space<hbm>>
      tpu.wait_dma2 semaphore(%run_scoped3A : memref<!tpu.dma_semaphore, #tpu.memory_space<semaphore_mem>>) src(%arg6 : memref<5000x16xf32, #tpu.memory_space<vmem>>) dst(%dma_wait3A_25 : memref<5000x16xf32, #tpu.memory_space<hbm>>)
      tpu.yield
    }) : () -> ()
    %scan3A_19 = arith.constant 1 : i32
    return
  }
}

#map = affine_map<(d0, d1) -> (0, 0)>
#map1 = affine_map<(d0, d1) -> (0)>
module attributes {stable_mosaic.version = 14 : i64} {
  func.func @gather_kernel(%arg0: i32, %arg1: i32, %arg2: memref<10000x64xf32, #tpu.memory_space<hbm>>, %arg3: memref<160000xi32, #tpu.memory_space<hbm>>, %arg4: memref<4x160000xf32, #tpu.memory_space<hbm>>, %arg5: memref<160000x64xf32, #tpu.memory_space<hbm>>, %arg6: memref<2560000xf32, #tpu.memory_space<hbm>>, %arg7: memref<5000xi32, #tpu.memory_space<vmem>>, %arg8: memref<1000x64xf32, #tpu.memory_space<vmem>>, %arg9: memref<!tpu.dma_semaphore, #tpu.memory_space<semaphore_mem>>, %arg10: memref<5128xf32, #tpu.memory_space<vmem>>, %arg11: memref<5128xf32, #tpu.memory_space<vmem>>, %arg12: memref<5128xf32, #tpu.memory_space<vmem>>, %arg13: memref<5128xf32, #tpu.memory_space<vmem>>, %arg14: memref<16000xf32, #tpu.memory_space<vmem>>) attributes {dimension_semantics = [#tpu.dimension_semantics<core_parallel>, #tpu.dimension_semantics<subcore_parallel>], iteration_bounds = array<i64: 2, 16>, scalar_prefetch = 0 : i64, scratch_operands = 8 : i64, tpu.core_type = #tpu.core_type<sc_vector_subcore>, window_params = [{transform_indices = #map}, {transform_indices = #map1}, {transform_indices = #map}, {transform_indices = #map}, {transform_indices = #map1}]} {
    %mul3A = arith.constant 2 : i32
    %mul3A_0 = arith.muli %arg1, %mul3A : i32
    %add3A = arith.addi %mul3A_0, %arg0 : i32
    %mul3A_1 = arith.constant 5000 : i32
    %mul3A_2 = arith.muli %add3A, %mul3A_1 : i32
    "tpu.region"() ({
      %run_scoped3A_17 = tpu.sem_alloc : memref<!tpu.dma_semaphore, #tpu.memory_space<semaphore_mem>>
      %dma_start3A = tpu.memref_slice %arg3[%mul3A_2] : memref<160000xi32, #tpu.memory_space<hbm>> -> memref<5000xi32, #tpu.memory_space<hbm>>
      %dma_start3A_18 = tpu.memref_slice %arg3[%mul3A_2] : memref<160000xi32, #tpu.memory_space<hbm>> -> memref<5000xi32, #tpu.memory_space<hbm>>
      tpu.enqueue_dma source(%dma_start3A_18 : memref<5000xi32, #tpu.memory_space<hbm>>) target(%arg7 : memref<5000xi32, #tpu.memory_space<vmem>>) target_semaphore(%run_scoped3A_17 : memref<!tpu.dma_semaphore, #tpu.memory_space<semaphore_mem>>)
      %dma_wait3A = tpu.memref_slice %arg3[%mul3A_2] : memref<160000xi32, #tpu.memory_space<hbm>> -> memref<5000xi32, #tpu.memory_space<hbm>>
      %dma_wait3A_19 = tpu.memref_slice %arg3[%mul3A_2] : memref<160000xi32, #tpu.memory_space<hbm>> -> memref<5000xi32, #tpu.memory_space<hbm>>
      tpu.wait_dma2 semaphore(%run_scoped3A_17 : memref<!tpu.dma_semaphore, #tpu.memory_space<semaphore_mem>>) src(%dma_wait3A_19 : memref<5000xi32, #tpu.memory_space<hbm>>) dst(%arg7 : memref<5000xi32, #tpu.memory_space<vmem>>)
      tpu.yield
    }) : () -> ()
    %run_scoped3A = arith.constant 0 : i32
    "tpu.region"() ({
      %run_scoped3A_17 = tpu.sem_alloc : memref<!tpu.dma_semaphore, #tpu.memory_space<semaphore_mem>>
      %dma_start3A = arith.constant 0 : i32
      %dma_start3A_18 = tpu.memref_slice %arg10[%dma_start3A] : memref<5128xf32, #tpu.memory_space<vmem>> -> memref<5000xf32, #tpu.memory_space<vmem>>
      %dma_start3A_19 = tpu.memref_slice %arg4[%run_scoped3A, %mul3A_2] : memref<4x160000xf32, #tpu.memory_space<hbm>> -> memref<1x5000xf32, #tpu.memory_space<hbm>>
      %dma_start3A_20 = tpu.memref_squeeze %dma_start3A_19 : memref<1x5000xf32, #tpu.memory_space<hbm>> -> memref<5000xf32, #tpu.memory_space<hbm>>
      %dma_start3A_21 = arith.constant 0 : i32
      %dma_start3A_22 = tpu.memref_slice %arg10[%dma_start3A_21] : memref<5128xf32, #tpu.memory_space<vmem>> -> memref<5000xf32, #tpu.memory_space<vmem>>
      %dma_start3A_23 = tpu.memref_slice %arg4[%run_scoped3A, %mul3A_2] : memref<4x160000xf32, #tpu.memory_space<hbm>> -> memref<1x5000xf32, #tpu.memory_space<hbm>>
      %dma_start3A_24 = tpu.memref_squeeze %dma_start3A_23 : memref<1x5000xf32, #tpu.memory_space<hbm>> -> memref<5000xf32, #tpu.memory_space<hbm>>
      tpu.enqueue_dma source(%dma_start3A_24 : memref<5000xf32, #tpu.memory_space<hbm>>) target(%dma_start3A_22 : memref<5000xf32, #tpu.memory_space<vmem>>) target_semaphore(%run_scoped3A_17 : memref<!tpu.dma_semaphore, #tpu.memory_space<semaphore_mem>>)
      %dma_wait3A = arith.constant 0 : i32
      %dma_wait3A_25 = tpu.memref_slice %arg10[%dma_wait3A] : memref<5128xf32, #tpu.memory_space<vmem>> -> memref<5000xf32, #tpu.memory_space<vmem>>
      %dma_wait3A_26 = tpu.memref_slice %arg4[%run_scoped3A, %mul3A_2] : memref<4x160000xf32, #tpu.memory_space<hbm>> -> memref<1x5000xf32, #tpu.memory_space<hbm>>
      %dma_wait3A_27 = tpu.memref_squeeze %dma_wait3A_26 : memref<1x5000xf32, #tpu.memory_space<hbm>> -> memref<5000xf32, #tpu.memory_space<hbm>>
      %dma_wait3A_28 = arith.constant 0 : i32
      %dma_wait3A_29 = tpu.memref_slice %arg10[%dma_wait3A_28] : memref<5128xf32, #tpu.memory_space<vmem>> -> memref<5000xf32, #tpu.memory_space<vmem>>
      %dma_wait3A_30 = tpu.memref_slice %arg4[%run_scoped3A, %mul3A_2] : memref<4x160000xf32, #tpu.memory_space<hbm>> -> memref<1x5000xf32, #tpu.memory_space<hbm>>
      %dma_wait3A_31 = tpu.memref_squeeze %dma_wait3A_30 : memref<1x5000xf32, #tpu.memory_space<hbm>> -> memref<5000xf32, #tpu.memory_space<hbm>>
      tpu.wait_dma2 semaphore(%run_scoped3A_17 : memref<!tpu.dma_semaphore, #tpu.memory_space<semaphore_mem>>) src(%dma_wait3A_31 : memref<5000xf32, #tpu.memory_space<hbm>>) dst(%dma_wait3A_29 : memref<5000xf32, #tpu.memory_space<vmem>>)
      tpu.yield
    }) : () -> ()
    %run_scoped3A_3 = arith.constant 1 : i32
    "tpu.region"() ({
      %run_scoped3A_17 = tpu.sem_alloc : memref<!tpu.dma_semaphore, #tpu.memory_space<semaphore_mem>>
      %dma_start3A = arith.constant 0 : i32
      %dma_start3A_18 = tpu.memref_slice %arg11[%dma_start3A] : memref<5128xf32, #tpu.memory_space<vmem>> -> memref<5000xf32, #tpu.memory_space<vmem>>
      %dma_start3A_19 = tpu.memref_slice %arg4[%run_scoped3A_3, %mul3A_2] : memref<4x160000xf32, #tpu.memory_space<hbm>> -> memref<1x5000xf32, #tpu.memory_space<hbm>>
      %dma_start3A_20 = tpu.memref_squeeze %dma_start3A_19 : memref<1x5000xf32, #tpu.memory_space<hbm>> -> memref<5000xf32, #tpu.memory_space<hbm>>
      %dma_start3A_21 = arith.constant 0 : i32
      %dma_start3A_22 = tpu.memref_slice %arg11[%dma_start3A_21] : memref<5128xf32, #tpu.memory_space<vmem>> -> memref<5000xf32, #tpu.memory_space<vmem>>
      %dma_start3A_23 = tpu.memref_slice %arg4[%run_scoped3A_3, %mul3A_2] : memref<4x160000xf32, #tpu.memory_space<hbm>> -> memref<1x5000xf32, #tpu.memory_space<hbm>>
      %dma_start3A_24 = tpu.memref_squeeze %dma_start3A_23 : memref<1x5000xf32, #tpu.memory_space<hbm>> -> memref<5000xf32, #tpu.memory_space<hbm>>
      tpu.enqueue_dma source(%dma_start3A_24 : memref<5000xf32, #tpu.memory_space<hbm>>) target(%dma_start3A_22 : memref<5000xf32, #tpu.memory_space<vmem>>) target_semaphore(%run_scoped3A_17 : memref<!tpu.dma_semaphore, #tpu.memory_space<semaphore_mem>>)
      %dma_wait3A = arith.constant 0 : i32
      %dma_wait3A_25 = tpu.memref_slice %arg11[%dma_wait3A] : memref<5128xf32, #tpu.memory_space<vmem>> -> memref<5000xf32, #tpu.memory_space<vmem>>
      %dma_wait3A_26 = tpu.memref_slice %arg4[%run_scoped3A_3, %mul3A_2] : memref<4x160000xf32, #tpu.memory_space<hbm>> -> memref<1x5000xf32, #tpu.memory_space<hbm>>
      %dma_wait3A_27 = tpu.memref_squeeze %dma_wait3A_26 : memref<1x5000xf32, #tpu.memory_space<hbm>> -> memref<5000xf32, #tpu.memory_space<hbm>>
      %dma_wait3A_28 = arith.constant 0 : i32
      %dma_wait3A_29 = tpu.memref_slice %arg11[%dma_wait3A_28] : memref<5128xf32, #tpu.memory_space<vmem>> -> memref<5000xf32, #tpu.memory_space<vmem>>
      %dma_wait3A_30 = tpu.memref_slice %arg4[%run_scoped3A_3, %mul3A_2] : memref<4x160000xf32, #tpu.memory_space<hbm>> -> memref<1x5000xf32, #tpu.memory_space<hbm>>
      %dma_wait3A_31 = tpu.memref_squeeze %dma_wait3A_30 : memref<1x5000xf32, #tpu.memory_space<hbm>> -> memref<5000xf32, #tpu.memory_space<hbm>>
      tpu.wait_dma2 semaphore(%run_scoped3A_17 : memref<!tpu.dma_semaphore, #tpu.memory_space<semaphore_mem>>) src(%dma_wait3A_31 : memref<5000xf32, #tpu.memory_space<hbm>>) dst(%dma_wait3A_29 : memref<5000xf32, #tpu.memory_space<vmem>>)
      tpu.yield
    }) : () -> ()
    %run_scoped3A_4 = arith.constant 2 : i32
    "tpu.region"() ({
      %run_scoped3A_17 = tpu.sem_alloc : memref<!tpu.dma_semaphore, #tpu.memory_space<semaphore_mem>>
      %dma_start3A = arith.constant 0 : i32
      %dma_start3A_18 = tpu.memref_slice %arg12[%dma_start3A] : memref<5128xf32, #tpu.memory_space<vmem>> -> memref<5000xf32, #tpu.memory_space<vmem>>
      %dma_start3A_19 = tpu.memref_slice %arg4[%run_scoped3A_4, %mul3A_2] : memref<4x160000xf32, #tpu.memory_space<hbm>> -> memref<1x5000xf32, #tpu.memory_space<hbm>>
      %dma_start3A_20 = tpu.memref_squeeze %dma_start3A_19 : memref<1x5000xf32, #tpu.memory_space<hbm>> -> memref<5000xf32, #tpu.memory_space<hbm>>
      %dma_start3A_21 = arith.constant 0 : i32
      %dma_start3A_22 = tpu.memref_slice %arg12[%dma_start3A_21] : memref<5128xf32, #tpu.memory_space<vmem>> -> memref<5000xf32, #tpu.memory_space<vmem>>
      %dma_start3A_23 = tpu.memref_slice %arg4[%run_scoped3A_4, %mul3A_2] : memref<4x160000xf32, #tpu.memory_space<hbm>> -> memref<1x5000xf32, #tpu.memory_space<hbm>>
      %dma_start3A_24 = tpu.memref_squeeze %dma_start3A_23 : memref<1x5000xf32, #tpu.memory_space<hbm>> -> memref<5000xf32, #tpu.memory_space<hbm>>
      tpu.enqueue_dma source(%dma_start3A_24 : memref<5000xf32, #tpu.memory_space<hbm>>) target(%dma_start3A_22 : memref<5000xf32, #tpu.memory_space<vmem>>) target_semaphore(%run_scoped3A_17 : memref<!tpu.dma_semaphore, #tpu.memory_space<semaphore_mem>>)
      %dma_wait3A = arith.constant 0 : i32
      %dma_wait3A_25 = tpu.memref_slice %arg12[%dma_wait3A] : memref<5128xf32, #tpu.memory_space<vmem>> -> memref<5000xf32, #tpu.memory_space<vmem>>
      %dma_wait3A_26 = tpu.memref_slice %arg4[%run_scoped3A_4, %mul3A_2] : memref<4x160000xf32, #tpu.memory_space<hbm>> -> memref<1x5000xf32, #tpu.memory_space<hbm>>
      %dma_wait3A_27 = tpu.memref_squeeze %dma_wait3A_26 : memref<1x5000xf32, #tpu.memory_space<hbm>> -> memref<5000xf32, #tpu.memory_space<hbm>>
      %dma_wait3A_28 = arith.constant 0 : i32
      %dma_wait3A_29 = tpu.memref_slice %arg12[%dma_wait3A_28] : memref<5128xf32, #tpu.memory_space<vmem>> -> memref<5000xf32, #tpu.memory_space<vmem>>
      %dma_wait3A_30 = tpu.memref_slice %arg4[%run_scoped3A_4, %mul3A_2] : memref<4x160000xf32, #tpu.memory_space<hbm>> -> memref<1x5000xf32, #tpu.memory_space<hbm>>
      %dma_wait3A_31 = tpu.memref_squeeze %dma_wait3A_30 : memref<1x5000xf32, #tpu.memory_space<hbm>> -> memref<5000xf32, #tpu.memory_space<hbm>>
      tpu.wait_dma2 semaphore(%run_scoped3A_17 : memref<!tpu.dma_semaphore, #tpu.memory_space<semaphore_mem>>) src(%dma_wait3A_31 : memref<5000xf32, #tpu.memory_space<hbm>>) dst(%dma_wait3A_29 : memref<5000xf32, #tpu.memory_space<vmem>>)
      tpu.yield
    }) : () -> ()
    %run_scoped3A_5 = arith.constant 3 : i32
    "tpu.region"() ({
      %run_scoped3A_17 = tpu.sem_alloc : memref<!tpu.dma_semaphore, #tpu.memory_space<semaphore_mem>>
      %dma_start3A = arith.constant 0 : i32
      %dma_start3A_18 = tpu.memref_slice %arg13[%dma_start3A] : memref<5128xf32, #tpu.memory_space<vmem>> -> memref<5000xf32, #tpu.memory_space<vmem>>
      %dma_start3A_19 = tpu.memref_slice %arg4[%run_scoped3A_5, %mul3A_2] : memref<4x160000xf32, #tpu.memory_space<hbm>> -> memref<1x5000xf32, #tpu.memory_space<hbm>>
      %dma_start3A_20 = tpu.memref_squeeze %dma_start3A_19 : memref<1x5000xf32, #tpu.memory_space<hbm>> -> memref<5000xf32, #tpu.memory_space<hbm>>
      %dma_start3A_21 = arith.constant 0 : i32
      %dma_start3A_22 = tpu.memref_slice %arg13[%dma_start3A_21] : memref<5128xf32, #tpu.memory_space<vmem>> -> memref<5000xf32, #tpu.memory_space<vmem>>
      %dma_start3A_23 = tpu.memref_slice %arg4[%run_scoped3A_5, %mul3A_2] : memref<4x160000xf32, #tpu.memory_space<hbm>> -> memref<1x5000xf32, #tpu.memory_space<hbm>>
      %dma_start3A_24 = tpu.memref_squeeze %dma_start3A_23 : memref<1x5000xf32, #tpu.memory_space<hbm>> -> memref<5000xf32, #tpu.memory_space<hbm>>
      tpu.enqueue_dma source(%dma_start3A_24 : memref<5000xf32, #tpu.memory_space<hbm>>) target(%dma_start3A_22 : memref<5000xf32, #tpu.memory_space<vmem>>) target_semaphore(%run_scoped3A_17 : memref<!tpu.dma_semaphore, #tpu.memory_space<semaphore_mem>>)
      %dma_wait3A = arith.constant 0 : i32
      %dma_wait3A_25 = tpu.memref_slice %arg13[%dma_wait3A] : memref<5128xf32, #tpu.memory_space<vmem>> -> memref<5000xf32, #tpu.memory_space<vmem>>
      %dma_wait3A_26 = tpu.memref_slice %arg4[%run_scoped3A_5, %mul3A_2] : memref<4x160000xf32, #tpu.memory_space<hbm>> -> memref<1x5000xf32, #tpu.memory_space<hbm>>
      %dma_wait3A_27 = tpu.memref_squeeze %dma_wait3A_26 : memref<1x5000xf32, #tpu.memory_space<hbm>> -> memref<5000xf32, #tpu.memory_space<hbm>>
      %dma_wait3A_28 = arith.constant 0 : i32
      %dma_wait3A_29 = tpu.memref_slice %arg13[%dma_wait3A_28] : memref<5128xf32, #tpu.memory_space<vmem>> -> memref<5000xf32, #tpu.memory_space<vmem>>
      %dma_wait3A_30 = tpu.memref_slice %arg4[%run_scoped3A_5, %mul3A_2] : memref<4x160000xf32, #tpu.memory_space<hbm>> -> memref<1x5000xf32, #tpu.memory_space<hbm>>
      %dma_wait3A_31 = tpu.memref_squeeze %dma_wait3A_30 : memref<1x5000xf32, #tpu.memory_space<hbm>> -> memref<5000xf32, #tpu.memory_space<hbm>>
      tpu.wait_dma2 semaphore(%run_scoped3A_17 : memref<!tpu.dma_semaphore, #tpu.memory_space<semaphore_mem>>) src(%dma_wait3A_31 : memref<5000xf32, #tpu.memory_space<hbm>>) dst(%dma_wait3A_29 : memref<5000xf32, #tpu.memory_space<vmem>>)
      tpu.yield
    }) : () -> ()
    %scan3A = arith.constant 0 : i32
    %scan3A_6 = arith.constant 0 : i32
    %scan3A_7 = arith.constant 1000 : i32
    %scan3A_8 = arith.addi %scan3A_6, %scan3A_7 : i32
    %scan3A_9 = arith.constant 8 : i32
    scf.for %scan3A_17 = %scan3A_6 to %scan3A_8 step %scan3A_9  : i32 {
      %broadcast_in_dim3A = arith.constant 0.000000e+00 : f32
      %broadcast_in_dim3A_18 = vector.broadcast %broadcast_in_dim3A : f32 to vector<16xf32>
      %mul3A_19 = arith.constant 16 : i32
      %mul3A_20 = arith.muli %scan3A_17, %mul3A_19 : i32
      %swap3A = arith.index_cast %mul3A_20 : i32 to index
      %swap3A_21 = tpu.vector_load %arg14[%swap3A] {strides = array<i32>} : memref<16000xf32, #tpu.memory_space<vmem>>, vector<16xf32>,
      tpu.vector_store %arg14[%swap3A], %broadcast_in_dim3A_18 {strides = array<i32>} : memref<16000xf32, #tpu.memory_space<vmem>>, vector<16xf32>,
      %scan3A_22 = arith.constant 1 : i32
      %scan3A_23 = arith.addi %scan3A_17, %scan3A_22 : i32
      %broadcast_in_dim3A_24 = arith.constant 0.000000e+00 : f32
      %broadcast_in_dim3A_25 = vector.broadcast %broadcast_in_dim3A_24 : f32 to vector<16xf32>
      %mul3A_26 = arith.constant 16 : i32
      %mul3A_27 = arith.muli %scan3A_23, %mul3A_26 : i32
      %swap3A_28 = arith.index_cast %mul3A_27 : i32 to index
      %swap3A_29 = tpu.vector_load %arg14[%swap3A_28] {strides = array<i32>} : memref<16000xf32, #tpu.memory_space<vmem>>, vector<16xf32>,
      tpu.vector_store %arg14[%swap3A_28], %broadcast_in_dim3A_25 {strides = array<i32>} : memref<16000xf32, #tpu.memory_space<vmem>>, vector<16xf32>,
      %scan3A_30 = arith.constant 2 : i32
      %scan3A_31 = arith.addi %scan3A_17, %scan3A_30 : i32
      %broadcast_in_dim3A_32 = arith.constant 0.000000e+00 : f32
      %broadcast_in_dim3A_33 = vector.broadcast %broadcast_in_dim3A_32 : f32 to vector<16xf32>
      %mul3A_34 = arith.constant 16 : i32
      %mul3A_35 = arith.muli %scan3A_31, %mul3A_34 : i32
      %swap3A_36 = arith.index_cast %mul3A_35 : i32 to index
      %swap3A_37 = tpu.vector_load %arg14[%swap3A_36] {strides = array<i32>} : memref<16000xf32, #tpu.memory_space<vmem>>, vector<16xf32>,
      tpu.vector_store %arg14[%swap3A_36], %broadcast_in_dim3A_33 {strides = array<i32>} : memref<16000xf32, #tpu.memory_space<vmem>>, vector<16xf32>,
      %scan3A_38 = arith.constant 3 : i32
      %scan3A_39 = arith.addi %scan3A_17, %scan3A_38 : i32
      %broadcast_in_dim3A_40 = arith.constant 0.000000e+00 : f32
      %broadcast_in_dim3A_41 = vector.broadcast %broadcast_in_dim3A_40 : f32 to vector<16xf32>
      %mul3A_42 = arith.constant 16 : i32
      %mul3A_43 = arith.muli %scan3A_39, %mul3A_42 : i32
      %swap3A_44 = arith.index_cast %mul3A_43 : i32 to index
      %swap3A_45 = tpu.vector_load %arg14[%swap3A_44] {strides = array<i32>} : memref<16000xf32, #tpu.memory_space<vmem>>, vector<16xf32>,
      tpu.vector_store %arg14[%swap3A_44], %broadcast_in_dim3A_41 {strides = array<i32>} : memref<16000xf32, #tpu.memory_space<vmem>>, vector<16xf32>,
      %scan3A_46 = arith.constant 4 : i32
      %scan3A_47 = arith.addi %scan3A_17, %scan3A_46 : i32
      %broadcast_in_dim3A_48 = arith.constant 0.000000e+00 : f32
      %broadcast_in_dim3A_49 = vector.broadcast %broadcast_in_dim3A_48 : f32 to vector<16xf32>
      %mul3A_50 = arith.constant 16 : i32
      %mul3A_51 = arith.muli %scan3A_47, %mul3A_50 : i32
      %swap3A_52 = arith.index_cast %mul3A_51 : i32 to index
      %swap3A_53 = tpu.vector_load %arg14[%swap3A_52] {strides = array<i32>} : memref<16000xf32, #tpu.memory_space<vmem>>, vector<16xf32>,
      tpu.vector_store %arg14[%swap3A_52], %broadcast_in_dim3A_49 {strides = array<i32>} : memref<16000xf32, #tpu.memory_space<vmem>>, vector<16xf32>,
      %scan3A_54 = arith.constant 5 : i32
      %scan3A_55 = arith.addi %scan3A_17, %scan3A_54 : i32
      %broadcast_in_dim3A_56 = arith.constant 0.000000e+00 : f32
      %broadcast_in_dim3A_57 = vector.broadcast %broadcast_in_dim3A_56 : f32 to vector<16xf32>
      %mul3A_58 = arith.constant 16 : i32
      %mul3A_59 = arith.muli %scan3A_55, %mul3A_58 : i32
      %swap3A_60 = arith.index_cast %mul3A_59 : i32 to index
      %swap3A_61 = tpu.vector_load %arg14[%swap3A_60] {strides = array<i32>} : memref<16000xf32, #tpu.memory_space<vmem>>, vector<16xf32>,
      tpu.vector_store %arg14[%swap3A_60], %broadcast_in_dim3A_57 {strides = array<i32>} : memref<16000xf32, #tpu.memory_space<vmem>>, vector<16xf32>,
      %scan3A_62 = arith.constant 6 : i32
      %scan3A_63 = arith.addi %scan3A_17, %scan3A_62 : i32
      %broadcast_in_dim3A_64 = arith.constant 0.000000e+00 : f32
      %broadcast_in_dim3A_65 = vector.broadcast %broadcast_in_dim3A_64 : f32 to vector<16xf32>
      %mul3A_66 = arith.constant 16 : i32
      %mul3A_67 = arith.muli %scan3A_63, %mul3A_66 : i32
      %swap3A_68 = arith.index_cast %mul3A_67 : i32 to index
      %swap3A_69 = tpu.vector_load %arg14[%swap3A_68] {strides = array<i32>} : memref<16000xf32, #tpu.memory_space<vmem>>, vector<16xf32>,
      tpu.vector_store %arg14[%swap3A_68], %broadcast_in_dim3A_65 {strides = array<i32>} : memref<16000xf32, #tpu.memory_space<vmem>>, vector<16xf32>,
      %scan3A_70 = arith.constant 7 : i32
      %scan3A_71 = arith.addi %scan3A_17, %scan3A_70 : i32
      %broadcast_in_dim3A_72 = arith.constant 0.000000e+00 : f32
      %broadcast_in_dim3A_73 = vector.broadcast %broadcast_in_dim3A_72 : f32 to vector<16xf32>
      %mul3A_74 = arith.constant 16 : i32
      %mul3A_75 = arith.muli %scan3A_71, %mul3A_74 : i32
      %swap3A_76 = arith.index_cast %mul3A_75 : i32 to index
      %swap3A_77 = tpu.vector_load %arg14[%swap3A_76] {strides = array<i32>} : memref<16000xf32, #tpu.memory_space<vmem>>, vector<16xf32>,
      tpu.vector_store %arg14[%swap3A_76], %broadcast_in_dim3A_73 {strides = array<i32>} : memref<16000xf32, #tpu.memory_space<vmem>>, vector<16xf32>,
    }
    %scan3A_10 = arith.constant 1000 : i32
    %scan3A_11 = arith.constant 0 : i32
    %scan3A_12 = arith.constant 0 : i32
    %scan3A_13 = arith.constant 5 : i32
    %scan3A_14 = arith.addi %scan3A_12, %scan3A_13 : i32
    %scan3A_15 = arith.constant 1 : i32
    scf.for %scan3A_17 = %scan3A_12 to %scan3A_14 step %scan3A_15  : i32 {
      %scan3A_18 = arith.constant 0 : i32
      %scan3A_19 = arith.constant 0 : i32
      %scan3A_20 = arith.constant 25 : i32
      %scan3A_21 = arith.addi %scan3A_19, %scan3A_20 : i32
      %scan3A_22 = arith.constant 1 : i32
      scf.for %scan3A_44 = %scan3A_19 to %scan3A_21 step %scan3A_22  : i32 {
        %mul3A_45 = arith.constant 1000 : i32
        %mul3A_46 = arith.muli %scan3A_17, %mul3A_45 : i32
        %mul3A_47 = arith.constant 40 : i32
        %mul3A_48 = arith.muli %scan3A_44, %mul3A_47 : i32
        %add3A_49 = arith.addi %mul3A_46, %mul3A_48 : i32
        %mul3A_50 = arith.constant 40 : i32
        %mul3A_51 = arith.muli %scan3A_44, %mul3A_50 : i32
        %dma_start3A = arith.constant 0 : i32
        %dma_start3A_52 = tpu.memref_slice %arg8[%mul3A_51, %dma_start3A] : memref<1000x64xf32, #tpu.memory_space<vmem>> -> memref<40x64xf32, #tpu.memory_space<vmem>>
        %dma_start3A_53 = tpu.memref_slice %arg7[%add3A_49] : memref<5000xi32, #tpu.memory_space<vmem>> -> memref<40xi32, #tpu.memory_space<vmem>>
        %dma_start3A_54 = arith.constant 0 : i32
        %dma_start3A_55 = arith.constant 0 : i32
        %dma_start3A_56 = tpu.memref_slice %arg2[%dma_start3A_54, %dma_start3A_55] : memref<10000x64xf32, #tpu.memory_space<hbm>> -> memref<10000x64xf32, #tpu.memory_space<hbm>>
        tpu.enqueue_indirect_dma source(%dma_start3A_56 : memref<10000x64xf32, #tpu.memory_space<hbm>>) target(%dma_start3A_52 : memref<40x64xf32, #tpu.memory_space<vmem>>) offsets(%dma_start3A_53 : memref<40xi32, #tpu.memory_space<vmem>>) semaphore(%arg9 : memref<!tpu.dma_semaphore, #tpu.memory_space<semaphore_mem>>)
      }
      %scan3A_23 = arith.constant 25 : i32
      %scan3A_24 = arith.constant 0 : i32
      %scan3A_25 = arith.constant 0 : i32
      %scan3A_26 = arith.constant 63 : i32
      %scan3A_27 = arith.addi %scan3A_25, %scan3A_26 : i32
      %scan3A_28 = arith.constant 1 : i32
      scf.for %scan3A_44 = %scan3A_25 to %scan3A_27 step %scan3A_28  : i32 {
        %mul3A_45 = arith.constant 16 : i32
        %mul3A_46 = arith.muli %scan3A_44, %mul3A_45 : i32
        %iota3A = tpu.iota {dimensions = array<i32: 0>} : vector<16xi32>
        %add3A_47 = vector.broadcast %mul3A_46 : i32 to vector<16xi32>
        %add3A_48 = arith.addi %add3A_47, %iota3A : vector<16xi32>
        %lt3A = arith.constant 1000 : i32
        %lt3A_49 = vector.broadcast %lt3A : i32 to vector<16xi32>
        %lt3A_50 = arith.cmpi slt, %add3A_48, %lt3A_49 : vector<16xi32>
        %mul3A_51 = arith.constant 1000 : i32
        %mul3A_52 = arith.muli %scan3A_17, %mul3A_51 : i32
        %mul3A_53 = arith.constant 16 : i32
        %mul3A_54 = arith.muli %scan3A_44, %mul3A_53 : i32
        %add3A_55 = arith.addi %mul3A_52, %mul3A_54 : i32
        %get3A = arith.index_cast %add3A_55 : i32 to index
        %get3A_56 = tpu.vector_load %arg10[%get3A] {strides = array<i32>} : memref<5128xf32, #tpu.memory_space<vmem>>, vector<16xf32>,
        %mul3A_57 = arith.constant 16 : i32
        %mul3A_58 = vector.broadcast %mul3A_57 : i32 to vector<16xi32>
        %mul3A_59 = arith.muli %add3A_48, %mul3A_58 : vector<16xi32>
        %add3A_60 = arith.constant 0 : i32
        %add3A_61 = vector.broadcast %add3A_60 : i32 to vector<16xi32>
        %add3A_62 = arith.addi %mul3A_59, %add3A_61 : vector<16xi32>
        tpu.vector_store_idx %arg14[%add3A_62], %get3A_56 masked %lt3A_50 : memref<16000xf32, #tpu.memory_space<vmem>>[vector<16xi32>], vector<16xf32>, vector<16xi1>
        %mul3A_63 = arith.constant 1000 : i32
        %mul3A_64 = arith.muli %scan3A_17, %mul3A_63 : i32
        %mul3A_65 = arith.constant 16 : i32
        %mul3A_66 = arith.muli %scan3A_44, %mul3A_65 : i32
        %add3A_67 = arith.addi %mul3A_64, %mul3A_66 : i32
        %get3A_68 = arith.index_cast %add3A_67 : i32 to index
        %get3A_69 = tpu.vector_load %arg11[%get3A_68] {strides = array<i32>} : memref<5128xf32, #tpu.memory_space<vmem>>, vector<16xf32>,
        %mul3A_70 = arith.constant 16 : i32
        %mul3A_71 = vector.broadcast %mul3A_70 : i32 to vector<16xi32>
        %mul3A_72 = arith.muli %add3A_48, %mul3A_71 : vector<16xi32>
        %add3A_73 = arith.constant 1 : i32
        %add3A_74 = vector.broadcast %add3A_73 : i32 to vector<16xi32>
        %add3A_75 = arith.addi %mul3A_72, %add3A_74 : vector<16xi32>
        tpu.vector_store_idx %arg14[%add3A_75], %get3A_69 masked %lt3A_50 : memref<16000xf32, #tpu.memory_space<vmem>>[vector<16xi32>], vector<16xf32>, vector<16xi1>
        %mul3A_76 = arith.constant 1000 : i32
        %mul3A_77 = arith.muli %scan3A_17, %mul3A_76 : i32
        %mul3A_78 = arith.constant 16 : i32
        %mul3A_79 = arith.muli %scan3A_44, %mul3A_78 : i32
        %add3A_80 = arith.addi %mul3A_77, %mul3A_79 : i32
        %get3A_81 = arith.index_cast %add3A_80 : i32 to index
        %get3A_82 = tpu.vector_load %arg12[%get3A_81] {strides = array<i32>} : memref<5128xf32, #tpu.memory_space<vmem>>, vector<16xf32>,
        %mul3A_83 = arith.constant 16 : i32
        %mul3A_84 = vector.broadcast %mul3A_83 : i32 to vector<16xi32>
        %mul3A_85 = arith.muli %add3A_48, %mul3A_84 : vector<16xi32>
        %add3A_86 = arith.constant 2 : i32
        %add3A_87 = vector.broadcast %add3A_86 : i32 to vector<16xi32>
        %add3A_88 = arith.addi %mul3A_85, %add3A_87 : vector<16xi32>
        tpu.vector_store_idx %arg14[%add3A_88], %get3A_82 masked %lt3A_50 : memref<16000xf32, #tpu.memory_space<vmem>>[vector<16xi32>], vector<16xf32>, vector<16xi1>
        %mul3A_89 = arith.constant 1000 : i32
        %mul3A_90 = arith.muli %scan3A_17, %mul3A_89 : i32
        %mul3A_91 = arith.constant 16 : i32
        %mul3A_92 = arith.muli %scan3A_44, %mul3A_91 : i32
        %add3A_93 = arith.addi %mul3A_90, %mul3A_92 : i32
        %get3A_94 = arith.index_cast %add3A_93 : i32 to index
        %get3A_95 = tpu.vector_load %arg13[%get3A_94] {strides = array<i32>} : memref<5128xf32, #tpu.memory_space<vmem>>, vector<16xf32>,
        %mul3A_96 = arith.constant 16 : i32
        %mul3A_97 = vector.broadcast %mul3A_96 : i32 to vector<16xi32>
        %mul3A_98 = arith.muli %add3A_48, %mul3A_97 : vector<16xi32>
        %add3A_99 = arith.constant 3 : i32
        %add3A_100 = vector.broadcast %add3A_99 : i32 to vector<16xi32>
        %add3A_101 = arith.addi %mul3A_98, %add3A_100 : vector<16xi32>
        tpu.vector_store_idx %arg14[%add3A_101], %get3A_95 masked %lt3A_50 : memref<16000xf32, #tpu.memory_space<vmem>>[vector<16xi32>], vector<16xf32>, vector<16xi1>
      }
      %scan3A_29 = arith.constant 63 : i32
      %scan3A_30 = arith.constant 0 : i32
      %scan3A_31 = arith.constant 0 : i32
      %scan3A_32 = arith.constant 25 : i32
      %scan3A_33 = arith.addi %scan3A_31, %scan3A_32 : i32
      %scan3A_34 = arith.constant 1 : i32
      scf.for %scan3A_44 = %scan3A_31 to %scan3A_33 step %scan3A_34  : i32 {
        %mul3A_45 = arith.constant 1000 : i32
        %mul3A_46 = arith.muli %scan3A_17, %mul3A_45 : i32
        %mul3A_47 = arith.constant 40 : i32
        %mul3A_48 = arith.muli %scan3A_44, %mul3A_47 : i32
        %add3A_49 = arith.addi %mul3A_46, %mul3A_48 : i32
        %mul3A_50 = arith.constant 40 : i32
        %mul3A_51 = arith.muli %scan3A_44, %mul3A_50 : i32
        %dma_wait3A = arith.constant 0 : i32
        %dma_wait3A_52 = tpu.memref_slice %arg8[%mul3A_51, %dma_wait3A] : memref<1000x64xf32, #tpu.memory_space<vmem>> -> memref<40x64xf32, #tpu.memory_space<vmem>>
        %dma_wait3A_53 = tpu.memref_slice %arg7[%add3A_49] : memref<5000xi32, #tpu.memory_space<vmem>> -> memref<40xi32, #tpu.memory_space<vmem>>
        %dma_wait3A_54 = arith.constant 0 : i32
        %dma_wait3A_55 = arith.constant 0 : i32
        %dma_wait3A_56 = tpu.memref_slice %arg2[%dma_wait3A_54, %dma_wait3A_55] : memref<10000x64xf32, #tpu.memory_space<hbm>> -> memref<10000x64xf32, #tpu.memory_space<hbm>>
        tpu.wait_indirect_dma semaphore(%arg9 : memref<!tpu.dma_semaphore, #tpu.memory_space<semaphore_mem>>) src(%dma_wait3A_56 : memref<10000x64xf32, #tpu.memory_space<hbm>>) dst(%dma_wait3A_52 : memref<40x64xf32, #tpu.memory_space<vmem>>)
      }
      %scan3A_35 = arith.constant 25 : i32
      %mul3A_36 = arith.constant 1000 : i32
      %mul3A_37 = arith.muli %scan3A_17, %mul3A_36 : i32
      %add3A_38 = arith.addi %mul3A_2, %mul3A_37 : i32
      "tpu.region"() ({
        %run_scoped3A_44 = tpu.sem_alloc : memref<!tpu.dma_semaphore, #tpu.memory_space<semaphore_mem>>
        %dma_start3A = arith.constant 0 : i32
        %dma_start3A_45 = tpu.memref_slice %arg5[%add3A_38, %dma_start3A] : memref<160000x64xf32, #tpu.memory_space<hbm>> -> memref<1000x64xf32, #tpu.memory_space<hbm>>
        %dma_start3A_46 = arith.constant 0 : i32
        %dma_start3A_47 = tpu.memref_slice %arg5[%add3A_38, %dma_start3A_46] : memref<160000x64xf32, #tpu.memory_space<hbm>> -> memref<1000x64xf32, #tpu.memory_space<hbm>>
        tpu.enqueue_dma source(%arg8 : memref<1000x64xf32, #tpu.memory_space<vmem>>) target(%dma_start3A_47 : memref<1000x64xf32, #tpu.memory_space<hbm>>) target_semaphore(%run_scoped3A_44 : memref<!tpu.dma_semaphore, #tpu.memory_space<semaphore_mem>>)
        %dma_wait3A = arith.constant 0 : i32
        %dma_wait3A_48 = tpu.memref_slice %arg5[%add3A_38, %dma_wait3A] : memref<160000x64xf32, #tpu.memory_space<hbm>> -> memref<1000x64xf32, #tpu.memory_space<hbm>>
        %dma_wait3A_49 = arith.constant 0 : i32
        %dma_wait3A_50 = tpu.memref_slice %arg5[%add3A_38, %dma_wait3A_49] : memref<160000x64xf32, #tpu.memory_space<hbm>> -> memref<1000x64xf32, #tpu.memory_space<hbm>>
        tpu.wait_dma2 semaphore(%run_scoped3A_44 : memref<!tpu.dma_semaphore, #tpu.memory_space<semaphore_mem>>) src(%arg8 : memref<1000x64xf32, #tpu.memory_space<vmem>>) dst(%dma_wait3A_50 : memref<1000x64xf32, #tpu.memory_space<hbm>>)
        tpu.yield
      }) : () -> ()
      %mul3A_39 = arith.constant 1000 : i32
      %mul3A_40 = arith.muli %scan3A_17, %mul3A_39 : i32
      %add3A_41 = arith.addi %mul3A_2, %mul3A_40 : i32
      %mul3A_42 = arith.constant 16 : i32
      %mul3A_43 = arith.muli %add3A_41, %mul3A_42 : i32
      "tpu.region"() ({
        %run_scoped3A_44 = tpu.sem_alloc : memref<!tpu.dma_semaphore, #tpu.memory_space<semaphore_mem>>
        %dma_start3A = tpu.memref_slice %arg6[%mul3A_43] : memref<2560000xf32, #tpu.memory_space<hbm>> -> memref<16000xf32, #tpu.memory_space<hbm>>
        %dma_start3A_45 = tpu.memref_slice %arg6[%mul3A_43] : memref<2560000xf32, #tpu.memory_space<hbm>> -> memref<16000xf32, #tpu.memory_space<hbm>>
        tpu.enqueue_dma source(%arg14 : memref<16000xf32, #tpu.memory_space<vmem>>) target(%dma_start3A_45 : memref<16000xf32, #tpu.memory_space<hbm>>) target_semaphore(%run_scoped3A_44 : memref<!tpu.dma_semaphore, #tpu.memory_space<semaphore_mem>>)
        %dma_wait3A = tpu.memref_slice %arg6[%mul3A_43] : memref<2560000xf32, #tpu.memory_space<hbm>> -> memref<16000xf32, #tpu.memory_space<hbm>>
        %dma_wait3A_46 = tpu.memref_slice %arg6[%mul3A_43] : memref<2560000xf32, #tpu.memory_space<hbm>> -> memref<16000xf32, #tpu.memory_space<hbm>>
        tpu.wait_dma2 semaphore(%run_scoped3A_44 : memref<!tpu.dma_semaphore, #tpu.memory_space<semaphore_mem>>) src(%arg14 : memref<16000xf32, #tpu.memory_space<vmem>>) dst(%dma_wait3A_46 : memref<16000xf32, #tpu.memory_space<hbm>>)
        tpu.yield
      }) : () -> ()
    }
    %scan3A_16 = arith.constant 5 : i32
    return
  }
}

#map = affine_map<(d0, d1) -> (0, 0)>
#map1 = affine_map<(d0, d1) -> (0, 0, 0)>
module attributes {stable_mosaic.version = 14 : i64} {
  func.func @scatter_kernel(%arg0: i32, %arg1: i32, %arg2: memref<160000x16xf32, #tpu.memory_space<hbm>>, %arg3: memref<1250x128xi32, #tpu.memory_space<hbm>>, %arg4: memref<2x10000x16xf32, #tpu.memory_space<hbm>>, %arg5: memref<2x10000x16xf32, #tpu.memory_space<hbm>>, %arg6: memref<128xi32, #tpu.memory_space<vmem>>, %arg7: memref<128x16xf32, #tpu.memory_space<vmem>>, %arg8: memref<10000x16xf32, #tpu.memory_space<vmem_shared>>, %arg9: memref<128x16xf32, #tpu.memory_space<vmem>>, %arg10: memref<10000x16xf32, #tpu.memory_space<vmem_shared>>) attributes {dimension_semantics = [#tpu.dimension_semantics<core_parallel>, #tpu.dimension_semantics<subcore_parallel>], iteration_bounds = array<i64: 2, 16>, scalar_prefetch = 0 : i64, scratch_operands = 5 : i64, tpu.core_type = #tpu.core_type<sc_vector_subcore>, window_params = [{transform_indices = #map}, {transform_indices = #map}, {transform_indices = #map1}, {transform_indices = #map1}]} {
    %mul3A = arith.constant 2 : i32
    %mul3A_0 = arith.muli %arg1, %mul3A : i32
    %add3A = arith.addi %mul3A_0, %arg0 : i32
    %scan3A = arith.constant 0 : i32
    %scan3A_1 = arith.constant 0 : i32
    %scan3A_2 = arith.constant 128 : i32
    %scan3A_3 = arith.addi %scan3A_1, %scan3A_2 : i32
    %scan3A_4 = arith.constant 1 : i32
    scf.for %scan3A_43 = %scan3A_1 to %scan3A_3 step %scan3A_4  : i32 {
      %broadcast_in_dim3A = arith.constant 0.000000e+00 : f32
      %broadcast_in_dim3A_44 = vector.broadcast %broadcast_in_dim3A : f32 to vector<16xf32>
      %swap3A = arith.index_cast %scan3A_43 : i32 to index
      %swap3A_45 = arith.constant 0 : index
      %swap3A_46 = tpu.vector_load %arg7[%swap3A, %swap3A_45] {strides = array<i32>} : memref<128x16xf32, #tpu.memory_space<vmem>>, vector<1x16xf32>,
      %swap3A_47 = vector.shape_cast %swap3A_46 : vector<1x16xf32> to vector<16xf32>
      %swap3A_48 = vector.shape_cast %broadcast_in_dim3A_44 : vector<16xf32> to vector<1x16xf32>
      tpu.vector_store %arg7[%swap3A, %swap3A_45], %swap3A_48 {strides = array<i32>} : memref<128x16xf32, #tpu.memory_space<vmem>>, vector<1x16xf32>,
      %broadcast_in_dim3A_49 = arith.constant 1.000000e+00 : f32
      %broadcast_in_dim3A_50 = vector.broadcast %broadcast_in_dim3A_49 : f32 to vector<16xf32>
      %swap3A_51 = arith.index_cast %scan3A_43 : i32 to index
      %swap3A_52 = arith.constant 0 : index
      %swap3A_53 = tpu.vector_load %arg9[%swap3A_51, %swap3A_52] {strides = array<i32>} : memref<128x16xf32, #tpu.memory_space<vmem>>, vector<1x16xf32>,
      %swap3A_54 = vector.shape_cast %swap3A_53 : vector<1x16xf32> to vector<16xf32>
      %swap3A_55 = vector.shape_cast %broadcast_in_dim3A_50 : vector<16xf32> to vector<1x16xf32>
      tpu.vector_store %arg9[%swap3A_51, %swap3A_52], %swap3A_55 {strides = array<i32>} : memref<128x16xf32, #tpu.memory_space<vmem>>, vector<1x16xf32>,
    }
    %scan3A_5 = arith.constant 128 : i32
    %mul3A_6 = arith.constant 625 : i32
    %mul3A_7 = arith.muli %arg1, %mul3A_6 : i32
    %add3A_8 = arith.constant 0 : i32
    %add3A_9 = arith.addi %mul3A_7, %add3A_8 : i32
    "tpu.region"() ({
      %run_scoped3A = tpu.sem_alloc : memref<!tpu.dma_semaphore, #tpu.memory_space<semaphore_mem>>
      %dma_start3A = arith.constant 0 : i32
      %dma_start3A_43 = arith.constant 0 : i32
      %dma_start3A_44 = tpu.memref_slice %arg7[%dma_start3A, %dma_start3A_43] : memref<128x16xf32, #tpu.memory_space<vmem>> -> memref<125x16xf32, #tpu.memory_space<vmem>>
      %dma_start3A_45 = arith.constant 0 : i32
      %dma_start3A_46 = tpu.memref_slice %arg8[%add3A_9, %dma_start3A_45] : memref<10000x16xf32, #tpu.memory_space<vmem_shared>> -> memref<125x16xf32, #tpu.memory_space<vmem_shared>>
      %dma_start3A_47 = arith.constant 0 : i32
      %dma_start3A_48 = tpu.memref_slice %arg8[%add3A_9, %dma_start3A_47] : memref<10000x16xf32, #tpu.memory_space<vmem_shared>> -> memref<125x16xf32, #tpu.memory_space<vmem_shared>>
      %dma_start3A_49 = arith.constant 0 : i32
      %dma_start3A_50 = arith.constant 0 : i32
      %dma_start3A_51 = tpu.memref_slice %arg7[%dma_start3A_49, %dma_start3A_50] : memref<128x16xf32, #tpu.memory_space<vmem>> -> memref<125x16xf32, #tpu.memory_space<vmem>>
      tpu.enqueue_dma source(%dma_start3A_51 : memref<125x16xf32, #tpu.memory_space<vmem>>) target(%dma_start3A_48 : memref<125x16xf32, #tpu.memory_space<vmem_shared>>) target_semaphore(%run_scoped3A : memref<!tpu.dma_semaphore, #tpu.memory_space<semaphore_mem>>)
      %dma_wait3A = arith.constant 0 : i32
      %dma_wait3A_52 = arith.constant 0 : i32
      %dma_wait3A_53 = tpu.memref_slice %arg7[%dma_wait3A, %dma_wait3A_52] : memref<128x16xf32, #tpu.memory_space<vmem>> -> memref<125x16xf32, #tpu.memory_space<vmem>>
      %dma_wait3A_54 = arith.constant 0 : i32
      %dma_wait3A_55 = tpu.memref_slice %arg8[%add3A_9, %dma_wait3A_54] : memref<10000x16xf32, #tpu.memory_space<vmem_shared>> -> memref<125x16xf32, #tpu.memory_space<vmem_shared>>
      %dma_wait3A_56 = arith.constant 0 : i32
      %dma_wait3A_57 = tpu.memref_slice %arg8[%add3A_9, %dma_wait3A_56] : memref<10000x16xf32, #tpu.memory_space<vmem_shared>> -> memref<125x16xf32, #tpu.memory_space<vmem_shared>>
      %dma_wait3A_58 = arith.constant 0 : i32
      %dma_wait3A_59 = arith.constant 0 : i32
      %dma_wait3A_60 = tpu.memref_slice %arg7[%dma_wait3A_58, %dma_wait3A_59] : memref<128x16xf32, #tpu.memory_space<vmem>> -> memref<125x16xf32, #tpu.memory_space<vmem>>
      tpu.wait_dma2 semaphore(%run_scoped3A : memref<!tpu.dma_semaphore, #tpu.memory_space<semaphore_mem>>) src(%dma_wait3A_60 : memref<125x16xf32, #tpu.memory_space<vmem>>) dst(%dma_wait3A_57 : memref<125x16xf32, #tpu.memory_space<vmem_shared>>)
      tpu.yield
    }) : () -> ()
    "tpu.region"() ({
      %run_scoped3A = tpu.sem_alloc : memref<!tpu.dma_semaphore, #tpu.memory_space<semaphore_mem>>
      %dma_start3A = arith.constant 0 : i32
      %dma_start3A_43 = arith.constant 0 : i32
      %dma_start3A_44 = tpu.memref_slice %arg7[%dma_start3A, %dma_start3A_43] : memref<128x16xf32, #tpu.memory_space<vmem>> -> memref<125x16xf32, #tpu.memory_space<vmem>>
      %dma_start3A_45 = arith.constant 0 : i32
      %dma_start3A_46 = tpu.memref_slice %arg10[%add3A_9, %dma_start3A_45] : memref<10000x16xf32, #tpu.memory_space<vmem_shared>> -> memref<125x16xf32, #tpu.memory_space<vmem_shared>>
      %dma_start3A_47 = arith.constant 0 : i32
      %dma_start3A_48 = tpu.memref_slice %arg10[%add3A_9, %dma_start3A_47] : memref<10000x16xf32, #tpu.memory_space<vmem_shared>> -> memref<125x16xf32, #tpu.memory_space<vmem_shared>>
      %dma_start3A_49 = arith.constant 0 : i32
      %dma_start3A_50 = arith.constant 0 : i32
      %dma_start3A_51 = tpu.memref_slice %arg7[%dma_start3A_49, %dma_start3A_50] : memref<128x16xf32, #tpu.memory_space<vmem>> -> memref<125x16xf32, #tpu.memory_space<vmem>>
      tpu.enqueue_dma source(%dma_start3A_51 : memref<125x16xf32, #tpu.memory_space<vmem>>) target(%dma_start3A_48 : memref<125x16xf32, #tpu.memory_space<vmem_shared>>) target_semaphore(%run_scoped3A : memref<!tpu.dma_semaphore, #tpu.memory_space<semaphore_mem>>)
      %dma_wait3A = arith.constant 0 : i32
      %dma_wait3A_52 = arith.constant 0 : i32
      %dma_wait3A_53 = tpu.memref_slice %arg7[%dma_wait3A, %dma_wait3A_52] : memref<128x16xf32, #tpu.memory_space<vmem>> -> memref<125x16xf32, #tpu.memory_space<vmem>>
      %dma_wait3A_54 = arith.constant 0 : i32
      %dma_wait3A_55 = tpu.memref_slice %arg10[%add3A_9, %dma_wait3A_54] : memref<10000x16xf32, #tpu.memory_space<vmem_shared>> -> memref<125x16xf32, #tpu.memory_space<vmem_shared>>
      %dma_wait3A_56 = arith.constant 0 : i32
      %dma_wait3A_57 = tpu.memref_slice %arg10[%add3A_9, %dma_wait3A_56] : memref<10000x16xf32, #tpu.memory_space<vmem_shared>> -> memref<125x16xf32, #tpu.memory_space<vmem_shared>>
      %dma_wait3A_58 = arith.constant 0 : i32
      %dma_wait3A_59 = arith.constant 0 : i32
      %dma_wait3A_60 = tpu.memref_slice %arg7[%dma_wait3A_58, %dma_wait3A_59] : memref<128x16xf32, #tpu.memory_space<vmem>> -> memref<125x16xf32, #tpu.memory_space<vmem>>
      tpu.wait_dma2 semaphore(%run_scoped3A : memref<!tpu.dma_semaphore, #tpu.memory_space<semaphore_mem>>) src(%dma_wait3A_60 : memref<125x16xf32, #tpu.memory_space<vmem>>) dst(%dma_wait3A_57 : memref<125x16xf32, #tpu.memory_space<vmem_shared>>)
      tpu.yield
    }) : () -> ()
    %mul3A_10 = arith.constant 625 : i32
    %mul3A_11 = arith.muli %arg1, %mul3A_10 : i32
    %add3A_12 = arith.constant 125 : i32
    %add3A_13 = arith.addi %mul3A_11, %add3A_12 : i32
    "tpu.region"() ({
      %run_scoped3A = tpu.sem_alloc : memref<!tpu.dma_semaphore, #tpu.memory_space<semaphore_mem>>
      %dma_start3A = arith.constant 0 : i32
      %dma_start3A_43 = arith.constant 0 : i32
      %dma_start3A_44 = tpu.memref_slice %arg7[%dma_start3A, %dma_start3A_43] : memref<128x16xf32, #tpu.memory_space<vmem>> -> memref<125x16xf32, #tpu.memory_space<vmem>>
      %dma_start3A_45 = arith.constant 0 : i32
      %dma_start3A_46 = tpu.memref_slice %arg8[%add3A_13, %dma_start3A_45] : memref<10000x16xf32, #tpu.memory_space<vmem_shared>> -> memref<125x16xf32, #tpu.memory_space<vmem_shared>>
      %dma_start3A_47 = arith.constant 0 : i32
      %dma_start3A_48 = tpu.memref_slice %arg8[%add3A_13, %dma_start3A_47] : memref<10000x16xf32, #tpu.memory_space<vmem_shared>> -> memref<125x16xf32, #tpu.memory_space<vmem_shared>>
      %dma_start3A_49 = arith.constant 0 : i32
      %dma_start3A_50 = arith.constant 0 : i32
      %dma_start3A_51 = tpu.memref_slice %arg7[%dma_start3A_49, %dma_start3A_50] : memref<128x16xf32, #tpu.memory_space<vmem>> -> memref<125x16xf32, #tpu.memory_space<vmem>>
      tpu.enqueue_dma source(%dma_start3A_51 : memref<125x16xf32, #tpu.memory_space<vmem>>) target(%dma_start3A_48 : memref<125x16xf32, #tpu.memory_space<vmem_shared>>) target_semaphore(%run_scoped3A : memref<!tpu.dma_semaphore, #tpu.memory_space<semaphore_mem>>)
      %dma_wait3A = arith.constant 0 : i32
      %dma_wait3A_52 = arith.constant 0 : i32
      %dma_wait3A_53 = tpu.memref_slice %arg7[%dma_wait3A, %dma_wait3A_52] : memref<128x16xf32, #tpu.memory_space<vmem>> -> memref<125x16xf32, #tpu.memory_space<vmem>>
      %dma_wait3A_54 = arith.constant 0 : i32
      %dma_wait3A_55 = tpu.memref_slice %arg8[%add3A_13, %dma_wait3A_54] : memref<10000x16xf32, #tpu.memory_space<vmem_shared>> -> memref<125x16xf32, #tpu.memory_space<vmem_shared>>
      %dma_wait3A_56 = arith.constant 0 : i32
      %dma_wait3A_57 = tpu.memref_slice %arg8[%add3A_13, %dma_wait3A_56] : memref<10000x16xf32, #tpu.memory_space<vmem_shared>> -> memref<125x16xf32, #tpu.memory_space<vmem_shared>>
      %dma_wait3A_58 = arith.constant 0 : i32
      %dma_wait3A_59 = arith.constant 0 : i32
      %dma_wait3A_60 = tpu.memref_slice %arg7[%dma_wait3A_58, %dma_wait3A_59] : memref<128x16xf32, #tpu.memory_space<vmem>> -> memref<125x16xf32, #tpu.memory_space<vmem>>
      tpu.wait_dma2 semaphore(%run_scoped3A : memref<!tpu.dma_semaphore, #tpu.memory_space<semaphore_mem>>) src(%dma_wait3A_60 : memref<125x16xf32, #tpu.memory_space<vmem>>) dst(%dma_wait3A_57 : memref<125x16xf32, #tpu.memory_space<vmem_shared>>)
      tpu.yield
    }) : () -> ()
    "tpu.region"() ({
      %run_scoped3A = tpu.sem_alloc : memref<!tpu.dma_semaphore, #tpu.memory_space<semaphore_mem>>
      %dma_start3A = arith.constant 0 : i32
      %dma_start3A_43 = arith.constant 0 : i32
      %dma_start3A_44 = tpu.memref_slice %arg7[%dma_start3A, %dma_start3A_43] : memref<128x16xf32, #tpu.memory_space<vmem>> -> memref<125x16xf32, #tpu.memory_space<vmem>>
      %dma_start3A_45 = arith.constant 0 : i32
      %dma_start3A_46 = tpu.memref_slice %arg10[%add3A_13, %dma_start3A_45] : memref<10000x16xf32, #tpu.memory_space<vmem_shared>> -> memref<125x16xf32, #tpu.memory_space<vmem_shared>>
      %dma_start3A_47 = arith.constant 0 : i32
      %dma_start3A_48 = tpu.memref_slice %arg10[%add3A_13, %dma_start3A_47] : memref<10000x16xf32, #tpu.memory_space<vmem_shared>> -> memref<125x16xf32, #tpu.memory_space<vmem_shared>>
      %dma_start3A_49 = arith.constant 0 : i32
      %dma_start3A_50 = arith.constant 0 : i32
      %dma_start3A_51 = tpu.memref_slice %arg7[%dma_start3A_49, %dma_start3A_50] : memref<128x16xf32, #tpu.memory_space<vmem>> -> memref<125x16xf32, #tpu.memory_space<vmem>>
      tpu.enqueue_dma source(%dma_start3A_51 : memref<125x16xf32, #tpu.memory_space<vmem>>) target(%dma_start3A_48 : memref<125x16xf32, #tpu.memory_space<vmem_shared>>) target_semaphore(%run_scoped3A : memref<!tpu.dma_semaphore, #tpu.memory_space<semaphore_mem>>)
      %dma_wait3A = arith.constant 0 : i32
      %dma_wait3A_52 = arith.constant 0 : i32
      %dma_wait3A_53 = tpu.memref_slice %arg7[%dma_wait3A, %dma_wait3A_52] : memref<128x16xf32, #tpu.memory_space<vmem>> -> memref<125x16xf32, #tpu.memory_space<vmem>>
      %dma_wait3A_54 = arith.constant 0 : i32
      %dma_wait3A_55 = tpu.memref_slice %arg10[%add3A_13, %dma_wait3A_54] : memref<10000x16xf32, #tpu.memory_space<vmem_shared>> -> memref<125x16xf32, #tpu.memory_space<vmem_shared>>
      %dma_wait3A_56 = arith.constant 0 : i32
      %dma_wait3A_57 = tpu.memref_slice %arg10[%add3A_13, %dma_wait3A_56] : memref<10000x16xf32, #tpu.memory_space<vmem_shared>> -> memref<125x16xf32, #tpu.memory_space<vmem_shared>>
      %dma_wait3A_58 = arith.constant 0 : i32
      %dma_wait3A_59 = arith.constant 0 : i32
      %dma_wait3A_60 = tpu.memref_slice %arg7[%dma_wait3A_58, %dma_wait3A_59] : memref<128x16xf32, #tpu.memory_space<vmem>> -> memref<125x16xf32, #tpu.memory_space<vmem>>
      tpu.wait_dma2 semaphore(%run_scoped3A : memref<!tpu.dma_semaphore, #tpu.memory_space<semaphore_mem>>) src(%dma_wait3A_60 : memref<125x16xf32, #tpu.memory_space<vmem>>) dst(%dma_wait3A_57 : memref<125x16xf32, #tpu.memory_space<vmem_shared>>)
      tpu.yield
    }) : () -> ()
    %mul3A_14 = arith.constant 625 : i32
    %mul3A_15 = arith.muli %arg1, %mul3A_14 : i32
    %add3A_16 = arith.constant 250 : i32
    %add3A_17 = arith.addi %mul3A_15, %add3A_16 : i32
    "tpu.region"() ({
      %run_scoped3A = tpu.sem_alloc : memref<!tpu.dma_semaphore, #tpu.memory_space<semaphore_mem>>
      %dma_start3A = arith.constant 0 : i32
      %dma_start3A_43 = arith.constant 0 : i32
      %dma_start3A_44 = tpu.memref_slice %arg7[%dma_start3A, %dma_start3A_43] : memref<128x16xf32, #tpu.memory_space<vmem>> -> memref<125x16xf32, #tpu.memory_space<vmem>>
      %dma_start3A_45 = arith.constant 0 : i32
      %dma_start3A_46 = tpu.memref_slice %arg8[%add3A_17, %dma_start3A_45] : memref<10000x16xf32, #tpu.memory_space<vmem_shared>> -> memref<125x16xf32, #tpu.memory_space<vmem_shared>>
      %dma_start3A_47 = arith.constant 0 : i32
      %dma_start3A_48 = tpu.memref_slice %arg8[%add3A_17, %dma_start3A_47] : memref<10000x16xf32, #tpu.memory_space<vmem_shared>> -> memref<125x16xf32, #tpu.memory_space<vmem_shared>>
      %dma_start3A_49 = arith.constant 0 : i32
      %dma_start3A_50 = arith.constant 0 : i32
      %dma_start3A_51 = tpu.memref_slice %arg7[%dma_start3A_49, %dma_start3A_50] : memref<128x16xf32, #tpu.memory_space<vmem>> -> memref<125x16xf32, #tpu.memory_space<vmem>>
      tpu.enqueue_dma source(%dma_start3A_51 : memref<125x16xf32, #tpu.memory_space<vmem>>) target(%dma_start3A_48 : memref<125x16xf32, #tpu.memory_space<vmem_shared>>) target_semaphore(%run_scoped3A : memref<!tpu.dma_semaphore, #tpu.memory_space<semaphore_mem>>)
      %dma_wait3A = arith.constant 0 : i32
      %dma_wait3A_52 = arith.constant 0 : i32
      %dma_wait3A_53 = tpu.memref_slice %arg7[%dma_wait3A, %dma_wait3A_52] : memref<128x16xf32, #tpu.memory_space<vmem>> -> memref<125x16xf32, #tpu.memory_space<vmem>>
      %dma_wait3A_54 = arith.constant 0 : i32
      %dma_wait3A_55 = tpu.memref_slice %arg8[%add3A_17, %dma_wait3A_54] : memref<10000x16xf32, #tpu.memory_space<vmem_shared>> -> memref<125x16xf32, #tpu.memory_space<vmem_shared>>
      %dma_wait3A_56 = arith.constant 0 : i32
      %dma_wait3A_57 = tpu.memref_slice %arg8[%add3A_17, %dma_wait3A_56] : memref<10000x16xf32, #tpu.memory_space<vmem_shared>> -> memref<125x16xf32, #tpu.memory_space<vmem_shared>>
      %dma_wait3A_58 = arith.constant 0 : i32
      %dma_wait3A_59 = arith.constant 0 : i32
      %dma_wait3A_60 = tpu.memref_slice %arg7[%dma_wait3A_58, %dma_wait3A_59] : memref<128x16xf32, #tpu.memory_space<vmem>> -> memref<125x16xf32, #tpu.memory_space<vmem>>
      tpu.wait_dma2 semaphore(%run_scoped3A : memref<!tpu.dma_semaphore, #tpu.memory_space<semaphore_mem>>) src(%dma_wait3A_60 : memref<125x16xf32, #tpu.memory_space<vmem>>) dst(%dma_wait3A_57 : memref<125x16xf32, #tpu.memory_space<vmem_shared>>)
      tpu.yield
    }) : () -> ()
    "tpu.region"() ({
      %run_scoped3A = tpu.sem_alloc : memref<!tpu.dma_semaphore, #tpu.memory_space<semaphore_mem>>
      %dma_start3A = arith.constant 0 : i32
      %dma_start3A_43 = arith.constant 0 : i32
      %dma_start3A_44 = tpu.memref_slice %arg7[%dma_start3A, %dma_start3A_43] : memref<128x16xf32, #tpu.memory_space<vmem>> -> memref<125x16xf32, #tpu.memory_space<vmem>>
      %dma_start3A_45 = arith.constant 0 : i32
      %dma_start3A_46 = tpu.memref_slice %arg10[%add3A_17, %dma_start3A_45] : memref<10000x16xf32, #tpu.memory_space<vmem_shared>> -> memref<125x16xf32, #tpu.memory_space<vmem_shared>>
      %dma_start3A_47 = arith.constant 0 : i32
      %dma_start3A_48 = tpu.memref_slice %arg10[%add3A_17, %dma_start3A_47] : memref<10000x16xf32, #tpu.memory_space<vmem_shared>> -> memref<125x16xf32, #tpu.memory_space<vmem_shared>>
      %dma_start3A_49 = arith.constant 0 : i32
      %dma_start3A_50 = arith.constant 0 : i32
      %dma_start3A_51 = tpu.memref_slice %arg7[%dma_start3A_49, %dma_start3A_50] : memref<128x16xf32, #tpu.memory_space<vmem>> -> memref<125x16xf32, #tpu.memory_space<vmem>>
      tpu.enqueue_dma source(%dma_start3A_51 : memref<125x16xf32, #tpu.memory_space<vmem>>) target(%dma_start3A_48 : memref<125x16xf32, #tpu.memory_space<vmem_shared>>) target_semaphore(%run_scoped3A : memref<!tpu.dma_semaphore, #tpu.memory_space<semaphore_mem>>)
      %dma_wait3A = arith.constant 0 : i32
      %dma_wait3A_52 = arith.constant 0 : i32
      %dma_wait3A_53 = tpu.memref_slice %arg7[%dma_wait3A, %dma_wait3A_52] : memref<128x16xf32, #tpu.memory_space<vmem>> -> memref<125x16xf32, #tpu.memory_space<vmem>>
      %dma_wait3A_54 = arith.constant 0 : i32
      %dma_wait3A_55 = tpu.memref_slice %arg10[%add3A_17, %dma_wait3A_54] : memref<10000x16xf32, #tpu.memory_space<vmem_shared>> -> memref<125x16xf32, #tpu.memory_space<vmem_shared>>
      %dma_wait3A_56 = arith.constant 0 : i32
      %dma_wait3A_57 = tpu.memref_slice %arg10[%add3A_17, %dma_wait3A_56] : memref<10000x16xf32, #tpu.memory_space<vmem_shared>> -> memref<125x16xf32, #tpu.memory_space<vmem_shared>>
      %dma_wait3A_58 = arith.constant 0 : i32
      %dma_wait3A_59 = arith.constant 0 : i32
      %dma_wait3A_60 = tpu.memref_slice %arg7[%dma_wait3A_58, %dma_wait3A_59] : memref<128x16xf32, #tpu.memory_space<vmem>> -> memref<125x16xf32, #tpu.memory_space<vmem>>
      tpu.wait_dma2 semaphore(%run_scoped3A : memref<!tpu.dma_semaphore, #tpu.memory_space<semaphore_mem>>) src(%dma_wait3A_60 : memref<125x16xf32, #tpu.memory_space<vmem>>) dst(%dma_wait3A_57 : memref<125x16xf32, #tpu.memory_space<vmem_shared>>)
      tpu.yield
    }) : () -> ()
    %mul3A_18 = arith.constant 625 : i32
    %mul3A_19 = arith.muli %arg1, %mul3A_18 : i32
    %add3A_20 = arith.constant 375 : i32
    %add3A_21 = arith.addi %mul3A_19, %add3A_20 : i32
    "tpu.region"() ({
      %run_scoped3A = tpu.sem_alloc : memref<!tpu.dma_semaphore, #tpu.memory_space<semaphore_mem>>
      %dma_start3A = arith.constant 0 : i32
      %dma_start3A_43 = arith.constant 0 : i32
      %dma_start3A_44 = tpu.memref_slice %arg7[%dma_start3A, %dma_start3A_43] : memref<128x16xf32, #tpu.memory_space<vmem>> -> memref<125x16xf32, #tpu.memory_space<vmem>>
      %dma_start3A_45 = arith.constant 0 : i32
      %dma_start3A_46 = tpu.memref_slice %arg8[%add3A_21, %dma_start3A_45] : memref<10000x16xf32, #tpu.memory_space<vmem_shared>> -> memref<125x16xf32, #tpu.memory_space<vmem_shared>>
      %dma_start3A_47 = arith.constant 0 : i32
      %dma_start3A_48 = tpu.memref_slice %arg8[%add3A_21, %dma_start3A_47] : memref<10000x16xf32, #tpu.memory_space<vmem_shared>> -> memref<125x16xf32, #tpu.memory_space<vmem_shared>>
      %dma_start3A_49 = arith.constant 0 : i32
      %dma_start3A_50 = arith.constant 0 : i32
      %dma_start3A_51 = tpu.memref_slice %arg7[%dma_start3A_49, %dma_start3A_50] : memref<128x16xf32, #tpu.memory_space<vmem>> -> memref<125x16xf32, #tpu.memory_space<vmem>>
      tpu.enqueue_dma source(%dma_start3A_51 : memref<125x16xf32, #tpu.memory_space<vmem>>) target(%dma_start3A_48 : memref<125x16xf32, #tpu.memory_space<vmem_shared>>) target_semaphore(%run_scoped3A : memref<!tpu.dma_semaphore, #tpu.memory_space<semaphore_mem>>)
      %dma_wait3A = arith.constant 0 : i32
      %dma_wait3A_52 = arith.constant 0 : i32
      %dma_wait3A_53 = tpu.memref_slice %arg7[%dma_wait3A, %dma_wait3A_52] : memref<128x16xf32, #tpu.memory_space<vmem>> -> memref<125x16xf32, #tpu.memory_space<vmem>>
      %dma_wait3A_54 = arith.constant 0 : i32
      %dma_wait3A_55 = tpu.memref_slice %arg8[%add3A_21, %dma_wait3A_54] : memref<10000x16xf32, #tpu.memory_space<vmem_shared>> -> memref<125x16xf32, #tpu.memory_space<vmem_shared>>
      %dma_wait3A_56 = arith.constant 0 : i32
      %dma_wait3A_57 = tpu.memref_slice %arg8[%add3A_21, %dma_wait3A_56] : memref<10000x16xf32, #tpu.memory_space<vmem_shared>> -> memref<125x16xf32, #tpu.memory_space<vmem_shared>>
      %dma_wait3A_58 = arith.constant 0 : i32
      %dma_wait3A_59 = arith.constant 0 : i32
      %dma_wait3A_60 = tpu.memref_slice %arg7[%dma_wait3A_58, %dma_wait3A_59] : memref<128x16xf32, #tpu.memory_space<vmem>> -> memref<125x16xf32, #tpu.memory_space<vmem>>
      tpu.wait_dma2 semaphore(%run_scoped3A : memref<!tpu.dma_semaphore, #tpu.memory_space<semaphore_mem>>) src(%dma_wait3A_60 : memref<125x16xf32, #tpu.memory_space<vmem>>) dst(%dma_wait3A_57 : memref<125x16xf32, #tpu.memory_space<vmem_shared>>)
      tpu.yield
    }) : () -> ()
    "tpu.region"() ({
      %run_scoped3A = tpu.sem_alloc : memref<!tpu.dma_semaphore, #tpu.memory_space<semaphore_mem>>
      %dma_start3A = arith.constant 0 : i32
      %dma_start3A_43 = arith.constant 0 : i32
      %dma_start3A_44 = tpu.memref_slice %arg7[%dma_start3A, %dma_start3A_43] : memref<128x16xf32, #tpu.memory_space<vmem>> -> memref<125x16xf32, #tpu.memory_space<vmem>>
      %dma_start3A_45 = arith.constant 0 : i32
      %dma_start3A_46 = tpu.memref_slice %arg10[%add3A_21, %dma_start3A_45] : memref<10000x16xf32, #tpu.memory_space<vmem_shared>> -> memref<125x16xf32, #tpu.memory_space<vmem_shared>>
      %dma_start3A_47 = arith.constant 0 : i32
      %dma_start3A_48 = tpu.memref_slice %arg10[%add3A_21, %dma_start3A_47] : memref<10000x16xf32, #tpu.memory_space<vmem_shared>> -> memref<125x16xf32, #tpu.memory_space<vmem_shared>>
      %dma_start3A_49 = arith.constant 0 : i32
      %dma_start3A_50 = arith.constant 0 : i32
      %dma_start3A_51 = tpu.memref_slice %arg7[%dma_start3A_49, %dma_start3A_50] : memref<128x16xf32, #tpu.memory_space<vmem>> -> memref<125x16xf32, #tpu.memory_space<vmem>>
      tpu.enqueue_dma source(%dma_start3A_51 : memref<125x16xf32, #tpu.memory_space<vmem>>) target(%dma_start3A_48 : memref<125x16xf32, #tpu.memory_space<vmem_shared>>) target_semaphore(%run_scoped3A : memref<!tpu.dma_semaphore, #tpu.memory_space<semaphore_mem>>)
      %dma_wait3A = arith.constant 0 : i32
      %dma_wait3A_52 = arith.constant 0 : i32
      %dma_wait3A_53 = tpu.memref_slice %arg7[%dma_wait3A, %dma_wait3A_52] : memref<128x16xf32, #tpu.memory_space<vmem>> -> memref<125x16xf32, #tpu.memory_space<vmem>>
      %dma_wait3A_54 = arith.constant 0 : i32
      %dma_wait3A_55 = tpu.memref_slice %arg10[%add3A_21, %dma_wait3A_54] : memref<10000x16xf32, #tpu.memory_space<vmem_shared>> -> memref<125x16xf32, #tpu.memory_space<vmem_shared>>
      %dma_wait3A_56 = arith.constant 0 : i32
      %dma_wait3A_57 = tpu.memref_slice %arg10[%add3A_21, %dma_wait3A_56] : memref<10000x16xf32, #tpu.memory_space<vmem_shared>> -> memref<125x16xf32, #tpu.memory_space<vmem_shared>>
      %dma_wait3A_58 = arith.constant 0 : i32
      %dma_wait3A_59 = arith.constant 0 : i32
      %dma_wait3A_60 = tpu.memref_slice %arg7[%dma_wait3A_58, %dma_wait3A_59] : memref<128x16xf32, #tpu.memory_space<vmem>> -> memref<125x16xf32, #tpu.memory_space<vmem>>
      tpu.wait_dma2 semaphore(%run_scoped3A : memref<!tpu.dma_semaphore, #tpu.memory_space<semaphore_mem>>) src(%dma_wait3A_60 : memref<125x16xf32, #tpu.memory_space<vmem>>) dst(%dma_wait3A_57 : memref<125x16xf32, #tpu.memory_space<vmem_shared>>)
      tpu.yield
    }) : () -> ()
    %mul3A_22 = arith.constant 625 : i32
    %mul3A_23 = arith.muli %arg1, %mul3A_22 : i32
    %add3A_24 = arith.constant 500 : i32
    %add3A_25 = arith.addi %mul3A_23, %add3A_24 : i32
    "tpu.region"() ({
      %run_scoped3A = tpu.sem_alloc : memref<!tpu.dma_semaphore, #tpu.memory_space<semaphore_mem>>
      %dma_start3A = arith.constant 0 : i32
      %dma_start3A_43 = arith.constant 0 : i32
      %dma_start3A_44 = tpu.memref_slice %arg7[%dma_start3A, %dma_start3A_43] : memref<128x16xf32, #tpu.memory_space<vmem>> -> memref<125x16xf32, #tpu.memory_space<vmem>>
      %dma_start3A_45 = arith.constant 0 : i32
      %dma_start3A_46 = tpu.memref_slice %arg8[%add3A_25, %dma_start3A_45] : memref<10000x16xf32, #tpu.memory_space<vmem_shared>> -> memref<125x16xf32, #tpu.memory_space<vmem_shared>>
      %dma_start3A_47 = arith.constant 0 : i32
      %dma_start3A_48 = tpu.memref_slice %arg8[%add3A_25, %dma_start3A_47] : memref<10000x16xf32, #tpu.memory_space<vmem_shared>> -> memref<125x16xf32, #tpu.memory_space<vmem_shared>>
      %dma_start3A_49 = arith.constant 0 : i32
      %dma_start3A_50 = arith.constant 0 : i32
      %dma_start3A_51 = tpu.memref_slice %arg7[%dma_start3A_49, %dma_start3A_50] : memref<128x16xf32, #tpu.memory_space<vmem>> -> memref<125x16xf32, #tpu.memory_space<vmem>>
      tpu.enqueue_dma source(%dma_start3A_51 : memref<125x16xf32, #tpu.memory_space<vmem>>) target(%dma_start3A_48 : memref<125x16xf32, #tpu.memory_space<vmem_shared>>) target_semaphore(%run_scoped3A : memref<!tpu.dma_semaphore, #tpu.memory_space<semaphore_mem>>)
      %dma_wait3A = arith.constant 0 : i32
      %dma_wait3A_52 = arith.constant 0 : i32
      %dma_wait3A_53 = tpu.memref_slice %arg7[%dma_wait3A, %dma_wait3A_52] : memref<128x16xf32, #tpu.memory_space<vmem>> -> memref<125x16xf32, #tpu.memory_space<vmem>>
      %dma_wait3A_54 = arith.constant 0 : i32
      %dma_wait3A_55 = tpu.memref_slice %arg8[%add3A_25, %dma_wait3A_54] : memref<10000x16xf32, #tpu.memory_space<vmem_shared>> -> memref<125x16xf32, #tpu.memory_space<vmem_shared>>
      %dma_wait3A_56 = arith.constant 0 : i32
      %dma_wait3A_57 = tpu.memref_slice %arg8[%add3A_25, %dma_wait3A_56] : memref<10000x16xf32, #tpu.memory_space<vmem_shared>> -> memref<125x16xf32, #tpu.memory_space<vmem_shared>>
      %dma_wait3A_58 = arith.constant 0 : i32
      %dma_wait3A_59 = arith.constant 0 : i32
      %dma_wait3A_60 = tpu.memref_slice %arg7[%dma_wait3A_58, %dma_wait3A_59] : memref<128x16xf32, #tpu.memory_space<vmem>> -> memref<125x16xf32, #tpu.memory_space<vmem>>
      tpu.wait_dma2 semaphore(%run_scoped3A : memref<!tpu.dma_semaphore, #tpu.memory_space<semaphore_mem>>) src(%dma_wait3A_60 : memref<125x16xf32, #tpu.memory_space<vmem>>) dst(%dma_wait3A_57 : memref<125x16xf32, #tpu.memory_space<vmem_shared>>)
      tpu.yield
    }) : () -> ()
    "tpu.region"() ({
      %run_scoped3A = tpu.sem_alloc : memref<!tpu.dma_semaphore, #tpu.memory_space<semaphore_mem>>
      %dma_start3A = arith.constant 0 : i32
      %dma_start3A_43 = arith.constant 0 : i32
      %dma_start3A_44 = tpu.memref_slice %arg7[%dma_start3A, %dma_start3A_43] : memref<128x16xf32, #tpu.memory_space<vmem>> -> memref<125x16xf32, #tpu.memory_space<vmem>>
      %dma_start3A_45 = arith.constant 0 : i32
      %dma_start3A_46 = tpu.memref_slice %arg10[%add3A_25, %dma_start3A_45] : memref<10000x16xf32, #tpu.memory_space<vmem_shared>> -> memref<125x16xf32, #tpu.memory_space<vmem_shared>>
      %dma_start3A_47 = arith.constant 0 : i32
      %dma_start3A_48 = tpu.memref_slice %arg10[%add3A_25, %dma_start3A_47] : memref<10000x16xf32, #tpu.memory_space<vmem_shared>> -> memref<125x16xf32, #tpu.memory_space<vmem_shared>>
      %dma_start3A_49 = arith.constant 0 : i32
      %dma_start3A_50 = arith.constant 0 : i32
      %dma_start3A_51 = tpu.memref_slice %arg7[%dma_start3A_49, %dma_start3A_50] : memref<128x16xf32, #tpu.memory_space<vmem>> -> memref<125x16xf32, #tpu.memory_space<vmem>>
      tpu.enqueue_dma source(%dma_start3A_51 : memref<125x16xf32, #tpu.memory_space<vmem>>) target(%dma_start3A_48 : memref<125x16xf32, #tpu.memory_space<vmem_shared>>) target_semaphore(%run_scoped3A : memref<!tpu.dma_semaphore, #tpu.memory_space<semaphore_mem>>)
      %dma_wait3A = arith.constant 0 : i32
      %dma_wait3A_52 = arith.constant 0 : i32
      %dma_wait3A_53 = tpu.memref_slice %arg7[%dma_wait3A, %dma_wait3A_52] : memref<128x16xf32, #tpu.memory_space<vmem>> -> memref<125x16xf32, #tpu.memory_space<vmem>>
      %dma_wait3A_54 = arith.constant 0 : i32
      %dma_wait3A_55 = tpu.memref_slice %arg10[%add3A_25, %dma_wait3A_54] : memref<10000x16xf32, #tpu.memory_space<vmem_shared>> -> memref<125x16xf32, #tpu.memory_space<vmem_shared>>
      %dma_wait3A_56 = arith.constant 0 : i32
      %dma_wait3A_57 = tpu.memref_slice %arg10[%add3A_25, %dma_wait3A_56] : memref<10000x16xf32, #tpu.memory_space<vmem_shared>> -> memref<125x16xf32, #tpu.memory_space<vmem_shared>>
      %dma_wait3A_58 = arith.constant 0 : i32
      %dma_wait3A_59 = arith.constant 0 : i32
      %dma_wait3A_60 = tpu.memref_slice %arg7[%dma_wait3A_58, %dma_wait3A_59] : memref<128x16xf32, #tpu.memory_space<vmem>> -> memref<125x16xf32, #tpu.memory_space<vmem>>
      tpu.wait_dma2 semaphore(%run_scoped3A : memref<!tpu.dma_semaphore, #tpu.memory_space<semaphore_mem>>) src(%dma_wait3A_60 : memref<125x16xf32, #tpu.memory_space<vmem>>) dst(%dma_wait3A_57 : memref<125x16xf32, #tpu.memory_space<vmem_shared>>)
      tpu.yield
    }) : () -> ()
    %barrier3A = arith.constant 0 : index
    tpu.barrier barrier_id(%barrier3A)
    %scan3A_26 = arith.constant 0 : i32
    %scan3A_27 = arith.constant 0 : i32
    %scan3A_28 = arith.constant 39 : i32
    %scan3A_29 = arith.addi %scan3A_27, %scan3A_28 : i32
    %scan3A_30 = arith.constant 1 : i32
    scf.for %scan3A_43 = %scan3A_27 to %scan3A_29 step %scan3A_30  : i32 {
      %mul3A_44 = arith.constant 32 : i32
      %mul3A_45 = arith.muli %mul3A_44, %scan3A_43 : i32
      %add3A_46 = arith.addi %add3A, %mul3A_45 : i32
      "tpu.region"() ({
        %run_scoped3A = tpu.sem_alloc : memref<!tpu.dma_semaphore, #tpu.memory_space<semaphore_mem>>
        %dma_start3A = arith.constant 0 : i32
        %dma_start3A_49 = tpu.memref_slice %arg3[%add3A_46, %dma_start3A] : memref<1250x128xi32, #tpu.memory_space<hbm>> -> memref<1x128xi32, #tpu.memory_space<hbm>>
        %dma_start3A_50 = tpu.memref_squeeze %dma_start3A_49 : memref<1x128xi32, #tpu.memory_space<hbm>> -> memref<128xi32, #tpu.memory_space<hbm>>
        %dma_start3A_51 = arith.constant 0 : i32
        %dma_start3A_52 = tpu.memref_slice %arg3[%add3A_46, %dma_start3A_51] : memref<1250x128xi32, #tpu.memory_space<hbm>> -> memref<1x128xi32, #tpu.memory_space<hbm>>
        %dma_start3A_53 = tpu.memref_squeeze %dma_start3A_52 : memref<1x128xi32, #tpu.memory_space<hbm>> -> memref<128xi32, #tpu.memory_space<hbm>>
        tpu.enqueue_dma source(%dma_start3A_53 : memref<128xi32, #tpu.memory_space<hbm>>) target(%arg6 : memref<128xi32, #tpu.memory_space<vmem>>) target_semaphore(%run_scoped3A : memref<!tpu.dma_semaphore, #tpu.memory_space<semaphore_mem>>)
        %dma_wait3A = arith.constant 0 : i32
        %dma_wait3A_54 = tpu.memref_slice %arg3[%add3A_46, %dma_wait3A] : memref<1250x128xi32, #tpu.memory_space<hbm>> -> memref<1x128xi32, #tpu.memory_space<hbm>>
        %dma_wait3A_55 = tpu.memref_squeeze %dma_wait3A_54 : memref<1x128xi32, #tpu.memory_space<hbm>> -> memref<128xi32, #tpu.memory_space<hbm>>
        %dma_wait3A_56 = arith.constant 0 : i32
        %dma_wait3A_57 = tpu.memref_slice %arg3[%add3A_46, %dma_wait3A_56] : memref<1250x128xi32, #tpu.memory_space<hbm>> -> memref<1x128xi32, #tpu.memory_space<hbm>>
        %dma_wait3A_58 = tpu.memref_squeeze %dma_wait3A_57 : memref<1x128xi32, #tpu.memory_space<hbm>> -> memref<128xi32, #tpu.memory_space<hbm>>
        tpu.wait_dma2 semaphore(%run_scoped3A : memref<!tpu.dma_semaphore, #tpu.memory_space<semaphore_mem>>) src(%dma_wait3A_58 : memref<128xi32, #tpu.memory_space<hbm>>) dst(%arg6 : memref<128xi32, #tpu.memory_space<vmem>>)
        tpu.yield
      }) : () -> ()
      %mul3A_47 = arith.constant 128 : i32
      %mul3A_48 = arith.muli %add3A_46, %mul3A_47 : i32
      "tpu.region"() ({
        %run_scoped3A = tpu.sem_alloc : memref<!tpu.dma_semaphore, #tpu.memory_space<semaphore_mem>>
        %dma_start3A = arith.constant 0 : i32
        %dma_start3A_49 = tpu.memref_slice %arg2[%mul3A_48, %dma_start3A] : memref<160000x16xf32, #tpu.memory_space<hbm>> -> memref<128x16xf32, #tpu.memory_space<hbm>>
        %dma_start3A_50 = arith.constant 0 : i32
        %dma_start3A_51 = tpu.memref_slice %arg2[%mul3A_48, %dma_start3A_50] : memref<160000x16xf32, #tpu.memory_space<hbm>> -> memref<128x16xf32, #tpu.memory_space<hbm>>
        tpu.enqueue_dma source(%dma_start3A_51 : memref<128x16xf32, #tpu.memory_space<hbm>>) target(%arg7 : memref<128x16xf32, #tpu.memory_space<vmem>>) target_semaphore(%run_scoped3A : memref<!tpu.dma_semaphore, #tpu.memory_space<semaphore_mem>>)
        %dma_wait3A = arith.constant 0 : i32
        %dma_wait3A_52 = tpu.memref_slice %arg2[%mul3A_48, %dma_wait3A] : memref<160000x16xf32, #tpu.memory_space<hbm>> -> memref<128x16xf32, #tpu.memory_space<hbm>>
        %dma_wait3A_53 = arith.constant 0 : i32
        %dma_wait3A_54 = tpu.memref_slice %arg2[%mul3A_48, %dma_wait3A_53] : memref<160000x16xf32, #tpu.memory_space<hbm>> -> memref<128x16xf32, #tpu.memory_space<hbm>>
        tpu.wait_dma2 semaphore(%run_scoped3A : memref<!tpu.dma_semaphore, #tpu.memory_space<semaphore_mem>>) src(%dma_wait3A_54 : memref<128x16xf32, #tpu.memory_space<hbm>>) dst(%arg7 : memref<128x16xf32, #tpu.memory_space<vmem>>)
        tpu.yield
      }) : () -> ()
      "tpu.region"() ({
        %run_scoped3A = tpu.sem_alloc : memref<!tpu.dma_semaphore, #tpu.memory_space<semaphore_mem>>
        %dma_start3A = arith.constant 0 : i32
        %dma_start3A_49 = arith.constant 0 : i32
        %dma_start3A_50 = tpu.memref_slice %arg8[%dma_start3A, %dma_start3A_49] : memref<10000x16xf32, #tpu.memory_space<vmem_shared>> -> memref<10000x16xf32, #tpu.memory_space<vmem_shared>>
        tpu.enqueue_indirect_dma source(%arg7 : memref<128x16xf32, #tpu.memory_space<vmem>>) target(%dma_start3A_50 : memref<10000x16xf32, #tpu.memory_space<vmem_shared>>) offsets(%arg6 : memref<128xi32, #tpu.memory_space<vmem>>) semaphore(%run_scoped3A : memref<!tpu.dma_semaphore, #tpu.memory_space<semaphore_mem>>) {add = true}
        %dma_wait3A = arith.constant 0 : i32
        %dma_wait3A_51 = arith.constant 0 : i32
        %dma_wait3A_52 = tpu.memref_slice %arg8[%dma_wait3A, %dma_wait3A_51] : memref<10000x16xf32, #tpu.memory_space<vmem_shared>> -> memref<10000x16xf32, #tpu.memory_space<vmem_shared>>
        tpu.wait_indirect_dma semaphore(%run_scoped3A : memref<!tpu.dma_semaphore, #tpu.memory_space<semaphore_mem>>) src(%arg7 : memref<128x16xf32, #tpu.memory_space<vmem>>) dst(%dma_wait3A_52 : memref<10000x16xf32, #tpu.memory_space<vmem_shared>>)
        tpu.yield
      }) : () -> ()
      "tpu.region"() ({
        %run_scoped3A = tpu.sem_alloc : memref<!tpu.dma_semaphore, #tpu.memory_space<semaphore_mem>>
        %dma_start3A = arith.constant 0 : i32
        %dma_start3A_49 = arith.constant 0 : i32
        %dma_start3A_50 = tpu.memref_slice %arg10[%dma_start3A, %dma_start3A_49] : memref<10000x16xf32, #tpu.memory_space<vmem_shared>> -> memref<10000x16xf32, #tpu.memory_space<vmem_shared>>
        tpu.enqueue_indirect_dma source(%arg9 : memref<128x16xf32, #tpu.memory_space<vmem>>) target(%dma_start3A_50 : memref<10000x16xf32, #tpu.memory_space<vmem_shared>>) offsets(%arg6 : memref<128xi32, #tpu.memory_space<vmem>>) semaphore(%run_scoped3A : memref<!tpu.dma_semaphore, #tpu.memory_space<semaphore_mem>>) {add = true}
        %dma_wait3A = arith.constant 0 : i32
        %dma_wait3A_51 = arith.constant 0 : i32
        %dma_wait3A_52 = tpu.memref_slice %arg10[%dma_wait3A, %dma_wait3A_51] : memref<10000x16xf32, #tpu.memory_space<vmem_shared>> -> memref<10000x16xf32, #tpu.memory_space<vmem_shared>>
        tpu.wait_indirect_dma semaphore(%run_scoped3A : memref<!tpu.dma_semaphore, #tpu.memory_space<semaphore_mem>>) src(%arg9 : memref<128x16xf32, #tpu.memory_space<vmem>>) dst(%dma_wait3A_52 : memref<10000x16xf32, #tpu.memory_space<vmem_shared>>)
        tpu.yield
      }) : () -> ()
    }
    %scan3A_31 = arith.constant 39 : i32
    %lt3A = arith.constant 2 : i32
    %lt3A_32 = arith.cmpi slt, %add3A, %lt3A : i32
    %convert_element_type3A = arith.extui %lt3A_32 : i1 to i32
    %cond3A = arith.constant 0 : i32
    %cond3A_33 = arith.cmpi ne, %convert_element_type3A, %cond3A : i32
    scf.if %cond3A_33 {
      %add3A_43 = arith.constant 1248 : i32
      %add3A_44 = arith.addi %add3A, %add3A_43 : i32
      "tpu.region"() ({
        %run_scoped3A = tpu.sem_alloc : memref<!tpu.dma_semaphore, #tpu.memory_space<semaphore_mem>>
        %dma_start3A = arith.constant 0 : i32
        %dma_start3A_47 = tpu.memref_slice %arg3[%add3A_44, %dma_start3A] : memref<1250x128xi32, #tpu.memory_space<hbm>> -> memref<1x128xi32, #tpu.memory_space<hbm>>
        %dma_start3A_48 = tpu.memref_squeeze %dma_start3A_47 : memref<1x128xi32, #tpu.memory_space<hbm>> -> memref<128xi32, #tpu.memory_space<hbm>>
        %dma_start3A_49 = arith.constant 0 : i32
        %dma_start3A_50 = tpu.memref_slice %arg3[%add3A_44, %dma_start3A_49] : memref<1250x128xi32, #tpu.memory_space<hbm>> -> memref<1x128xi32, #tpu.memory_space<hbm>>
        %dma_start3A_51 = tpu.memref_squeeze %dma_start3A_50 : memref<1x128xi32, #tpu.memory_space<hbm>> -> memref<128xi32, #tpu.memory_space<hbm>>
        tpu.enqueue_dma source(%dma_start3A_51 : memref<128xi32, #tpu.memory_space<hbm>>) target(%arg6 : memref<128xi32, #tpu.memory_space<vmem>>) target_semaphore(%run_scoped3A : memref<!tpu.dma_semaphore, #tpu.memory_space<semaphore_mem>>)
        %dma_wait3A = arith.constant 0 : i32
        %dma_wait3A_52 = tpu.memref_slice %arg3[%add3A_44, %dma_wait3A] : memref<1250x128xi32, #tpu.memory_space<hbm>> -> memref<1x128xi32, #tpu.memory_space<hbm>>
        %dma_wait3A_53 = tpu.memref_squeeze %dma_wait3A_52 : memref<1x128xi32, #tpu.memory_space<hbm>> -> memref<128xi32, #tpu.memory_space<hbm>>
        %dma_wait3A_54 = arith.constant 0 : i32
        %dma_wait3A_55 = tpu.memref_slice %arg3[%add3A_44, %dma_wait3A_54] : memref<1250x128xi32, #tpu.memory_space<hbm>> -> memref<1x128xi32, #tpu.memory_space<hbm>>
        %dma_wait3A_56 = tpu.memref_squeeze %dma_wait3A_55 : memref<1x128xi32, #tpu.memory_space<hbm>> -> memref<128xi32, #tpu.memory_space<hbm>>
        tpu.wait_dma2 semaphore(%run_scoped3A : memref<!tpu.dma_semaphore, #tpu.memory_space<semaphore_mem>>) src(%dma_wait3A_56 : memref<128xi32, #tpu.memory_space<hbm>>) dst(%arg6 : memref<128xi32, #tpu.memory_space<vmem>>)
        tpu.yield
      }) : () -> ()
      %mul3A_45 = arith.constant 128 : i32
      %mul3A_46 = arith.muli %add3A_44, %mul3A_45 : i32
      "tpu.region"() ({
        %run_scoped3A = tpu.sem_alloc : memref<!tpu.dma_semaphore, #tpu.memory_space<semaphore_mem>>
        %dma_start3A = arith.constant 0 : i32
        %dma_start3A_47 = tpu.memref_slice %arg2[%mul3A_46, %dma_start3A] : memref<160000x16xf32, #tpu.memory_space<hbm>> -> memref<128x16xf32, #tpu.memory_space<hbm>>
        %dma_start3A_48 = arith.constant 0 : i32
        %dma_start3A_49 = tpu.memref_slice %arg2[%mul3A_46, %dma_start3A_48] : memref<160000x16xf32, #tpu.memory_space<hbm>> -> memref<128x16xf32, #tpu.memory_space<hbm>>
        tpu.enqueue_dma source(%dma_start3A_49 : memref<128x16xf32, #tpu.memory_space<hbm>>) target(%arg7 : memref<128x16xf32, #tpu.memory_space<vmem>>) target_semaphore(%run_scoped3A : memref<!tpu.dma_semaphore, #tpu.memory_space<semaphore_mem>>)
        %dma_wait3A = arith.constant 0 : i32
        %dma_wait3A_50 = tpu.memref_slice %arg2[%mul3A_46, %dma_wait3A] : memref<160000x16xf32, #tpu.memory_space<hbm>> -> memref<128x16xf32, #tpu.memory_space<hbm>>
        %dma_wait3A_51 = arith.constant 0 : i32
        %dma_wait3A_52 = tpu.memref_slice %arg2[%mul3A_46, %dma_wait3A_51] : memref<160000x16xf32, #tpu.memory_space<hbm>> -> memref<128x16xf32, #tpu.memory_space<hbm>>
        tpu.wait_dma2 semaphore(%run_scoped3A : memref<!tpu.dma_semaphore, #tpu.memory_space<semaphore_mem>>) src(%dma_wait3A_52 : memref<128x16xf32, #tpu.memory_space<hbm>>) dst(%arg7 : memref<128x16xf32, #tpu.memory_space<vmem>>)
        tpu.yield
      }) : () -> ()
      "tpu.region"() ({
        %run_scoped3A = tpu.sem_alloc : memref<!tpu.dma_semaphore, #tpu.memory_space<semaphore_mem>>
        %dma_start3A = arith.constant 0 : i32
        %dma_start3A_47 = arith.constant 0 : i32
        %dma_start3A_48 = tpu.memref_slice %arg8[%dma_start3A, %dma_start3A_47] : memref<10000x16xf32, #tpu.memory_space<vmem_shared>> -> memref<10000x16xf32, #tpu.memory_space<vmem_shared>>
        tpu.enqueue_indirect_dma source(%arg7 : memref<128x16xf32, #tpu.memory_space<vmem>>) target(%dma_start3A_48 : memref<10000x16xf32, #tpu.memory_space<vmem_shared>>) offsets(%arg6 : memref<128xi32, #tpu.memory_space<vmem>>) semaphore(%run_scoped3A : memref<!tpu.dma_semaphore, #tpu.memory_space<semaphore_mem>>) {add = true}
        %dma_wait3A = arith.constant 0 : i32
        %dma_wait3A_49 = arith.constant 0 : i32
        %dma_wait3A_50 = tpu.memref_slice %arg8[%dma_wait3A, %dma_wait3A_49] : memref<10000x16xf32, #tpu.memory_space<vmem_shared>> -> memref<10000x16xf32, #tpu.memory_space<vmem_shared>>
        tpu.wait_indirect_dma semaphore(%run_scoped3A : memref<!tpu.dma_semaphore, #tpu.memory_space<semaphore_mem>>) src(%arg7 : memref<128x16xf32, #tpu.memory_space<vmem>>) dst(%dma_wait3A_50 : memref<10000x16xf32, #tpu.memory_space<vmem_shared>>)
        tpu.yield
      }) : () -> ()
      "tpu.region"() ({
        %run_scoped3A = tpu.sem_alloc : memref<!tpu.dma_semaphore, #tpu.memory_space<semaphore_mem>>
        %dma_start3A = arith.constant 0 : i32
        %dma_start3A_47 = arith.constant 0 : i32
        %dma_start3A_48 = tpu.memref_slice %arg10[%dma_start3A, %dma_start3A_47] : memref<10000x16xf32, #tpu.memory_space<vmem_shared>> -> memref<10000x16xf32, #tpu.memory_space<vmem_shared>>
        tpu.enqueue_indirect_dma source(%arg9 : memref<128x16xf32, #tpu.memory_space<vmem>>) target(%dma_start3A_48 : memref<10000x16xf32, #tpu.memory_space<vmem_shared>>) offsets(%arg6 : memref<128xi32, #tpu.memory_space<vmem>>) semaphore(%run_scoped3A : memref<!tpu.dma_semaphore, #tpu.memory_space<semaphore_mem>>) {add = true}
        %dma_wait3A = arith.constant 0 : i32
        %dma_wait3A_49 = arith.constant 0 : i32
        %dma_wait3A_50 = tpu.memref_slice %arg10[%dma_wait3A, %dma_wait3A_49] : memref<10000x16xf32, #tpu.memory_space<vmem_shared>> -> memref<10000x16xf32, #tpu.memory_space<vmem_shared>>
        tpu.wait_indirect_dma semaphore(%run_scoped3A : memref<!tpu.dma_semaphore, #tpu.memory_space<semaphore_mem>>) src(%arg9 : memref<128x16xf32, #tpu.memory_space<vmem>>) dst(%dma_wait3A_50 : memref<10000x16xf32, #tpu.memory_space<vmem_shared>>)
        tpu.yield
      }) : () -> ()
    } else {
    }
    %barrier3A_34 = arith.constant 0 : index
    tpu.barrier barrier_id(%barrier3A_34)
    %mul3A_35 = arith.constant 625 : i32
    %mul3A_36 = arith.muli %arg1, %mul3A_35 : i32
    %mul3A_37 = arith.constant 625 : i32
    %mul3A_38 = arith.muli %arg1, %mul3A_37 : i32
    "tpu.region"() ({
      %run_scoped3A = tpu.sem_alloc : memref<!tpu.dma_semaphore, #tpu.memory_space<semaphore_mem>>
      %dma_start3A = arith.constant 0 : i32
      %dma_start3A_43 = tpu.memref_slice %arg4[%arg0, %mul3A_38, %dma_start3A] : memref<2x10000x16xf32, #tpu.memory_space<hbm>> -> memref<1x625x16xf32, #tpu.memory_space<hbm>>
      %dma_start3A_44 = tpu.memref_squeeze %dma_start3A_43 : memref<1x625x16xf32, #tpu.memory_space<hbm>> -> memref<625x16xf32, #tpu.memory_space<hbm>>
      %dma_start3A_45 = arith.constant 0 : i32
      %dma_start3A_46 = tpu.memref_slice %arg8[%mul3A_36, %dma_start3A_45] : memref<10000x16xf32, #tpu.memory_space<vmem_shared>> -> memref<625x16xf32, #tpu.memory_space<vmem_shared>>
      tpu.enqueue_dma source(%dma_start3A_46 : memref<625x16xf32, #tpu.memory_space<vmem_shared>>) target(%dma_start3A_44 : memref<625x16xf32, #tpu.memory_space<hbm>>) target_semaphore(%run_scoped3A : memref<!tpu.dma_semaphore, #tpu.memory_space<semaphore_mem>>)
      %dma_wait3A = arith.constant 0 : i32
      %dma_wait3A_47 = tpu.memref_slice %arg4[%arg0, %mul3A_38, %dma_wait3A] : memref<2x10000x16xf32, #tpu.memory_space<hbm>> -> memref<1x625x16xf32, #tpu.memory_space<hbm>>
      %dma_wait3A_48 = tpu.memref_squeeze %dma_wait3A_47 : memref<1x625x16xf32, #tpu.memory_space<hbm>> -> memref<625x16xf32, #tpu.memory_space<hbm>>
      %dma_wait3A_49 = arith.constant 0 : i32
      %dma_wait3A_50 = tpu.memref_slice %arg8[%mul3A_36, %dma_wait3A_49] : memref<10000x16xf32, #tpu.memory_space<vmem_shared>> -> memref<625x16xf32, #tpu.memory_space<vmem_shared>>
      tpu.wait_dma2 semaphore(%run_scoped3A : memref<!tpu.dma_semaphore, #tpu.memory_space<semaphore_mem>>) src(%dma_wait3A_50 : memref<625x16xf32, #tpu.memory_space<vmem_shared>>) dst(%dma_wait3A_48 : memref<625x16xf32, #tpu.memory_space<hbm>>)
      tpu.yield
    }) : () -> ()
    %mul3A_39 = arith.constant 625 : i32
    %mul3A_40 = arith.muli %arg1, %mul3A_39 : i32
    %mul3A_41 = arith.constant 625 : i32
    %mul3A_42 = arith.muli %arg1, %mul3A_41 : i32
    "tpu.region"() ({
      %run_scoped3A = tpu.sem_alloc : memref<!tpu.dma_semaphore, #tpu.memory_space<semaphore_mem>>
      %dma_start3A = arith.constant 0 : i32
      %dma_start3A_43 = tpu.memref_slice %arg5[%arg0, %mul3A_42, %dma_start3A] : memref<2x10000x16xf32, #tpu.memory_space<hbm>> -> memref<1x625x16xf32, #tpu.memory_space<hbm>>
      %dma_start3A_44 = tpu.memref_squeeze %dma_start3A_43 : memref<1x625x16xf32, #tpu.memory_space<hbm>> -> memref<625x16xf32, #tpu.memory_space<hbm>>
      %dma_start3A_45 = arith.constant 0 : i32
      %dma_start3A_46 = tpu.memref_slice %arg10[%mul3A_40, %dma_start3A_45] : memref<10000x16xf32, #tpu.memory_space<vmem_shared>> -> memref<625x16xf32, #tpu.memory_space<vmem_shared>>
      tpu.enqueue_dma source(%dma_start3A_46 : memref<625x16xf32, #tpu.memory_space<vmem_shared>>) target(%dma_start3A_44 : memref<625x16xf32, #tpu.memory_space<hbm>>) target_semaphore(%run_scoped3A : memref<!tpu.dma_semaphore, #tpu.memory_space<semaphore_mem>>)
      %dma_wait3A = arith.constant 0 : i32
      %dma_wait3A_47 = tpu.memref_slice %arg5[%arg0, %mul3A_42, %dma_wait3A] : memref<2x10000x16xf32, #tpu.memory_space<hbm>> -> memref<1x625x16xf32, #tpu.memory_space<hbm>>
      %dma_wait3A_48 = tpu.memref_squeeze %dma_wait3A_47 : memref<1x625x16xf32, #tpu.memory_space<hbm>> -> memref<625x16xf32, #tpu.memory_space<hbm>>
      %dma_wait3A_49 = arith.constant 0 : i32
      %dma_wait3A_50 = tpu.memref_slice %arg10[%mul3A_40, %dma_wait3A_49] : memref<10000x16xf32, #tpu.memory_space<vmem_shared>> -> memref<625x16xf32, #tpu.memory_space<vmem_shared>>
      tpu.wait_dma2 semaphore(%run_scoped3A : memref<!tpu.dma_semaphore, #tpu.memory_space<semaphore_mem>>) src(%dma_wait3A_50 : memref<625x16xf32, #tpu.memory_space<vmem_shared>>) dst(%dma_wait3A_48 : memref<625x16xf32, #tpu.memory_space<hbm>>)
      tpu.yield
    }) : () -> ()
    return
  }
}

#map = affine_map<(d0, d1) -> (0, 0)>
#map1 = affine_map<(d0, d1) -> (0)>
module attributes {stable_mosaic.version = 14 : i64} {
  func.func @gather_kernel(%arg0: i32, %arg1: i32, %arg2: memref<10000x16xf32, #tpu.memory_space<hbm>>, %arg3: memref<160000xi32, #tpu.memory_space<hbm>>, %arg4: memref<160000x16xf32, #tpu.memory_space<hbm>>, %arg5: memref<5000xi32, #tpu.memory_space<vmem>>, %arg6: memref<5000x16xf32, #tpu.memory_space<vmem>>, %arg7: memref<!tpu.dma_semaphore, #tpu.memory_space<semaphore_mem>>) attributes {dimension_semantics = [#tpu.dimension_semantics<core_parallel>, #tpu.dimension_semantics<subcore_parallel>], iteration_bounds = array<i64: 2, 16>, scalar_prefetch = 0 : i64, scratch_operands = 3 : i64, tpu.core_type = #tpu.core_type<sc_vector_subcore>, window_params = [{transform_indices = #map}, {transform_indices = #map1}, {transform_indices = #map}]} {
    %mul3A = arith.constant 2 : i32
    %mul3A_0 = arith.muli %arg1, %mul3A : i32
    %add3A = arith.addi %mul3A_0, %arg0 : i32
    %mul3A_1 = arith.constant 5000 : i32
    %mul3A_2 = arith.muli %add3A, %mul3A_1 : i32
    "tpu.region"() ({
      %run_scoped3A = tpu.sem_alloc : memref<!tpu.dma_semaphore, #tpu.memory_space<semaphore_mem>>
      %dma_start3A = tpu.memref_slice %arg3[%mul3A_2] : memref<160000xi32, #tpu.memory_space<hbm>> -> memref<5000xi32, #tpu.memory_space<hbm>>
      %dma_start3A_20 = tpu.memref_slice %arg3[%mul3A_2] : memref<160000xi32, #tpu.memory_space<hbm>> -> memref<5000xi32, #tpu.memory_space<hbm>>
      tpu.enqueue_dma source(%dma_start3A_20 : memref<5000xi32, #tpu.memory_space<hbm>>) target(%arg5 : memref<5000xi32, #tpu.memory_space<vmem>>) target_semaphore(%run_scoped3A : memref<!tpu.dma_semaphore, #tpu.memory_space<semaphore_mem>>)
      %dma_wait3A = tpu.memref_slice %arg3[%mul3A_2] : memref<160000xi32, #tpu.memory_space<hbm>> -> memref<5000xi32, #tpu.memory_space<hbm>>
      %dma_wait3A_21 = tpu.memref_slice %arg3[%mul3A_2] : memref<160000xi32, #tpu.memory_space<hbm>> -> memref<5000xi32, #tpu.memory_space<hbm>>
      tpu.wait_dma2 semaphore(%run_scoped3A : memref<!tpu.dma_semaphore, #tpu.memory_space<semaphore_mem>>) src(%dma_wait3A_21 : memref<5000xi32, #tpu.memory_space<hbm>>) dst(%arg5 : memref<5000xi32, #tpu.memory_space<vmem>>)
      tpu.yield
    }) : () -> ()
    %scan3A = arith.constant 0 : i32
    %scan3A_3 = arith.constant 0 : i32
    %scan3A_4 = arith.constant 0 : i32
    %scan3A_5 = arith.constant 0 : i32
    %scan3A_6 = arith.constant 125 : i32
    %scan3A_7 = arith.addi %scan3A_5, %scan3A_6 : i32
    %scan3A_8 = arith.constant 1 : i32
    scf.for %scan3A_20 = %scan3A_5 to %scan3A_7 step %scan3A_8  : i32 {
      %mul3A_21 = arith.constant 5000 : i32
      %mul3A_22 = arith.muli %scan3A_3, %mul3A_21 : i32
      %mul3A_23 = arith.constant 40 : i32
      %mul3A_24 = arith.muli %scan3A_20, %mul3A_23 : i32
      %add3A_25 = arith.addi %mul3A_22, %mul3A_24 : i32
      %mul3A_26 = arith.constant 40 : i32
      %mul3A_27 = arith.muli %scan3A_20, %mul3A_26 : i32
      %dma_start3A = arith.constant 0 : i32
      %dma_start3A_28 = tpu.memref_slice %arg6[%mul3A_27, %dma_start3A] : memref<5000x16xf32, #tpu.memory_space<vmem>> -> memref<40x16xf32, #tpu.memory_space<vmem>>
      %dma_start3A_29 = tpu.memref_slice %arg5[%add3A_25] : memref<5000xi32, #tpu.memory_space<vmem>> -> memref<40xi32, #tpu.memory_space<vmem>>
      %dma_start3A_30 = arith.constant 0 : i32
      %dma_start3A_31 = arith.constant 0 : i32
      %dma_start3A_32 = tpu.memref_slice %arg2[%dma_start3A_30, %dma_start3A_31] : memref<10000x16xf32, #tpu.memory_space<hbm>> -> memref<10000x16xf32, #tpu.memory_space<hbm>>
      tpu.enqueue_indirect_dma source(%dma_start3A_32 : memref<10000x16xf32, #tpu.memory_space<hbm>>) target(%dma_start3A_28 : memref<40x16xf32, #tpu.memory_space<vmem>>) offsets(%dma_start3A_29 : memref<40xi32, #tpu.memory_space<vmem>>) semaphore(%arg7 : memref<!tpu.dma_semaphore, #tpu.memory_space<semaphore_mem>>)
    }
    %scan3A_9 = arith.constant 125 : i32
    %scan3A_10 = arith.constant 0 : i32
    %scan3A_11 = arith.constant 0 : i32
    %scan3A_12 = arith.constant 125 : i32
    %scan3A_13 = arith.addi %scan3A_11, %scan3A_12 : i32
    %scan3A_14 = arith.constant 1 : i32
    scf.for %scan3A_20 = %scan3A_11 to %scan3A_13 step %scan3A_14  : i32 {
      %mul3A_21 = arith.constant 5000 : i32
      %mul3A_22 = arith.muli %scan3A_3, %mul3A_21 : i32
      %mul3A_23 = arith.constant 40 : i32
      %mul3A_24 = arith.muli %scan3A_20, %mul3A_23 : i32
      %add3A_25 = arith.addi %mul3A_22, %mul3A_24 : i32
      %mul3A_26 = arith.constant 40 : i32
      %mul3A_27 = arith.muli %scan3A_20, %mul3A_26 : i32
      %dma_wait3A = arith.constant 0 : i32
      %dma_wait3A_28 = tpu.memref_slice %arg6[%mul3A_27, %dma_wait3A] : memref<5000x16xf32, #tpu.memory_space<vmem>> -> memref<40x16xf32, #tpu.memory_space<vmem>>
      %dma_wait3A_29 = tpu.memref_slice %arg5[%add3A_25] : memref<5000xi32, #tpu.memory_space<vmem>> -> memref<40xi32, #tpu.memory_space<vmem>>
      %dma_wait3A_30 = arith.constant 0 : i32
      %dma_wait3A_31 = arith.constant 0 : i32
      %dma_wait3A_32 = tpu.memref_slice %arg2[%dma_wait3A_30, %dma_wait3A_31] : memref<10000x16xf32, #tpu.memory_space<hbm>> -> memref<10000x16xf32, #tpu.memory_space<hbm>>
      tpu.wait_indirect_dma semaphore(%arg7 : memref<!tpu.dma_semaphore, #tpu.memory_space<semaphore_mem>>) src(%dma_wait3A_32 : memref<10000x16xf32, #tpu.memory_space<hbm>>) dst(%dma_wait3A_28 : memref<40x16xf32, #tpu.memory_space<vmem>>)
    }
    %scan3A_15 = arith.constant 125 : i32
    %mul3A_16 = arith.constant 5000 : i32
    %mul3A_17 = arith.muli %scan3A_3, %mul3A_16 : i32
    %add3A_18 = arith.addi %mul3A_2, %mul3A_17 : i32
    "tpu.region"() ({
      %run_scoped3A = tpu.sem_alloc : memref<!tpu.dma_semaphore, #tpu.memory_space<semaphore_mem>>
      %dma_start3A = arith.constant 0 : i32
      %dma_start3A_20 = tpu.memref_slice %arg4[%add3A_18, %dma_start3A] : memref<160000x16xf32, #tpu.memory_space<hbm>> -> memref<5000x16xf32, #tpu.memory_space<hbm>>
      %dma_start3A_21 = arith.constant 0 : i32
      %dma_start3A_22 = tpu.memref_slice %arg4[%add3A_18, %dma_start3A_21] : memref<160000x16xf32, #tpu.memory_space<hbm>> -> memref<5000x16xf32, #tpu.memory_space<hbm>>
      tpu.enqueue_dma source(%arg6 : memref<5000x16xf32, #tpu.memory_space<vmem>>) target(%dma_start3A_22 : memref<5000x16xf32, #tpu.memory_space<hbm>>) target_semaphore(%run_scoped3A : memref<!tpu.dma_semaphore, #tpu.memory_space<semaphore_mem>>)
      %dma_wait3A = arith.constant 0 : i32
      %dma_wait3A_23 = tpu.memref_slice %arg4[%add3A_18, %dma_wait3A] : memref<160000x16xf32, #tpu.memory_space<hbm>> -> memref<5000x16xf32, #tpu.memory_space<hbm>>
      %dma_wait3A_24 = arith.constant 0 : i32
      %dma_wait3A_25 = tpu.memref_slice %arg4[%add3A_18, %dma_wait3A_24] : memref<160000x16xf32, #tpu.memory_space<hbm>> -> memref<5000x16xf32, #tpu.memory_space<hbm>>
      tpu.wait_dma2 semaphore(%run_scoped3A : memref<!tpu.dma_semaphore, #tpu.memory_space<semaphore_mem>>) src(%arg6 : memref<5000x16xf32, #tpu.memory_space<vmem>>) dst(%dma_wait3A_25 : memref<5000x16xf32, #tpu.memory_space<hbm>>)
      tpu.yield
    }) : () -> ()
    %scan3A_19 = arith.constant 1 : i32
    return
  }
}

#map = affine_map<(d0, d1) -> (0, 0)>
#map1 = affine_map<(d0, d1) -> (0, 0, 0)>
module attributes {stable_mosaic.version = 14 : i64} {
  func.func @scatter_kernel(%arg0: i32, %arg1: i32, %arg2: memref<160000x16xf32, #tpu.memory_space<hbm>>, %arg3: memref<1250x128xi32, #tpu.memory_space<hbm>>, %arg4: memref<2x10000x16xf32, #tpu.memory_space<hbm>>, %arg5: memref<128xi32, #tpu.memory_space<vmem>>, %arg6: memref<128x16xf32, #tpu.memory_space<vmem>>, %arg7: memref<10000x16xf32, #tpu.memory_space<vmem_shared>>) attributes {dimension_semantics = [#tpu.dimension_semantics<core_parallel>, #tpu.dimension_semantics<subcore_parallel>], iteration_bounds = array<i64: 2, 16>, scalar_prefetch = 0 : i64, scratch_operands = 3 : i64, tpu.core_type = #tpu.core_type<sc_vector_subcore>, window_params = [{transform_indices = #map}, {transform_indices = #map}, {transform_indices = #map1}]} {
    %mul3A = arith.constant 2 : i32
    %mul3A_0 = arith.muli %arg1, %mul3A : i32
    %add3A = arith.addi %mul3A_0, %arg0 : i32
    %scan3A = arith.constant 0 : i32
    %scan3A_1 = arith.constant 0 : i32
    %scan3A_2 = arith.constant 128 : i32
    %scan3A_3 = arith.addi %scan3A_1, %scan3A_2 : i32
    %scan3A_4 = arith.constant 1 : i32
    scf.for %scan3A_39 = %scan3A_1 to %scan3A_3 step %scan3A_4  : i32 {
      %broadcast_in_dim3A = arith.constant 0.000000e+00 : f32
      %broadcast_in_dim3A_40 = vector.broadcast %broadcast_in_dim3A : f32 to vector<16xf32>
      %swap3A = arith.index_cast %scan3A_39 : i32 to index
      %swap3A_41 = arith.constant 0 : index
      %swap3A_42 = tpu.vector_load %arg6[%swap3A, %swap3A_41] {strides = array<i32>} : memref<128x16xf32, #tpu.memory_space<vmem>>, vector<1x16xf32>,
      %swap3A_43 = vector.shape_cast %swap3A_42 : vector<1x16xf32> to vector<16xf32>
      %swap3A_44 = vector.shape_cast %broadcast_in_dim3A_40 : vector<16xf32> to vector<1x16xf32>
      tpu.vector_store %arg6[%swap3A, %swap3A_41], %swap3A_44 {strides = array<i32>} : memref<128x16xf32, #tpu.memory_space<vmem>>, vector<1x16xf32>,
    }
    %scan3A_5 = arith.constant 128 : i32
    %mul3A_6 = arith.constant 625 : i32
    %mul3A_7 = arith.muli %arg1, %mul3A_6 : i32
    %add3A_8 = arith.constant 0 : i32
    %add3A_9 = arith.addi %mul3A_7, %add3A_8 : i32
    "tpu.region"() ({
      %run_scoped3A = tpu.sem_alloc : memref<!tpu.dma_semaphore, #tpu.memory_space<semaphore_mem>>
      %dma_start3A = arith.constant 0 : i32
      %dma_start3A_39 = arith.constant 0 : i32
      %dma_start3A_40 = tpu.memref_slice %arg6[%dma_start3A, %dma_start3A_39] : memref<128x16xf32, #tpu.memory_space<vmem>> -> memref<125x16xf32, #tpu.memory_space<vmem>>
      %dma_start3A_41 = arith.constant 0 : i32
      %dma_start3A_42 = tpu.memref_slice %arg7[%add3A_9, %dma_start3A_41] : memref<10000x16xf32, #tpu.memory_space<vmem_shared>> -> memref<125x16xf32, #tpu.memory_space<vmem_shared>>
      %dma_start3A_43 = arith.constant 0 : i32
      %dma_start3A_44 = tpu.memref_slice %arg7[%add3A_9, %dma_start3A_43] : memref<10000x16xf32, #tpu.memory_space<vmem_shared>> -> memref<125x16xf32, #tpu.memory_space<vmem_shared>>
      %dma_start3A_45 = arith.constant 0 : i32
      %dma_start3A_46 = arith.constant 0 : i32
      %dma_start3A_47 = tpu.memref_slice %arg6[%dma_start3A_45, %dma_start3A_46] : memref<128x16xf32, #tpu.memory_space<vmem>> -> memref<125x16xf32, #tpu.memory_space<vmem>>
      tpu.enqueue_dma source(%dma_start3A_47 : memref<125x16xf32, #tpu.memory_space<vmem>>) target(%dma_start3A_44 : memref<125x16xf32, #tpu.memory_space<vmem_shared>>) target_semaphore(%run_scoped3A : memref<!tpu.dma_semaphore, #tpu.memory_space<semaphore_mem>>)
      %dma_wait3A = arith.constant 0 : i32
      %dma_wait3A_48 = arith.constant 0 : i32
      %dma_wait3A_49 = tpu.memref_slice %arg6[%dma_wait3A, %dma_wait3A_48] : memref<128x16xf32, #tpu.memory_space<vmem>> -> memref<125x16xf32, #tpu.memory_space<vmem>>
      %dma_wait3A_50 = arith.constant 0 : i32
      %dma_wait3A_51 = tpu.memref_slice %arg7[%add3A_9, %dma_wait3A_50] : memref<10000x16xf32, #tpu.memory_space<vmem_shared>> -> memref<125x16xf32, #tpu.memory_space<vmem_shared>>
      %dma_wait3A_52 = arith.constant 0 : i32
      %dma_wait3A_53 = tpu.memref_slice %arg7[%add3A_9, %dma_wait3A_52] : memref<10000x16xf32, #tpu.memory_space<vmem_shared>> -> memref<125x16xf32, #tpu.memory_space<vmem_shared>>
      %dma_wait3A_54 = arith.constant 0 : i32
      %dma_wait3A_55 = arith.constant 0 : i32
      %dma_wait3A_56 = tpu.memref_slice %arg6[%dma_wait3A_54, %dma_wait3A_55] : memref<128x16xf32, #tpu.memory_space<vmem>> -> memref<125x16xf32, #tpu.memory_space<vmem>>
      tpu.wait_dma2 semaphore(%run_scoped3A : memref<!tpu.dma_semaphore, #tpu.memory_space<semaphore_mem>>) src(%dma_wait3A_56 : memref<125x16xf32, #tpu.memory_space<vmem>>) dst(%dma_wait3A_53 : memref<125x16xf32, #tpu.memory_space<vmem_shared>>)
      tpu.yield
    }) : () -> ()
    %mul3A_10 = arith.constant 625 : i32
    %mul3A_11 = arith.muli %arg1, %mul3A_10 : i32
    %add3A_12 = arith.constant 125 : i32
    %add3A_13 = arith.addi %mul3A_11, %add3A_12 : i32
    "tpu.region"() ({
      %run_scoped3A = tpu.sem_alloc : memref<!tpu.dma_semaphore, #tpu.memory_space<semaphore_mem>>
      %dma_start3A = arith.constant 0 : i32
      %dma_start3A_39 = arith.constant 0 : i32
      %dma_start3A_40 = tpu.memref_slice %arg6[%dma_start3A, %dma_start3A_39] : memref<128x16xf32, #tpu.memory_space<vmem>> -> memref<125x16xf32, #tpu.memory_space<vmem>>
      %dma_start3A_41 = arith.constant 0 : i32
      %dma_start3A_42 = tpu.memref_slice %arg7[%add3A_13, %dma_start3A_41] : memref<10000x16xf32, #tpu.memory_space<vmem_shared>> -> memref<125x16xf32, #tpu.memory_space<vmem_shared>>
      %dma_start3A_43 = arith.constant 0 : i32
      %dma_start3A_44 = tpu.memref_slice %arg7[%add3A_13, %dma_start3A_43] : memref<10000x16xf32, #tpu.memory_space<vmem_shared>> -> memref<125x16xf32, #tpu.memory_space<vmem_shared>>
      %dma_start3A_45 = arith.constant 0 : i32
      %dma_start3A_46 = arith.constant 0 : i32
      %dma_start3A_47 = tpu.memref_slice %arg6[%dma_start3A_45, %dma_start3A_46] : memref<128x16xf32, #tpu.memory_space<vmem>> -> memref<125x16xf32, #tpu.memory_space<vmem>>
      tpu.enqueue_dma source(%dma_start3A_47 : memref<125x16xf32, #tpu.memory_space<vmem>>) target(%dma_start3A_44 : memref<125x16xf32, #tpu.memory_space<vmem_shared>>) target_semaphore(%run_scoped3A : memref<!tpu.dma_semaphore, #tpu.memory_space<semaphore_mem>>)
      %dma_wait3A = arith.constant 0 : i32
      %dma_wait3A_48 = arith.constant 0 : i32
      %dma_wait3A_49 = tpu.memref_slice %arg6[%dma_wait3A, %dma_wait3A_48] : memref<128x16xf32, #tpu.memory_space<vmem>> -> memref<125x16xf32, #tpu.memory_space<vmem>>
      %dma_wait3A_50 = arith.constant 0 : i32
      %dma_wait3A_51 = tpu.memref_slice %arg7[%add3A_13, %dma_wait3A_50] : memref<10000x16xf32, #tpu.memory_space<vmem_shared>> -> memref<125x16xf32, #tpu.memory_space<vmem_shared>>
      %dma_wait3A_52 = arith.constant 0 : i32
      %dma_wait3A_53 = tpu.memref_slice %arg7[%add3A_13, %dma_wait3A_52] : memref<10000x16xf32, #tpu.memory_space<vmem_shared>> -> memref<125x16xf32, #tpu.memory_space<vmem_shared>>
      %dma_wait3A_54 = arith.constant 0 : i32
      %dma_wait3A_55 = arith.constant 0 : i32
      %dma_wait3A_56 = tpu.memref_slice %arg6[%dma_wait3A_54, %dma_wait3A_55] : memref<128x16xf32, #tpu.memory_space<vmem>> -> memref<125x16xf32, #tpu.memory_space<vmem>>
      tpu.wait_dma2 semaphore(%run_scoped3A : memref<!tpu.dma_semaphore, #tpu.memory_space<semaphore_mem>>) src(%dma_wait3A_56 : memref<125x16xf32, #tpu.memory_space<vmem>>) dst(%dma_wait3A_53 : memref<125x16xf32, #tpu.memory_space<vmem_shared>>)
      tpu.yield
    }) : () -> ()
    %mul3A_14 = arith.constant 625 : i32
    %mul3A_15 = arith.muli %arg1, %mul3A_14 : i32
    %add3A_16 = arith.constant 250 : i32
    %add3A_17 = arith.addi %mul3A_15, %add3A_16 : i32
    "tpu.region"() ({
      %run_scoped3A = tpu.sem_alloc : memref<!tpu.dma_semaphore, #tpu.memory_space<semaphore_mem>>
      %dma_start3A = arith.constant 0 : i32
      %dma_start3A_39 = arith.constant 0 : i32
      %dma_start3A_40 = tpu.memref_slice %arg6[%dma_start3A, %dma_start3A_39] : memref<128x16xf32, #tpu.memory_space<vmem>> -> memref<125x16xf32, #tpu.memory_space<vmem>>
      %dma_start3A_41 = arith.constant 0 : i32
      %dma_start3A_42 = tpu.memref_slice %arg7[%add3A_17, %dma_start3A_41] : memref<10000x16xf32, #tpu.memory_space<vmem_shared>> -> memref<125x16xf32, #tpu.memory_space<vmem_shared>>
      %dma_start3A_43 = arith.constant 0 : i32
      %dma_start3A_44 = tpu.memref_slice %arg7[%add3A_17, %dma_start3A_43] : memref<10000x16xf32, #tpu.memory_space<vmem_shared>> -> memref<125x16xf32, #tpu.memory_space<vmem_shared>>
      %dma_start3A_45 = arith.constant 0 : i32
      %dma_start3A_46 = arith.constant 0 : i32
      %dma_start3A_47 = tpu.memref_slice %arg6[%dma_start3A_45, %dma_start3A_46] : memref<128x16xf32, #tpu.memory_space<vmem>> -> memref<125x16xf32, #tpu.memory_space<vmem>>
      tpu.enqueue_dma source(%dma_start3A_47 : memref<125x16xf32, #tpu.memory_space<vmem>>) target(%dma_start3A_44 : memref<125x16xf32, #tpu.memory_space<vmem_shared>>) target_semaphore(%run_scoped3A : memref<!tpu.dma_semaphore, #tpu.memory_space<semaphore_mem>>)
      %dma_wait3A = arith.constant 0 : i32
      %dma_wait3A_48 = arith.constant 0 : i32
      %dma_wait3A_49 = tpu.memref_slice %arg6[%dma_wait3A, %dma_wait3A_48] : memref<128x16xf32, #tpu.memory_space<vmem>> -> memref<125x16xf32, #tpu.memory_space<vmem>>
      %dma_wait3A_50 = arith.constant 0 : i32
      %dma_wait3A_51 = tpu.memref_slice %arg7[%add3A_17, %dma_wait3A_50] : memref<10000x16xf32, #tpu.memory_space<vmem_shared>> -> memref<125x16xf32, #tpu.memory_space<vmem_shared>>
      %dma_wait3A_52 = arith.constant 0 : i32
      %dma_wait3A_53 = tpu.memref_slice %arg7[%add3A_17, %dma_wait3A_52] : memref<10000x16xf32, #tpu.memory_space<vmem_shared>> -> memref<125x16xf32, #tpu.memory_space<vmem_shared>>
      %dma_wait3A_54 = arith.constant 0 : i32
      %dma_wait3A_55 = arith.constant 0 : i32
      %dma_wait3A_56 = tpu.memref_slice %arg6[%dma_wait3A_54, %dma_wait3A_55] : memref<128x16xf32, #tpu.memory_space<vmem>> -> memref<125x16xf32, #tpu.memory_space<vmem>>
      tpu.wait_dma2 semaphore(%run_scoped3A : memref<!tpu.dma_semaphore, #tpu.memory_space<semaphore_mem>>) src(%dma_wait3A_56 : memref<125x16xf32, #tpu.memory_space<vmem>>) dst(%dma_wait3A_53 : memref<125x16xf32, #tpu.memory_space<vmem_shared>>)
      tpu.yield
    }) : () -> ()
    %mul3A_18 = arith.constant 625 : i32
    %mul3A_19 = arith.muli %arg1, %mul3A_18 : i32
    %add3A_20 = arith.constant 375 : i32
    %add3A_21 = arith.addi %mul3A_19, %add3A_20 : i32
    "tpu.region"() ({
      %run_scoped3A = tpu.sem_alloc : memref<!tpu.dma_semaphore, #tpu.memory_space<semaphore_mem>>
      %dma_start3A = arith.constant 0 : i32
      %dma_start3A_39 = arith.constant 0 : i32
      %dma_start3A_40 = tpu.memref_slice %arg6[%dma_start3A, %dma_start3A_39] : memref<128x16xf32, #tpu.memory_space<vmem>> -> memref<125x16xf32, #tpu.memory_space<vmem>>
      %dma_start3A_41 = arith.constant 0 : i32
      %dma_start3A_42 = tpu.memref_slice %arg7[%add3A_21, %dma_start3A_41] : memref<10000x16xf32, #tpu.memory_space<vmem_shared>> -> memref<125x16xf32, #tpu.memory_space<vmem_shared>>
      %dma_start3A_43 = arith.constant 0 : i32
      %dma_start3A_44 = tpu.memref_slice %arg7[%add3A_21, %dma_start3A_43] : memref<10000x16xf32, #tpu.memory_space<vmem_shared>> -> memref<125x16xf32, #tpu.memory_space<vmem_shared>>
      %dma_start3A_45 = arith.constant 0 : i32
      %dma_start3A_46 = arith.constant 0 : i32
      %dma_start3A_47 = tpu.memref_slice %arg6[%dma_start3A_45, %dma_start3A_46] : memref<128x16xf32, #tpu.memory_space<vmem>> -> memref<125x16xf32, #tpu.memory_space<vmem>>
      tpu.enqueue_dma source(%dma_start3A_47 : memref<125x16xf32, #tpu.memory_space<vmem>>) target(%dma_start3A_44 : memref<125x16xf32, #tpu.memory_space<vmem_shared>>) target_semaphore(%run_scoped3A : memref<!tpu.dma_semaphore, #tpu.memory_space<semaphore_mem>>)
      %dma_wait3A = arith.constant 0 : i32
      %dma_wait3A_48 = arith.constant 0 : i32
      %dma_wait3A_49 = tpu.memref_slice %arg6[%dma_wait3A, %dma_wait3A_48] : memref<128x16xf32, #tpu.memory_space<vmem>> -> memref<125x16xf32, #tpu.memory_space<vmem>>
      %dma_wait3A_50 = arith.constant 0 : i32
      %dma_wait3A_51 = tpu.memref_slice %arg7[%add3A_21, %dma_wait3A_50] : memref<10000x16xf32, #tpu.memory_space<vmem_shared>> -> memref<125x16xf32, #tpu.memory_space<vmem_shared>>
      %dma_wait3A_52 = arith.constant 0 : i32
      %dma_wait3A_53 = tpu.memref_slice %arg7[%add3A_21, %dma_wait3A_52] : memref<10000x16xf32, #tpu.memory_space<vmem_shared>> -> memref<125x16xf32, #tpu.memory_space<vmem_shared>>
      %dma_wait3A_54 = arith.constant 0 : i32
      %dma_wait3A_55 = arith.constant 0 : i32
      %dma_wait3A_56 = tpu.memref_slice %arg6[%dma_wait3A_54, %dma_wait3A_55] : memref<128x16xf32, #tpu.memory_space<vmem>> -> memref<125x16xf32, #tpu.memory_space<vmem>>
      tpu.wait_dma2 semaphore(%run_scoped3A : memref<!tpu.dma_semaphore, #tpu.memory_space<semaphore_mem>>) src(%dma_wait3A_56 : memref<125x16xf32, #tpu.memory_space<vmem>>) dst(%dma_wait3A_53 : memref<125x16xf32, #tpu.memory_space<vmem_shared>>)
      tpu.yield
    }) : () -> ()
    %mul3A_22 = arith.constant 625 : i32
    %mul3A_23 = arith.muli %arg1, %mul3A_22 : i32
    %add3A_24 = arith.constant 500 : i32
    %add3A_25 = arith.addi %mul3A_23, %add3A_24 : i32
    "tpu.region"() ({
      %run_scoped3A = tpu.sem_alloc : memref<!tpu.dma_semaphore, #tpu.memory_space<semaphore_mem>>
      %dma_start3A = arith.constant 0 : i32
      %dma_start3A_39 = arith.constant 0 : i32
      %dma_start3A_40 = tpu.memref_slice %arg6[%dma_start3A, %dma_start3A_39] : memref<128x16xf32, #tpu.memory_space<vmem>> -> memref<125x16xf32, #tpu.memory_space<vmem>>
      %dma_start3A_41 = arith.constant 0 : i32
      %dma_start3A_42 = tpu.memref_slice %arg7[%add3A_25, %dma_start3A_41] : memref<10000x16xf32, #tpu.memory_space<vmem_shared>> -> memref<125x16xf32, #tpu.memory_space<vmem_shared>>
      %dma_start3A_43 = arith.constant 0 : i32
      %dma_start3A_44 = tpu.memref_slice %arg7[%add3A_25, %dma_start3A_43] : memref<10000x16xf32, #tpu.memory_space<vmem_shared>> -> memref<125x16xf32, #tpu.memory_space<vmem_shared>>
      %dma_start3A_45 = arith.constant 0 : i32
      %dma_start3A_46 = arith.constant 0 : i32
      %dma_start3A_47 = tpu.memref_slice %arg6[%dma_start3A_45, %dma_start3A_46] : memref<128x16xf32, #tpu.memory_space<vmem>> -> memref<125x16xf32, #tpu.memory_space<vmem>>
      tpu.enqueue_dma source(%dma_start3A_47 : memref<125x16xf32, #tpu.memory_space<vmem>>) target(%dma_start3A_44 : memref<125x16xf32, #tpu.memory_space<vmem_shared>>) target_semaphore(%run_scoped3A : memref<!tpu.dma_semaphore, #tpu.memory_space<semaphore_mem>>)
      %dma_wait3A = arith.constant 0 : i32
      %dma_wait3A_48 = arith.constant 0 : i32
      %dma_wait3A_49 = tpu.memref_slice %arg6[%dma_wait3A, %dma_wait3A_48] : memref<128x16xf32, #tpu.memory_space<vmem>> -> memref<125x16xf32, #tpu.memory_space<vmem>>
      %dma_wait3A_50 = arith.constant 0 : i32
      %dma_wait3A_51 = tpu.memref_slice %arg7[%add3A_25, %dma_wait3A_50] : memref<10000x16xf32, #tpu.memory_space<vmem_shared>> -> memref<125x16xf32, #tpu.memory_space<vmem_shared>>
      %dma_wait3A_52 = arith.constant 0 : i32
      %dma_wait3A_53 = tpu.memref_slice %arg7[%add3A_25, %dma_wait3A_52] : memref<10000x16xf32, #tpu.memory_space<vmem_shared>> -> memref<125x16xf32, #tpu.memory_space<vmem_shared>>
      %dma_wait3A_54 = arith.constant 0 : i32
      %dma_wait3A_55 = arith.constant 0 : i32
      %dma_wait3A_56 = tpu.memref_slice %arg6[%dma_wait3A_54, %dma_wait3A_55] : memref<128x16xf32, #tpu.memory_space<vmem>> -> memref<125x16xf32, #tpu.memory_space<vmem>>
      tpu.wait_dma2 semaphore(%run_scoped3A : memref<!tpu.dma_semaphore, #tpu.memory_space<semaphore_mem>>) src(%dma_wait3A_56 : memref<125x16xf32, #tpu.memory_space<vmem>>) dst(%dma_wait3A_53 : memref<125x16xf32, #tpu.memory_space<vmem_shared>>)
      tpu.yield
    }) : () -> ()
    %barrier3A = arith.constant 0 : index
    tpu.barrier barrier_id(%barrier3A)
    %scan3A_26 = arith.constant 0 : i32
    %scan3A_27 = arith.constant 0 : i32
    %scan3A_28 = arith.constant 39 : i32
    %scan3A_29 = arith.addi %scan3A_27, %scan3A_28 : i32
    %scan3A_30 = arith.constant 1 : i32
    scf.for %scan3A_39 = %scan3A_27 to %scan3A_29 step %scan3A_30  : i32 {
      %mul3A_40 = arith.constant 32 : i32
      %mul3A_41 = arith.muli %mul3A_40, %scan3A_39 : i32
      %add3A_42 = arith.addi %add3A, %mul3A_41 : i32
      "tpu.region"() ({
        %run_scoped3A = tpu.sem_alloc : memref<!tpu.dma_semaphore, #tpu.memory_space<semaphore_mem>>
        %dma_start3A = arith.constant 0 : i32
        %dma_start3A_45 = tpu.memref_slice %arg3[%add3A_42, %dma_start3A] : memref<1250x128xi32, #tpu.memory_space<hbm>> -> memref<1x128xi32, #tpu.memory_space<hbm>>
        %dma_start3A_46 = tpu.memref_squeeze %dma_start3A_45 : memref<1x128xi32, #tpu.memory_space<hbm>> -> memref<128xi32, #tpu.memory_space<hbm>>
        %dma_start3A_47 = arith.constant 0 : i32
        %dma_start3A_48 = tpu.memref_slice %arg3[%add3A_42, %dma_start3A_47] : memref<1250x128xi32, #tpu.memory_space<hbm>> -> memref<1x128xi32, #tpu.memory_space<hbm>>
        %dma_start3A_49 = tpu.memref_squeeze %dma_start3A_48 : memref<1x128xi32, #tpu.memory_space<hbm>> -> memref<128xi32, #tpu.memory_space<hbm>>
        tpu.enqueue_dma source(%dma_start3A_49 : memref<128xi32, #tpu.memory_space<hbm>>) target(%arg5 : memref<128xi32, #tpu.memory_space<vmem>>) target_semaphore(%run_scoped3A : memref<!tpu.dma_semaphore, #tpu.memory_space<semaphore_mem>>)
        %dma_wait3A = arith.constant 0 : i32
        %dma_wait3A_50 = tpu.memref_slice %arg3[%add3A_42, %dma_wait3A] : memref<1250x128xi32, #tpu.memory_space<hbm>> -> memref<1x128xi32, #tpu.memory_space<hbm>>
        %dma_wait3A_51 = tpu.memref_squeeze %dma_wait3A_50 : memref<1x128xi32, #tpu.memory_space<hbm>> -> memref<128xi32, #tpu.memory_space<hbm>>
        %dma_wait3A_52 = arith.constant 0 : i32
        %dma_wait3A_53 = tpu.memref_slice %arg3[%add3A_42, %dma_wait3A_52] : memref<1250x128xi32, #tpu.memory_space<hbm>> -> memref<1x128xi32, #tpu.memory_space<hbm>>
        %dma_wait3A_54 = tpu.memref_squeeze %dma_wait3A_53 : memref<1x128xi32, #tpu.memory_space<hbm>> -> memref<128xi32, #tpu.memory_space<hbm>>
        tpu.wait_dma2 semaphore(%run_scoped3A : memref<!tpu.dma_semaphore, #tpu.memory_space<semaphore_mem>>) src(%dma_wait3A_54 : memref<128xi32, #tpu.memory_space<hbm>>) dst(%arg5 : memref<128xi32, #tpu.memory_space<vmem>>)
        tpu.yield
      }) : () -> ()
      %mul3A_43 = arith.constant 128 : i32
      %mul3A_44 = arith.muli %add3A_42, %mul3A_43 : i32
      "tpu.region"() ({
        %run_scoped3A = tpu.sem_alloc : memref<!tpu.dma_semaphore, #tpu.memory_space<semaphore_mem>>
        %dma_start3A = arith.constant 0 : i32
        %dma_start3A_45 = tpu.memref_slice %arg2[%mul3A_44, %dma_start3A] : memref<160000x16xf32, #tpu.memory_space<hbm>> -> memref<128x16xf32, #tpu.memory_space<hbm>>
        %dma_start3A_46 = arith.constant 0 : i32
        %dma_start3A_47 = tpu.memref_slice %arg2[%mul3A_44, %dma_start3A_46] : memref<160000x16xf32, #tpu.memory_space<hbm>> -> memref<128x16xf32, #tpu.memory_space<hbm>>
        tpu.enqueue_dma source(%dma_start3A_47 : memref<128x16xf32, #tpu.memory_space<hbm>>) target(%arg6 : memref<128x16xf32, #tpu.memory_space<vmem>>) target_semaphore(%run_scoped3A : memref<!tpu.dma_semaphore, #tpu.memory_space<semaphore_mem>>)
        %dma_wait3A = arith.constant 0 : i32
        %dma_wait3A_48 = tpu.memref_slice %arg2[%mul3A_44, %dma_wait3A] : memref<160000x16xf32, #tpu.memory_space<hbm>> -> memref<128x16xf32, #tpu.memory_space<hbm>>
        %dma_wait3A_49 = arith.constant 0 : i32
        %dma_wait3A_50 = tpu.memref_slice %arg2[%mul3A_44, %dma_wait3A_49] : memref<160000x16xf32, #tpu.memory_space<hbm>> -> memref<128x16xf32, #tpu.memory_space<hbm>>
        tpu.wait_dma2 semaphore(%run_scoped3A : memref<!tpu.dma_semaphore, #tpu.memory_space<semaphore_mem>>) src(%dma_wait3A_50 : memref<128x16xf32, #tpu.memory_space<hbm>>) dst(%arg6 : memref<128x16xf32, #tpu.memory_space<vmem>>)
        tpu.yield
      }) : () -> ()
      "tpu.region"() ({
        %run_scoped3A = tpu.sem_alloc : memref<!tpu.dma_semaphore, #tpu.memory_space<semaphore_mem>>
        %dma_start3A = arith.constant 0 : i32
        %dma_start3A_45 = arith.constant 0 : i32
        %dma_start3A_46 = tpu.memref_slice %arg7[%dma_start3A, %dma_start3A_45] : memref<10000x16xf32, #tpu.memory_space<vmem_shared>> -> memref<10000x16xf32, #tpu.memory_space<vmem_shared>>
        tpu.enqueue_indirect_dma source(%arg6 : memref<128x16xf32, #tpu.memory_space<vmem>>) target(%dma_start3A_46 : memref<10000x16xf32, #tpu.memory_space<vmem_shared>>) offsets(%arg5 : memref<128xi32, #tpu.memory_space<vmem>>) semaphore(%run_scoped3A : memref<!tpu.dma_semaphore, #tpu.memory_space<semaphore_mem>>) {add = true}
        %dma_wait3A = arith.constant 0 : i32
        %dma_wait3A_47 = arith.constant 0 : i32
        %dma_wait3A_48 = tpu.memref_slice %arg7[%dma_wait3A, %dma_wait3A_47] : memref<10000x16xf32, #tpu.memory_space<vmem_shared>> -> memref<10000x16xf32, #tpu.memory_space<vmem_shared>>
        tpu.wait_indirect_dma semaphore(%run_scoped3A : memref<!tpu.dma_semaphore, #tpu.memory_space<semaphore_mem>>) src(%arg6 : memref<128x16xf32, #tpu.memory_space<vmem>>) dst(%dma_wait3A_48 : memref<10000x16xf32, #tpu.memory_space<vmem_shared>>)
        tpu.yield
      }) : () -> ()
    }
    %scan3A_31 = arith.constant 39 : i32
    %lt3A = arith.constant 2 : i32
    %lt3A_32 = arith.cmpi slt, %add3A, %lt3A : i32
    %convert_element_type3A = arith.extui %lt3A_32 : i1 to i32
    %cond3A = arith.constant 0 : i32
    %cond3A_33 = arith.cmpi ne, %convert_element_type3A, %cond3A : i32
    scf.if %cond3A_33 {
      %add3A_39 = arith.constant 1248 : i32
      %add3A_40 = arith.addi %add3A, %add3A_39 : i32
      "tpu.region"() ({
        %run_scoped3A = tpu.sem_alloc : memref<!tpu.dma_semaphore, #tpu.memory_space<semaphore_mem>>
        %dma_start3A = arith.constant 0 : i32
        %dma_start3A_43 = tpu.memref_slice %arg3[%add3A_40, %dma_start3A] : memref<1250x128xi32, #tpu.memory_space<hbm>> -> memref<1x128xi32, #tpu.memory_space<hbm>>
        %dma_start3A_44 = tpu.memref_squeeze %dma_start3A_43 : memref<1x128xi32, #tpu.memory_space<hbm>> -> memref<128xi32, #tpu.memory_space<hbm>>
        %dma_start3A_45 = arith.constant 0 : i32
        %dma_start3A_46 = tpu.memref_slice %arg3[%add3A_40, %dma_start3A_45] : memref<1250x128xi32, #tpu.memory_space<hbm>> -> memref<1x128xi32, #tpu.memory_space<hbm>>
        %dma_start3A_47 = tpu.memref_squeeze %dma_start3A_46 : memref<1x128xi32, #tpu.memory_space<hbm>> -> memref<128xi32, #tpu.memory_space<hbm>>
        tpu.enqueue_dma source(%dma_start3A_47 : memref<128xi32, #tpu.memory_space<hbm>>) target(%arg5 : memref<128xi32, #tpu.memory_space<vmem>>) target_semaphore(%run_scoped3A : memref<!tpu.dma_semaphore, #tpu.memory_space<semaphore_mem>>)
        %dma_wait3A = arith.constant 0 : i32
        %dma_wait3A_48 = tpu.memref_slice %arg3[%add3A_40, %dma_wait3A] : memref<1250x128xi32, #tpu.memory_space<hbm>> -> memref<1x128xi32, #tpu.memory_space<hbm>>
        %dma_wait3A_49 = tpu.memref_squeeze %dma_wait3A_48 : memref<1x128xi32, #tpu.memory_space<hbm>> -> memref<128xi32, #tpu.memory_space<hbm>>
        %dma_wait3A_50 = arith.constant 0 : i32
        %dma_wait3A_51 = tpu.memref_slice %arg3[%add3A_40, %dma_wait3A_50] : memref<1250x128xi32, #tpu.memory_space<hbm>> -> memref<1x128xi32, #tpu.memory_space<hbm>>
        %dma_wait3A_52 = tpu.memref_squeeze %dma_wait3A_51 : memref<1x128xi32, #tpu.memory_space<hbm>> -> memref<128xi32, #tpu.memory_space<hbm>>
        tpu.wait_dma2 semaphore(%run_scoped3A : memref<!tpu.dma_semaphore, #tpu.memory_space<semaphore_mem>>) src(%dma_wait3A_52 : memref<128xi32, #tpu.memory_space<hbm>>) dst(%arg5 : memref<128xi32, #tpu.memory_space<vmem>>)
        tpu.yield
      }) : () -> ()
      %mul3A_41 = arith.constant 128 : i32
      %mul3A_42 = arith.muli %add3A_40, %mul3A_41 : i32
      "tpu.region"() ({
        %run_scoped3A = tpu.sem_alloc : memref<!tpu.dma_semaphore, #tpu.memory_space<semaphore_mem>>
        %dma_start3A = arith.constant 0 : i32
        %dma_start3A_43 = tpu.memref_slice %arg2[%mul3A_42, %dma_start3A] : memref<160000x16xf32, #tpu.memory_space<hbm>> -> memref<128x16xf32, #tpu.memory_space<hbm>>
        %dma_start3A_44 = arith.constant 0 : i32
        %dma_start3A_45 = tpu.memref_slice %arg2[%mul3A_42, %dma_start3A_44] : memref<160000x16xf32, #tpu.memory_space<hbm>> -> memref<128x16xf32, #tpu.memory_space<hbm>>
        tpu.enqueue_dma source(%dma_start3A_45 : memref<128x16xf32, #tpu.memory_space<hbm>>) target(%arg6 : memref<128x16xf32, #tpu.memory_space<vmem>>) target_semaphore(%run_scoped3A : memref<!tpu.dma_semaphore, #tpu.memory_space<semaphore_mem>>)
        %dma_wait3A = arith.constant 0 : i32
        %dma_wait3A_46 = tpu.memref_slice %arg2[%mul3A_42, %dma_wait3A] : memref<160000x16xf32, #tpu.memory_space<hbm>> -> memref<128x16xf32, #tpu.memory_space<hbm>>
        %dma_wait3A_47 = arith.constant 0 : i32
        %dma_wait3A_48 = tpu.memref_slice %arg2[%mul3A_42, %dma_wait3A_47] : memref<160000x16xf32, #tpu.memory_space<hbm>> -> memref<128x16xf32, #tpu.memory_space<hbm>>
        tpu.wait_dma2 semaphore(%run_scoped3A : memref<!tpu.dma_semaphore, #tpu.memory_space<semaphore_mem>>) src(%dma_wait3A_48 : memref<128x16xf32, #tpu.memory_space<hbm>>) dst(%arg6 : memref<128x16xf32, #tpu.memory_space<vmem>>)
        tpu.yield
      }) : () -> ()
      "tpu.region"() ({
        %run_scoped3A = tpu.sem_alloc : memref<!tpu.dma_semaphore, #tpu.memory_space<semaphore_mem>>
        %dma_start3A = arith.constant 0 : i32
        %dma_start3A_43 = arith.constant 0 : i32
        %dma_start3A_44 = tpu.memref_slice %arg7[%dma_start3A, %dma_start3A_43] : memref<10000x16xf32, #tpu.memory_space<vmem_shared>> -> memref<10000x16xf32, #tpu.memory_space<vmem_shared>>
        tpu.enqueue_indirect_dma source(%arg6 : memref<128x16xf32, #tpu.memory_space<vmem>>) target(%dma_start3A_44 : memref<10000x16xf32, #tpu.memory_space<vmem_shared>>) offsets(%arg5 : memref<128xi32, #tpu.memory_space<vmem>>) semaphore(%run_scoped3A : memref<!tpu.dma_semaphore, #tpu.memory_space<semaphore_mem>>) {add = true}
        %dma_wait3A = arith.constant 0 : i32
        %dma_wait3A_45 = arith.constant 0 : i32
        %dma_wait3A_46 = tpu.memref_slice %arg7[%dma_wait3A, %dma_wait3A_45] : memref<10000x16xf32, #tpu.memory_space<vmem_shared>> -> memref<10000x16xf32, #tpu.memory_space<vmem_shared>>
        tpu.wait_indirect_dma semaphore(%run_scoped3A : memref<!tpu.dma_semaphore, #tpu.memory_space<semaphore_mem>>) src(%arg6 : memref<128x16xf32, #tpu.memory_space<vmem>>) dst(%dma_wait3A_46 : memref<10000x16xf32, #tpu.memory_space<vmem_shared>>)
        tpu.yield
      }) : () -> ()
    } else {
    }
    %barrier3A_34 = arith.constant 0 : index
    tpu.barrier barrier_id(%barrier3A_34)
    %mul3A_35 = arith.constant 625 : i32
    %mul3A_36 = arith.muli %arg1, %mul3A_35 : i32
    %mul3A_37 = arith.constant 625 : i32
    %mul3A_38 = arith.muli %arg1, %mul3A_37 : i32
    "tpu.region"() ({
      %run_scoped3A = tpu.sem_alloc : memref<!tpu.dma_semaphore, #tpu.memory_space<semaphore_mem>>
      %dma_start3A = arith.constant 0 : i32
      %dma_start3A_39 = tpu.memref_slice %arg4[%arg0, %mul3A_38, %dma_start3A] : memref<2x10000x16xf32, #tpu.memory_space<hbm>> -> memref<1x625x16xf32, #tpu.memory_space<hbm>>
      %dma_start3A_40 = tpu.memref_squeeze %dma_start3A_39 : memref<1x625x16xf32, #tpu.memory_space<hbm>> -> memref<625x16xf32, #tpu.memory_space<hbm>>
      %dma_start3A_41 = arith.constant 0 : i32
      %dma_start3A_42 = tpu.memref_slice %arg7[%mul3A_36, %dma_start3A_41] : memref<10000x16xf32, #tpu.memory_space<vmem_shared>> -> memref<625x16xf32, #tpu.memory_space<vmem_shared>>
      tpu.enqueue_dma source(%dma_start3A_42 : memref<625x16xf32, #tpu.memory_space<vmem_shared>>) target(%dma_start3A_40 : memref<625x16xf32, #tpu.memory_space<hbm>>) target_semaphore(%run_scoped3A : memref<!tpu.dma_semaphore, #tpu.memory_space<semaphore_mem>>)
      %dma_wait3A = arith.constant 0 : i32
      %dma_wait3A_43 = tpu.memref_slice %arg4[%arg0, %mul3A_38, %dma_wait3A] : memref<2x10000x16xf32, #tpu.memory_space<hbm>> -> memref<1x625x16xf32, #tpu.memory_space<hbm>>
      %dma_wait3A_44 = tpu.memref_squeeze %dma_wait3A_43 : memref<1x625x16xf32, #tpu.memory_space<hbm>> -> memref<625x16xf32, #tpu.memory_space<hbm>>
      %dma_wait3A_45 = arith.constant 0 : i32
      %dma_wait3A_46 = tpu.memref_slice %arg7[%mul3A_36, %dma_wait3A_45] : memref<10000x16xf32, #tpu.memory_space<vmem_shared>> -> memref<625x16xf32, #tpu.memory_space<vmem_shared>>
      tpu.wait_dma2 semaphore(%run_scoped3A : memref<!tpu.dma_semaphore, #tpu.memory_space<semaphore_mem>>) src(%dma_wait3A_46 : memref<625x16xf32, #tpu.memory_space<vmem_shared>>) dst(%dma_wait3A_44 : memref<625x16xf32, #tpu.memory_space<hbm>>)
      tpu.yield
    }) : () -> ()
    return
  }
}

module attributes {stable_mosaic.version = 14 : i64} {
  func.func @body(%arg0: i32, %arg1: memref<2000x128xf32, #tpu.memory_space<vmem>>, %arg2: memref<128x128xf32, #tpu.memory_space<vmem>>, %arg3: memref<1x128xf32, #tpu.memory_space<vmem>>, %arg4: memref<2000x128xf32, #tpu.memory_space<vmem>>) attributes {dimension_semantics = [#tpu.dimension_semantics<arbitrary>], iteration_bounds = array<i64: 10>, scalar_prefetch = 0 : i64, scratch_operands = 0 : i64, tpu.core_type = #tpu.core_type<tc>, window_params = [{transform_indices = @transform_0, window_bounds = array<i64: 2000, 128>}, {pipeline_mode = #tpu.pipeline_mode<synchronous>, transform_indices = @transform_1, window_bounds = array<i64: 128, 128>}, {pipeline_mode = #tpu.pipeline_mode<synchronous>, transform_indices = @transform_2, window_bounds = array<i64: 1, 128>}, {transform_indices = @transform_3, window_bounds = array<i64: 2000, 128>}]} {
    %get3A = arith.constant 0 : index
    %get3A_0 = arith.constant 0 : index
    %get3A_1 = vector.load %arg1[%get3A, %get3A_0] : memref<2000x128xf32, #tpu.memory_space<vmem>>, vector<2000x128xf32>
    %get3A_2 = arith.constant 0 : index
    %get3A_3 = arith.constant 0 : index
    %get3A_4 = vector.load %arg2[%get3A_2, %get3A_3] : memref<128x128xf32, #tpu.memory_space<vmem>>, vector<128x128xf32>
    %dot_general3A = arith.constant dense<0.000000e+00> : vector<2000x128xf32>
    %dot_general3A_5 = tpu.matmul %get3A_1, %get3A_4, %dot_general3A {dimension_numbers = #tpu.dot_dimension_numbers<[1], [0], [0], [1], [0, 0, 1, 1], [], []>, transpose_lhs_hint = false} : vector<2000x128xf32>, vector<128x128xf32>, vector<2000x128xf32> -> vector<2000x128xf32>
    %get3A_6 = arith.constant 0 : index
    %get3A_7 = arith.constant 0 : index
    %get3A_8 = vector.load %arg3[%get3A_6, %get3A_7] : memref<1x128xf32, #tpu.memory_space<vmem>>, vector<1x128xf32>
    %add3A = vector.broadcast %get3A_8 : vector<1x128xf32> to vector<2000x128xf32>
    %add3A_9 = arith.addf %dot_general3A_5, %add3A : vector<2000x128xf32>
    %max3A = arith.constant 0.000000e+00 : f32
    %max3A_10 = vector.broadcast %max3A : f32 to vector<2000x128xf32>
    %max3A_11 = arith.maximumf %add3A_9, %max3A_10 : vector<2000x128xf32>
    %swap3A = arith.constant 0 : index
    %swap3A_12 = arith.constant 0 : index
    %swap3A_13 = vector.load %arg4[%swap3A, %swap3A_12] : memref<2000x128xf32, #tpu.memory_space<vmem>>, vector<2000x128xf32>
    tpu.vector_store %arg4[%swap3A, %swap3A_12], %max3A_11 {strides = array<i32>} : memref<2000x128xf32, #tpu.memory_space<vmem>>, vector<2000x128xf32>,
    return
  }
  func.func @transform_0(%arg0: i32) -> (i32, i32) {
    %c0_i32 = arith.constant 0 : i32
    %c0_i32_0 = arith.constant 0 : i32
    return %arg0, %c0_i32 : i32, i32
  }
  func.func @transform_1(%arg0: i32) -> (i32, i32) {
    %c0_i32 = arith.constant 0 : i32
    %c0_i32_0 = arith.constant 0 : i32
    %c0_i32_1 = arith.constant 0 : i32
    return %c0_i32, %c0_i32_0 : i32, i32
  }
  func.func @transform_2(%arg0: i32) -> (i32, i32) {
    %c0_i32 = arith.constant 0 : i32
    %c0_i32_0 = arith.constant 0 : i32
    %c0_i32_1 = arith.constant 0 : i32
    return %c0_i32, %c0_i32_0 : i32, i32
  }
  func.func @transform_3(%arg0: i32) -> (i32, i32) {
    %c0_i32 = arith.constant 0 : i32
    %c0_i32_0 = arith.constant 0 : i32
    return %arg0, %c0_i32 : i32, i32
  }
}

module attributes {stable_mosaic.version = 14 : i64} {
  func.func @body(%arg0: i32, %arg1: memref<2000x128xf32, #tpu.memory_space<vmem>>, %arg2: memref<2000x32xf32, #tpu.memory_space<vmem>>, %arg3: memref<32x512xf32, #tpu.memory_space<vmem>>, %arg4: memref<1x512xf32, #tpu.memory_space<vmem>>, %arg5: memref<128x512xf32, #tpu.memory_space<vmem>>, %arg6: memref<128x32xf32, #tpu.memory_space<vmem>>, %arg7: memref<512x32xf32, #tpu.memory_space<vmem>>, %arg8: memref<2000x32xf32, #tpu.memory_space<vmem>>) attributes {dimension_semantics = [#tpu.dimension_semantics<arbitrary>], iteration_bounds = array<i64: 40>, scalar_prefetch = 0 : i64, scratch_operands = 0 : i64, tpu.core_type = #tpu.core_type<tc>, window_params = [{transform_indices = @transform_0, window_bounds = array<i64: 2000, 128>}, {transform_indices = @transform_1, window_bounds = array<i64: 2000, 32>}, {pipeline_mode = #tpu.pipeline_mode<synchronous>, transform_indices = @transform_2, window_bounds = array<i64: 32, 512>}, {pipeline_mode = #tpu.pipeline_mode<synchronous>, transform_indices = @transform_3, window_bounds = array<i64: 1, 512>}, {pipeline_mode = #tpu.pipeline_mode<synchronous>, transform_indices = @transform_4, window_bounds = array<i64: 128, 512>}, {pipeline_mode = #tpu.pipeline_mode<synchronous>, transform_indices = @transform_5, window_bounds = array<i64: 128, 32>}, {pipeline_mode = #tpu.pipeline_mode<synchronous>, transform_indices = @transform_6, window_bounds = array<i64: 512, 32>}, {transform_indices = @transform_7, window_bounds = array<i64: 2000, 32>}]} {
    %get3A = arith.constant 0 : index
    %get3A_0 = arith.constant 0 : index
    %get3A_1 = vector.load %arg1[%get3A, %get3A_0] : memref<2000x128xf32, #tpu.memory_space<vmem>>, vector<2000x128xf32>
    %get3A_2 = arith.constant 0 : index
    %get3A_3 = arith.constant 0 : index
    %get3A_4 = vector.load %arg2[%get3A_2, %get3A_3] : memref<2000x32xf32, #tpu.memory_space<vmem>>, vector<2000x32xf32>
    %get3A_5 = arith.constant 0 : index
    %get3A_6 = arith.constant 0 : index
    %get3A_7 = vector.load %arg3[%get3A_5, %get3A_6] : memref<32x512xf32, #tpu.memory_space<vmem>>, vector<32x512xf32>
    %dot_general3A = arith.constant dense<0.000000e+00> : vector<2000x512xf32>
    %dot_general3A_8 = tpu.matmul %get3A_4, %get3A_7, %dot_general3A {dimension_numbers = #tpu.dot_dimension_numbers<[1], [0], [0], [1], [0, 0, 1, 1], [], []>, transpose_lhs_hint = false} : vector<2000x32xf32>, vector<32x512xf32>, vector<2000x512xf32> -> vector<2000x512xf32>
    %get3A_9 = arith.constant 0 : index
    %get3A_10 = arith.constant 0 : index
    %get3A_11 = vector.load %arg4[%get3A_9, %get3A_10] : memref<1x512xf32, #tpu.memory_space<vmem>>, vector<1x512xf32>
    %add3A = vector.broadcast %get3A_11 : vector<1x512xf32> to vector<2000x512xf32>
    %add3A_12 = arith.addf %dot_general3A_8, %add3A : vector<2000x512xf32>
    %get3A_13 = arith.constant 0 : index
    %get3A_14 = arith.constant 0 : index
    %get3A_15 = vector.load %arg5[%get3A_13, %get3A_14] : memref<128x512xf32, #tpu.memory_space<vmem>>, vector<128x512xf32>
    %dot_general3A_16 = arith.constant dense<0.000000e+00> : vector<2000x512xf32>
    %dot_general3A_17 = tpu.matmul %get3A_1, %get3A_15, %dot_general3A_16 {dimension_numbers = #tpu.dot_dimension_numbers<[1], [0], [0], [1], [0, 0, 1, 1], [], []>, transpose_lhs_hint = false} : vector<2000x128xf32>, vector<128x512xf32>, vector<2000x512xf32> -> vector<2000x512xf32>
    %mul3A = arith.mulf %add3A_12, %dot_general3A_17 : vector<2000x512xf32>
    %get3A_18 = arith.constant 0 : index
    %get3A_19 = arith.constant 0 : index
    %get3A_20 = vector.load %arg7[%get3A_18, %get3A_19] : memref<512x32xf32, #tpu.memory_space<vmem>>, vector<512x32xf32>
    %dot_general3A_21 = arith.constant dense<0.000000e+00> : vector<2000x32xf32>
    %dot_general3A_22 = tpu.matmul %mul3A, %get3A_20, %dot_general3A_21 {dimension_numbers = #tpu.dot_dimension_numbers<[1], [0], [0], [1], [0, 0, 1, 1], [], []>, transpose_lhs_hint = false} : vector<2000x512xf32>, vector<512x32xf32>, vector<2000x32xf32> -> vector<2000x32xf32>
    %get3A_23 = arith.constant 0 : index
    %get3A_24 = arith.constant 0 : index
    %get3A_25 = vector.load %arg6[%get3A_23, %get3A_24] : memref<128x32xf32, #tpu.memory_space<vmem>>, vector<128x32xf32>
    %dot_general3A_26 = arith.constant dense<0.000000e+00> : vector<2000x32xf32>
    %dot_general3A_27 = tpu.matmul %get3A_1, %get3A_25, %dot_general3A_26 {dimension_numbers = #tpu.dot_dimension_numbers<[1], [0], [0], [1], [0, 0, 1, 1], [], []>, transpose_lhs_hint = false} : vector<2000x128xf32>, vector<128x32xf32>, vector<2000x32xf32> -> vector<2000x32xf32>
    %add3A_28 = arith.addf %dot_general3A_22, %dot_general3A_27 : vector<2000x32xf32>
    %swap3A = arith.constant 0 : index
    %swap3A_29 = arith.constant 0 : index
    %swap3A_30 = vector.load %arg8[%swap3A, %swap3A_29] : memref<2000x32xf32, #tpu.memory_space<vmem>>, vector<2000x32xf32>
    tpu.vector_store %arg8[%swap3A, %swap3A_29], %add3A_28 {strides = array<i32>} : memref<2000x32xf32, #tpu.memory_space<vmem>>, vector<2000x32xf32>,
    return
  }
  func.func @transform_0(%arg0: i32) -> (i32, i32) {
    %c0_i32 = arith.constant 0 : i32
    %c0_i32_0 = arith.constant 0 : i32
    return %arg0, %c0_i32 : i32, i32
  }
  func.func @transform_1(%arg0: i32) -> (i32, i32) {
    %c0_i32 = arith.constant 0 : i32
    %c0_i32_0 = arith.constant 0 : i32
    return %arg0, %c0_i32 : i32, i32
  }
  func.func @transform_2(%arg0: i32) -> (i32, i32) {
    %c0_i32 = arith.constant 0 : i32
    %c0_i32_0 = arith.constant 0 : i32
    %c0_i32_1 = arith.constant 0 : i32
    return %c0_i32, %c0_i32_0 : i32, i32
  }
  func.func @transform_3(%arg0: i32) -> (i32, i32) {
    %c0_i32 = arith.constant 0 : i32
    %c0_i32_0 = arith.constant 0 : i32
    %c0_i32_1 = arith.constant 0 : i32
    return %c0_i32, %c0_i32_0 : i32, i32
  }
  func.func @transform_4(%arg0: i32) -> (i32, i32) {
    %c0_i32 = arith.constant 0 : i32
    %c0_i32_0 = arith.constant 0 : i32
    %c0_i32_1 = arith.constant 0 : i32
    return %c0_i32, %c0_i32_0 : i32, i32
  }
  func.func @transform_5(%arg0: i32) -> (i32, i32) {
    %c0_i32 = arith.constant 0 : i32
    %c0_i32_0 = arith.constant 0 : i32
    %c0_i32_1 = arith.constant 0 : i32
    return %c0_i32, %c0_i32_0 : i32, i32
  }
  func.func @transform_6(%arg0: i32) -> (i32, i32) {
    %c0_i32 = arith.constant 0 : i32
    %c0_i32_0 = arith.constant 0 : i32
    %c0_i32_1 = arith.constant 0 : i32
    return %c0_i32, %c0_i32_0 : i32, i32
  }
  func.func @transform_7(%arg0: i32) -> (i32, i32) {
    %c0_i32 = arith.constant 0 : i32
    %c0_i32_0 = arith.constant 0 : i32
    return %arg0, %c0_i32 : i32, i32
  }
}

module attributes {stable_mosaic.version = 14 : i64} {
  func.func @body(%arg0: memref<2x10000x16xf32, #tpu.memory_space<vmem>>, %arg1: memref<2x10000x16xf32, #tpu.memory_space<vmem>>, %arg2: memref<10000x64xf32, #tpu.memory_space<vmem>>, %arg3: memref<64x16xf32, #tpu.memory_space<vmem>>, %arg4: memref<1x16xf32, #tpu.memory_space<vmem>>, %arg5: memref<1x16xf32, #tpu.memory_space<vmem>>, %arg6: memref<1x16xf32, #tpu.memory_space<vmem>>, %arg7: memref<10000x16xf32, #tpu.memory_space<vmem>>) attributes {dimension_semantics = [], scalar_prefetch = 0 : i64, scratch_operands = 0 : i64, tpu.core_type = #tpu.core_type<tc>} {
    %get3A = arith.constant 0 : index
    %get3A_0 = arith.constant 0 : index
    %get3A_1 = arith.constant 0 : index
    %get3A_2 = vector.load %arg0[%get3A, %get3A_0, %get3A_1] : memref<2x10000x16xf32, #tpu.memory_space<vmem>>, vector<1x10000x16xf32>
    %get3A_3 = vector.shape_cast %get3A_2 : vector<1x10000x16xf32> to vector<10000x16xf32>
    %get3A_4 = arith.constant 1 : index
    %get3A_5 = arith.constant 0 : index
    %get3A_6 = arith.constant 0 : index
    %get3A_7 = vector.load %arg0[%get3A_4, %get3A_5, %get3A_6] : memref<2x10000x16xf32, #tpu.memory_space<vmem>>, vector<1x10000x16xf32>
    %get3A_8 = vector.shape_cast %get3A_7 : vector<1x10000x16xf32> to vector<10000x16xf32>
    %add3A = arith.addf %get3A_3, %get3A_8 : vector<10000x16xf32>
    %get3A_9 = arith.constant 0 : index
    %get3A_10 = arith.constant 0 : index
    %get3A_11 = arith.constant 0 : index
    %get3A_12 = vector.load %arg1[%get3A_9, %get3A_10, %get3A_11] : memref<2x10000x16xf32, #tpu.memory_space<vmem>>, vector<1x10000x16xf32>
    %get3A_13 = vector.shape_cast %get3A_12 : vector<1x10000x16xf32> to vector<10000x16xf32>
    %get3A_14 = arith.constant 1 : index
    %get3A_15 = arith.constant 0 : index
    %get3A_16 = arith.constant 0 : index
    %get3A_17 = vector.load %arg1[%get3A_14, %get3A_15, %get3A_16] : memref<2x10000x16xf32, #tpu.memory_space<vmem>>, vector<1x10000x16xf32>
    %get3A_18 = vector.shape_cast %get3A_17 : vector<1x10000x16xf32> to vector<10000x16xf32>
    %add3A_19 = arith.addf %get3A_13, %get3A_18 : vector<10000x16xf32>
    %max3A = arith.constant 1.000000e+00 : f32
    %max3A_20 = vector.broadcast %max3A : f32 to vector<10000x16xf32>
    %max3A_21 = arith.maximumf %add3A_19, %max3A_20 : vector<10000x16xf32>
    %get3A_22 = arith.constant 0 : index
    %get3A_23 = arith.constant 0 : index
    %get3A_24 = vector.load %arg2[%get3A_22, %get3A_23] : memref<10000x64xf32, #tpu.memory_space<vmem>>, vector<10000x64xf32>
    %div3A = arith.constant 1.000000e+00 : f32
    %div3A_25 = vector.broadcast %div3A : f32 to vector<10000x16xf32>
    %div3A_26 = arith.divf %div3A_25, %max3A_21 : vector<10000x16xf32>
    %mul3A = arith.mulf %max3A_21, %div3A_26 : vector<10000x16xf32>
    %sub3A = arith.constant 2.000000e+00 : f32
    %sub3A_27 = vector.broadcast %sub3A : f32 to vector<10000x16xf32>
    %sub3A_28 = arith.subf %sub3A_27, %mul3A : vector<10000x16xf32>
    %mul3A_29 = arith.mulf %div3A_26, %sub3A_28 : vector<10000x16xf32>
    %mul3A_30 = arith.mulf %add3A, %mul3A_29 : vector<10000x16xf32>
    %get3A_31 = arith.constant 0 : index
    %get3A_32 = arith.constant 0 : index
    %get3A_33 = vector.load %arg3[%get3A_31, %get3A_32] : memref<64x16xf32, #tpu.memory_space<vmem>>, vector<64x16xf32>
    %dot_general3A = arith.constant dense<0.000000e+00> : vector<10000x16xf32>
    %dot_general3A_34 = tpu.matmul %get3A_24, %get3A_33, %dot_general3A {dimension_numbers = #tpu.dot_dimension_numbers<[1], [0], [0], [1], [0, 0, 1, 1], [], []>, transpose_lhs_hint = false} : vector<10000x64xf32>, vector<64x16xf32>, vector<10000x16xf32> -> vector<10000x16xf32>
    %add3A_35 = arith.addf %mul3A_30, %dot_general3A_34 : vector<10000x16xf32>
    %get3A_36 = arith.constant 0 : index
    %get3A_37 = arith.constant 0 : index
    %get3A_38 = vector.load %arg4[%get3A_36, %get3A_37] : memref<1x16xf32, #tpu.memory_space<vmem>>, vector<1x16xf32>
    %add3A_39 = vector.broadcast %get3A_38 : vector<1x16xf32> to vector<10000x16xf32>
    %add3A_40 = arith.addf %add3A_35, %add3A_39 : vector<10000x16xf32>
    %reduce_sum3A = arith.constant dense<0.000000e+00> : vector<16xf32>
    %reduce_sum3A_41 = vector.multi_reduction <add>, %add3A_40, %reduce_sum3A [0] : vector<10000x16xf32> to vector<16xf32>
    %broadcast_in_dim3A = vector.shape_cast %reduce_sum3A_41 : vector<16xf32> to vector<1x16xf32>
    %div3A_42 = arith.constant 1.000000e+04 : f32
    %div3A_43 = vector.broadcast %div3A_42 : f32 to vector<1x16xf32>
    %div3A_44 = arith.divf %broadcast_in_dim3A, %div3A_43 : vector<1x16xf32>
    %sub3A_45 = vector.broadcast %div3A_44 : vector<1x16xf32> to vector<10000x16xf32>
    %sub3A_46 = arith.subf %add3A_40, %sub3A_45 : vector<10000x16xf32>
    %mul3A_47 = arith.mulf %sub3A_46, %sub3A_46 : vector<10000x16xf32>
    %reduce_sum3A_48 = arith.constant dense<0.000000e+00> : vector<16xf32>
    %reduce_sum3A_49 = vector.multi_reduction <add>, %mul3A_47, %reduce_sum3A_48 [0] : vector<10000x16xf32> to vector<16xf32>
    %broadcast_in_dim3A_50 = vector.shape_cast %reduce_sum3A_49 : vector<16xf32> to vector<1x16xf32>
    %div3A_51 = arith.constant 1.000000e+04 : f32
    %div3A_52 = vector.broadcast %div3A_51 : f32 to vector<1x16xf32>
    %div3A_53 = arith.divf %broadcast_in_dim3A_50, %div3A_52 : vector<1x16xf32>
    %add3A_54 = arith.constant 9.99999974E-6 : f32
    %add3A_55 = vector.broadcast %add3A_54 : f32 to vector<1x16xf32>
    %add3A_56 = arith.addf %div3A_53, %add3A_55 : vector<1x16xf32>
    %rsqrt3A = math.rsqrt %add3A_56 : vector<1x16xf32>
    %mul3A_57 = arith.constant 5.000000e-01 : f32
    %mul3A_58 = vector.broadcast %mul3A_57 : f32 to vector<1x16xf32>
    %mul3A_59 = arith.mulf %mul3A_58, %add3A_56 : vector<1x16xf32>
    %mul3A_60 = arith.mulf %mul3A_59, %rsqrt3A : vector<1x16xf32>
    %mul3A_61 = arith.mulf %mul3A_60, %rsqrt3A : vector<1x16xf32>
    %sub3A_62 = arith.constant 1.500000e+00 : f32
    %sub3A_63 = vector.broadcast %sub3A_62 : f32 to vector<1x16xf32>
    %sub3A_64 = arith.subf %sub3A_63, %mul3A_61 : vector<1x16xf32>
    %mul3A_65 = arith.mulf %rsqrt3A, %sub3A_64 : vector<1x16xf32>
    %mul3A_66 = vector.broadcast %mul3A_65 : vector<1x16xf32> to vector<10000x16xf32>
    %mul3A_67 = arith.mulf %sub3A_46, %mul3A_66 : vector<10000x16xf32>
    %get3A_68 = arith.constant 0 : index
    %get3A_69 = arith.constant 0 : index
    %get3A_70 = vector.load %arg5[%get3A_68, %get3A_69] : memref<1x16xf32, #tpu.memory_space<vmem>>, vector<1x16xf32>
    %mul3A_71 = vector.broadcast %get3A_70 : vector<1x16xf32> to vector<10000x16xf32>
    %mul3A_72 = arith.mulf %mul3A_67, %mul3A_71 : vector<10000x16xf32>
    %get3A_73 = arith.constant 0 : index
    %get3A_74 = arith.constant 0 : index
    %get3A_75 = vector.load %arg6[%get3A_73, %get3A_74] : memref<1x16xf32, #tpu.memory_space<vmem>>, vector<1x16xf32>
    %add3A_76 = vector.broadcast %get3A_75 : vector<1x16xf32> to vector<10000x16xf32>
    %add3A_77 = arith.addf %mul3A_72, %add3A_76 : vector<10000x16xf32>
    %max3A_78 = arith.constant 0.000000e+00 : f32
    %max3A_79 = vector.broadcast %max3A_78 : f32 to vector<10000x16xf32>
    %max3A_80 = arith.maximumf %add3A_77, %max3A_79 : vector<10000x16xf32>
    %swap3A = arith.constant 0 : index
    %swap3A_81 = arith.constant 0 : index
    %swap3A_82 = vector.load %arg7[%swap3A, %swap3A_81] : memref<10000x16xf32, #tpu.memory_space<vmem>>, vector<10000x16xf32>
    tpu.vector_store %arg7[%swap3A, %swap3A_81], %max3A_80 {strides = array<i32>} : memref<10000x16xf32, #tpu.memory_space<vmem>>, vector<10000x16xf32>,
    return
  }
}

module attributes {stable_mosaic.version = 14 : i64} {
  func.func @body(%arg0: i32, %arg1: memref<1000x128xf32, #tpu.memory_space<vmem>>, %arg2: memref<1000x128xf32, #tpu.memory_space<vmem>>, %arg3: memref<128x2048xf32, #tpu.memory_space<vmem>>, %arg4: memref<1x2048xf32, #tpu.memory_space<vmem>>, %arg5: memref<128x2048xf32, #tpu.memory_space<vmem>>, %arg6: memref<128x128xf32, #tpu.memory_space<vmem>>, %arg7: memref<2048x128xf32, #tpu.memory_space<vmem>>, %arg8: memref<1000x128xf32, #tpu.memory_space<vmem>>) attributes {dimension_semantics = [#tpu.dimension_semantics<arbitrary>], iteration_bounds = array<i64: 20>, scalar_prefetch = 0 : i64, scratch_operands = 0 : i64, tpu.core_type = #tpu.core_type<tc>, window_params = [{transform_indices = @transform_0, window_bounds = array<i64: 1000, 128>}, {transform_indices = @transform_1, window_bounds = array<i64: 1000, 128>}, {pipeline_mode = #tpu.pipeline_mode<synchronous>, transform_indices = @transform_2, window_bounds = array<i64: 128, 2048>}, {pipeline_mode = #tpu.pipeline_mode<synchronous>, transform_indices = @transform_3, window_bounds = array<i64: 1, 2048>}, {pipeline_mode = #tpu.pipeline_mode<synchronous>, transform_indices = @transform_4, window_bounds = array<i64: 128, 2048>}, {pipeline_mode = #tpu.pipeline_mode<synchronous>, transform_indices = @transform_5, window_bounds = array<i64: 128, 128>}, {pipeline_mode = #tpu.pipeline_mode<synchronous>, transform_indices = @transform_6, window_bounds = array<i64: 2048, 128>}, {transform_indices = @transform_7, window_bounds = array<i64: 1000, 128>}]} {
    %get3A = arith.constant 0 : index
    %get3A_0 = arith.constant 0 : index
    %get3A_1 = vector.load %arg1[%get3A, %get3A_0] : memref<1000x128xf32, #tpu.memory_space<vmem>>, vector<1000x128xf32>
    %get3A_2 = arith.constant 0 : index
    %get3A_3 = arith.constant 0 : index
    %get3A_4 = vector.load %arg2[%get3A_2, %get3A_3] : memref<1000x128xf32, #tpu.memory_space<vmem>>, vector<1000x128xf32>
    %get3A_5 = arith.constant 0 : index
    %get3A_6 = arith.constant 0 : index
    %get3A_7 = vector.load %arg3[%get3A_5, %get3A_6] : memref<128x2048xf32, #tpu.memory_space<vmem>>, vector<128x2048xf32>
    %dot_general3A = arith.constant dense<0.000000e+00> : vector<1000x2048xf32>
    %dot_general3A_8 = tpu.matmul %get3A_4, %get3A_7, %dot_general3A {dimension_numbers = #tpu.dot_dimension_numbers<[1], [0], [0], [1], [0, 0, 1, 1], [], []>, transpose_lhs_hint = false} : vector<1000x128xf32>, vector<128x2048xf32>, vector<1000x2048xf32> -> vector<1000x2048xf32>
    %get3A_9 = arith.constant 0 : index
    %get3A_10 = arith.constant 0 : index
    %get3A_11 = vector.load %arg4[%get3A_9, %get3A_10] : memref<1x2048xf32, #tpu.memory_space<vmem>>, vector<1x2048xf32>
    %add3A = vector.broadcast %get3A_11 : vector<1x2048xf32> to vector<1000x2048xf32>
    %add3A_12 = arith.addf %dot_general3A_8, %add3A : vector<1000x2048xf32>
    %max3A = arith.constant 0.000000e+00 : f32
    %max3A_13 = vector.broadcast %max3A : f32 to vector<1000x2048xf32>
    %max3A_14 = arith.maximumf %add3A_12, %max3A_13 : vector<1000x2048xf32>
    %get3A_15 = arith.constant 0 : index
    %get3A_16 = arith.constant 0 : index
    %get3A_17 = vector.load %arg5[%get3A_15, %get3A_16] : memref<128x2048xf32, #tpu.memory_space<vmem>>, vector<128x2048xf32>
    %dot_general3A_18 = arith.constant dense<0.000000e+00> : vector<1000x2048xf32>
    %dot_general3A_19 = tpu.matmul %get3A_1, %get3A_17, %dot_general3A_18 {dimension_numbers = #tpu.dot_dimension_numbers<[1], [0], [0], [1], [0, 0, 1, 1], [], []>, transpose_lhs_hint = false} : vector<1000x128xf32>, vector<128x2048xf32>, vector<1000x2048xf32> -> vector<1000x2048xf32>
    %mul3A = arith.mulf %max3A_14, %dot_general3A_19 : vector<1000x2048xf32>
    %get3A_20 = arith.constant 0 : index
    %get3A_21 = arith.constant 0 : index
    %get3A_22 = vector.load %arg7[%get3A_20, %get3A_21] : memref<2048x128xf32, #tpu.memory_space<vmem>>, vector<2048x128xf32>
    %dot_general3A_23 = arith.constant dense<0.000000e+00> : vector<1000x128xf32>
    %dot_general3A_24 = tpu.matmul %mul3A, %get3A_22, %dot_general3A_23 {dimension_numbers = #tpu.dot_dimension_numbers<[1], [0], [0], [1], [0, 0, 1, 1], [], []>, transpose_lhs_hint = false} : vector<1000x2048xf32>, vector<2048x128xf32>, vector<1000x128xf32> -> vector<1000x128xf32>
    %get3A_25 = arith.constant 0 : index
    %get3A_26 = arith.constant 0 : index
    %get3A_27 = vector.load %arg6[%get3A_25, %get3A_26] : memref<128x128xf32, #tpu.memory_space<vmem>>, vector<128x128xf32>
    %dot_general3A_28 = arith.constant dense<0.000000e+00> : vector<1000x128xf32>
    %dot_general3A_29 = tpu.matmul %get3A_1, %get3A_27, %dot_general3A_28 {dimension_numbers = #tpu.dot_dimension_numbers<[1], [0], [0], [1], [0, 0, 1, 1], [], []>, transpose_lhs_hint = false} : vector<1000x128xf32>, vector<128x128xf32>, vector<1000x128xf32> -> vector<1000x128xf32>
    %add3A_30 = arith.addf %dot_general3A_24, %dot_general3A_29 : vector<1000x128xf32>
    %swap3A = arith.constant 0 : index
    %swap3A_31 = arith.constant 0 : index
    %swap3A_32 = vector.load %arg8[%swap3A, %swap3A_31] : memref<1000x128xf32, #tpu.memory_space<vmem>>, vector<1000x128xf32>
    tpu.vector_store %arg8[%swap3A, %swap3A_31], %add3A_30 {strides = array<i32>} : memref<1000x128xf32, #tpu.memory_space<vmem>>, vector<1000x128xf32>,
    return
  }
  func.func @transform_0(%arg0: i32) -> (i32, i32) {
    %c0_i32 = arith.constant 0 : i32
    %c0_i32_0 = arith.constant 0 : i32
    return %arg0, %c0_i32 : i32, i32
  }
  func.func @transform_1(%arg0: i32) -> (i32, i32) {
    %c0_i32 = arith.constant 0 : i32
    %c0_i32_0 = arith.constant 0 : i32
    return %arg0, %c0_i32 : i32, i32
  }
  func.func @transform_2(%arg0: i32) -> (i32, i32) {
    %c0_i32 = arith.constant 0 : i32
    %c0_i32_0 = arith.constant 0 : i32
    %c0_i32_1 = arith.constant 0 : i32
    return %c0_i32, %c0_i32_0 : i32, i32
  }
  func.func @transform_3(%arg0: i32) -> (i32, i32) {
    %c0_i32 = arith.constant 0 : i32
    %c0_i32_0 = arith.constant 0 : i32
    %c0_i32_1 = arith.constant 0 : i32
    return %c0_i32, %c0_i32_0 : i32, i32
  }
  func.func @transform_4(%arg0: i32) -> (i32, i32) {
    %c0_i32 = arith.constant 0 : i32
    %c0_i32_0 = arith.constant 0 : i32
    %c0_i32_1 = arith.constant 0 : i32
    return %c0_i32, %c0_i32_0 : i32, i32
  }
  func.func @transform_5(%arg0: i32) -> (i32, i32) {
    %c0_i32 = arith.constant 0 : i32
    %c0_i32_0 = arith.constant 0 : i32
    %c0_i32_1 = arith.constant 0 : i32
    return %c0_i32, %c0_i32_0 : i32, i32
  }
  func.func @transform_6(%arg0: i32) -> (i32, i32) {
    %c0_i32 = arith.constant 0 : i32
    %c0_i32_0 = arith.constant 0 : i32
    %c0_i32_1 = arith.constant 0 : i32
    return %c0_i32, %c0_i32_0 : i32, i32
  }
  func.func @transform_7(%arg0: i32) -> (i32, i32) {
    %c0_i32 = arith.constant 0 : i32
    %c0_i32_0 = arith.constant 0 : i32
    return %arg0, %c0_i32 : i32, i32
  }
}

module attributes {stable_mosaic.version = 14 : i64} {
  func.func @body(%arg0: memref<2x10000x16xf32, #tpu.memory_space<vmem>>, %arg1: memref<2x10000x16xf32, #tpu.memory_space<vmem>>, %arg2: memref<10000x16xf32, #tpu.memory_space<vmem>>, %arg3: memref<16x16xf32, #tpu.memory_space<vmem>>, %arg4: memref<1x16xf32, #tpu.memory_space<vmem>>, %arg5: memref<1x16xf32, #tpu.memory_space<vmem>>, %arg6: memref<1x16xf32, #tpu.memory_space<vmem>>, %arg7: memref<10000x16xf32, #tpu.memory_space<vmem>>) attributes {dimension_semantics = [], scalar_prefetch = 0 : i64, scratch_operands = 0 : i64, tpu.core_type = #tpu.core_type<tc>} {
    %get3A = arith.constant 0 : index
    %get3A_0 = arith.constant 0 : index
    %get3A_1 = arith.constant 0 : index
    %get3A_2 = vector.load %arg0[%get3A, %get3A_0, %get3A_1] : memref<2x10000x16xf32, #tpu.memory_space<vmem>>, vector<1x10000x16xf32>
    %get3A_3 = vector.shape_cast %get3A_2 : vector<1x10000x16xf32> to vector<10000x16xf32>
    %get3A_4 = arith.constant 1 : index
    %get3A_5 = arith.constant 0 : index
    %get3A_6 = arith.constant 0 : index
    %get3A_7 = vector.load %arg0[%get3A_4, %get3A_5, %get3A_6] : memref<2x10000x16xf32, #tpu.memory_space<vmem>>, vector<1x10000x16xf32>
    %get3A_8 = vector.shape_cast %get3A_7 : vector<1x10000x16xf32> to vector<10000x16xf32>
    %add3A = arith.addf %get3A_3, %get3A_8 : vector<10000x16xf32>
    %get3A_9 = arith.constant 0 : index
    %get3A_10 = arith.constant 0 : index
    %get3A_11 = arith.constant 0 : index
    %get3A_12 = vector.load %arg1[%get3A_9, %get3A_10, %get3A_11] : memref<2x10000x16xf32, #tpu.memory_space<vmem>>, vector<1x10000x16xf32>
    %get3A_13 = vector.shape_cast %get3A_12 : vector<1x10000x16xf32> to vector<10000x16xf32>
    %get3A_14 = arith.constant 1 : index
    %get3A_15 = arith.constant 0 : index
    %get3A_16 = arith.constant 0 : index
    %get3A_17 = vector.load %arg1[%get3A_14, %get3A_15, %get3A_16] : memref<2x10000x16xf32, #tpu.memory_space<vmem>>, vector<1x10000x16xf32>
    %get3A_18 = vector.shape_cast %get3A_17 : vector<1x10000x16xf32> to vector<10000x16xf32>
    %add3A_19 = arith.addf %get3A_13, %get3A_18 : vector<10000x16xf32>
    %max3A = arith.constant 1.000000e+00 : f32
    %max3A_20 = vector.broadcast %max3A : f32 to vector<10000x16xf32>
    %max3A_21 = arith.maximumf %add3A_19, %max3A_20 : vector<10000x16xf32>
    %get3A_22 = arith.constant 0 : index
    %get3A_23 = arith.constant 0 : index
    %get3A_24 = vector.load %arg2[%get3A_22, %get3A_23] : memref<10000x16xf32, #tpu.memory_space<vmem>>, vector<10000x16xf32>
    %div3A = arith.constant 1.000000e+00 : f32
    %div3A_25 = vector.broadcast %div3A : f32 to vector<10000x16xf32>
    %div3A_26 = arith.divf %div3A_25, %max3A_21 : vector<10000x16xf32>
    %mul3A = arith.mulf %max3A_21, %div3A_26 : vector<10000x16xf32>
    %sub3A = arith.constant 2.000000e+00 : f32
    %sub3A_27 = vector.broadcast %sub3A : f32 to vector<10000x16xf32>
    %sub3A_28 = arith.subf %sub3A_27, %mul3A : vector<10000x16xf32>
    %mul3A_29 = arith.mulf %div3A_26, %sub3A_28 : vector<10000x16xf32>
    %mul3A_30 = arith.mulf %add3A, %mul3A_29 : vector<10000x16xf32>
    %get3A_31 = arith.constant 0 : index
    %get3A_32 = arith.constant 0 : index
    %get3A_33 = vector.load %arg3[%get3A_31, %get3A_32] : memref<16x16xf32, #tpu.memory_space<vmem>>, vector<16x16xf32>
    %dot_general3A = arith.constant dense<0.000000e+00> : vector<10000x16xf32>
    %dot_general3A_34 = tpu.matmul %get3A_24, %get3A_33, %dot_general3A {dimension_numbers = #tpu.dot_dimension_numbers<[1], [0], [0], [1], [0, 0, 1, 1], [], []>, transpose_lhs_hint = false} : vector<10000x16xf32>, vector<16x16xf32>, vector<10000x16xf32> -> vector<10000x16xf32>
    %add3A_35 = arith.addf %mul3A_30, %dot_general3A_34 : vector<10000x16xf32>
    %get3A_36 = arith.constant 0 : index
    %get3A_37 = arith.constant 0 : index
    %get3A_38 = vector.load %arg4[%get3A_36, %get3A_37] : memref<1x16xf32, #tpu.memory_space<vmem>>, vector<1x16xf32>
    %add3A_39 = vector.broadcast %get3A_38 : vector<1x16xf32> to vector<10000x16xf32>
    %add3A_40 = arith.addf %add3A_35, %add3A_39 : vector<10000x16xf32>
    %reduce_sum3A = arith.constant dense<0.000000e+00> : vector<16xf32>
    %reduce_sum3A_41 = vector.multi_reduction <add>, %add3A_40, %reduce_sum3A [0] : vector<10000x16xf32> to vector<16xf32>
    %broadcast_in_dim3A = vector.shape_cast %reduce_sum3A_41 : vector<16xf32> to vector<1x16xf32>
    %div3A_42 = arith.constant 1.000000e+04 : f32
    %div3A_43 = vector.broadcast %div3A_42 : f32 to vector<1x16xf32>
    %div3A_44 = arith.divf %broadcast_in_dim3A, %div3A_43 : vector<1x16xf32>
    %sub3A_45 = vector.broadcast %div3A_44 : vector<1x16xf32> to vector<10000x16xf32>
    %sub3A_46 = arith.subf %add3A_40, %sub3A_45 : vector<10000x16xf32>
    %mul3A_47 = arith.mulf %sub3A_46, %sub3A_46 : vector<10000x16xf32>
    %reduce_sum3A_48 = arith.constant dense<0.000000e+00> : vector<16xf32>
    %reduce_sum3A_49 = vector.multi_reduction <add>, %mul3A_47, %reduce_sum3A_48 [0] : vector<10000x16xf32> to vector<16xf32>
    %broadcast_in_dim3A_50 = vector.shape_cast %reduce_sum3A_49 : vector<16xf32> to vector<1x16xf32>
    %div3A_51 = arith.constant 1.000000e+04 : f32
    %div3A_52 = vector.broadcast %div3A_51 : f32 to vector<1x16xf32>
    %div3A_53 = arith.divf %broadcast_in_dim3A_50, %div3A_52 : vector<1x16xf32>
    %add3A_54 = arith.constant 9.99999974E-6 : f32
    %add3A_55 = vector.broadcast %add3A_54 : f32 to vector<1x16xf32>
    %add3A_56 = arith.addf %div3A_53, %add3A_55 : vector<1x16xf32>
    %rsqrt3A = math.rsqrt %add3A_56 : vector<1x16xf32>
    %mul3A_57 = arith.constant 5.000000e-01 : f32
    %mul3A_58 = vector.broadcast %mul3A_57 : f32 to vector<1x16xf32>
    %mul3A_59 = arith.mulf %mul3A_58, %add3A_56 : vector<1x16xf32>
    %mul3A_60 = arith.mulf %mul3A_59, %rsqrt3A : vector<1x16xf32>
    %mul3A_61 = arith.mulf %mul3A_60, %rsqrt3A : vector<1x16xf32>
    %sub3A_62 = arith.constant 1.500000e+00 : f32
    %sub3A_63 = vector.broadcast %sub3A_62 : f32 to vector<1x16xf32>
    %sub3A_64 = arith.subf %sub3A_63, %mul3A_61 : vector<1x16xf32>
    %mul3A_65 = arith.mulf %rsqrt3A, %sub3A_64 : vector<1x16xf32>
    %mul3A_66 = vector.broadcast %mul3A_65 : vector<1x16xf32> to vector<10000x16xf32>
    %mul3A_67 = arith.mulf %sub3A_46, %mul3A_66 : vector<10000x16xf32>
    %get3A_68 = arith.constant 0 : index
    %get3A_69 = arith.constant 0 : index
    %get3A_70 = vector.load %arg5[%get3A_68, %get3A_69] : memref<1x16xf32, #tpu.memory_space<vmem>>, vector<1x16xf32>
    %mul3A_71 = vector.broadcast %get3A_70 : vector<1x16xf32> to vector<10000x16xf32>
    %mul3A_72 = arith.mulf %mul3A_67, %mul3A_71 : vector<10000x16xf32>
    %get3A_73 = arith.constant 0 : index
    %get3A_74 = arith.constant 0 : index
    %get3A_75 = vector.load %arg6[%get3A_73, %get3A_74] : memref<1x16xf32, #tpu.memory_space<vmem>>, vector<1x16xf32>
    %add3A_76 = vector.broadcast %get3A_75 : vector<1x16xf32> to vector<10000x16xf32>
    %add3A_77 = arith.addf %mul3A_72, %add3A_76 : vector<10000x16xf32>
    %max3A_78 = arith.constant 0.000000e+00 : f32
    %max3A_79 = vector.broadcast %max3A_78 : f32 to vector<10000x16xf32>
    %max3A_80 = arith.maximumf %add3A_77, %max3A_79 : vector<10000x16xf32>
    %add3A_81 = arith.addf %max3A_80, %get3A_24 : vector<10000x16xf32>
    %swap3A = arith.constant 0 : index
    %swap3A_82 = arith.constant 0 : index
    %swap3A_83 = vector.load %arg7[%swap3A, %swap3A_82] : memref<10000x16xf32, #tpu.memory_space<vmem>>, vector<10000x16xf32>
    tpu.vector_store %arg7[%swap3A, %swap3A_82], %add3A_81 {strides = array<i32>} : memref<10000x16xf32, #tpu.memory_space<vmem>>, vector<10000x16xf32>,
    return
  }
}

module attributes {stable_mosaic.version = 14 : i64} {
  func.func @body(%arg0: memref<10000x16xf32, #tpu.memory_space<vmem>>, %arg1: memref<1x10000xi32, #tpu.memory_space<vmem>>, %arg2: memref<16x8xf32, #tpu.memory_space<vmem>>, %arg3: memref<1x8xf32, #tpu.memory_space<vmem>>, %arg4: memref<8x1xf32, #tpu.memory_space<vmem>>, %arg5: memref<1x1xf32, #tpu.memory_space<vmem>>, %arg6: memref<64x1xf32, #tpu.memory_space<vmem>>) attributes {dimension_semantics = [], scalar_prefetch = 0 : i64, scratch_operands = 0 : i64, tpu.core_type = #tpu.core_type<tc>} {
    %iota3A = tpu.iota {dimensions = array<i32: 0>} : vector<64x10000xi32>
    %get3A = arith.constant 0 : index
    %get3A_0 = arith.constant 0 : index
    %get3A_1 = vector.load %arg1[%get3A, %get3A_0] : memref<1x10000xi32, #tpu.memory_space<vmem>>, vector<1x10000xi32>
    %eq3A = vector.broadcast %get3A_1 : vector<1x10000xi32> to vector<64x10000xi32>
    %eq3A_2 = arith.cmpi eq, %iota3A, %eq3A : vector<64x10000xi32>
    %convert_element_type3A = arith.extui %eq3A_2 : vector<64x10000xi1> to vector<64x10000xi32>
    %convert_element_type3A_3 = arith.sitofp %convert_element_type3A : vector<64x10000xi32> to vector<64x10000xf32>
    %get3A_4 = arith.constant 0 : index
    %get3A_5 = arith.constant 0 : index
    %get3A_6 = vector.load %arg0[%get3A_4, %get3A_5] : memref<10000x16xf32, #tpu.memory_space<vmem>>, vector<10000x16xf32>
    %dot_general3A = arith.constant dense<0.000000e+00> : vector<64x16xf32>
    %dot_general3A_7 = tpu.matmul %convert_element_type3A_3, %get3A_6, %dot_general3A {dimension_numbers = #tpu.dot_dimension_numbers<[1], [0], [0], [1], [0, 0, 1, 1], [], []>, transpose_lhs_hint = false} : vector<64x10000xf32>, vector<10000x16xf32>, vector<64x16xf32> -> vector<64x16xf32>
    %reduce_sum3A = arith.constant dense<0.000000e+00> : vector<64xf32>
    %reduce_sum3A_8 = vector.multi_reduction <add>, %convert_element_type3A_3, %reduce_sum3A [1] : vector<64x10000xf32> to vector<64xf32>
    %broadcast_in_dim3A = vector.shape_cast %reduce_sum3A_8 : vector<64xf32> to vector<64x1xf32>
    %max3A = arith.constant 1.000000e+00 : f32
    %max3A_9 = vector.broadcast %max3A : f32 to vector<64x1xf32>
    %max3A_10 = arith.maximumf %broadcast_in_dim3A, %max3A_9 : vector<64x1xf32>
    %div3A = arith.constant 1.000000e+00 : f32
    %div3A_11 = vector.broadcast %div3A : f32 to vector<64x1xf32>
    %div3A_12 = arith.divf %div3A_11, %max3A_10 : vector<64x1xf32>
    %mul3A = arith.mulf %max3A_10, %div3A_12 : vector<64x1xf32>
    %sub3A = arith.constant 2.000000e+00 : f32
    %sub3A_13 = vector.broadcast %sub3A : f32 to vector<64x1xf32>
    %sub3A_14 = arith.subf %sub3A_13, %mul3A : vector<64x1xf32>
    %mul3A_15 = arith.mulf %div3A_12, %sub3A_14 : vector<64x1xf32>
    %mul3A_16 = vector.broadcast %mul3A_15 : vector<64x1xf32> to vector<64x16xf32>
    %mul3A_17 = arith.mulf %dot_general3A_7, %mul3A_16 : vector<64x16xf32>
    %get3A_18 = arith.constant 0 : index
    %get3A_19 = arith.constant 0 : index
    %get3A_20 = vector.load %arg2[%get3A_18, %get3A_19] : memref<16x8xf32, #tpu.memory_space<vmem>>, vector<16x8xf32>
    %dot_general3A_21 = arith.constant dense<0.000000e+00> : vector<64x8xf32>
    %dot_general3A_22 = tpu.matmul %mul3A_17, %get3A_20, %dot_general3A_21 {dimension_numbers = #tpu.dot_dimension_numbers<[1], [0], [0], [1], [0, 0, 1, 1], [], []>, transpose_lhs_hint = false} : vector<64x16xf32>, vector<16x8xf32>, vector<64x8xf32> -> vector<64x8xf32>
    %get3A_23 = arith.constant 0 : index
    %get3A_24 = arith.constant 0 : index
    %get3A_25 = vector.load %arg3[%get3A_23, %get3A_24] : memref<1x8xf32, #tpu.memory_space<vmem>>, vector<1x8xf32>
    %add3A = vector.broadcast %get3A_25 : vector<1x8xf32> to vector<64x8xf32>
    %add3A_26 = arith.addf %dot_general3A_22, %add3A : vector<64x8xf32>
    %max3A_27 = arith.constant 0.000000e+00 : f32
    %max3A_28 = vector.broadcast %max3A_27 : f32 to vector<64x8xf32>
    %max3A_29 = arith.maximumf %add3A_26, %max3A_28 : vector<64x8xf32>
    %get3A_30 = arith.constant 0 : index
    %get3A_31 = arith.constant 0 : index
    %get3A_32 = vector.load %arg4[%get3A_30, %get3A_31] : memref<8x1xf32, #tpu.memory_space<vmem>>, vector<8x1xf32>
    %dot_general3A_33 = arith.constant dense<0.000000e+00> : vector<64x1xf32>
    %dot_general3A_34 = tpu.matmul %max3A_29, %get3A_32, %dot_general3A_33 {dimension_numbers = #tpu.dot_dimension_numbers<[1], [0], [0], [1], [0, 0, 1, 1], [], []>, transpose_lhs_hint = false} : vector<64x8xf32>, vector<8x1xf32>, vector<64x1xf32> -> vector<64x1xf32>
    %get3A_35 = arith.constant 0 : index
    %get3A_36 = arith.constant 0 : index
    %get3A_37 = vector.load %arg5[%get3A_35, %get3A_36] : memref<1x1xf32, #tpu.memory_space<vmem>>, vector<1x1xf32>
    %add3A_38 = vector.broadcast %get3A_37 : vector<1x1xf32> to vector<64x1xf32>
    %add3A_39 = arith.addf %dot_general3A_34, %add3A_38 : vector<64x1xf32>
    %swap3A = arith.constant 0 : index
    %swap3A_40 = arith.constant 0 : index
    %swap3A_41 = vector.load %arg6[%swap3A, %swap3A_40] : memref<64x1xf32, #tpu.memory_space<vmem>>, vector<64x1xf32>
    tpu.vector_store %arg6[%swap3A, %swap3A_40], %add3A_39 {strides = array<i32>} : memref<64x1xf32, #tpu.memory_space<vmem>>, vector<64x1xf32>,
    return
  }
}

</mosaic_0001>

<sc_bundles>
// kernel: kernel.16.cloned.1.call-start
scs
__scs_entry_jumppad:
0x0: {  	(pc) =	sbr.rel $0x88, $3  }
0x1: {  	(tag) =	ssettag $0x0;
	lr =	simm.s32 $0x1  }
0x2: {  	[smem:$0x3F81] =	sst lr;
	_ =	strace $0xD0000000  }
0x3: {  	_ = 	snop  }
0x4: {  	_ = 	snop  }
0x5: {  	_ = 	snop  }
0x6: {  	_ = 	snop  }
0x7: {  	_ = 	snop  }
__scs_overlays_trampoline_lowered:
0x8: {  	[smem:$0x3F90] =	sst s0  }
0x9: {  	[smem:$0x3F91] =	sst s1  }
0xa: {  	[smem:$0x3F92] =	sst s2  }
0xb: {  	[smem:$0x3F93] =	sst s3  }
0xc: {  	[smem:$0x3F94] =	sst s4  }
0xd: {  	[smem:$0x3F95] =	sst s5  }
0xe: {  	[smem:$0x3F96] =	sst s6  }
0xf: {  	[smem:$0x3F97] =	sst s7  }
0x10: {  	[smem:$0x3F98] =	sst s8  }
0x11: {  	[smem:$0x3F99] =	sst s9;
	s0 =	simm.s32 @!p0 $0x0  }
0x12: {  	s1 =	sld [smem:$0x3F7F];
	s0 =	simm.s32 @p0 $0x1  }
0x13: {  	[smem:$0x3F9A] =	sst s0;
	s0 =	simm.s32 @!p1 $0x0  }
0x14: {  	s2 =	sld [smem:$0x3F7E];
	s0 =	simm.s32 @p1 $0x1  }
0x15: {  	[smem:$0x3F9B] =	sst s0;
	s0 =	simm.s32 @!p2 $0x0  }
0x16: {  	s3 =	sld [smem:$0x3FDB];
	s0 =	simm.s32 @p2 $0x1  }
0x17: {  	s4 =	simm.s32 $0x1BF5;
	[smem:$0x3F9D] =	sst s0  }
0x18: {  	s0 =	sld [smem:$0x3F80];
	_ =	swait.ge [sflag:s4], $0x0  }
0x19: {  	s7 =	sld [smem:$0x3F81]  }
0x1a: {  	s8 =	sadd.s32 $0xFFFFE003, lr  }
0x1b: {  	s9 =	sadd.s32 $0xFFFFFEF7, lr;
	s5 =	simm.s32 $0xFFFFFFFF;
	p2 =	slt.u32 s8, $0xFFFFF086  }
0x1c: {  	p1 =	slt.u32 s9, $0xF7A;
	s5 =	simm.s32 @!p2 $0x0  }
0x1d: {  	s5 =	simm.s32 @p1 $0x1;
	p0 =	seq.s32 s7, s2  }
0x1e: {  	s7 =	smul.u32 @!p0 $0xF7A, s2;
	p2 =	seq.s32 @!p0 s5, $0x0  }
0x1f: {  	s9 =	smul.u32 $0xF7A, s1;
	s8 =	simm.s32 @!p0 $0x1BF5;
	p2 =	por !p2, p0  }
0x20: {  	[sflag:s8] =	ssyncset.s32 @!p0 $0xFFFFF086;
	s6 =	sadd.s32 @!p0 s3, s7;
	s7 =	simm.s32 @!p0 $0x108  }
0x21: {  	s3 =	sadd.s32 s3, s9;
	s6 =	sadd.s32 @!p0 $0x88, s6;
	s7 =	simm.s32 @p2 $0x1082  }
0x22: {  	[simem:s7], [sflag:s8] =	dma.local @!p0 [hbm:s6], $0xF7A  }
0x23: {  	s9 =	sor.u32 $0xD0000000, s2;
	s6 =	simm.s32 $0x108;
	_ =	swait.ge @!p0 [sflag:s8], $0x0  }
0x24: {  	s3 =	sadd.s32 $0x88, s3;
	s6 =	simm.s32 @!p1 $0x1082;
	[sflag:s4] =	ssyncset.s32 $0xFFFFF086  }
0x25: {  	[simem:s6], [sflag:s4] =	dma.local [hbm:s3], $0xF7A  }
0x26: {  	[smem:$0x3F81] =	sst s1;
	(tag) =	ssettag s2;
	_ =	strace s9  }
0x27: {  	s1 =	sld [smem:$0x3F91]  }
0x28: {  	s2 =	sld [smem:$0x3F92]  }
0x29: {  	s4 =	sld [smem:$0x3F94]  }
0x2a: {  	p0 =	seq.s32 s5, $0x0;
	s5 =	sld [smem:$0x3F95]  }
0x2b: {  	s6 =	sld [smem:$0x3F96]  }
0x2c: {  	s7 =	sld [smem:$0x3F97]  }
0x2d: {  	s3 =	simm.s32 $0x108;
	s8 =	sld [smem:$0x3F98]  }
0x2e: {  	s3 =	simm.s32 @!p0 $0x1082;
	s9 =	sld [smem:$0x3F99]  }
0x2f: {  	lr =	sadd.s32 s0, s3;
	s0 =	sld [smem:$0x3F90]  }
0x30: {  	s3 =	sld [smem:$0x3F93]  }
0x31: {  	[smem:$0x3F9C] =	sst s10  }
0x32: {  	s10 =	sld [smem:$0x3F9A];
	_ =	sdelay $0x3  }
0x33: {  	p0 =	seq.s32 s10, $0x1;
	s10 =	sld [smem:$0x3F9C];
	_ =	sdelay $0x3  }
0x34: {  	[smem:$0x3F9C] =	sst s10  }
0x35: {  	s10 =	sld [smem:$0x3F9B];
	_ =	sdelay $0x3  }
0x36: {  	p1 =	seq.s32 s10, $0x1;
	s10 =	sld [smem:$0x3F9C];
	_ =	sdelay $0x3  }
0x37: {  	[smem:$0x3F9C] =	sst s10  }
0x38: {  	s10 =	sld [smem:$0x3F9D]  }
0x39: {  	_ = 	snop;
	(pc) =	sbr.ind lr, $3  }
0x3a: {  	_ = 	snop  }
0x3b: {  	_ = 	snop  }
0x3c: {  	p2 =	seq.s32 s10, $0x1;
	s10 =	sld [smem:$0x3F9C]  }
0x3d: {  	_ =	shalt  }
0x3e: {  	_ =	shalt  }
0x3f: {  	_ =	shalt  }
0x40: {  	_ =	shalt  }
0x41: {  	_ =	shalt  }
0x42: {  	_ =	shalt  }
0x43: {  	_ =	shalt  }
0x44: {  	_ =	shalt  }
0x45: {  	_ =	shalt  }
0x46: {  	_ =	shalt  }
0x47: {  	_ =	shalt  }
0x48: {  	_ =	shalt  }
0x49: {  	_ =	shalt  }
0x4a: {  	_ =	shalt  }
0x4b: {  	_ =	shalt  }
0x4c: {  	_ =	shalt  }
0x4d: {  	_ =	shalt  }
0x4e: {  	_ =	shalt  }
0x4f: {  	_ =	shalt  }
0x50: {  	_ =	shalt  }
0x51: {  	_ =	shalt  }
0x52: {  	_ =	shalt  }
0x53: {  	_ =	shalt  }
0x54: {  	_ =	shalt  }
0x55: {  	_ =	shalt  }
0x56: {  	_ =	shalt  }
0x57: {  	_ =	shalt  }
0x58: {  	_ =	shalt  }
0x59: {  	_ =	shalt  }
0x5a: {  	_ =	shalt  }
0x5b: {  	_ =	shalt  }
0x5c: {  	_ =	shalt  }
0x5d: {  	_ =	shalt  }
0x5e: {  	_ =	shalt  }
0x5f: {  	_ =	shalt  }
0x60: {  	_ =	shalt  }
0x61: {  	_ =	shalt  }
0x62: {  	_ =	shalt  }
0x63: {  	_ =	shalt  }
0x64: {  	_ =	shalt  }
0x65: {  	_ =	shalt  }
0x66: {  	_ =	shalt  }
0x67: {  	_ =	shalt  }
0x68: {  	_ =	shalt  }
0x69: {  	_ =	shalt  }
0x6a: {  	_ =	shalt  }
0x6b: {  	_ =	shalt  }
0x6c: {  	_ =	shalt  }
0x6d: {  	_ =	shalt  }
0x6e: {  	_ =	shalt  }
0x6f: {  	_ =	shalt  }
0x70: {  	_ =	shalt  }
0x71: {  	_ =	shalt  }
0x72: {  	_ =	shalt  }
0x73: {  	_ =	shalt  }
0x74: {  	_ =	shalt  }
0x75: {  	_ =	shalt  }
0x76: {  	_ =	shalt  }
0x77: {  	_ =	shalt  }
0x78: {  	_ =	shalt  }
0x79: {  	_ =	shalt  }
0x7a: {  	_ =	shalt  }
0x7b: {  	_ =	shalt  }
0x7c: {  	_ =	shalt  }
0x7d: {  	_ =	shalt  }
0x7e: {  	_ =	shalt  }
0x7f: {  	_ =	shalt  }
0x80: {  	_ =	shalt  }
0x81: {  	_ =	shalt  }
0x82: {  	_ =	shalt  }
0x83: {  	_ =	shalt  }
0x84: {  	_ =	shalt  }
0x85: {  	_ =	shalt  }
0x86: {  	_ =	shalt  }
0x87: {  	_ =	shalt  }
.Lfunc_end0:
.L_simem_size_0:
called_computation_lowered:
.L_overlay_start_0:
0x88: {  	s2 =	sld [smem:$0x3FD9]  }
0x89: {  	s3 =	sld [smem:$0x3FFE];
	_ =	sdelay $0x1  }
0x8a: {  	s1 =	srdreg.scid  }
0x8b: {  	s0 =	sand.u32 $0x1, s1  }
0x8c: {  	s16 =	sshll.u32 s0, $0xA;
	s2 =	sadd.s32 s3, s2  }
0x8d: {  	s2 =	sadd.s32 s2, s16  }
0x8e: {  	[smem:$0x3FA8] =	sst s2  }
0x8f: {  	_ = 	snop  }
0x90: {  	(tm) =	ssettm $0x1  }
0x91: {  	s17 =	sld [smem:$0x3FFB];
	_ =	sdelay $0x3  }
0x92: {  	_ =	strace s17  }
0x93: {  	s2 =	sld [smem:$0x3FFC];
	_ =	sdelay $0x3  }
0x94: {  	_ =	strace s2  }
0x95: {  	s2 =	sld [smem:$0x3FFD];
	_ =	sdelay $0x3  }
0x96: {  	_ =	strace s2  }
0x97: {  	_ =	strace $0x8FFFFFFF  }
0x98: {  	s18 =	sld [smem:$0x3FDB];
	_ =	sdelay $0x1  }
0x99: {  	s19 =	simm.s32 $_scs_section_size  }
0x9a: {  	s4 =	simm.s32 $_size__tile_overlayer_lowered;
	s5 =	simm.s32 $_tile_overlayer_lowered  }
0x9b: {  	s22 =	simm.s32 $0x1BFF;
	s21 =	sshll.u32 s5, $0x1;
	s2 =	sadd.s32 s19, s18  }
0x9c: {  	s6 =	simm.s32 $0x0;
	s20 =	sshll.u32 s4, $0x1;
	s4 =	sadd.s32 s21, s2  }
0x9d: {  	[timem:s6], [sflag:s22] =	dma.local [hbm:s4], s20  }
0x9e: {  	_ =	swait.ge [sflag:s22], s20  }
0x9f: {  	s3 =	ssub.s32 $0x0, s20;
	[sflag:s22] =	ssyncset.done $0x0  }
0xa0: {  	[sflag:s22] =	ssyncadd.s32 s3;
	_ =	sdelay $0x1  }
0xa1: {  	s23 =	simm.s32 $0x1B8B  }
0xa2: {  	_ =	swait.ge [sflag:s23], $0x1  }
0xa3: {  	[sflag:s23] =	ssyncset.done $0x0  }
0xa4: {  	s25 =	simm.s32 $0x1B8E;
	s24 =	sld [smem:$0x3FFE];
	[sflag:s23] =	ssyncadd.s32 $0xFFFFFFFF  }
0xa5: {  	s26 =	simm.s32 $execute0_lowered;
	[smem:$0x3FD2] =	sst s25  }
0xa6: {  	s4 =	sshll.u32 s26, $0x1;
	_ =	strace $0x80000046;
	[dreg:$0x1] =	wrdreg $0xFFFFFFFF  }
0xa7: {  	s28 =	simm.s32 $_size_execute0_lowered;
	s2 =	sadd.s32 s2, s4;
	[dreg:$0x0] =	wrdreg $0x0  }
0xa8: {  	s4 =	sshll.u32 s28, $0x1;
	[dreg:$0x2] =	wrdreg s2  }
0xa9: {  	[dreg:$0x3] =	wrdreg s4  }
0xaa: {  	[dreg:$0x4] =	wrdreg $0xC0  }
0xab: {  	_ =	task [dreg:s6], $0x5FFFF  }
0xac: {  	[dreg:$0x1] =	wrdreg $0xFFFFFFFF  }
0xad: {  	[dreg:$0x0] =	wrdreg $0x60  }
0xae: {  	[dreg:$0x2] =	wrdreg s24  }
0xaf: {  	[dreg:$0x3] =	wrdreg $0x9  }
0xb0: {  	_ =	task.clear_ibuf [dreg:s6], $0x4FFFF;
	_ =	strace $0x90000046  }
0xb1: {  	s29 =	simm.s32 $0x9;
	_ =	strace $0x80000048  }
0xb2: {  	_ =	swait.ge [sflag:s29], $0x1  }
0xb3: {  	[sflag:s29] =	ssyncadd.s32 $0xFFFFFFFF  }
0xb4: {  	_ =	strace $0x90000048  }
0xb5: {  	_ =	sfence  }
0xb6: {  	s30 =	sld [smem:$0x0];
	_ =	sdelay $0x2  }
0xb7: {  	s31 =	sshll.u32 s1, $0xD;
	s1 =	sshrl.u32 s1, $0x2  }
0xb8: {  	s3 =	sand.u32 $0x4000, s31;
	s1 =	sadd.s32 s1, s30  }
0xb9: {  	s0 =	sor.u32 s3, s0;
	s1 =	sshll.u32 s1, $0x11  }
0xba: {  	s0 =	sor.u32 s1, s0  }
0xbb: {  	s0 =	sadd.s32 $0x8F2B, s0  }
0xbc: {  	[sflag:s0] =	ssyncadd.remote.s32 $0x1  }
0xbd: {  	_ =	sfence.sel $0xFFFF  }
0xbe: {  	[dreg:$0x0] =	wrdreg $0xFFFFFFFF;
	(pc) =	sbr.abs _section_cstart, $3  }
0xbf: {  	[dreg:$0x1] =	wrdreg $0xFFFFFFFF  }
0xc0: {  	_ =	task.clear_ibuf [dreg:s6], $0x2FFFF;
	_ =	strace $0x9FFFFFFF  }
0xc1: {  	(tm) =	ssettm $0x7FFFFFFF  }
tec
execute0_lowered:
.L_overlay_start_1:
0x0: {  	(tag) =	ssettag $0x1  }
0x1: {  	s0 =	srdreg.scid  }
0x2: {  	s2 =	stileid.u32;
	s1 =	rddreg [dreg:$0x0];
	s13 =	simm.s32 $0x2  }
0x3: {  	s18 =	simm.s32 $0x28;
	s19 =	simm.s32 $0x1388;
	s16 =	simm.s32 $0xB388  }
0x4: {  	s17 =	simm.s32 $0xBD88;
	s9 =	simm.s32 $0xDB88;
	s10 =	simm.s32 $0xE588  }
0x5: {  	s11 =	simm.s32 $0xEF88;
	s0 =	sand.u32 $0x1, s0;
	s3 =	sshll.u32 s2, $0x1  }
0x6: {  	s12 =	simm.s32 $0xF988;
	s20 =	simm.s32 $0x10388;
	s3 =	sor.u32 s0, s3  }
0x7: {  	s21 =	simm.s32 $0x15DA8;
	s0 =	ssub.s32 $0x2, s0;
	s3 =	smul.u32 $0x1388, s3  }
0x8: {  	s22 =	simm.s32 $0x1;
	s28 =	simm.s32 $0x0;
	s8 =	sshrl.u32 s0, $0x1  }
0x9: {  	s2 =	simm.s32 $0x0;
	s0 =	ssub.s32 s0, s8;
	s5 =	sshrl.u32 s3, $0x3  }
0xa: {  	[smem:$0x7FF] =	sst s2;
	s0 =	smax.u32 s0, $0x1;
	s7 =	sadd.s32 s5, s1  }
0xb: {  	_ =	strace $0x80000047;
	[dreg:$0x7] =	wrdreg s0;
	s25 =	sadd.s32 $0x6000, s7  }
0xc: {  	s4 =	sadd.s32 $0x10000, s1;
	s26 =	sadd.s32 $0x23A00, s7;
	[dreg:$0x2] =	wrdreg s25  }
0xd: {  	s6 =	sadd.s32 $0x16FC00, s1;
	s29 =	sadd.s32 $0x28820, s7;
	[dreg:$0x3] =	wrdreg s26  }
0xe: {  	s8 =	simm.s32 $0xD188;
	s30 =	sadd.s32 $0x2D640, s7;
	[dreg:$0x4] =	wrdreg s29  }
0xf: {  	s5 =	sadd.s32 $0x37400, s1;
	s31 =	sadd.s32 $0x32460, s7;
	[dreg:$0x5] =	wrdreg s30  }
0x10: {  	v0 =	vimm.f32 $0.0e+00;
	v1 =	vlaneseq.u32;
	s1 =	simm.s32 $0x0;
	s7 =	simm.s32 $0xC788;
	[dreg:$0x6] =	wrdreg s31  }
.LBB2_1:
0x11: {  	[dreg:$0x8] =	wrdreg s1  }
0x12: {  	s0 =	rddreg [dreg:$0x2]  }
0x13: {  	[tilespmem:s2], [sflag:$0x2] =	stream.linear.gather [hbm4b:s0+s2], $0x1388, $0x38;
	[tilespmem:$0x19C28] =	vst v63  }
0x14: {  	_ =	swait.ge [sflag:s13], $0x1388  }
0x15: {  	[sflag:s13] =	ssyncset.done $0x0  }
0x16: {  	s23 =	simm.s32 $0x10D88;
	s15 =	rddreg [dreg:$0x3];
	[sflag:s13] =	ssyncadd.s32 $0xFFFFEC78  }
0x17: {  	[tilespmem:s23], [sflag:$0x2] =	stream.linear.gather [hbm4b:s15+s2], $0x1388, $0x38;
	[tilespmem:$0x19C28] =	vst v63  }
0x18: {  	_ =	swait.ge [sflag:s13], $0x1388  }
0x19: {  	[sflag:s13] =	ssyncset.done $0x0  }
0x1a: {  	s25 =	simm.s32 $0x12190;
	s24 =	rddreg [dreg:$0x4];
	[sflag:s13] =	ssyncadd.s32 $0xFFFFEC78  }
0x1b: {  	[tilespmem:s25], [sflag:$0x2] =	stream.linear.gather [hbm4b:s24+s2], $0x1388, $0x38;
	[tilespmem:$0x19C28] =	vst v63  }
0x1c: {  	_ =	swait.ge [sflag:s13], $0x1388  }
0x1d: {  	[sflag:s13] =	ssyncset.done $0x0  }
0x1e: {  	s29 =	simm.s32 $0x13598;
	s26 =	rddreg [dreg:$0x5];
	[sflag:s13] =	ssyncadd.s32 $0xFFFFEC78  }
0x1f: {  	[tilespmem:s29], [sflag:$0x2] =	stream.linear.gather [hbm4b:s26+s2], $0x1388, $0x38;
	[tilespmem:$0x19C28] =	vst v63  }
0x20: {  	_ =	swait.ge [sflag:s13], $0x1388  }
0x21: {  	[sflag:s13] =	ssyncset.done $0x0  }
0x22: {  	s31 =	simm.s32 $0x149A0;
	s30 =	rddreg [dreg:$0x6];
	[sflag:s13] =	ssyncadd.s32 $0xFFFFEC78  }
0x23: {  	[tilespmem:s31], [sflag:$0x2] =	stream.linear.gather [hbm4b:s30+s2], $0x1388, $0x38;
	[tilespmem:$0x19C28] =	vst v63  }
0x24: {  	_ =	swait.ge [sflag:s13], $0x1388  }
0x25: {  	[sflag:s13] =	ssyncset.done $0x0  }
0x26: {  	s15 =	simm.s32 $0x15DE8;
	[sflag:s13] =	ssyncadd.s32 $0xFFFFEC78  }
0x27: {  	[tilespmem:s15+$0xFFFFFFC0] =	vst v0  }
0x28: {  	[tilespmem:s15+$0x30] =	vst v0  }
0x29: {  	[tilespmem:s15+$0x20] =	vst v0  }
0x2a: {  	[tilespmem:s15+$0x10] =	vst v0  }
0x2b: {  	[tilespmem:s15+$0x0] =	vst v0  }
0x2c: {  	[tilespmem:s15+$0xFFFFFFF0] =	vst v0  }
0x2d: {  	s23 =	simm.s32 $0x0;
	[tilespmem:s15+$0xFFFFFFE0] =	vst v0  }
.LBB2_2:
0x2e: {  	s23 =	sadd.s32 $0x8, s23;
	[tilespmem:s15+$0xFFFFFFD0] =	vst v0;
	s15 =	sadd.s32 $0x80, s15  }
0x2f: {  	[tilespmem:s15+$0xFFFFFFC0] =	vst v0;
	p0 =	slt.u32 s23, $0x3E0  }
0x30: {  	[tilespmem:s15+$0x30] =	vst v0  }
.Ltmp0:
0x31: {  	[tilespmem:s15+$0x20] =	vst v0;
	(pc) =	sbr.rel @p0 .LBB2_2-.Ltmp0, $4  }
0x32: {  	[tilespmem:s15+$0x10] =	vst v0  }
0x33: {  	[tilespmem:s15+$0x0] =	vst v0  }
0x34: {  	s31 =	simm.s32 $0x149A0;
	[tilespmem:s15+$0xFFFFFFF0] =	vst v0  }
0x35: {  	s14 =	simm.s32 $0x10D88;
	s0 =	simm.s32 $0x12190;
	s1 =	simm.s32 $0x13598;
	[tilespmem:s15+$0xFFFFFFE0] =	vst v0  }
0x36: {  	[tilespmem:s15+$0xFFFFFFD0] =	vst v0;
	s29 =	simm.s32 $0x0  }
.LBB2_4:
0x37: {  	s15 =	smul.u32 $0xFA0, s29;
	_ =	sdelay $0x1  }
0x38: {  	s15 =	sshra.s32 s15, $0x2  }
0x39: {  	[tilespmem:s19], [sflag:$0x1] =	stream.indirect.gather [hbm4b:s4+s18], $0x40, s15, s18, $0xb8;
	[tilespmem:$0x19C28] =	vst v63  }
0x3a: {  	s24 =	simm.s32 $0x1D88;
	s23 =	sadd.s32 $0x28, s15  }
0x3b: {  	[tilespmem:s24], [sflag:$0x1] =	stream.indirect.gather [hbm4b:s4+s18], $0x40, s23, s18, $0xb8;
	[tilespmem:$0x19C28] =	vst v63  }
0x3c: {  	s26 =	simm.s32 $0x2788;
	s25 =	sadd.s32 $0x50, s15  }
0x3d: {  	[tilespmem:s26], [sflag:$0x1] =	stream.indirect.gather [hbm4b:s4+s18], $0x40, s25, s18, $0xb8;
	[tilespmem:$0x19C28] =	vst v63  }
0x3e: {  	s25 =	sadd.s32 $0x78, s15;
	s26 =	simm.s32 $0x3188  }
0x3f: {  	[tilespmem:s26], [sflag:$0x1] =	stream.indirect.gather [hbm4b:s4+s18], $0x40, s25, s18, $0xb8;
	[tilespmem:$0x19C28] =	vst v63  }
0x40: {  	s25 =	sadd.s32 $0xA0, s15;
	s26 =	simm.s32 $0x3B88  }
0x41: {  	[tilespmem:s26], [sflag:$0x1] =	stream.indirect.gather [hbm4b:s4+s18], $0x40, s25, s18, $0xb8;
	[tilespmem:$0x19C28] =	vst v63  }
0x42: {  	s25 =	sadd.s32 $0xC8, s15;
	s26 =	simm.s32 $0x4588  }
0x43: {  	[tilespmem:s26], [sflag:$0x1] =	stream.indirect.gather [hbm4b:s4+s18], $0x40, s25, s18, $0xb8;
	[tilespmem:$0x19C28] =	vst v63  }
0x44: {  	s25 =	sadd.s32 $0xF0, s15;
	s26 =	simm.s32 $0x4F88  }
0x45: {  	[tilespmem:s26], [sflag:$0x1] =	stream.indirect.gather [hbm4b:s4+s18], $0x40, s25, s18, $0xb8;
	[tilespmem:$0x19C28] =	vst v63  }
0x46: {  	s25 =	sadd.s32 $0x118, s15;
	s26 =	simm.s32 $0x5988  }
0x47: {  	[tilespmem:s26], [sflag:$0x1] =	stream.indirect.gather [hbm4b:s4+s18], $0x40, s25, s18, $0xb8;
	[tilespmem:$0x19C28] =	vst v63  }
0x48: {  	s25 =	sadd.s32 $0x140, s15;
	s26 =	simm.s32 $0x6388  }
0x49: {  	[tilespmem:s26], [sflag:$0x1] =	stream.indirect.gather [hbm4b:s4+s18], $0x40, s25, s18, $0xb8;
	[tilespmem:$0x19C28] =	vst v63  }
0x4a: {  	s25 =	sadd.s32 $0x168, s15;
	s26 =	simm.s32 $0x6D88  }
0x4b: {  	[tilespmem:s26], [sflag:$0x1] =	stream.indirect.gather [hbm4b:s4+s18], $0x40, s25, s18, $0xb8;
	[tilespmem:$0x19C28] =	vst v63  }
0x4c: {  	s25 =	sadd.s32 $0x190, s15;
	s26 =	simm.s32 $0x7788  }
0x4d: {  	[tilespmem:s26], [sflag:$0x1] =	stream.indirect.gather [hbm4b:s4+s18], $0x40, s25, s18, $0xb8;
	[tilespmem:$0x19C28] =	vst v63  }
0x4e: {  	s25 =	sadd.s32 $0x1B8, s15;
	s26 =	simm.s32 $0x8188  }
0x4f: {  	[tilespmem:s26], [sflag:$0x1] =	stream.indirect.gather [hbm4b:s4+s18], $0x40, s25, s18, $0xb8;
	[tilespmem:$0x19C28] =	vst v63  }
0x50: {  	s25 =	sadd.s32 $0x1E0, s15;
	s26 =	simm.s32 $0x8B88  }
0x51: {  	[tilespmem:s26], [sflag:$0x1] =	stream.indirect.gather [hbm4b:s4+s18], $0x40, s25, s18, $0xb8;
	[tilespmem:$0x19C28] =	vst v63  }
0x52: {  	s25 =	sadd.s32 $0x208, s15;
	s26 =	simm.s32 $0x9588  }
0x53: {  	[tilespmem:s26], [sflag:$0x1] =	stream.indirect.gather [hbm4b:s4+s18], $0x40, s25, s18, $0xb8;
	[tilespmem:$0x19C28] =	vst v63  }
0x54: {  	s25 =	sadd.s32 $0x230, s15;
	s26 =	simm.s32 $0x9F88  }
0x55: {  	[tilespmem:s26], [sflag:$0x1] =	stream.indirect.gather [hbm4b:s4+s18], $0x40, s25, s18, $0xb8;
	[tilespmem:$0x19C28] =	vst v63  }
0x56: {  	s25 =	sadd.s32 $0x258, s15;
	s26 =	simm.s32 $0xA988  }
0x57: {  	[tilespmem:s26], [sflag:$0x1] =	stream.indirect.gather [hbm4b:s4+s18], $0x40, s25, s18, $0xb8;
	[tilespmem:$0x19C28] =	vst v63  }
0x58: {  	s24 =	sadd.s32 $0x280, s15  }
0x59: {  	[tilespmem:s16], [sflag:$0x1] =	stream.indirect.gather [hbm4b:s4+s18], $0x40, s24, s18, $0xb8;
	[tilespmem:$0x19C28] =	vst v63  }
0x5a: {  	s25 =	sadd.s32 $0x2A8, s15  }
0x5b: {  	[tilespmem:s17], [sflag:$0x1] =	stream.indirect.gather [hbm4b:s4+s18], $0x40, s25, s18, $0xb8;
	[tilespmem:$0x19C28] =	vst v63  }
0x5c: {  	s26 =	sadd.s32 $0x2D0, s15  }
0x5d: {  	[tilespmem:s7], [sflag:$0x1] =	stream.indirect.gather [hbm4b:s4+s18], $0x40, s26, s18, $0xb8;
	[tilespmem:$0x19C28] =	vst v63  }
0x5e: {  	s24 =	sadd.s32 $0x2F8, s15  }
0x5f: {  	[tilespmem:s8], [sflag:$0x1] =	stream.indirect.gather [hbm4b:s4+s18], $0x40, s24, s18, $0xb8;
	[tilespmem:$0x19C28] =	vst v63  }
0x60: {  	s25 =	sadd.s32 $0x320, s15  }
0x61: {  	[tilespmem:s9], [sflag:$0x1] =	stream.indirect.gather [hbm4b:s4+s18], $0x40, s25, s18, $0xb8;
	[tilespmem:$0x19C28] =	vst v63  }
0x62: {  	s26 =	sadd.s32 $0x348, s15  }
0x63: {  	[tilespmem:s10], [sflag:$0x1] =	stream.indirect.gather [hbm4b:s4+s18], $0x40, s26, s18, $0xb8;
	[tilespmem:$0x19C28] =	vst v63  }
0x64: {  	s24 =	sadd.s32 $0x370, s15  }
0x65: {  	[tilespmem:s11], [sflag:$0x1] =	stream.indirect.gather [hbm4b:s4+s18], $0x40, s24, s18, $0xb8;
	[tilespmem:$0x19C28] =	vst v63  }
0x66: {  	s25 =	sadd.s32 $0x398, s15  }
0x67: {  	[tilespmem:s12], [sflag:$0x1] =	stream.indirect.gather [hbm4b:s4+s18], $0x40, s25, s18, $0xb8;
	[tilespmem:$0x19C28] =	vst v63  }
0x68: {  	v2 =	vor.u32 s28, v1;
	s15 =	sadd.s32 $0x3C0, s15  }
0x69: {  	vm0 =	vlt.u32 v2, $0x3E8;
	[tilespmem:s20], [sflag:$0x1] =	stream.indirect.gather [hbm4b:s4+s18], $0x40, s15, s18, $0xb8;
	[tilespmem:$0x19C28] =	vst v63  }
0x6a: {  	v2 =	vshll.u32 v2, $0x4;
	v3 =	vld [tilespmem:s14+$0x0];
	_ =	sdelay $0x4  }
0x6b: {  	[tilespmem:v2+s21+$0x0] =	vst.idx.msk vm0, v3  }
0x6c: {  	v4 =	vor.u32 $0x1, v2;
	v3 =	vld [tilespmem:s0+$0x0];
	_ =	sdelay $0x4  }
0x6d: {  	[tilespmem:v4+s21+$0x0] =	vst.idx.msk vm0, v3  }
0x6e: {  	v4 =	vor.u32 $0x2, v2;
	v3 =	vld [tilespmem:s1+$0x0];
	_ =	sdelay $0x4  }
0x6f: {  	[tilespmem:v4+s21+$0x0] =	vst.idx.msk vm0, v3  }
0x70: {  	v4 =	vor.u32 $0x3, v2;
	v3 =	vld [tilespmem:s31+$0x0];
	_ =	sdelay $0x1  }
0x71: {  	s30 =	smul.u32 $0x3E8, s29  }
0x72: {  	s23 =	smov.u32 s31;
	s26 =	simm.s32 $0x10;
	s24 =	smov.u32 s14  }
0x73: {  	s25 =	smov.u32 s0;
	s15 =	simm.s32 $0x20;
	v2 =	vor.u32 s26, v1;
	s26 =	smov.u32 s1  }
.LBB2_5:
0x74: {  	p0 =	sne.s32 s15, $0x3E0;
	[tilespmem:v4+s21+$0x0] =	vst.idx.msk vm0, v3;
	vm0 =	vlt.u32 v2, $0x3E8;
	s24 =	sadd.s32 $0x10, s24  }
0x75: {  	v2 =	vshll.u32 v2, $0x4;
	v3 =	vld [tilespmem:s24+$0x0];
	_ =	sdelay $0x4  }
0x76: {  	s25 =	sadd.s32 $0x10, s25;
	[tilespmem:v2+s21+$0x0] =	vst.idx.msk vm0, v3  }
0x77: {  	v4 =	vor.u32 $0x1, v2;
	v3 =	vld [tilespmem:s25+$0x0];
	_ =	sdelay $0x4  }
0x78: {  	s26 =	sadd.s32 $0x10, s26;
	[tilespmem:v4+s21+$0x0] =	vst.idx.msk vm0, v3  }
0x79: {  	v4 =	vor.u32 $0x2, v2;
	v3 =	vld [tilespmem:s26+$0x0];
	_ =	sdelay $0x4  }
0x7a: {  	s23 =	sadd.s32 $0x10, s23;
	[tilespmem:v4+s21+$0x0] =	vst.idx.msk vm0, v3  }
.Ltmp1:
0x7b: {  	v4 =	vor.u32 $0x3, v2;
	v3 =	vld [tilespmem:s23+$0x0];
	(pc) =	sbr.rel @p0 .LBB2_5-.Ltmp1, $2  }
0x7c: {  	_ =	sdelay $0x2  }
0x7d: {  	v2 =	vor.u32 s15, v1;
	s15 =	sadd.s32 $0x10, s15  }
0x7e: {  	_ =	sdelay $0x4  }
0x7f: {  	vm1 =	vlt.u32 v2, $0x3E8;
	[tilespmem:v4+s21+$0x0] =	vst.idx.msk vm0, v3;
	s15 =	sadd.s32 $0x10, s24  }
0x80: {  	v2 =	vshll.u32 v2, $0x4;
	v3 =	vld [tilespmem:s15+$0x0];
	_ =	sdelay $0x4  }
0x81: {  	s25 =	sadd.s32 $0x10, s25;
	[tilespmem:v2+s21+$0x0] =	vst.idx.msk vm1, v3  }
0x82: {  	v62 =	vor.u32 $0x1, v2;
	v3 =	vld [tilespmem:s25+$0x0];
	_ =	sdelay $0x4  }
0x83: {  	s24 =	sadd.s32 $0x10, s26;
	[tilespmem:v62+s21+$0x0] =	vst.idx.msk vm1, v3  }
0x84: {  	v63 =	vor.u32 $0x2, v2;
	v3 =	vld [tilespmem:s24+$0x0];
	_ =	sdelay $0x4  }
0x85: {  	s25 =	sadd.s32 $0x10, s23;
	[tilespmem:v63+s21+$0x0] =	vst.idx.msk vm1, v3  }
0x86: {  	v2 =	vor.u32 $0x3, v2;
	v3 =	vld [tilespmem:s25+$0x0];
	_ =	sdelay $0x4  }
0x87: {  	[tilespmem:v2+s21+$0x0] =	vst.idx.msk vm1, v3  }
0x88: {  	_ =	swait.ge [sflag:s22], $0xA00  }
0x89: {  	[sflag:s22] =	ssyncset.done $0x0  }
0x8a: {  	[sflag:s22] =	ssyncadd.s32 $0xFFFFF600  }
0x8b: {  	_ =	swait.ge [sflag:s22], $0xA00  }
0x8c: {  	[sflag:s22] =	ssyncset.done $0x0  }
0x8d: {  	[sflag:s22] =	ssyncadd.s32 $0xFFFFF600  }
0x8e: {  	_ =	swait.ge [sflag:s22], $0xA00  }
0x8f: {  	[sflag:s22] =	ssyncset.done $0x0  }
0x90: {  	[sflag:s22] =	ssyncadd.s32 $0xFFFFF600  }
0x91: {  	_ =	swait.ge [sflag:s22], $0xA00  }
0x92: {  	[sflag:s22] =	ssyncset.done $0x0  }
0x93: {  	[sflag:s22] =	ssyncadd.s32 $0xFFFFF600  }
0x94: {  	_ =	swait.ge [sflag:s22], $0xA00  }
0x95: {  	[sflag:s22] =	ssyncset.done $0x0  }
0x96: {  	[sflag:s22] =	ssyncadd.s32 $0xFFFFF600  }
0x97: {  	_ =	swait.ge [sflag:s22], $0xA00  }
0x98: {  	[sflag:s22] =	ssyncset.done $0x0  }
0x99: {  	[sflag:s22] =	ssyncadd.s32 $0xFFFFF600  }
0x9a: {  	_ =	swait.ge [sflag:s22], $0xA00  }
0x9b: {  	[sflag:s22] =	ssyncset.done $0x0  }
0x9c: {  	[sflag:s22] =	ssyncadd.s32 $0xFFFFF600  }
0x9d: {  	_ =	swait.ge [sflag:s22], $0xA00  }
0x9e: {  	[sflag:s22] =	ssyncset.done $0x0  }
0x9f: {  	[sflag:s22] =	ssyncadd.s32 $0xFFFFF600  }
0xa0: {  	_ =	swait.ge [sflag:s22], $0xA00  }
0xa1: {  	[sflag:s22] =	ssyncset.done $0x0  }
0xa2: {  	[sflag:s22] =	ssyncadd.s32 $0xFFFFF600  }
0xa3: {  	_ =	swait.ge [sflag:s22], $0xA00  }
0xa4: {  	[sflag:s22] =	ssyncset.done $0x0  }
0xa5: {  	[sflag:s22] =	ssyncadd.s32 $0xFFFFF600  }
0xa6: {  	_ =	swait.ge [sflag:s22], $0xA00  }
0xa7: {  	[sflag:s22] =	ssyncset.done $0x0  }
0xa8: {  	[sflag:s22] =	ssyncadd.s32 $0xFFFFF600  }
0xa9: {  	_ =	swait.ge [sflag:s22], $0xA00  }
0xaa: {  	[sflag:s22] =	ssyncset.done $0x0  }
0xab: {  	[sflag:s22] =	ssyncadd.s32 $0xFFFFF600  }
0xac: {  	_ =	swait.ge [sflag:s22], $0xA00  }
0xad: {  	[sflag:s22] =	ssyncset.done $0x0  }
0xae: {  	[sflag:s22] =	ssyncadd.s32 $0xFFFFF600  }
0xaf: {  	_ =	swait.ge [sflag:s22], $0xA00  }
0xb0: {  	[sflag:s22] =	ssyncset.done $0x0  }
0xb1: {  	[sflag:s22] =	ssyncadd.s32 $0xFFFFF600  }
0xb2: {  	_ =	swait.ge [sflag:s22], $0xA00  }
0xb3: {  	[sflag:s22] =	ssyncset.done $0x0  }
0xb4: {  	[sflag:s22] =	ssyncadd.s32 $0xFFFFF600  }
0xb5: {  	_ =	swait.ge [sflag:s22], $0xA00  }
0xb6: {  	[sflag:s22] =	ssyncset.done $0x0  }
0xb7: {  	[sflag:s22] =	ssyncadd.s32 $0xFFFFF600  }
0xb8: {  	_ =	swait.ge [sflag:s22], $0xA00  }
0xb9: {  	[sflag:s22] =	ssyncset.done $0x0  }
0xba: {  	[sflag:s22] =	ssyncadd.s32 $0xFFFFF600  }
0xbb: {  	_ =	swait.ge [sflag:s22], $0xA00  }
0xbc: {  	[sflag:s22] =	ssyncset.done $0x0  }
0xbd: {  	[sflag:s22] =	ssyncadd.s32 $0xFFFFF600  }
0xbe: {  	_ =	swait.ge [sflag:s22], $0xA00  }
0xbf: {  	[sflag:s22] =	ssyncset.done $0x0  }
0xc0: {  	[sflag:s22] =	ssyncadd.s32 $0xFFFFF600  }
0xc1: {  	_ =	swait.ge [sflag:s22], $0xA00  }
0xc2: {  	[sflag:s22] =	ssyncset.done $0x0  }
0xc3: {  	[sflag:s22] =	ssyncadd.s32 $0xFFFFF600  }
0xc4: {  	_ =	swait.ge [sflag:s22], $0xA00  }
0xc5: {  	[sflag:s22] =	ssyncset.done $0x0  }
0xc6: {  	[sflag:s22] =	ssyncadd.s32 $0xFFFFF600  }
0xc7: {  	_ =	swait.ge [sflag:s22], $0xA00  }
0xc8: {  	[sflag:s22] =	ssyncset.done $0x0  }
0xc9: {  	[sflag:s22] =	ssyncadd.s32 $0xFFFFF600  }
0xca: {  	_ =	swait.ge [sflag:s22], $0xA00  }
0xcb: {  	[sflag:s22] =	ssyncset.done $0x0  }
0xcc: {  	[sflag:s22] =	ssyncadd.s32 $0xFFFFF600  }
0xcd: {  	_ =	swait.ge [sflag:s22], $0xA00  }
0xce: {  	[sflag:s22] =	ssyncset.done $0x0  }
0xcf: {  	[sflag:s22] =	ssyncadd.s32 $0xFFFFF600  }
0xd0: {  	s26 =	sadd.s32 s3, s30;
	_ =	swait.ge [sflag:s22], $0xA00  }
0xd1: {  	s30 =	sshll.u32 s26, $0x3;
	[sflag:s22] =	ssyncset.done $0x0  }
0xd2: {  	s23 =	sadd.s32 s5, s30;
	[sflag:s22] =	ssyncadd.s32 $0xFFFFF600  }
0xd3: {  	[hbm4b:s23+s2] =	stream.linear.scatter [tilespmem:s19], [sflag:$0x2], $0xFA00, $0x38;
	[tilespmem:$0x19C28] =	vst v63  }
0xd4: {  	s29 =	sadd.s32 $0x1, s29;
	_ =	swait.ge [sflag:s13], $0xFA00  }
0xd5: {  	s15 =	sshll.u32 s26, $0x1;
	p0 =	sne.s32 s29, $0x5;
	[sflag:s13] =	ssyncset.done $0x0  }
.Ltmp2:
0xd6: {  	s15 =	sadd.s32 s6, s15;
	[sflag:s13] =	ssyncadd.s32 $0xFFFF0600;
	(pc) =	sbr.rel @p0 .LBB2_4-.Ltmp2, $4  }
0xd7: {  	[hbm4b:s15+s2] =	stream.linear.scatter [tilespmem:s21], [sflag:$0x2], $0x3E80, $0x38;
	[tilespmem:$0x19C28] =	vst v63  }
0xd8: {  	_ =	swait.ge [sflag:s13], $0x3E80  }
0xd9: {  	s14 =	sadd.s32 $0x3E8, s14;
	s0 =	sadd.s32 $0x3E8, s0;
	[sflag:s13] =	ssyncset.done $0x0  }
0xda: {  	s1 =	sadd.s32 $0x3E8, s1;
	s31 =	sadd.s32 $0x3E8, s31;
	[sflag:s13] =	ssyncadd.s32 $0xFFFFC180  }
0xdb: {  	s1 =	rddreg [dreg:$0x8]  }
0xdc: {  	s0 =	rddreg [dreg:$0x7];
	s1 =	sadd.s32 $0x1, s1  }
0xdd: {  	p0 =	sne.s32 s1, s0  }
.Ltmp3:
0xde: {  	_ = 	snop;
	(pc) =	sbr.rel @p0 .LBB2_1-.Ltmp3, $1  }
0xdf: {  	_ =	sdelay $0x3  }
0xe0: {  	_ =	sfence.sel $0x180000  }
0xe1: {  	[bflag:$0x0] =	sbarrier.arrive $0xFFFF  }
0xe2: {  	_ =	strace $0x90000047  }
0xe3: {  	s0 =	stileid.u32;
	[bflag:$0x2] =	sbarrier.arrive $0xFFFF  }
0xe4: {  	p0 =	sne.s32 s0, $0x0;
	s0 =	rddreg [dreg:$0x1]  }
0xe5: {  	s0 =	sadd.s32 @!p0 $0x100000, s0  }
0xe6: {  	[sflag:s0] =	ssyncadd.tile.s32 @!p0 $0x1;
	_ =	shalt  }
.Lfunc_end2:
_tile_overlayer_lowered:
.L_overlay_start_2:
0xe7: {  	(tag) =	ssettag $0x2  }
0xe8: {  	s0 =	rddreg [dreg:$0x0];
	s2 =	stileid.u32  }
0xe9: {  	s1 =	rddreg [dreg:$0x1];
	p0 =	sne.s32 s2, $0x0  }
0xea: {  	s3 =	rddreg [dreg:$0x2];
	[bflag:$0x3] =	sbarrier.arrive $0xFFFF;
	s2 =	simm.s32 @!p0 $0x1C02  }
0xeb: {  	[timem:s3], [sflag:s2] =	dma.local @!p0 [hbm:s0], s1  }
0xec: {  	s0 =	simm.s32 @!p0 $0x2  }
0xed: {  	_ =	swait.ge @!p0 [sflag:s0], s1  }
0xee: {  	s1 =	ssub.s32 @!p0 $0x0, s1;
	[sflag:s0] =	ssyncset.done @!p0 $0x0  }
0xef: {  	[sflag:s0] =	ssyncadd.s32 @!p0 s1  }
0xf0: {  	[bflag:$0x3] =	sbarrier.arrive $0xFFFF  }
0xf1: {  	_ =	shalt  }

// kernel: kernel.19.cloned.1.call-start
scs
__scs_entry_jumppad:
0x0: {  	(pc) =	sbr.rel $0x88, $3  }
0x1: {  	(tag) =	ssettag $0x0;
	lr =	simm.s32 $0x1  }
0x2: {  	[smem:$0x3F81] =	sst lr;
	_ =	strace $0xD0000000  }
0x3: {  	_ = 	snop  }
0x4: {  	_ = 	snop  }
0x5: {  	_ = 	snop  }
0x6: {  	_ = 	snop  }
0x7: {  	_ = 	snop  }
__scs_overlays_trampoline_lowered:
0x8: {  	[smem:$0x3F90] =	sst s0  }
0x9: {  	[smem:$0x3F91] =	sst s1  }
0xa: {  	[smem:$0x3F92] =	sst s2  }
0xb: {  	[smem:$0x3F93] =	sst s3  }
0xc: {  	[smem:$0x3F94] =	sst s4  }
0xd: {  	[smem:$0x3F95] =	sst s5  }
0xe: {  	[smem:$0x3F96] =	sst s6  }
0xf: {  	[smem:$0x3F97] =	sst s7  }
0x10: {  	[smem:$0x3F98] =	sst s8  }
0x11: {  	[smem:$0x3F99] =	sst s9;
	s0 =	simm.s32 @!p0 $0x0  }
0x12: {  	s1 =	sld [smem:$0x3F7F];
	s0 =	simm.s32 @p0 $0x1  }
0x13: {  	[smem:$0x3F9A] =	sst s0;
	s0 =	simm.s32 @!p1 $0x0  }
0x14: {  	s2 =	sld [smem:$0x3F7E];
	s0 =	simm.s32 @p1 $0x1  }
0x15: {  	[smem:$0x3F9B] =	sst s0;
	s0 =	simm.s32 @!p2 $0x0  }
0x16: {  	s3 =	sld [smem:$0x3FDB];
	s0 =	simm.s32 @p2 $0x1  }
0x17: {  	s4 =	simm.s32 $0x1BF5;
	[smem:$0x3F9D] =	sst s0  }
0x18: {  	s0 =	sld [smem:$0x3F80];
	_ =	swait.ge [sflag:s4], $0x0  }
0x19: {  	s7 =	sld [smem:$0x3F81]  }
0x1a: {  	s8 =	sadd.s32 $0xFFFFE003, lr  }
0x1b: {  	s9 =	sadd.s32 $0xFFFFFEF7, lr;
	s5 =	simm.s32 $0xFFFFFFFF;
	p2 =	slt.u32 s8, $0xFFFFF086  }
0x1c: {  	p1 =	slt.u32 s9, $0xF7A;
	s5 =	simm.s32 @!p2 $0x0  }
0x1d: {  	s5 =	simm.s32 @p1 $0x1;
	p0 =	seq.s32 s7, s2  }
0x1e: {  	s7 =	smul.u32 @!p0 $0xF7A, s2;
	p2 =	seq.s32 @!p0 s5, $0x0  }
0x1f: {  	s9 =	smul.u32 $0xF7A, s1;
	s8 =	simm.s32 @!p0 $0x1BF5;
	p2 =	por !p2, p0  }
0x20: {  	[sflag:s8] =	ssyncset.s32 @!p0 $0xFFFFF086;
	s6 =	sadd.s32 @!p0 s3, s7;
	s7 =	simm.s32 @!p0 $0x108  }
0x21: {  	s3 =	sadd.s32 s3, s9;
	s6 =	sadd.s32 @!p0 $0x88, s6;
	s7 =	simm.s32 @p2 $0x1082  }
0x22: {  	[simem:s7], [sflag:s8] =	dma.local @!p0 [hbm:s6], $0xF7A  }
0x23: {  	s9 =	sor.u32 $0xD0000000, s2;
	s6 =	simm.s32 $0x108;
	_ =	swait.ge @!p0 [sflag:s8], $0x0  }
0x24: {  	s3 =	sadd.s32 $0x88, s3;
	s6 =	simm.s32 @!p1 $0x1082;
	[sflag:s4] =	ssyncset.s32 $0xFFFFF086  }
0x25: {  	[simem:s6], [sflag:s4] =	dma.local [hbm:s3], $0xF7A  }
0x26: {  	[smem:$0x3F81] =	sst s1;
	(tag) =	ssettag s2;
	_ =	strace s9  }
0x27: {  	s1 =	sld [smem:$0x3F91]  }
0x28: {  	s2 =	sld [smem:$0x3F92]  }
0x29: {  	s4 =	sld [smem:$0x3F94]  }
0x2a: {  	p0 =	seq.s32 s5, $0x0;
	s5 =	sld [smem:$0x3F95]  }
0x2b: {  	s6 =	sld [smem:$0x3F96]  }
0x2c: {  	s7 =	sld [smem:$0x3F97]  }
0x2d: {  	s3 =	simm.s32 $0x108;
	s8 =	sld [smem:$0x3F98]  }
0x2e: {  	s3 =	simm.s32 @!p0 $0x1082;
	s9 =	sld [smem:$0x3F99]  }
0x2f: {  	lr =	sadd.s32 s0, s3;
	s0 =	sld [smem:$0x3F90]  }
0x30: {  	s3 =	sld [smem:$0x3F93]  }
0x31: {  	[smem:$0x3F9C] =	sst s10  }
0x32: {  	s10 =	sld [smem:$0x3F9A];
	_ =	sdelay $0x3  }
0x33: {  	p0 =	seq.s32 s10, $0x1;
	s10 =	sld [smem:$0x3F9C];
	_ =	sdelay $0x3  }
0x34: {  	[smem:$0x3F9C] =	sst s10  }
0x35: {  	s10 =	sld [smem:$0x3F9B];
	_ =	sdelay $0x3  }
0x36: {  	p1 =	seq.s32 s10, $0x1;
	s10 =	sld [smem:$0x3F9C];
	_ =	sdelay $0x3  }
0x37: {  	[smem:$0x3F9C] =	sst s10  }
0x38: {  	s10 =	sld [smem:$0x3F9D]  }
0x39: {  	_ = 	snop;
	(pc) =	sbr.ind lr, $3  }
0x3a: {  	_ = 	snop  }
0x3b: {  	_ = 	snop  }
0x3c: {  	p2 =	seq.s32 s10, $0x1;
	s10 =	sld [smem:$0x3F9C]  }
0x3d: {  	_ =	shalt  }
0x3e: {  	_ =	shalt  }
0x3f: {  	_ =	shalt  }
0x40: {  	_ =	shalt  }
0x41: {  	_ =	shalt  }
0x42: {  	_ =	shalt  }
0x43: {  	_ =	shalt  }
0x44: {  	_ =	shalt  }
0x45: {  	_ =	shalt  }
0x46: {  	_ =	shalt  }
0x47: {  	_ =	shalt  }
0x48: {  	_ =	shalt  }
0x49: {  	_ =	shalt  }
0x4a: {  	_ =	shalt  }
0x4b: {  	_ =	shalt  }
0x4c: {  	_ =	shalt  }
0x4d: {  	_ =	shalt  }
0x4e: {  	_ =	shalt  }
0x4f: {  	_ =	shalt  }
0x50: {  	_ =	shalt  }
0x51: {  	_ =	shalt  }
0x52: {  	_ =	shalt  }
0x53: {  	_ =	shalt  }
0x54: {  	_ =	shalt  }
0x55: {  	_ =	shalt  }
0x56: {  	_ =	shalt  }
0x57: {  	_ =	shalt  }
0x58: {  	_ =	shalt  }
0x59: {  	_ =	shalt  }
0x5a: {  	_ =	shalt  }
0x5b: {  	_ =	shalt  }
0x5c: {  	_ =	shalt  }
0x5d: {  	_ =	shalt  }
0x5e: {  	_ =	shalt  }
0x5f: {  	_ =	shalt  }
0x60: {  	_ =	shalt  }
0x61: {  	_ =	shalt  }
0x62: {  	_ =	shalt  }
0x63: {  	_ =	shalt  }
0x64: {  	_ =	shalt  }
0x65: {  	_ =	shalt  }
0x66: {  	_ =	shalt  }
0x67: {  	_ =	shalt  }
0x68: {  	_ =	shalt  }
0x69: {  	_ =	shalt  }
0x6a: {  	_ =	shalt  }
0x6b: {  	_ =	shalt  }
0x6c: {  	_ =	shalt  }
0x6d: {  	_ =	shalt  }
0x6e: {  	_ =	shalt  }
0x6f: {  	_ =	shalt  }
0x70: {  	_ =	shalt  }
0x71: {  	_ =	shalt  }
0x72: {  	_ =	shalt  }
0x73: {  	_ =	shalt  }
0x74: {  	_ =	shalt  }
0x75: {  	_ =	shalt  }
0x76: {  	_ =	shalt  }
0x77: {  	_ =	shalt  }
0x78: {  	_ =	shalt  }
0x79: {  	_ =	shalt  }
0x7a: {  	_ =	shalt  }
0x7b: {  	_ =	shalt  }
0x7c: {  	_ =	shalt  }
0x7d: {  	_ =	shalt  }
0x7e: {  	_ =	shalt  }
0x7f: {  	_ =	shalt  }
0x80: {  	_ =	shalt  }
0x81: {  	_ =	shalt  }
0x82: {  	_ =	shalt  }
0x83: {  	_ =	shalt  }
0x84: {  	_ =	shalt  }
0x85: {  	_ =	shalt  }
0x86: {  	_ =	shalt  }
0x87: {  	_ =	shalt  }
.Lfunc_end0:
.L_simem_size_0:
called_computation.1_lowered:
.L_overlay_start_0:
0x88: {  	s2 =	sld [smem:$0x3FD9]  }
0x89: {  	s3 =	sld [smem:$0x3FFE];
	_ =	sdelay $0x1  }
0x8a: {  	s1 =	srdreg.scid  }
0x8b: {  	s0 =	sand.u32 $0x1, s1  }
0x8c: {  	s16 =	sshll.u32 s0, $0xA;
	s2 =	sadd.s32 s3, s2  }
0x8d: {  	s2 =	sadd.s32 s2, s16  }
0x8e: {  	[smem:$0x3FA8] =	sst s2  }
0x8f: {  	_ = 	snop  }
0x90: {  	(tm) =	ssettm $0x1  }
0x91: {  	s17 =	sld [smem:$0x3FFB];
	_ =	sdelay $0x3  }
0x92: {  	_ =	strace s17  }
0x93: {  	s2 =	sld [smem:$0x3FFC];
	_ =	sdelay $0x3  }
0x94: {  	_ =	strace s2  }
0x95: {  	s2 =	sld [smem:$0x3FFD];
	_ =	sdelay $0x3  }
0x96: {  	_ =	strace s2  }
0x97: {  	_ =	strace $0x8FFFFFFF  }
0x98: {  	s18 =	sld [smem:$0x3FDB];
	_ =	sdelay $0x1  }
0x99: {  	s19 =	simm.s32 $_scs_section_size  }
0x9a: {  	s4 =	simm.s32 $_size__tile_overlayer_lowered;
	s5 =	simm.s32 $_tile_overlayer_lowered  }
0x9b: {  	s22 =	simm.s32 $0x1BFF;
	s21 =	sshll.u32 s5, $0x1;
	s2 =	sadd.s32 s19, s18  }
0x9c: {  	s6 =	simm.s32 $0x0;
	s20 =	sshll.u32 s4, $0x1;
	s4 =	sadd.s32 s21, s2  }
0x9d: {  	[timem:s6], [sflag:s22] =	dma.local [hbm:s4], s20  }
0x9e: {  	_ =	swait.ge [sflag:s22], s20  }
0x9f: {  	s3 =	ssub.s32 $0x0, s20;
	[sflag:s22] =	ssyncset.done $0x0  }
0xa0: {  	[sflag:s22] =	ssyncadd.s32 s3;
	_ =	sdelay $0x1  }
0xa1: {  	s23 =	simm.s32 $0x1B8B  }
0xa2: {  	_ =	swait.ge [sflag:s23], $0x1  }
0xa3: {  	[sflag:s23] =	ssyncset.done $0x0  }
0xa4: {  	s25 =	simm.s32 $0x1B8E;
	s24 =	sld [smem:$0x3FFE];
	[sflag:s23] =	ssyncadd.s32 $0xFFFFFFFF  }
0xa5: {  	s26 =	simm.s32 $execute0_lowered;
	[smem:$0x3FD2] =	sst s25  }
0xa6: {  	s4 =	sshll.u32 s26, $0x1;
	_ =	strace $0x80000049;
	[dreg:$0x1] =	wrdreg $0xFFFFFFFF  }
0xa7: {  	s28 =	simm.s32 $_size_execute0_lowered;
	s2 =	sadd.s32 s2, s4;
	[dreg:$0x0] =	wrdreg $0x0  }
0xa8: {  	s4 =	sshll.u32 s28, $0x1;
	[dreg:$0x2] =	wrdreg s2  }
0xa9: {  	[dreg:$0x3] =	wrdreg s4  }
0xaa: {  	[dreg:$0x4] =	wrdreg $0xC0  }
0xab: {  	_ =	task [dreg:s6], $0x5FFFF  }
0xac: {  	[dreg:$0x1] =	wrdreg $0xFFFFFFFF  }
0xad: {  	[dreg:$0x0] =	wrdreg $0x60  }
0xae: {  	[dreg:$0x2] =	wrdreg s24  }
0xaf: {  	[dreg:$0x3] =	wrdreg $0x8800  }
0xb0: {  	[dreg:$0x4] =	wrdreg $0x37900  }
0xb1: {  	[dreg:$0x5] =	wrdreg $0x9  }
0xb2: {  	_ =	task.clear_ibuf [dreg:s6], $0x6FFFF;
	_ =	strace $0x90000049  }
0xb3: {  	s29 =	simm.s32 $0x9;
	_ =	strace $0x8000004B  }
0xb4: {  	_ =	swait.ge [sflag:s29], $0x1  }
0xb5: {  	[sflag:s29] =	ssyncadd.s32 $0xFFFFFFFF  }
0xb6: {  	_ =	strace $0x9000004B  }
0xb7: {  	_ =	sfence  }
0xb8: {  	s30 =	sld [smem:$0x0];
	_ =	sdelay $0x2  }
0xb9: {  	s31 =	sshll.u32 s1, $0xD;
	s1 =	sshrl.u32 s1, $0x2  }
0xba: {  	s3 =	sand.u32 $0x4000, s31;
	s1 =	sadd.s32 s1, s30  }
0xbb: {  	s0 =	sor.u32 s3, s0;
	s1 =	sshll.u32 s1, $0x11  }
0xbc: {  	s0 =	sor.u32 s1, s0  }
0xbd: {  	s0 =	sadd.s32 $0x8F2B, s0  }
0xbe: {  	[sflag:s0] =	ssyncadd.remote.s32 $0x1  }
0xbf: {  	_ =	sfence.sel $0xFFFF  }
0xc0: {  	[dreg:$0x0] =	wrdreg $0xFFFFFFFF;
	(pc) =	sbr.abs _section_cstart, $3  }
0xc1: {  	[dreg:$0x1] =	wrdreg $0xFFFFFFFF  }
0xc2: {  	_ =	task.clear_ibuf [dreg:s6], $0x2FFFF;
	_ =	strace $0x9FFFFFFF  }
0xc3: {  	(tm) =	ssettm $0x7FFFFFFF  }
tec
execute0_lowered:
.L_overlay_start_1:
0x0: {  	(tag) =	ssettag $0x1  }
0x1: {  	s5 =	rddreg [dreg:$0x0]  }
0x2: {  	s0 =	rddreg [dreg:$0x1];
	s1 =	srdreg.scid  }
0x3: {  	s2 =	stileid.u32;
	s3 =	rddreg [dreg:$0x2]  }
0x4: {  	s4 =	simm.s32 $0x0;
	s21 =	sand.u32 $0x1, s1;
	s1 =	rddreg [dreg:$0x3]  }
0x5: {  	s25 =	simm.s32 $0x0;
	s12 =	smul.u32 $0x2710, s2;
	[smem:$0x7FF] =	sst s4  }
0x6: {  	s22 =	sadd.s32 $0x1C1E00, s5;
	s20 =	sadd.s32 $0xB000, s5;
	s24 =	sshll.u32 s2, $0x8  }
0x7: {  	s31 =	sshll.u32 s2, $0x9;
	p0 =	sne.s32 s2, $0x0;
	s6 =	smul.u32 $0x27100, s21  }
0x8: {  	_ =	strace $0x8000004A;
	s7 =	ssub.s32 $0x2, s21;
	s23 =	sshll.u32 s21, $0x7  }
0x9: {  	s21 =	sshll.u32 s21, $0x8;
	s8 =	sshrl.u32 s7, $0x1;
	s30 =	sadd.s32 $0x7D0, s12  }
0xa: {  	s10 =	sadd.s32 $0xFA0, s12;
	s13 =	sadd.s32 $0x1770, s12;
	s14 =	sadd.s32 $0x1F40, s12  }
0xb: {  	s15 =	sor.u32 $0x27000, s23;
	s23 =	sor.u32 s23, s24;
	s24 =	simm.s32 $0x2F90  }
0xc: {  	s6 =	sadd.s32 s12, s6;
	s19 =	ssub.s32 s7, s8;
	s7 =	sadd.s32 s30, s0  }
0xd: {  	s8 =	sadd.s32 s30, s3;
	s9 =	sadd.s32 s10, s0;
	s10 =	sadd.s32 s10, s3  }
0xe: {  	s11 =	sadd.s32 s13, s0;
	s16 =	sshrl.u32 s15, $0x3;
	s17 =	sshll.u32 s15, $0x1  }
0xf: {  	s23 =	sshrl.u32 s23, $0x3;
	s6 =	sshrl.u32 s6, $0x3;
	s15 =	sadd.s32 s20, s16  }
0x10: {  	s16 =	sadd.s32 s22, s17;
	s19 =	smax.u32 s19, $0x1;
	s20 =	sadd.s32 s23, s20  }
0x11: {  	s22 =	sadd.s32 s31, s22;
	s23 =	simm.s32 $0x1;
	s18 =	sadd.s32 s6, s5  }
0x12: {  	s5 =	sadd.s32 s12, s0;
	s6 =	sadd.s32 s12, s3;
	s12 =	sadd.s32 s13, s3  }
0x13: {  	s13 =	sadd.s32 s14, s0;
	s14 =	sadd.s32 s14, s3;
	s21 =	sadd.s32 s21, s22  }
0x14: {  	v0 =	vimm.f32 $0.0e+00;
	v1 =	vimm.f32 $1.000000000e+00;
	s22 =	simm.s32 $0x80;
	s17 =	sadd.s32 $0x19E00, s18;
	s18 =	sadd.s32 $0x10000, s18  }
.LBB2_1:
0x15: {  	s26 =	simm.s32 $0x40;
	s28 =	simm.s32 $0x0  }
.LBB2_2:
0x16: {  	p1 =	sne.s32 s26, $0x1FC0;
	[tilespmem:s28+$0x80] =	vst v0;
	s29 =	smov.u32 s26;
	s26 =	sadd.s32 $0x40, s26  }
.Ltmp0:
0x17: {  	[tilespmem:s28+$0x2F90] =	vst v1;
	(pc) =	sbr.rel @p1 .LBB2_2-.Ltmp0, $2  }
0x18: {  	_ =	sdelay $0x2  }
0x19: {  	s28 =	sshra.s32 s29, $0x2  }
0x1a: {  	[tilespmem:s28+$0x80] =	vst v0  }
0x1b: {  	[tilespmem:s28+$0x2F90] =	vst v1  }
0x1c: {  	[spmem:s5] =	stream.linear.scatter [tilespmem:s22], [sflag:$0x1], $0x7D0, $0x38;
	[tilespmem:$0x5EA0] =	vst v63  }
0x1d: {  	_ =	swait.ge [sflag:s23], $0x7D0  }
0x1e: {  	[sflag:s23] =	ssyncset.done $0x0  }
0x1f: {  	[sflag:s23] =	ssyncadd.s32 $0xFFFFF830  }
0x20: {  	[spmem:s6] =	stream.linear.scatter [tilespmem:s22], [sflag:$0x1], $0x7D0, $0x38;
	[tilespmem:$0x5EA0] =	vst v63  }
0x21: {  	_ =	swait.ge [sflag:s23], $0x7D0  }
0x22: {  	[sflag:s23] =	ssyncset.done $0x0  }
0x23: {  	[sflag:s23] =	ssyncadd.s32 $0xFFFFF830  }
0x24: {  	[spmem:s7] =	stream.linear.scatter [tilespmem:s22], [sflag:$0x1], $0x7D0, $0x38;
	[tilespmem:$0x5EA0] =	vst v63  }
0x25: {  	_ =	swait.ge [sflag:s23], $0x7D0  }
0x26: {  	[sflag:s23] =	ssyncset.done $0x0  }
0x27: {  	[sflag:s23] =	ssyncadd.s32 $0xFFFFF830  }
0x28: {  	[spmem:s8] =	stream.linear.scatter [tilespmem:s22], [sflag:$0x1], $0x7D0, $0x38;
	[tilespmem:$0x5EA0] =	vst v63  }
0x29: {  	_ =	swait.ge [sflag:s23], $0x7D0  }
0x2a: {  	[sflag:s23] =	ssyncset.done $0x0  }
0x2b: {  	[sflag:s23] =	ssyncadd.s32 $0xFFFFF830  }
0x2c: {  	[spmem:s9] =	stream.linear.scatter [tilespmem:s22], [sflag:$0x1], $0x7D0, $0x38;
	[tilespmem:$0x5EA0] =	vst v63  }
0x2d: {  	_ =	swait.ge [sflag:s23], $0x7D0  }
0x2e: {  	[sflag:s23] =	ssyncset.done $0x0  }
0x2f: {  	[sflag:s23] =	ssyncadd.s32 $0xFFFFF830  }
0x30: {  	[spmem:s10] =	stream.linear.scatter [tilespmem:s22], [sflag:$0x1], $0x7D0, $0x38;
	[tilespmem:$0x5EA0] =	vst v63  }
0x31: {  	_ =	swait.ge [sflag:s23], $0x7D0  }
0x32: {  	[sflag:s23] =	ssyncset.done $0x0  }
0x33: {  	[sflag:s23] =	ssyncadd.s32 $0xFFFFF830  }
0x34: {  	[spmem:s11] =	stream.linear.scatter [tilespmem:s22], [sflag:$0x1], $0x7D0, $0x38;
	[tilespmem:$0x5EA0] =	vst v63  }
0x35: {  	_ =	swait.ge [sflag:s23], $0x7D0  }
0x36: {  	[sflag:s23] =	ssyncset.done $0x0  }
0x37: {  	[sflag:s23] =	ssyncadd.s32 $0xFFFFF830  }
0x38: {  	[spmem:s12] =	stream.linear.scatter [tilespmem:s22], [sflag:$0x1], $0x7D0, $0x38;
	[tilespmem:$0x5EA0] =	vst v63  }
0x39: {  	_ =	swait.ge [sflag:s23], $0x7D0  }
0x3a: {  	[sflag:s23] =	ssyncset.done $0x0  }
0x3b: {  	[sflag:s23] =	ssyncadd.s32 $0xFFFFF830  }
0x3c: {  	[spmem:s13] =	stream.linear.scatter [tilespmem:s22], [sflag:$0x1], $0x7D0, $0x38;
	[tilespmem:$0x5EA0] =	vst v63  }
0x3d: {  	_ =	swait.ge [sflag:s23], $0x7D0  }
0x3e: {  	[sflag:s23] =	ssyncset.done $0x0  }
0x3f: {  	[sflag:s23] =	ssyncadd.s32 $0xFFFFF830  }
0x40: {  	[spmem:s14] =	stream.linear.scatter [tilespmem:s22], [sflag:$0x1], $0x7D0, $0x38;
	[tilespmem:$0x5EA0] =	vst v63  }
0x41: {  	_ =	swait.ge [sflag:s23], $0x7D0  }
0x42: {  	[sflag:s23] =	ssyncset.done $0x0  }
0x43: {  	[sflag:s23] =	ssyncadd.s32 $0xFFFFF830  }
0x44: {  	s26 =	sadd.s32 $0x0, s20;
	[bflag:$0x0] =	sbarrier.arrive $0xFFFF  }
0x45: {  	[tilespmem:s4], [sflag:$0x1] =	stream.linear.gather [hbm4b:s26+s4], $0x80, $0x38;
	[tilespmem:$0x5EA0] =	vst v63  }
0x46: {  	_ =	swait.ge [sflag:s23], $0x80  }
0x47: {  	[sflag:s23] =	ssyncset.done $0x0  }
0x48: {  	[sflag:s23] =	ssyncadd.s32 $0xFFFFFF80  }
0x49: {  	[tilespmem:s22], [sflag:$0x1] =	stream.linear.gather [hbm4b:s21+s4], $0x800, $0x38;
	[tilespmem:$0x5EA0] =	vst v63  }
0x4a: {  	_ =	swait.ge [sflag:s23], $0x800  }
0x4b: {  	[sflag:s23] =	ssyncset.done $0x0  }
0x4c: {  	[sflag:s23] =	ssyncadd.s32 $0xFFFFF800  }
0x4d: {  	[spmem:s0] =	stream.indirect.scatter.add.f32 [tilespmem:s22], [sflag:$0x1], $0x10, s4, s22, $0xb8;
	[tilespmem:$0x5EA0] =	vst v63  }
0x4e: {  	_ =	swait.ge [sflag:s23], $0x800  }
0x4f: {  	[sflag:s23] =	ssyncset.done $0x0  }
0x50: {  	[sflag:s23] =	ssyncadd.s32 $0xFFFFF800  }
0x51: {  	[spmem:s3] =	stream.indirect.scatter.add.f32 [tilespmem:s24], [sflag:$0x1], $0x10, s4, s22, $0xb8;
	[tilespmem:$0x5EA0] =	vst v63  }
0x52: {  	s28 =	simm.s32 $0x200;
	_ =	swait.ge [sflag:s23], $0x800  }
0x53: {  	s29 =	simm.s32 $0x400;
	s26 =	sadd.s32 $0x2000, s21;
	[sflag:s23] =	ssyncset.done $0x0  }
.LBB2_4:
0x54: {  	s30 =	sadd.s32 s28, s20  }
0x55: {  	[sflag:s23] =	ssyncadd.s32 $0xFFFFF800;
	s28 =	smov.u32 s29;
	s31 =	sadd.s32 $0x200, s29  }
0x56: {  	[tilespmem:s4], [sflag:$0x1] =	stream.linear.gather [hbm4b:s30+s4], $0x80, $0x38;
	[tilespmem:$0x5EA0] =	vst v63  }
0x57: {  	p1 =	sne.s32 s29, $0x4C00;
	_ =	swait.ge [sflag:s23], $0x80  }
0x58: {  	[sflag:s23] =	ssyncset.done $0x0  }
0x59: {  	[sflag:s23] =	ssyncadd.s32 $0xFFFFFF80  }
0x5a: {  	[tilespmem:s22], [sflag:$0x1] =	stream.linear.gather [hbm4b:s26+s4], $0x800, $0x38;
	[tilespmem:$0x5EA0] =	vst v63  }
0x5b: {  	_ =	swait.ge [sflag:s23], $0x800  }
0x5c: {  	[sflag:s23] =	ssyncset.done $0x0  }
0x5d: {  	[sflag:s23] =	ssyncadd.s32 $0xFFFFF800  }
0x5e: {  	[spmem:s0] =	stream.indirect.scatter.add.f32 [tilespmem:s22], [sflag:$0x1], $0x10, s4, s22, $0xb8;
	[tilespmem:$0x5EA0] =	vst v63  }
0x5f: {  	_ =	swait.ge [sflag:s23], $0x800  }
.Ltmp1:
0x60: {  	[sflag:s23] =	ssyncset.done $0x0;
	(pc) =	sbr.rel @p1 .LBB2_4-.Ltmp1, $4  }
0x61: {  	[sflag:s23] =	ssyncadd.s32 $0xFFFFF800  }
0x62: {  	[spmem:s3] =	stream.indirect.scatter.add.f32 [tilespmem:s24], [sflag:$0x1], $0x10, s4, s22, $0xb8;
	[tilespmem:$0x5EA0] =	vst v63  }
0x63: {  	_ =	swait.ge [sflag:s23], $0x800  }
0x64: {  	s29 =	smov.u32 s31;
	s26 =	sadd.s32 $0x2000, s26;
	[sflag:s23] =	ssyncset.done $0x0  }
0x65: {  	s28 =	sadd.s32 s28, s20;
	[sflag:s23] =	ssyncadd.s32 $0xFFFFF800  }
0x66: {  	[tilespmem:s4], [sflag:$0x1] =	stream.linear.gather [hbm4b:s28+s4], $0x80, $0x38;
	[tilespmem:$0x5EA0] =	vst v63  }
0x67: {  	_ =	swait.ge [sflag:s23], $0x80  }
0x68: {  	[sflag:s23] =	ssyncset.done $0x0  }
0x69: {  	[sflag:s23] =	ssyncadd.s32 $0xFFFFFF80  }
0x6a: {  	[tilespmem:s22], [sflag:$0x1] =	stream.linear.gather [hbm4b:s26+s4], $0x800, $0x38;
	[tilespmem:$0x5EA0] =	vst v63  }
0x6b: {  	_ =	swait.ge [sflag:s23], $0x800  }
0x6c: {  	[sflag:s23] =	ssyncset.done $0x0  }
0x6d: {  	[sflag:s23] =	ssyncadd.s32 $0xFFFFF800  }
0x6e: {  	[spmem:s0] =	stream.indirect.scatter.add.f32 [tilespmem:s22], [sflag:$0x1], $0x10, s4, s22, $0xb8;
	[tilespmem:$0x5EA0] =	vst v63  }
0x6f: {  	_ =	swait.ge [sflag:s23], $0x800  }
0x70: {  	[sflag:s23] =	ssyncset.done $0x0  }
0x71: {  	[sflag:s23] =	ssyncadd.s32 $0xFFFFF800  }
0x72: {  	[spmem:s3] =	stream.indirect.scatter.add.f32 [tilespmem:s24], [sflag:$0x1], $0x10, s4, s22, $0xb8;
	[tilespmem:$0x5EA0] =	vst v63  }
0x73: {  	_ =	swait.ge [sflag:s23], $0x800  }
0x74: {  	[sflag:s23] =	ssyncset.done $0x0  }
0x75: {  	s28 =	simm.s32 @!p0 $0x1;
	s26 =	simm.s32 @!p0 $0x0;
	[sflag:s23] =	ssyncadd.s32 $0xFFFFF800  }
0x76: {  	[tilespmem:s26], [sflag:$0x1] =	stream.linear.gather @!p0 [hbm4b:s15+s26], $0x80, $0x38;
	[tilespmem:$0x5EA0] =	vst v63  }
0x77: {  	_ =	swait.ge @!p0 [sflag:s28], $0x80  }
0x78: {  	[sflag:s28] =	ssyncset.done @!p0 $0x0  }
0x79: {  	s29 =	simm.s32 @!p0 $0x80;
	[sflag:s28] =	ssyncadd.s32 @!p0 $0xFFFFFF80  }
0x7a: {  	[tilespmem:s29], [sflag:$0x1] =	stream.linear.gather @!p0 [hbm4b:s16+s26], $0x800, $0x38;
	[tilespmem:$0x5EA0] =	vst v63  }
0x7b: {  	_ =	swait.ge @!p0 [sflag:s28], $0x800  }
0x7c: {  	[sflag:s28] =	ssyncset.done @!p0 $0x0  }
0x7d: {  	[sflag:s28] =	ssyncadd.s32 @!p0 $0xFFFFF800  }
0x7e: {  	[spmem:s0] =	stream.indirect.scatter.add.f32 @!p0 [tilespmem:s29], [sflag:$0x1], $0x10, s26, s29, $0xb8;
	[tilespmem:$0x5EA0] =	vst v63  }
0x7f: {  	_ =	swait.ge @!p0 [sflag:s28], $0x800  }
0x80: {  	[sflag:s28] =	ssyncset.done @!p0 $0x0  }
0x81: {  	s30 =	simm.s32 @!p0 $0x2F90;
	[sflag:s28] =	ssyncadd.s32 @!p0 $0xFFFFF800  }
0x82: {  	[spmem:s3] =	stream.indirect.scatter.add.f32 @!p0 [tilespmem:s30], [sflag:$0x1], $0x10, s26, s29, $0xb8;
	[tilespmem:$0x5EA0] =	vst v63  }
0x83: {  	_ =	swait.ge @!p0 [sflag:s28], $0x800  }
0x84: {  	[sflag:s28] =	ssyncset.done @!p0 $0x0  }
0x85: {  	s29 =	sshll.u32 s2, $0x6;
	[sflag:s28] =	ssyncadd.s32 @!p0 $0xFFFFF800  }
0x86: {  	s30 =	sshrl.u32 s5, $0x3;
	s26 =	sor.u32 $0x1C01, s29;
	[bflag:$0x0] =	sbarrier.arrive $0xFFFF  }
0x87: {  	[hbm:s17], [sflag:s26] =	dma.local [spmem:s30], $0x4E2  }
0x88: {  	s25 =	sadd.s32 $0x1, s25;
	_ =	swait.ge [sflag:s23], $0x4E2  }
0x89: {  	p1 =	sne.s32 s25, s19;
	[sflag:s23] =	ssyncset.done $0x0  }
.Ltmp2:
0x8a: {  	s31 =	sshrl.u32 s6, $0x3;
	[sflag:s23] =	ssyncadd.s32 $0xFFFFFB1E;
	(pc) =	sbr.rel @p1 .LBB2_1-.Ltmp2, $4  }
0x8b: {  	[hbm:s18], [sflag:s26] =	dma.local [spmem:s31], $0x4E2  }
0x8c: {  	_ =	swait.ge [sflag:s23], $0x4E2  }
0x8d: {  	[sflag:s23] =	ssyncset.done $0x0  }
0x8e: {  	[sflag:s23] =	ssyncadd.s32 $0xFFFFFB1E  }
0x8f: {  	_ =	sfence.sel $0x180000  }
0x90: {  	[bflag:$0x0] =	sbarrier.arrive $0xFFFF  }
0x91: {  	_ =	strace $0x9000004A  }
0x92: {  	s0 =	sadd.s32 @!p0 $0x100000, s1;
	[bflag:$0x2] =	sbarrier.arrive $0xFFFF  }
0x93: {  	[sflag:s0] =	ssyncadd.tile.s32 @!p0 $0x1;
	_ =	shalt  }
.Lfunc_end2:
_tile_overlayer_lowered:
.L_overlay_start_2:
0x94: {  	(tag) =	ssettag $0x2  }
0x95: {  	s0 =	rddreg [dreg:$0x0];
	s2 =	stileid.u32  }
0x96: {  	s1 =	rddreg [dreg:$0x1];
	p0 =	sne.s32 s2, $0x0  }
0x97: {  	s3 =	rddreg [dreg:$0x2];
	[bflag:$0x3] =	sbarrier.arrive $0xFFFF;
	s2 =	simm.s32 @!p0 $0x1C01  }
0x98: {  	[timem:s3], [sflag:s2] =	dma.local @!p0 [hbm:s0], s1  }
0x99: {  	s0 =	simm.s32 @!p0 $0x1  }
0x9a: {  	_ =	swait.ge @!p0 [sflag:s0], s1  }
0x9b: {  	s1 =	ssub.s32 @!p0 $0x0, s1;
	[sflag:s0] =	ssyncset.done @!p0 $0x0  }
0x9c: {  	[sflag:s0] =	ssyncadd.s32 @!p0 s1  }
0x9d: {  	[bflag:$0x3] =	sbarrier.arrive $0xFFFF  }
0x9e: {  	_ =	shalt  }

// kernel: kernel.22.cloned.1.call-start
scs
__scs_entry_jumppad:
0x0: {  	(pc) =	sbr.rel $0x88, $3  }
0x1: {  	(tag) =	ssettag $0x0;
	lr =	simm.s32 $0x1  }
0x2: {  	[smem:$0x3F81] =	sst lr;
	_ =	strace $0xD0000000  }
0x3: {  	_ = 	snop  }
0x4: {  	_ = 	snop  }
0x5: {  	_ = 	snop  }
0x6: {  	_ = 	snop  }
0x7: {  	_ = 	snop  }
__scs_overlays_trampoline_lowered:
0x8: {  	[smem:$0x3F90] =	sst s0  }
0x9: {  	[smem:$0x3F91] =	sst s1  }
0xa: {  	[smem:$0x3F92] =	sst s2  }
0xb: {  	[smem:$0x3F93] =	sst s3  }
0xc: {  	[smem:$0x3F94] =	sst s4  }
0xd: {  	[smem:$0x3F95] =	sst s5  }
0xe: {  	[smem:$0x3F96] =	sst s6  }
0xf: {  	[smem:$0x3F97] =	sst s7  }
0x10: {  	[smem:$0x3F98] =	sst s8  }
0x11: {  	[smem:$0x3F99] =	sst s9;
	s0 =	simm.s32 @!p0 $0x0  }
0x12: {  	s1 =	sld [smem:$0x3F7F];
	s0 =	simm.s32 @p0 $0x1  }
0x13: {  	[smem:$0x3F9A] =	sst s0;
	s0 =	simm.s32 @!p1 $0x0  }
0x14: {  	s2 =	sld [smem:$0x3F7E];
	s0 =	simm.s32 @p1 $0x1  }
0x15: {  	[smem:$0x3F9B] =	sst s0;
	s0 =	simm.s32 @!p2 $0x0  }
0x16: {  	s3 =	sld [smem:$0x3FDB];
	s0 =	simm.s32 @p2 $0x1  }
0x17: {  	s4 =	simm.s32 $0x1BF5;
	[smem:$0x3F9D] =	sst s0  }
0x18: {  	s0 =	sld [smem:$0x3F80];
	_ =	swait.ge [sflag:s4], $0x0  }
0x19: {  	s7 =	sld [smem:$0x3F81]  }
0x1a: {  	s8 =	sadd.s32 $0xFFFFE003, lr  }
0x1b: {  	s9 =	sadd.s32 $0xFFFFFEF7, lr;
	s5 =	simm.s32 $0xFFFFFFFF;
	p2 =	slt.u32 s8, $0xFFFFF086  }
0x1c: {  	p1 =	slt.u32 s9, $0xF7A;
	s5 =	simm.s32 @!p2 $0x0  }
0x1d: {  	s5 =	simm.s32 @p1 $0x1;
	p0 =	seq.s32 s7, s2  }
0x1e: {  	s7 =	smul.u32 @!p0 $0xF7A, s2;
	p2 =	seq.s32 @!p0 s5, $0x0  }
0x1f: {  	s9 =	smul.u32 $0xF7A, s1;
	s8 =	simm.s32 @!p0 $0x1BF5;
	p2 =	por !p2, p0  }
0x20: {  	[sflag:s8] =	ssyncset.s32 @!p0 $0xFFFFF086;
	s6 =	sadd.s32 @!p0 s3, s7;
	s7 =	simm.s32 @!p0 $0x108  }
0x21: {  	s3 =	sadd.s32 s3, s9;
	s6 =	sadd.s32 @!p0 $0x88, s6;
	s7 =	simm.s32 @p2 $0x1082  }
0x22: {  	[simem:s7], [sflag:s8] =	dma.local @!p0 [hbm:s6], $0xF7A  }
0x23: {  	s9 =	sor.u32 $0xD0000000, s2;
	s6 =	simm.s32 $0x108;
	_ =	swait.ge @!p0 [sflag:s8], $0x0  }
0x24: {  	s3 =	sadd.s32 $0x88, s3;
	s6 =	simm.s32 @!p1 $0x1082;
	[sflag:s4] =	ssyncset.s32 $0xFFFFF086  }
0x25: {  	[simem:s6], [sflag:s4] =	dma.local [hbm:s3], $0xF7A  }
0x26: {  	[smem:$0x3F81] =	sst s1;
	(tag) =	ssettag s2;
	_ =	strace s9  }
0x27: {  	s1 =	sld [smem:$0x3F91]  }
0x28: {  	s2 =	sld [smem:$0x3F92]  }
0x29: {  	s4 =	sld [smem:$0x3F94]  }
0x2a: {  	p0 =	seq.s32 s5, $0x0;
	s5 =	sld [smem:$0x3F95]  }
0x2b: {  	s6 =	sld [smem:$0x3F96]  }
0x2c: {  	s7 =	sld [smem:$0x3F97]  }
0x2d: {  	s3 =	simm.s32 $0x108;
	s8 =	sld [smem:$0x3F98]  }
0x2e: {  	s3 =	simm.s32 @!p0 $0x1082;
	s9 =	sld [smem:$0x3F99]  }
0x2f: {  	lr =	sadd.s32 s0, s3;
	s0 =	sld [smem:$0x3F90]  }
0x30: {  	s3 =	sld [smem:$0x3F93]  }
0x31: {  	[smem:$0x3F9C] =	sst s10  }
0x32: {  	s10 =	sld [smem:$0x3F9A];
	_ =	sdelay $0x3  }
0x33: {  	p0 =	seq.s32 s10, $0x1;
	s10 =	sld [smem:$0x3F9C];
	_ =	sdelay $0x3  }
0x34: {  	[smem:$0x3F9C] =	sst s10  }
0x35: {  	s10 =	sld [smem:$0x3F9B];
	_ =	sdelay $0x3  }
0x36: {  	p1 =	seq.s32 s10, $0x1;
	s10 =	sld [smem:$0x3F9C];
	_ =	sdelay $0x3  }
0x37: {  	[smem:$0x3F9C] =	sst s10  }
0x38: {  	s10 =	sld [smem:$0x3F9D]  }
0x39: {  	_ = 	snop;
	(pc) =	sbr.ind lr, $3  }
0x3a: {  	_ = 	snop  }
0x3b: {  	_ = 	snop  }
0x3c: {  	p2 =	seq.s32 s10, $0x1;
	s10 =	sld [smem:$0x3F9C]  }
0x3d: {  	_ =	shalt  }
0x3e: {  	_ =	shalt  }
0x3f: {  	_ =	shalt  }
0x40: {  	_ =	shalt  }
0x41: {  	_ =	shalt  }
0x42: {  	_ =	shalt  }
0x43: {  	_ =	shalt  }
0x44: {  	_ =	shalt  }
0x45: {  	_ =	shalt  }
0x46: {  	_ =	shalt  }
0x47: {  	_ =	shalt  }
0x48: {  	_ =	shalt  }
0x49: {  	_ =	shalt  }
0x4a: {  	_ =	shalt  }
0x4b: {  	_ =	shalt  }
0x4c: {  	_ =	shalt  }
0x4d: {  	_ =	shalt  }
0x4e: {  	_ =	shalt  }
0x4f: {  	_ =	shalt  }
0x50: {  	_ =	shalt  }
0x51: {  	_ =	shalt  }
0x52: {  	_ =	shalt  }
0x53: {  	_ =	shalt  }
0x54: {  	_ =	shalt  }
0x55: {  	_ =	shalt  }
0x56: {  	_ =	shalt  }
0x57: {  	_ =	shalt  }
0x58: {  	_ =	shalt  }
0x59: {  	_ =	shalt  }
0x5a: {  	_ =	shalt  }
0x5b: {  	_ =	shalt  }
0x5c: {  	_ =	shalt  }
0x5d: {  	_ =	shalt  }
0x5e: {  	_ =	shalt  }
0x5f: {  	_ =	shalt  }
0x60: {  	_ =	shalt  }
0x61: {  	_ =	shalt  }
0x62: {  	_ =	shalt  }
0x63: {  	_ =	shalt  }
0x64: {  	_ =	shalt  }
0x65: {  	_ =	shalt  }
0x66: {  	_ =	shalt  }
0x67: {  	_ =	shalt  }
0x68: {  	_ =	shalt  }
0x69: {  	_ =	shalt  }
0x6a: {  	_ =	shalt  }
0x6b: {  	_ =	shalt  }
0x6c: {  	_ =	shalt  }
0x6d: {  	_ =	shalt  }
0x6e: {  	_ =	shalt  }
0x6f: {  	_ =	shalt  }
0x70: {  	_ =	shalt  }
0x71: {  	_ =	shalt  }
0x72: {  	_ =	shalt  }
0x73: {  	_ =	shalt  }
0x74: {  	_ =	shalt  }
0x75: {  	_ =	shalt  }
0x76: {  	_ =	shalt  }
0x77: {  	_ =	shalt  }
0x78: {  	_ =	shalt  }
0x79: {  	_ =	shalt  }
0x7a: {  	_ =	shalt  }
0x7b: {  	_ =	shalt  }
0x7c: {  	_ =	shalt  }
0x7d: {  	_ =	shalt  }
0x7e: {  	_ =	shalt  }
0x7f: {  	_ =	shalt  }
0x80: {  	_ =	shalt  }
0x81: {  	_ =	shalt  }
0x82: {  	_ =	shalt  }
0x83: {  	_ =	shalt  }
0x84: {  	_ =	shalt  }
0x85: {  	_ =	shalt  }
0x86: {  	_ =	shalt  }
0x87: {  	_ =	shalt  }
.Lfunc_end0:
.L_simem_size_0:
called_computation.2_lowered:
.L_overlay_start_0:
0x88: {  	s2 =	sld [smem:$0x3FD9]  }
0x89: {  	s3 =	sld [smem:$0x3FFE];
	_ =	sdelay $0x1  }
0x8a: {  	s1 =	srdreg.scid  }
0x8b: {  	s0 =	sand.u32 $0x1, s1  }
0x8c: {  	s16 =	sshll.u32 s0, $0xA;
	s2 =	sadd.s32 s3, s2  }
0x8d: {  	s2 =	sadd.s32 s2, s16  }
0x8e: {  	[smem:$0x3FA8] =	sst s2  }
0x8f: {  	_ = 	snop  }
0x90: {  	(tm) =	ssettm $0x1  }
0x91: {  	s17 =	sld [smem:$0x3FFB];
	_ =	sdelay $0x3  }
0x92: {  	_ =	strace s17  }
0x93: {  	s2 =	sld [smem:$0x3FFC];
	_ =	sdelay $0x3  }
0x94: {  	_ =	strace s2  }
0x95: {  	s2 =	sld [smem:$0x3FFD];
	_ =	sdelay $0x3  }
0x96: {  	_ =	strace s2  }
0x97: {  	_ =	strace $0x8FFFFFFF  }
0x98: {  	s18 =	sld [smem:$0x3FDB];
	_ =	sdelay $0x1  }
0x99: {  	s19 =	simm.s32 $_scs_section_size  }
0x9a: {  	s4 =	simm.s32 $_size__tile_overlayer_lowered;
	s5 =	simm.s32 $_tile_overlayer_lowered  }
0x9b: {  	s22 =	simm.s32 $0x1BFF;
	s21 =	sshll.u32 s5, $0x1;
	s2 =	sadd.s32 s19, s18  }
0x9c: {  	s6 =	simm.s32 $0x0;
	s20 =	sshll.u32 s4, $0x1;
	s4 =	sadd.s32 s21, s2  }
0x9d: {  	[timem:s6], [sflag:s22] =	dma.local [hbm:s4], s20  }
0x9e: {  	_ =	swait.ge [sflag:s22], s20  }
0x9f: {  	s3 =	ssub.s32 $0x0, s20;
	[sflag:s22] =	ssyncset.done $0x0  }
0xa0: {  	[sflag:s22] =	ssyncadd.s32 s3;
	_ =	sdelay $0x1  }
0xa1: {  	s23 =	simm.s32 $0x1B8B  }
0xa2: {  	_ =	swait.ge [sflag:s23], $0x1  }
0xa3: {  	[sflag:s23] =	ssyncset.done $0x0  }
0xa4: {  	s25 =	simm.s32 $0x1B8E;
	s24 =	sld [smem:$0x3FFE];
	[sflag:s23] =	ssyncadd.s32 $0xFFFFFFFF  }
0xa5: {  	s26 =	simm.s32 $execute0_lowered;
	[smem:$0x3FD2] =	sst s25  }
0xa6: {  	s4 =	sshll.u32 s26, $0x1;
	_ =	strace $0x8000004C;
	[dreg:$0x1] =	wrdreg $0xFFFFFFFF  }
0xa7: {  	s28 =	simm.s32 $_size_execute0_lowered;
	s2 =	sadd.s32 s2, s4;
	[dreg:$0x0] =	wrdreg $0x0  }
0xa8: {  	s4 =	sshll.u32 s28, $0x1;
	[dreg:$0x2] =	wrdreg s2  }
0xa9: {  	[dreg:$0x3] =	wrdreg s4  }
0xaa: {  	[dreg:$0x4] =	wrdreg $0xC0  }
0xab: {  	_ =	task [dreg:s6], $0x5FFFF  }
0xac: {  	[dreg:$0x1] =	wrdreg $0xFFFFFFFF  }
0xad: {  	[dreg:$0x0] =	wrdreg $0x60  }
0xae: {  	[dreg:$0x2] =	wrdreg s24  }
0xaf: {  	[dreg:$0x3] =	wrdreg $0x9  }
0xb0: {  	_ =	task.clear_ibuf [dreg:s6], $0x4FFFF;
	_ =	strace $0x9000004C  }
0xb1: {  	s29 =	simm.s32 $0x9;
	_ =	strace $0x8000004E  }
0xb2: {  	_ =	swait.ge [sflag:s29], $0x1  }
0xb3: {  	[sflag:s29] =	ssyncadd.s32 $0xFFFFFFFF  }
0xb4: {  	_ =	strace $0x9000004E  }
0xb5: {  	_ =	sfence  }
0xb6: {  	s30 =	sld [smem:$0x0];
	_ =	sdelay $0x2  }
0xb7: {  	s31 =	sshll.u32 s1, $0xD;
	s1 =	sshrl.u32 s1, $0x2  }
0xb8: {  	s3 =	sand.u32 $0x4000, s31;
	s1 =	sadd.s32 s1, s30  }
0xb9: {  	s0 =	sor.u32 s3, s0;
	s1 =	sshll.u32 s1, $0x11  }
0xba: {  	s0 =	sor.u32 s1, s0  }
0xbb: {  	s0 =	sadd.s32 $0x8F2B, s0  }
0xbc: {  	[sflag:s0] =	ssyncadd.remote.s32 $0x1  }
0xbd: {  	_ =	sfence.sel $0xFFFF  }
0xbe: {  	[dreg:$0x0] =	wrdreg $0xFFFFFFFF;
	(pc) =	sbr.abs _section_cstart, $3  }
0xbf: {  	[dreg:$0x1] =	wrdreg $0xFFFFFFFF  }
0xc0: {  	_ =	task.clear_ibuf [dreg:s6], $0x2FFFF;
	_ =	strace $0x9FFFFFFF  }
0xc1: {  	(tm) =	ssettm $0x7FFFFFFF  }
tec
execute0_lowered:
.L_overlay_start_1:
0x0: {  	(tag) =	ssettag $0x1  }
0x1: {  	s1 =	srdreg.scid;
	s0 =	stileid.u32  }
0x2: {  	s5 =	rddreg [dreg:$0x0];
	s2 =	simm.s32 $0x0;
	s8 =	simm.s32 $0x28  }
0x3: {  	s9 =	simm.s32 $0x1;
	s4 =	sand.u32 $0x1, s1;
	s30 =	sshll.u32 s0, $0x1  }
0x4: {  	s10 =	simm.s32 $0x1388;
	s1 =	rddreg [dreg:$0x1];
	s3 =	sor.u32 s4, s30  }
0x5: {  	s11 =	simm.s32 $0x0;
	[smem:$0x7FF] =	sst s2;
	s6 =	smul.u32 $0x271, s3  }
0x6: {  	_ =	strace $0x8000004D;
	s4 =	ssub.s32 $0x2, s4;
	s7 =	smul.u32 $0x2710, s3  }
0x7: {  	s3 =	sadd.s32 $0x10000, s5;
	s31 =	sshrl.u32 s4, $0x1;
	s6 =	sadd.s32 s6, s5  }
0x8: {  	s5 =	sadd.s32 s7, s5;
	s7 =	ssub.s32 s4, s31;
	s4 =	sadd.s32 $0x6000, s6  }
0x9: {  	s5 =	sadd.s32 $0x71E00, s5;
	s6 =	smax.u32 s7, $0x1;
	s7 =	simm.s32 $0x2  }
.LBB2_1:
0xa: {  	[tilespmem:s2], [sflag:$0x2] =	stream.linear.gather [hbm4b:s4+s2], $0x1388, $0x38;
	[tilespmem:$0x14C08] =	vst v63  }
0xb: {  	_ =	swait.ge [sflag:s7], $0x1388  }
0xc: {  	[sflag:s7] =	ssyncset.done $0x0  }
0xd: {  	s12 =	simm.s32 $0x1388;
	s13 =	simm.s32 $0x0;
	[sflag:s7] =	ssyncadd.s32 $0xFFFFEC78  }
.LBB2_2:
0xe: {  	p0 =	sne.s32 s13, $0x4D80  }
.Ltmp0:
0xf: {  	_ = 	snop;
	(pc) =	sbr.rel @p0 .LBB2_2-.Ltmp0, $4  }
0x10: {  	_ = 	snop  }
0x11: {  	s14 =	sshra.s32 s13, $0x2  }
0x12: {  	[tilespmem:s12], [sflag:$0x1] =	stream.indirect.gather [hbm4b:s3+s8], $0x10, s14, s8, $0xb8;
	[tilespmem:$0x14C08] =	vst v63  }
0x13: {  	s13 =	sadd.s32 $0xA0, s13;
	s12 =	sadd.s32 $0x280, s12  }
0x14: {  	_ =	swait.ge [sflag:s9], $0x280  }
0x15: {  	s12 =	simm.s32 $0x7C;
	[sflag:s9] =	ssyncset.done $0x0  }
.LBB2_4:
0x16: {  	p0 =	sne.s32 s12, $0x1;
	s12 =	sadd.s32 $0xFFFFFFFF, s12;
	[sflag:s9] =	ssyncadd.s32 $0xFFFFFD80  }
.Ltmp1:
0x17: {  	(pc) =	sbr.rel @p0 .LBB2_4-.Ltmp1, $3  }
0x18: {  	_ =	sdelay $0x1  }
0x19: {  	_ =	swait.ge [sflag:s9], $0x280  }
0x1a: {  	[sflag:s9] =	ssyncset.done $0x0  }
0x1b: {  	s11 =	sadd.s32 $0x1, s11  }
0x1c: {  	p0 =	sne.s32 s11, s6  }
.Ltmp2:
0x1d: {  	[sflag:s9] =	ssyncadd.s32 $0xFFFFFD80;
	(pc) =	sbr.rel @p0 .LBB2_1-.Ltmp2, $4  }
0x1e: {  	[hbm4b:s5+s2] =	stream.linear.scatter [tilespmem:s10], [sflag:$0x2], $0x13880, $0x38;
	[tilespmem:$0x14C08] =	vst v63  }
0x1f: {  	_ =	swait.ge [sflag:s7], $0x13880  }
0x20: {  	[sflag:s7] =	ssyncset.done $0x0  }
0x21: {  	[sflag:s7] =	ssyncadd.s32 $0xFFFEC780  }
0x22: {  	_ =	sfence.sel $0x180000  }
0x23: {  	[bflag:$0x0] =	sbarrier.arrive $0xFFFF  }
0x24: {  	p0 =	sne.s32 s0, $0x0;
	_ =	strace $0x9000004D  }
0x25: {  	s0 =	sadd.s32 @!p0 $0x100000, s1;
	[bflag:$0x2] =	sbarrier.arrive $0xFFFF  }
0x26: {  	[sflag:s0] =	ssyncadd.tile.s32 @!p0 $0x1;
	_ =	shalt  }
.Lfunc_end2:
_tile_overlayer_lowered:
.L_overlay_start_2:
0x27: {  	(tag) =	ssettag $0x2  }
0x28: {  	s0 =	rddreg [dreg:$0x0];
	s2 =	stileid.u32  }
0x29: {  	s1 =	rddreg [dreg:$0x1];
	p0 =	sne.s32 s2, $0x0  }
0x2a: {  	s3 =	rddreg [dreg:$0x2];
	[bflag:$0x3] =	sbarrier.arrive $0xFFFF;
	s2 =	simm.s32 @!p0 $0x1C02  }
0x2b: {  	[timem:s3], [sflag:s2] =	dma.local @!p0 [hbm:s0], s1  }
0x2c: {  	s0 =	simm.s32 @!p0 $0x2  }
0x2d: {  	_ =	swait.ge @!p0 [sflag:s0], s1  }
0x2e: {  	s1 =	ssub.s32 @!p0 $0x0, s1;
	[sflag:s0] =	ssyncset.done @!p0 $0x0  }
0x2f: {  	[sflag:s0] =	ssyncadd.s32 @!p0 s1  }
0x30: {  	[bflag:$0x3] =	sbarrier.arrive $0xFFFF  }
0x31: {  	_ =	shalt  }

// kernel: kernel.25.cloned.1.call-start
scs
__scs_entry_jumppad:
0x0: {  	(pc) =	sbr.rel $0x88, $3  }
0x1: {  	(tag) =	ssettag $0x0;
	lr =	simm.s32 $0x1  }
0x2: {  	[smem:$0x3F81] =	sst lr;
	_ =	strace $0xD0000000  }
0x3: {  	_ = 	snop  }
0x4: {  	_ = 	snop  }
0x5: {  	_ = 	snop  }
0x6: {  	_ = 	snop  }
0x7: {  	_ = 	snop  }
__scs_overlays_trampoline_lowered:
0x8: {  	[smem:$0x3F90] =	sst s0  }
0x9: {  	[smem:$0x3F91] =	sst s1  }
0xa: {  	[smem:$0x3F92] =	sst s2  }
0xb: {  	[smem:$0x3F93] =	sst s3  }
0xc: {  	[smem:$0x3F94] =	sst s4  }
0xd: {  	[smem:$0x3F95] =	sst s5  }
0xe: {  	[smem:$0x3F96] =	sst s6  }
0xf: {  	[smem:$0x3F97] =	sst s7  }
0x10: {  	[smem:$0x3F98] =	sst s8  }
0x11: {  	[smem:$0x3F99] =	sst s9;
	s0 =	simm.s32 @!p0 $0x0  }
0x12: {  	s1 =	sld [smem:$0x3F7F];
	s0 =	simm.s32 @p0 $0x1  }
0x13: {  	[smem:$0x3F9A] =	sst s0;
	s0 =	simm.s32 @!p1 $0x0  }
0x14: {  	s2 =	sld [smem:$0x3F7E];
	s0 =	simm.s32 @p1 $0x1  }
0x15: {  	[smem:$0x3F9B] =	sst s0;
	s0 =	simm.s32 @!p2 $0x0  }
0x16: {  	s3 =	sld [smem:$0x3FDB];
	s0 =	simm.s32 @p2 $0x1  }
0x17: {  	s4 =	simm.s32 $0x1BF5;
	[smem:$0x3F9D] =	sst s0  }
0x18: {  	s0 =	sld [smem:$0x3F80];
	_ =	swait.ge [sflag:s4], $0x0  }
0x19: {  	s7 =	sld [smem:$0x3F81]  }
0x1a: {  	s8 =	sadd.s32 $0xFFFFE003, lr  }
0x1b: {  	s9 =	sadd.s32 $0xFFFFFEF7, lr;
	s5 =	simm.s32 $0xFFFFFFFF;
	p2 =	slt.u32 s8, $0xFFFFF086  }
0x1c: {  	p1 =	slt.u32 s9, $0xF7A;
	s5 =	simm.s32 @!p2 $0x0  }
0x1d: {  	s5 =	simm.s32 @p1 $0x1;
	p0 =	seq.s32 s7, s2  }
0x1e: {  	s7 =	smul.u32 @!p0 $0xF7A, s2;
	p2 =	seq.s32 @!p0 s5, $0x0  }
0x1f: {  	s9 =	smul.u32 $0xF7A, s1;
	s8 =	simm.s32 @!p0 $0x1BF5;
	p2 =	por !p2, p0  }
0x20: {  	[sflag:s8] =	ssyncset.s32 @!p0 $0xFFFFF086;
	s6 =	sadd.s32 @!p0 s3, s7;
	s7 =	simm.s32 @!p0 $0x108  }
0x21: {  	s3 =	sadd.s32 s3, s9;
	s6 =	sadd.s32 @!p0 $0x88, s6;
	s7 =	simm.s32 @p2 $0x1082  }
0x22: {  	[simem:s7], [sflag:s8] =	dma.local @!p0 [hbm:s6], $0xF7A  }
0x23: {  	s9 =	sor.u32 $0xD0000000, s2;
	s6 =	simm.s32 $0x108;
	_ =	swait.ge @!p0 [sflag:s8], $0x0  }
0x24: {  	s3 =	sadd.s32 $0x88, s3;
	s6 =	simm.s32 @!p1 $0x1082;
	[sflag:s4] =	ssyncset.s32 $0xFFFFF086  }
0x25: {  	[simem:s6], [sflag:s4] =	dma.local [hbm:s3], $0xF7A  }
0x26: {  	[smem:$0x3F81] =	sst s1;
	(tag) =	ssettag s2;
	_ =	strace s9  }
0x27: {  	s1 =	sld [smem:$0x3F91]  }
0x28: {  	s2 =	sld [smem:$0x3F92]  }
0x29: {  	s4 =	sld [smem:$0x3F94]  }
0x2a: {  	p0 =	seq.s32 s5, $0x0;
	s5 =	sld [smem:$0x3F95]  }
0x2b: {  	s6 =	sld [smem:$0x3F96]  }
0x2c: {  	s7 =	sld [smem:$0x3F97]  }
0x2d: {  	s3 =	simm.s32 $0x108;
	s8 =	sld [smem:$0x3F98]  }
0x2e: {  	s3 =	simm.s32 @!p0 $0x1082;
	s9 =	sld [smem:$0x3F99]  }
0x2f: {  	lr =	sadd.s32 s0, s3;
	s0 =	sld [smem:$0x3F90]  }
0x30: {  	s3 =	sld [smem:$0x3F93]  }
0x31: {  	[smem:$0x3F9C] =	sst s10  }
0x32: {  	s10 =	sld [smem:$0x3F9A];
	_ =	sdelay $0x3  }
0x33: {  	p0 =	seq.s32 s10, $0x1;
	s10 =	sld [smem:$0x3F9C];
	_ =	sdelay $0x3  }
0x34: {  	[smem:$0x3F9C] =	sst s10  }
0x35: {  	s10 =	sld [smem:$0x3F9B];
	_ =	sdelay $0x3  }
0x36: {  	p1 =	seq.s32 s10, $0x1;
	s10 =	sld [smem:$0x3F9C];
	_ =	sdelay $0x3  }
0x37: {  	[smem:$0x3F9C] =	sst s10  }
0x38: {  	s10 =	sld [smem:$0x3F9D]  }
0x39: {  	_ = 	snop;
	(pc) =	sbr.ind lr, $3  }
0x3a: {  	_ = 	snop  }
0x3b: {  	_ = 	snop  }
0x3c: {  	p2 =	seq.s32 s10, $0x1;
	s10 =	sld [smem:$0x3F9C]  }
0x3d: {  	_ =	shalt  }
0x3e: {  	_ =	shalt  }
0x3f: {  	_ =	shalt  }
0x40: {  	_ =	shalt  }
0x41: {  	_ =	shalt  }
0x42: {  	_ =	shalt  }
0x43: {  	_ =	shalt  }
0x44: {  	_ =	shalt  }
0x45: {  	_ =	shalt  }
0x46: {  	_ =	shalt  }
0x47: {  	_ =	shalt  }
0x48: {  	_ =	shalt  }
0x49: {  	_ =	shalt  }
0x4a: {  	_ =	shalt  }
0x4b: {  	_ =	shalt  }
0x4c: {  	_ =	shalt  }
0x4d: {  	_ =	shalt  }
0x4e: {  	_ =	shalt  }
0x4f: {  	_ =	shalt  }
0x50: {  	_ =	shalt  }
0x51: {  	_ =	shalt  }
0x52: {  	_ =	shalt  }
0x53: {  	_ =	shalt  }
0x54: {  	_ =	shalt  }
0x55: {  	_ =	shalt  }
0x56: {  	_ =	shalt  }
0x57: {  	_ =	shalt  }
0x58: {  	_ =	shalt  }
0x59: {  	_ =	shalt  }
0x5a: {  	_ =	shalt  }
0x5b: {  	_ =	shalt  }
0x5c: {  	_ =	shalt  }
0x5d: {  	_ =	shalt  }
0x5e: {  	_ =	shalt  }
0x5f: {  	_ =	shalt  }
0x60: {  	_ =	shalt  }
0x61: {  	_ =	shalt  }
0x62: {  	_ =	shalt  }
0x63: {  	_ =	shalt  }
0x64: {  	_ =	shalt  }
0x65: {  	_ =	shalt  }
0x66: {  	_ =	shalt  }
0x67: {  	_ =	shalt  }
0x68: {  	_ =	shalt  }
0x69: {  	_ =	shalt  }
0x6a: {  	_ =	shalt  }
0x6b: {  	_ =	shalt  }
0x6c: {  	_ =	shalt  }
0x6d: {  	_ =	shalt  }
0x6e: {  	_ =	shalt  }
0x6f: {  	_ =	shalt  }
0x70: {  	_ =	shalt  }
0x71: {  	_ =	shalt  }
0x72: {  	_ =	shalt  }
0x73: {  	_ =	shalt  }
0x74: {  	_ =	shalt  }
0x75: {  	_ =	shalt  }
0x76: {  	_ =	shalt  }
0x77: {  	_ =	shalt  }
0x78: {  	_ =	shalt  }
0x79: {  	_ =	shalt  }
0x7a: {  	_ =	shalt  }
0x7b: {  	_ =	shalt  }
0x7c: {  	_ =	shalt  }
0x7d: {  	_ =	shalt  }
0x7e: {  	_ =	shalt  }
0x7f: {  	_ =	shalt  }
0x80: {  	_ =	shalt  }
0x81: {  	_ =	shalt  }
0x82: {  	_ =	shalt  }
0x83: {  	_ =	shalt  }
0x84: {  	_ =	shalt  }
0x85: {  	_ =	shalt  }
0x86: {  	_ =	shalt  }
0x87: {  	_ =	shalt  }
.Lfunc_end0:
.L_simem_size_0:
called_computation.3_lowered:
.L_overlay_start_0:
0x88: {  	s2 =	sld [smem:$0x3FD9]  }
0x89: {  	s3 =	sld [smem:$0x3FFE];
	_ =	sdelay $0x1  }
0x8a: {  	s1 =	srdreg.scid  }
0x8b: {  	s0 =	sand.u32 $0x1, s1  }
0x8c: {  	s16 =	sshll.u32 s0, $0xA;
	s2 =	sadd.s32 s3, s2  }
0x8d: {  	s2 =	sadd.s32 s2, s16  }
0x8e: {  	[smem:$0x3FA8] =	sst s2  }
0x8f: {  	_ = 	snop  }
0x90: {  	(tm) =	ssettm $0x1  }
0x91: {  	s17 =	sld [smem:$0x3FFB];
	_ =	sdelay $0x3  }
0x92: {  	_ =	strace s17  }
0x93: {  	s2 =	sld [smem:$0x3FFC];
	_ =	sdelay $0x3  }
0x94: {  	_ =	strace s2  }
0x95: {  	s2 =	sld [smem:$0x3FFD];
	_ =	sdelay $0x3  }
0x96: {  	_ =	strace s2  }
0x97: {  	_ =	strace $0x8FFFFFFF  }
0x98: {  	s18 =	sld [smem:$0x3FDB];
	_ =	sdelay $0x1  }
0x99: {  	s19 =	simm.s32 $_scs_section_size  }
0x9a: {  	s4 =	simm.s32 $_size__tile_overlayer_lowered;
	s5 =	simm.s32 $_tile_overlayer_lowered  }
0x9b: {  	s22 =	simm.s32 $0x1BFF;
	s21 =	sshll.u32 s5, $0x1;
	s2 =	sadd.s32 s19, s18  }
0x9c: {  	s6 =	simm.s32 $0x0;
	s20 =	sshll.u32 s4, $0x1;
	s4 =	sadd.s32 s21, s2  }
0x9d: {  	[timem:s6], [sflag:s22] =	dma.local [hbm:s4], s20  }
0x9e: {  	_ =	swait.ge [sflag:s22], s20  }
0x9f: {  	s3 =	ssub.s32 $0x0, s20;
	[sflag:s22] =	ssyncset.done $0x0  }
0xa0: {  	[sflag:s22] =	ssyncadd.s32 s3;
	_ =	sdelay $0x1  }
0xa1: {  	s23 =	simm.s32 $0x1B8B  }
0xa2: {  	_ =	swait.ge [sflag:s23], $0x1  }
0xa3: {  	[sflag:s23] =	ssyncset.done $0x0  }
0xa4: {  	s25 =	simm.s32 $0x1B8E;
	s24 =	sld [smem:$0x3FFE];
	[sflag:s23] =	ssyncadd.s32 $0xFFFFFFFF  }
0xa5: {  	s26 =	simm.s32 $execute0_lowered;
	[smem:$0x3FD2] =	sst s25  }
0xa6: {  	s4 =	sshll.u32 s26, $0x1;
	_ =	strace $0x8000004F;
	[dreg:$0x1] =	wrdreg $0xFFFFFFFF  }
0xa7: {  	s28 =	simm.s32 $_size_execute0_lowered;
	s2 =	sadd.s32 s2, s4;
	[dreg:$0x0] =	wrdreg $0x0  }
0xa8: {  	s4 =	sshll.u32 s28, $0x1;
	[dreg:$0x2] =	wrdreg s2  }
0xa9: {  	[dreg:$0x3] =	wrdreg s4  }
0xaa: {  	[dreg:$0x4] =	wrdreg $0xC0  }
0xab: {  	_ =	task [dreg:s6], $0x5FFFF  }
0xac: {  	[dreg:$0x1] =	wrdreg $0xFFFFFFFF  }
0xad: {  	[dreg:$0x0] =	wrdreg $0x60  }
0xae: {  	[dreg:$0x2] =	wrdreg s24  }
0xaf: {  	[dreg:$0x3] =	wrdreg $0x8800  }
0xb0: {  	[dreg:$0x4] =	wrdreg $0x9  }
0xb1: {  	_ =	task.clear_ibuf [dreg:s6], $0x5FFFF;
	_ =	strace $0x9000004F  }
0xb2: {  	s29 =	simm.s32 $0x9;
	_ =	strace $0x80000051  }
0xb3: {  	_ =	swait.ge [sflag:s29], $0x1  }
0xb4: {  	[sflag:s29] =	ssyncadd.s32 $0xFFFFFFFF  }
0xb5: {  	_ =	strace $0x90000051  }
0xb6: {  	_ =	sfence  }
0xb7: {  	s30 =	sld [smem:$0x0];
	_ =	sdelay $0x2  }
0xb8: {  	s31 =	sshll.u32 s1, $0xD;
	s1 =	sshrl.u32 s1, $0x2  }
0xb9: {  	s3 =	sand.u32 $0x4000, s31;
	s1 =	sadd.s32 s1, s30  }
0xba: {  	s0 =	sor.u32 s3, s0;
	s1 =	sshll.u32 s1, $0x11  }
0xbb: {  	s0 =	sor.u32 s1, s0  }
0xbc: {  	s0 =	sadd.s32 $0x8F2B, s0  }
0xbd: {  	[sflag:s0] =	ssyncadd.remote.s32 $0x1  }
0xbe: {  	_ =	sfence.sel $0xFFFF  }
0xbf: {  	[dreg:$0x0] =	wrdreg $0xFFFFFFFF;
	(pc) =	sbr.abs _section_cstart, $3  }
0xc0: {  	[dreg:$0x1] =	wrdreg $0xFFFFFFFF  }
0xc1: {  	_ =	task.clear_ibuf [dreg:s6], $0x2FFFF;
	_ =	strace $0x9FFFFFFF  }
0xc2: {  	(tm) =	ssettm $0x7FFFFFFF  }
0xc3: {  	_ =	shalt  }
tec
execute0_lowered:
.L_overlay_start_1:
0x0: {  	(tag) =	ssettag $0x1  }
0x1: {  	s3 =	rddreg [dreg:$0x0]  }
0x2: {  	s1 =	rddreg [dreg:$0x1]  }
0x3: {  	s0 =	rddreg [dreg:$0x2];
	s4 =	srdreg.scid  }
0x4: {  	s16 =	stileid.u32;
	s2 =	simm.s32 $0x0;
	s11 =	sand.u32 $0x1, s4  }
0x5: {  	s25 =	smul.u32 $0x2710, s16;
	[smem:$0x7FF] =	sst s2;
	s12 =	sadd.s32 $0x71E00, s3  }
0x6: {  	s6 =	smul.u32 $0x9C40, s16;
	s13 =	sadd.s32 $0xB000, s3;
	s18 =	sshll.u32 s16, $0x8  }
0x7: {  	s29 =	sshll.u32 s16, $0x9;
	s31 =	sshll.u32 s16, $0x6;
	p0 =	sne.s32 s16, $0x0  }
0x8: {  	s5 =	smul.u32 $0x27100, s11;
	_ =	strace $0x80000050;
	s7 =	ssub.s32 $0x2, s11  }
0x9: {  	s15 =	sshll.u32 s11, $0x7;
	s30 =	sshll.u32 s11, $0x8;
	s16 =	sor.u32 $0x1C01, s31  }
0xa: {  	s8 =	sshrl.u32 s7, $0x1;
	s6 =	sshrl.u32 s6, $0x2;
	s28 =	sor.u32 $0x27000, s15  }
0xb: {  	s15 =	sor.u32 s15, s18;
	s5 =	sadd.s32 s25, s5;
	s14 =	ssub.s32 s7, s8  }
0xc: {  	s26 =	sadd.s32 s6, s1;
	s9 =	sshrl.u32 s28, $0x3;
	s17 =	sshll.u32 s28, $0x1  }
0xd: {  	s15 =	sshrl.u32 s15, $0x3;
	s5 =	sshrl.u32 s5, $0x3;
	s4 =	sadd.s32 $0x7D0, s26  }
0xe: {  	s6 =	sadd.s32 $0x1770, s26;
	s7 =	sadd.s32 $0x1F40, s26;
	s8 =	sadd.s32 s13, s9  }
0xf: {  	s9 =	sadd.s32 s12, s17;
	s17 =	sadd.s32 s29, s12;
	s11 =	smax.u32 s14, $0x1  }
0x10: {  	s12 =	sadd.s32 s15, s13;
	s14 =	simm.s32 $0x80;
	s15 =	simm.s32 $0x1  }
0x11: {  	s10 =	sadd.s32 s5, s3;
	s3 =	sadd.s32 s25, s1;
	s5 =	sadd.s32 $0xFA0, s26  }
0x12: {  	v0 =	vimm.f32 $0.0e+00;
	s13 =	sadd.s32 s30, s17;
	s17 =	simm.s32 $0x0;
	s10 =	sadd.s32 $0x10000, s10  }
.LBB2_1:
0x13: {  	s18 =	simm.s32 $0x40;
	s19 =	simm.s32 $0x0  }
.LBB2_2:
0x14: {  	p1 =	sne.s32 s18, $0x1FC0;
	[tilespmem:s19+$0x80] =	vst v0;
	s19 =	smov.u32 s18;
	s18 =	sadd.s32 $0x40, s18  }
.Ltmp0:
0x15: {  	(pc) =	sbr.rel @p1 .LBB2_2-.Ltmp0, $2  }
0x16: {  	_ =	sdelay $0x2  }
0x17: {  	s19 =	sshra.s32 s19, $0x2  }
0x18: {  	[tilespmem:s19+$0x80] =	vst v0  }
0x19: {  	[spmem:s3] =	stream.linear.scatter [tilespmem:s14], [sflag:$0x1], $0x7D0, $0x38;
	[tilespmem:$0x2F90] =	vst v63  }
0x1a: {  	_ =	swait.ge [sflag:s15], $0x7D0  }
0x1b: {  	[sflag:s15] =	ssyncset.done $0x0  }
0x1c: {  	[sflag:s15] =	ssyncadd.s32 $0xFFFFF830  }
0x1d: {  	[spmem:s4] =	stream.linear.scatter [tilespmem:s14], [sflag:$0x1], $0x7D0, $0x38;
	[tilespmem:$0x2F90] =	vst v63  }
0x1e: {  	_ =	swait.ge [sflag:s15], $0x7D0  }
0x1f: {  	[sflag:s15] =	ssyncset.done $0x0  }
0x20: {  	[sflag:s15] =	ssyncadd.s32 $0xFFFFF830  }
0x21: {  	[spmem:s5] =	stream.linear.scatter [tilespmem:s14], [sflag:$0x1], $0x7D0, $0x38;
	[tilespmem:$0x2F90] =	vst v63  }
0x22: {  	_ =	swait.ge [sflag:s15], $0x7D0  }
0x23: {  	[sflag:s15] =	ssyncset.done $0x0  }
0x24: {  	[sflag:s15] =	ssyncadd.s32 $0xFFFFF830  }
0x25: {  	[spmem:s6] =	stream.linear.scatter [tilespmem:s14], [sflag:$0x1], $0x7D0, $0x38;
	[tilespmem:$0x2F90] =	vst v63  }
0x26: {  	_ =	swait.ge [sflag:s15], $0x7D0  }
0x27: {  	[sflag:s15] =	ssyncset.done $0x0  }
0x28: {  	[sflag:s15] =	ssyncadd.s32 $0xFFFFF830  }
0x29: {  	[spmem:s7] =	stream.linear.scatter [tilespmem:s14], [sflag:$0x1], $0x7D0, $0x38;
	[tilespmem:$0x2F90] =	vst v63  }
0x2a: {  	_ =	swait.ge [sflag:s15], $0x7D0  }
0x2b: {  	[sflag:s15] =	ssyncset.done $0x0  }
0x2c: {  	[sflag:s15] =	ssyncadd.s32 $0xFFFFF830  }
0x2d: {  	s18 =	sadd.s32 $0x0, s12;
	[bflag:$0x0] =	sbarrier.arrive $0xFFFF  }
0x2e: {  	[tilespmem:s2], [sflag:$0x1] =	stream.linear.gather [hbm4b:s18+s2], $0x80, $0x38;
	[tilespmem:$0x2F90] =	vst v63  }
0x2f: {  	_ =	swait.ge [sflag:s15], $0x80  }
0x30: {  	[sflag:s15] =	ssyncset.done $0x0  }
0x31: {  	[sflag:s15] =	ssyncadd.s32 $0xFFFFFF80  }
0x32: {  	[tilespmem:s14], [sflag:$0x1] =	stream.linear.gather [hbm4b:s13+s2], $0x800, $0x38;
	[tilespmem:$0x2F90] =	vst v63  }
0x33: {  	_ =	swait.ge [sflag:s15], $0x800  }
0x34: {  	[sflag:s15] =	ssyncset.done $0x0  }
0x35: {  	[sflag:s15] =	ssyncadd.s32 $0xFFFFF800  }
0x36: {  	[spmem:s1] =	stream.indirect.scatter.add.f32 [tilespmem:s14], [sflag:$0x1], $0x10, s2, s14, $0xb8;
	[tilespmem:$0x2F90] =	vst v63  }
0x37: {  	s19 =	simm.s32 $0x200;
	_ =	swait.ge [sflag:s15], $0x800  }
0x38: {  	s20 =	simm.s32 $0x400;
	s18 =	sadd.s32 $0x2000, s13;
	[sflag:s15] =	ssyncset.done $0x0  }
.LBB2_4:
0x39: {  	s21 =	sadd.s32 s19, s12  }
0x3a: {  	[sflag:s15] =	ssyncadd.s32 $0xFFFFF800;
	s19 =	smov.u32 s20;
	s22 =	sadd.s32 $0x200, s20  }
0x3b: {  	[tilespmem:s2], [sflag:$0x1] =	stream.linear.gather [hbm4b:s21+s2], $0x80, $0x38;
	[tilespmem:$0x2F90] =	vst v63  }
0x3c: {  	p1 =	sne.s32 s20, $0x4C00;
	_ =	swait.ge [sflag:s15], $0x80  }
0x3d: {  	[sflag:s15] =	ssyncset.done $0x0  }
0x3e: {  	[sflag:s15] =	ssyncadd.s32 $0xFFFFFF80  }
0x3f: {  	[tilespmem:s14], [sflag:$0x1] =	stream.linear.gather [hbm4b:s18+s2], $0x800, $0x38;
	[tilespmem:$0x2F90] =	vst v63  }
0x40: {  	_ =	swait.ge [sflag:s15], $0x800  }
.Ltmp1:
0x41: {  	[sflag:s15] =	ssyncset.done $0x0;
	(pc) =	sbr.rel @p1 .LBB2_4-.Ltmp1, $4  }
0x42: {  	[sflag:s15] =	ssyncadd.s32 $0xFFFFF800  }
0x43: {  	[spmem:s1] =	stream.indirect.scatter.add.f32 [tilespmem:s14], [sflag:$0x1], $0x10, s2, s14, $0xb8;
	[tilespmem:$0x2F90] =	vst v63  }
0x44: {  	_ =	swait.ge [sflag:s15], $0x800  }
0x45: {  	s20 =	smov.u32 s22;
	s18 =	sadd.s32 $0x2000, s18;
	[sflag:s15] =	ssyncset.done $0x0  }
0x46: {  	s19 =	sadd.s32 s19, s12;
	[sflag:s15] =	ssyncadd.s32 $0xFFFFF800  }
0x47: {  	[tilespmem:s2], [sflag:$0x1] =	stream.linear.gather [hbm4b:s19+s2], $0x80, $0x38;
	[tilespmem:$0x2F90] =	vst v63  }
0x48: {  	_ =	swait.ge [sflag:s15], $0x80  }
0x49: {  	[sflag:s15] =	ssyncset.done $0x0  }
0x4a: {  	[sflag:s15] =	ssyncadd.s32 $0xFFFFFF80  }
0x4b: {  	[tilespmem:s14], [sflag:$0x1] =	stream.linear.gather [hbm4b:s18+s2], $0x800, $0x38;
	[tilespmem:$0x2F90] =	vst v63  }
0x4c: {  	_ =	swait.ge [sflag:s15], $0x800  }
0x4d: {  	[sflag:s15] =	ssyncset.done $0x0  }
0x4e: {  	[sflag:s15] =	ssyncadd.s32 $0xFFFFF800  }
0x4f: {  	[spmem:s1] =	stream.indirect.scatter.add.f32 [tilespmem:s14], [sflag:$0x1], $0x10, s2, s14, $0xb8;
	[tilespmem:$0x2F90] =	vst v63  }
0x50: {  	_ =	swait.ge [sflag:s15], $0x800  }
0x51: {  	[sflag:s15] =	ssyncset.done $0x0  }
0x52: {  	s19 =	simm.s32 @!p0 $0x1;
	s18 =	simm.s32 @!p0 $0x0;
	[sflag:s15] =	ssyncadd.s32 $0xFFFFF800  }
0x53: {  	[tilespmem:s18], [sflag:$0x1] =	stream.linear.gather @!p0 [hbm4b:s8+s18], $0x80, $0x38;
	[tilespmem:$0x2F90] =	vst v63  }
0x54: {  	_ =	swait.ge @!p0 [sflag:s19], $0x80  }
0x55: {  	[sflag:s19] =	ssyncset.done @!p0 $0x0  }
0x56: {  	s20 =	simm.s32 @!p0 $0x80;
	[sflag:s19] =	ssyncadd.s32 @!p0 $0xFFFFFF80  }
0x57: {  	[tilespmem:s20], [sflag:$0x1] =	stream.linear.gather @!p0 [hbm4b:s9+s18], $0x800, $0x38;
	[tilespmem:$0x2F90] =	vst v63  }
0x58: {  	_ =	swait.ge @!p0 [sflag:s19], $0x800  }
0x59: {  	[sflag:s19] =	ssyncset.done @!p0 $0x0  }
0x5a: {  	[sflag:s19] =	ssyncadd.s32 @!p0 $0xFFFFF800  }
0x5b: {  	[spmem:s1] =	stream.indirect.scatter.add.f32 @!p0 [tilespmem:s20], [sflag:$0x1], $0x10, s18, s20, $0xb8;
	[tilespmem:$0x2F90] =	vst v63  }
0x5c: {  	_ =	swait.ge @!p0 [sflag:s19], $0x800  }
0x5d: {  	s17 =	sadd.s32 $0x1, s17;
	[sflag:s19] =	ssyncset.done @!p0 $0x0  }
0x5e: {  	p1 =	sne.s32 s17, s11;
	[sflag:s19] =	ssyncadd.s32 @!p0 $0xFFFFF800  }
.Ltmp2:
0x5f: {  	s31 =	sshrl.u32 s3, $0x3;
	[bflag:$0x0] =	sbarrier.arrive $0xFFFF;
	(pc) =	sbr.rel @p1 .LBB2_1-.Ltmp2, $4  }
0x60: {  	[hbm:s10], [sflag:s16] =	dma.local [spmem:s31], $0x4E2  }
0x61: {  	_ =	swait.ge [sflag:s15], $0x4E2  }
0x62: {  	[sflag:s15] =	ssyncset.done $0x0  }
0x63: {  	[sflag:s15] =	ssyncadd.s32 $0xFFFFFB1E  }
0x64: {  	_ =	sfence.sel $0x180000  }
0x65: {  	[bflag:$0x0] =	sbarrier.arrive $0xFFFF  }
0x66: {  	_ =	strace $0x90000050  }
0x67: {  	s0 =	sadd.s32 @!p0 $0x100000, s0;
	[bflag:$0x2] =	sbarrier.arrive $0xFFFF  }
0x68: {  	[sflag:s0] =	ssyncadd.tile.s32 @!p0 $0x1;
	_ =	shalt  }
.Lfunc_end2:
_tile_overlayer_lowered:
.L_overlay_start_2:
0x69: {  	(tag) =	ssettag $0x2  }
0x6a: {  	s0 =	rddreg [dreg:$0x0];
	s2 =	stileid.u32  }
0x6b: {  	s1 =	rddreg [dreg:$0x1];
	p0 =	sne.s32 s2, $0x0  }
0x6c: {  	s3 =	rddreg [dreg:$0x2];
	[bflag:$0x3] =	sbarrier.arrive $0xFFFF;
	s2 =	simm.s32 @!p0 $0x1C01  }
0x6d: {  	[timem:s3], [sflag:s2] =	dma.local @!p0 [hbm:s0], s1  }
0x6e: {  	s0 =	simm.s32 @!p0 $0x1  }
0x6f: {  	_ =	swait.ge @!p0 [sflag:s0], s1  }
0x70: {  	s1 =	ssub.s32 @!p0 $0x0, s1;
	[sflag:s0] =	ssyncset.done @!p0 $0x0  }
0x71: {  	[sflag:s0] =	ssyncadd.s32 @!p0 s1  }
0x72: {  	[bflag:$0x3] =	sbarrier.arrive $0xFFFF  }
0x73: {  	_ =	shalt  }

// kernel: kernel.28.cloned.1.call-start
scs
__scs_entry_jumppad:
0x0: {  	(pc) =	sbr.rel $0x88, $3  }
0x1: {  	(tag) =	ssettag $0x0;
	lr =	simm.s32 $0x1  }
0x2: {  	[smem:$0x3F81] =	sst lr;
	_ =	strace $0xD0000000  }
0x3: {  	_ = 	snop  }
0x4: {  	_ = 	snop  }
0x5: {  	_ = 	snop  }
0x6: {  	_ = 	snop  }
0x7: {  	_ = 	snop  }
__scs_overlays_trampoline_lowered:
0x8: {  	[smem:$0x3F90] =	sst s0  }
0x9: {  	[smem:$0x3F91] =	sst s1  }
0xa: {  	[smem:$0x3F92] =	sst s2  }
0xb: {  	[smem:$0x3F93] =	sst s3  }
0xc: {  	[smem:$0x3F94] =	sst s4  }
0xd: {  	[smem:$0x3F95] =	sst s5  }
0xe: {  	[smem:$0x3F96] =	sst s6  }
0xf: {  	[smem:$0x3F97] =	sst s7  }
0x10: {  	[smem:$0x3F98] =	sst s8  }
0x11: {  	[smem:$0x3F99] =	sst s9;
	s0 =	simm.s32 @!p0 $0x0  }
0x12: {  	s1 =	sld [smem:$0x3F7F];
	s0 =	simm.s32 @p0 $0x1  }
0x13: {  	[smem:$0x3F9A] =	sst s0;
	s0 =	simm.s32 @!p1 $0x0  }
0x14: {  	s2 =	sld [smem:$0x3F7E];
	s0 =	simm.s32 @p1 $0x1  }
0x15: {  	[smem:$0x3F9B] =	sst s0;
	s0 =	simm.s32 @!p2 $0x0  }
0x16: {  	s3 =	sld [smem:$0x3FDB];
	s0 =	simm.s32 @p2 $0x1  }
0x17: {  	s4 =	simm.s32 $0x1BF5;
	[smem:$0x3F9D] =	sst s0  }
0x18: {  	s0 =	sld [smem:$0x3F80];
	_ =	swait.ge [sflag:s4], $0x0  }
0x19: {  	s7 =	sld [smem:$0x3F81]  }
0x1a: {  	s8 =	sadd.s32 $0xFFFFE003, lr  }
0x1b: {  	s9 =	sadd.s32 $0xFFFFFEF7, lr;
	s5 =	simm.s32 $0xFFFFFFFF;
	p2 =	slt.u32 s8, $0xFFFFF086  }
0x1c: {  	p1 =	slt.u32 s9, $0xF7A;
	s5 =	simm.s32 @!p2 $0x0  }
0x1d: {  	s5 =	simm.s32 @p1 $0x1;
	p0 =	seq.s32 s7, s2  }
0x1e: {  	s7 =	smul.u32 @!p0 $0xF7A, s2;
	p2 =	seq.s32 @!p0 s5, $0x0  }
0x1f: {  	s9 =	smul.u32 $0xF7A, s1;
	s8 =	simm.s32 @!p0 $0x1BF5;
	p2 =	por !p2, p0  }
0x20: {  	[sflag:s8] =	ssyncset.s32 @!p0 $0xFFFFF086;
	s6 =	sadd.s32 @!p0 s3, s7;
	s7 =	simm.s32 @!p0 $0x108  }
0x21: {  	s3 =	sadd.s32 s3, s9;
	s6 =	sadd.s32 @!p0 $0x88, s6;
	s7 =	simm.s32 @p2 $0x1082  }
0x22: {  	[simem:s7], [sflag:s8] =	dma.local @!p0 [hbm:s6], $0xF7A  }
0x23: {  	s9 =	sor.u32 $0xD0000000, s2;
	s6 =	simm.s32 $0x108;
	_ =	swait.ge @!p0 [sflag:s8], $0x0  }
0x24: {  	s3 =	sadd.s32 $0x88, s3;
	s6 =	simm.s32 @!p1 $0x1082;
	[sflag:s4] =	ssyncset.s32 $0xFFFFF086  }
0x25: {  	[simem:s6], [sflag:s4] =	dma.local [hbm:s3], $0xF7A  }
0x26: {  	[smem:$0x3F81] =	sst s1;
	(tag) =	ssettag s2;
	_ =	strace s9  }
0x27: {  	s1 =	sld [smem:$0x3F91]  }
0x28: {  	s2 =	sld [smem:$0x3F92]  }
0x29: {  	s4 =	sld [smem:$0x3F94]  }
0x2a: {  	p0 =	seq.s32 s5, $0x0;
	s5 =	sld [smem:$0x3F95]  }
0x2b: {  	s6 =	sld [smem:$0x3F96]  }
0x2c: {  	s7 =	sld [smem:$0x3F97]  }
0x2d: {  	s3 =	simm.s32 $0x108;
	s8 =	sld [smem:$0x3F98]  }
0x2e: {  	s3 =	simm.s32 @!p0 $0x1082;
	s9 =	sld [smem:$0x3F99]  }
0x2f: {  	lr =	sadd.s32 s0, s3;
	s0 =	sld [smem:$0x3F90]  }
0x30: {  	s3 =	sld [smem:$0x3F93]  }
0x31: {  	[smem:$0x3F9C] =	sst s10  }
0x32: {  	s10 =	sld [smem:$0x3F9A];
	_ =	sdelay $0x3  }
0x33: {  	p0 =	seq.s32 s10, $0x1;
	s10 =	sld [smem:$0x3F9C];
	_ =	sdelay $0x3  }
0x34: {  	[smem:$0x3F9C] =	sst s10  }
0x35: {  	s10 =	sld [smem:$0x3F9B];
	_ =	sdelay $0x3  }
0x36: {  	p1 =	seq.s32 s10, $0x1;
	s10 =	sld [smem:$0x3F9C];
	_ =	sdelay $0x3  }
0x37: {  	[smem:$0x3F9C] =	sst s10  }
0x38: {  	s10 =	sld [smem:$0x3F9D]  }
0x39: {  	_ = 	snop;
	(pc) =	sbr.ind lr, $3  }
0x3a: {  	_ = 	snop  }
0x3b: {  	_ = 	snop  }
0x3c: {  	p2 =	seq.s32 s10, $0x1;
	s10 =	sld [smem:$0x3F9C]  }
0x3d: {  	_ =	shalt  }
0x3e: {  	_ =	shalt  }
0x3f: {  	_ =	shalt  }
0x40: {  	_ =	shalt  }
0x41: {  	_ =	shalt  }
0x42: {  	_ =	shalt  }
0x43: {  	_ =	shalt  }
0x44: {  	_ =	shalt  }
0x45: {  	_ =	shalt  }
0x46: {  	_ =	shalt  }
0x47: {  	_ =	shalt  }
0x48: {  	_ =	shalt  }
0x49: {  	_ =	shalt  }
0x4a: {  	_ =	shalt  }
0x4b: {  	_ =	shalt  }
0x4c: {  	_ =	shalt  }
0x4d: {  	_ =	shalt  }
0x4e: {  	_ =	shalt  }
0x4f: {  	_ =	shalt  }
0x50: {  	_ =	shalt  }
0x51: {  	_ =	shalt  }
0x52: {  	_ =	shalt  }
0x53: {  	_ =	shalt  }
0x54: {  	_ =	shalt  }
0x55: {  	_ =	shalt  }
0x56: {  	_ =	shalt  }
0x57: {  	_ =	shalt  }
0x58: {  	_ =	shalt  }
0x59: {  	_ =	shalt  }
0x5a: {  	_ =	shalt  }
0x5b: {  	_ =	shalt  }
0x5c: {  	_ =	shalt  }
0x5d: {  	_ =	shalt  }
0x5e: {  	_ =	shalt  }
0x5f: {  	_ =	shalt  }
0x60: {  	_ =	shalt  }
0x61: {  	_ =	shalt  }
0x62: {  	_ =	shalt  }
0x63: {  	_ =	shalt  }
0x64: {  	_ =	shalt  }
0x65: {  	_ =	shalt  }
0x66: {  	_ =	shalt  }
0x67: {  	_ =	shalt  }
0x68: {  	_ =	shalt  }
0x69: {  	_ =	shalt  }
0x6a: {  	_ =	shalt  }
0x6b: {  	_ =	shalt  }
0x6c: {  	_ =	shalt  }
0x6d: {  	_ =	shalt  }
0x6e: {  	_ =	shalt  }
0x6f: {  	_ =	shalt  }
0x70: {  	_ =	shalt  }
0x71: {  	_ =	shalt  }
0x72: {  	_ =	shalt  }
0x73: {  	_ =	shalt  }
0x74: {  	_ =	shalt  }
0x75: {  	_ =	shalt  }
0x76: {  	_ =	shalt  }
0x77: {  	_ =	shalt  }
0x78: {  	_ =	shalt  }
0x79: {  	_ =	shalt  }
0x7a: {  	_ =	shalt  }
0x7b: {  	_ =	shalt  }
0x7c: {  	_ =	shalt  }
0x7d: {  	_ =	shalt  }
0x7e: {  	_ =	shalt  }
0x7f: {  	_ =	shalt  }
0x80: {  	_ =	shalt  }
0x81: {  	_ =	shalt  }
0x82: {  	_ =	shalt  }
0x83: {  	_ =	shalt  }
0x84: {  	_ =	shalt  }
0x85: {  	_ =	shalt  }
0x86: {  	_ =	shalt  }
0x87: {  	_ =	shalt  }
.Lfunc_end0:
.L_simem_size_0:
called_computation.4_lowered:
.L_overlay_start_0:
0x88: {  	s2 =	sld [smem:$0x3FD9]  }
0x89: {  	s3 =	sld [smem:$0x3FFE];
	_ =	sdelay $0x1  }
0x8a: {  	s1 =	srdreg.scid  }
0x8b: {  	s0 =	sand.u32 $0x1, s1  }
0x8c: {  	s16 =	sshll.u32 s0, $0xA;
	s2 =	sadd.s32 s3, s2  }
0x8d: {  	s2 =	sadd.s32 s2, s16  }
0x8e: {  	[smem:$0x3FA8] =	sst s2  }
0x8f: {  	_ = 	snop  }
0x90: {  	(tm) =	ssettm $0x1  }
0x91: {  	s17 =	sld [smem:$0x3FFB];
	_ =	sdelay $0x3  }
0x92: {  	_ =	strace s17  }
0x93: {  	s2 =	sld [smem:$0x3FFC];
	_ =	sdelay $0x3  }
0x94: {  	_ =	strace s2  }
0x95: {  	s2 =	sld [smem:$0x3FFD];
	_ =	sdelay $0x3  }
0x96: {  	_ =	strace s2  }
0x97: {  	_ =	strace $0x8FFFFFFF  }
0x98: {  	s18 =	sld [smem:$0x3FDB];
	_ =	sdelay $0x1  }
0x99: {  	s19 =	simm.s32 $_scs_section_size  }
0x9a: {  	s4 =	simm.s32 $_size__tile_overlayer_lowered;
	s5 =	simm.s32 $_tile_overlayer_lowered  }
0x9b: {  	s22 =	simm.s32 $0x1BFF;
	s21 =	sshll.u32 s5, $0x1;
	s2 =	sadd.s32 s19, s18  }
0x9c: {  	s6 =	simm.s32 $0x0;
	s20 =	sshll.u32 s4, $0x1;
	s4 =	sadd.s32 s21, s2  }
0x9d: {  	[timem:s6], [sflag:s22] =	dma.local [hbm:s4], s20  }
0x9e: {  	_ =	swait.ge [sflag:s22], s20  }
0x9f: {  	s3 =	ssub.s32 $0x0, s20;
	[sflag:s22] =	ssyncset.done $0x0  }
0xa0: {  	[sflag:s22] =	ssyncadd.s32 s3;
	_ =	sdelay $0x1  }
0xa1: {  	s23 =	simm.s32 $0x1B8B  }
0xa2: {  	_ =	swait.ge [sflag:s23], $0x1  }
0xa3: {  	[sflag:s23] =	ssyncset.done $0x0  }
0xa4: {  	s25 =	simm.s32 $0x1B8E;
	s24 =	sld [smem:$0x3FFE];
	[sflag:s23] =	ssyncadd.s32 $0xFFFFFFFF  }
0xa5: {  	s26 =	simm.s32 $execute0_lowered;
	[smem:$0x3FD2] =	sst s25  }
0xa6: {  	s4 =	sshll.u32 s26, $0x1;
	_ =	strace $0x80000052;
	[dreg:$0x1] =	wrdreg $0xFFFFFFFF  }
0xa7: {  	s28 =	simm.s32 $_size_execute0_lowered;
	s2 =	sadd.s32 s2, s4;
	[dreg:$0x0] =	wrdreg $0x0  }
0xa8: {  	s4 =	sshll.u32 s28, $0x1;
	[dreg:$0x2] =	wrdreg s2  }
0xa9: {  	[dreg:$0x3] =	wrdreg s4  }
0xaa: {  	[dreg:$0x4] =	wrdreg $0xC0  }
0xab: {  	_ =	task [dreg:s6], $0x5FFFF  }
0xac: {  	[dreg:$0x1] =	wrdreg $0xFFFFFFFF  }
0xad: {  	[dreg:$0x0] =	wrdreg $0x60  }
0xae: {  	[dreg:$0x2] =	wrdreg s24  }
0xaf: {  	[dreg:$0x3] =	wrdreg $0x9  }
0xb0: {  	_ =	task.clear_ibuf [dreg:s6], $0x4FFFF;
	_ =	strace $0x90000052  }
0xb1: {  	s29 =	simm.s32 $0x9;
	_ =	strace $0x80000054  }
0xb2: {  	_ =	swait.ge [sflag:s29], $0x1  }
0xb3: {  	[sflag:s29] =	ssyncadd.s32 $0xFFFFFFFF  }
0xb4: {  	_ =	strace $0x90000054  }
0xb5: {  	_ =	sfence  }
0xb6: {  	s30 =	sld [smem:$0x0];
	_ =	sdelay $0x2  }
0xb7: {  	s31 =	sshll.u32 s1, $0xD;
	s1 =	sshrl.u32 s1, $0x2  }
0xb8: {  	s3 =	sand.u32 $0x4000, s31;
	s1 =	sadd.s32 s1, s30  }
0xb9: {  	s0 =	sor.u32 s3, s0;
	s1 =	sshll.u32 s1, $0x11  }
0xba: {  	s0 =	sor.u32 s1, s0  }
0xbb: {  	s0 =	sadd.s32 $0x8F2B, s0  }
0xbc: {  	[sflag:s0] =	ssyncadd.remote.s32 $0x1  }
0xbd: {  	_ =	sfence.sel $0xFFFF  }
0xbe: {  	[dreg:$0x0] =	wrdreg $0xFFFFFFFF;
	(pc) =	sbr.abs _section_cstart, $3  }
0xbf: {  	[dreg:$0x1] =	wrdreg $0xFFFFFFFF  }
0xc0: {  	_ =	task.clear_ibuf [dreg:s6], $0x2FFFF;
	_ =	strace $0x9FFFFFFF  }
0xc1: {  	(tm) =	ssettm $0x7FFFFFFF  }
tec
execute0_lowered:
.L_overlay_start_1:
0x0: {  	(tag) =	ssettag $0x1  }
0x1: {  	s1 =	srdreg.scid;
	s0 =	stileid.u32  }
0x2: {  	s5 =	rddreg [dreg:$0x0];
	s2 =	simm.s32 $0x0;
	s8 =	simm.s32 $0x28  }
0x3: {  	s9 =	simm.s32 $0x1;
	s4 =	sand.u32 $0x1, s1;
	s30 =	sshll.u32 s0, $0x1  }
0x4: {  	s10 =	simm.s32 $0x1388;
	s1 =	rddreg [dreg:$0x1];
	s3 =	sor.u32 s4, s30  }
0x5: {  	s11 =	simm.s32 $0x0;
	[smem:$0x7FF] =	sst s2;
	s6 =	smul.u32 $0x271, s3  }
0x6: {  	_ =	strace $0x80000053;
	s4 =	ssub.s32 $0x2, s4;
	s7 =	smul.u32 $0x2710, s3  }
0x7: {  	s3 =	sadd.s32 $0x10000, s5;
	s31 =	sshrl.u32 s4, $0x1;
	s6 =	sadd.s32 s6, s5  }
0x8: {  	s5 =	sadd.s32 s7, s5;
	s7 =	ssub.s32 s4, s31;
	s4 =	sadd.s32 $0x6000, s6  }
0x9: {  	s5 =	sadd.s32 $0x71E00, s5;
	s6 =	smax.u32 s7, $0x1;
	s7 =	simm.s32 $0x2  }
.LBB2_1:
0xa: {  	[tilespmem:s2], [sflag:$0x2] =	stream.linear.gather [hbm4b:s4+s2], $0x1388, $0x38;
	[tilespmem:$0x14C08] =	vst v63  }
0xb: {  	_ =	swait.ge [sflag:s7], $0x1388  }
0xc: {  	[sflag:s7] =	ssyncset.done $0x0  }
0xd: {  	s12 =	simm.s32 $0x1388;
	s13 =	simm.s32 $0x0;
	[sflag:s7] =	ssyncadd.s32 $0xFFFFEC78  }
.LBB2_2:
0xe: {  	p0 =	sne.s32 s13, $0x4D80  }
.Ltmp0:
0xf: {  	_ = 	snop;
	(pc) =	sbr.rel @p0 .LBB2_2-.Ltmp0, $4  }
0x10: {  	_ = 	snop  }
0x11: {  	s14 =	sshra.s32 s13, $0x2  }
0x12: {  	[tilespmem:s12], [sflag:$0x1] =	stream.indirect.gather [hbm4b:s3+s8], $0x10, s14, s8, $0xb8;
	[tilespmem:$0x14C08] =	vst v63  }
0x13: {  	s13 =	sadd.s32 $0xA0, s13;
	s12 =	sadd.s32 $0x280, s12  }
0x14: {  	_ =	swait.ge [sflag:s9], $0x280  }
0x15: {  	s12 =	simm.s32 $0x7C;
	[sflag:s9] =	ssyncset.done $0x0  }
.LBB2_4:
0x16: {  	p0 =	sne.s32 s12, $0x1;
	s12 =	sadd.s32 $0xFFFFFFFF, s12;
	[sflag:s9] =	ssyncadd.s32 $0xFFFFFD80  }
.Ltmp1:
0x17: {  	(pc) =	sbr.rel @p0 .LBB2_4-.Ltmp1, $3  }
0x18: {  	_ =	sdelay $0x1  }
0x19: {  	_ =	swait.ge [sflag:s9], $0x280  }
0x1a: {  	[sflag:s9] =	ssyncset.done $0x0  }
0x1b: {  	s11 =	sadd.s32 $0x1, s11  }
0x1c: {  	p0 =	sne.s32 s11, s6  }
.Ltmp2:
0x1d: {  	[sflag:s9] =	ssyncadd.s32 $0xFFFFFD80;
	(pc) =	sbr.rel @p0 .LBB2_1-.Ltmp2, $4  }
0x1e: {  	[hbm4b:s5+s2] =	stream.linear.scatter [tilespmem:s10], [sflag:$0x2], $0x13880, $0x38;
	[tilespmem:$0x14C08] =	vst v63  }
0x1f: {  	_ =	swait.ge [sflag:s7], $0x13880  }
0x20: {  	[sflag:s7] =	ssyncset.done $0x0  }
0x21: {  	[sflag:s7] =	ssyncadd.s32 $0xFFFEC780  }
0x22: {  	_ =	sfence.sel $0x180000  }
0x23: {  	[bflag:$0x0] =	sbarrier.arrive $0xFFFF  }
0x24: {  	p0 =	sne.s32 s0, $0x0;
	_ =	strace $0x90000053  }
0x25: {  	s0 =	sadd.s32 @!p0 $0x100000, s1;
	[bflag:$0x2] =	sbarrier.arrive $0xFFFF  }
0x26: {  	[sflag:s0] =	ssyncadd.tile.s32 @!p0 $0x1;
	_ =	shalt  }
.Lfunc_end2:
_tile_overlayer_lowered:
.L_overlay_start_2:
0x27: {  	(tag) =	ssettag $0x2  }
0x28: {  	s0 =	rddreg [dreg:$0x0];
	s2 =	stileid.u32  }
0x29: {  	s1 =	rddreg [dreg:$0x1];
	p0 =	sne.s32 s2, $0x0  }
0x2a: {  	s3 =	rddreg [dreg:$0x2];
	[bflag:$0x3] =	sbarrier.arrive $0xFFFF;
	s2 =	simm.s32 @!p0 $0x1C02  }
0x2b: {  	[timem:s3], [sflag:s2] =	dma.local @!p0 [hbm:s0], s1  }
0x2c: {  	s0 =	simm.s32 @!p0 $0x2  }
0x2d: {  	_ =	swait.ge @!p0 [sflag:s0], s1  }
0x2e: {  	s1 =	ssub.s32 @!p0 $0x0, s1;
	[sflag:s0] =	ssyncset.done @!p0 $0x0  }
0x2f: {  	[sflag:s0] =	ssyncadd.s32 @!p0 s1  }
0x30: {  	[bflag:$0x3] =	sbarrier.arrive $0xFFFF  }
0x31: {  	_ =	shalt  }

// kernel: kernel.31.cloned.1.call-start
scs
__scs_entry_jumppad:
0x0: {  	(pc) =	sbr.rel $0x88, $3  }
0x1: {  	(tag) =	ssettag $0x0;
	lr =	simm.s32 $0x1  }
0x2: {  	[smem:$0x3F81] =	sst lr;
	_ =	strace $0xD0000000  }
0x3: {  	_ = 	snop  }
0x4: {  	_ = 	snop  }
0x5: {  	_ = 	snop  }
0x6: {  	_ = 	snop  }
0x7: {  	_ = 	snop  }
__scs_overlays_trampoline_lowered:
0x8: {  	[smem:$0x3F90] =	sst s0  }
0x9: {  	[smem:$0x3F91] =	sst s1  }
0xa: {  	[smem:$0x3F92] =	sst s2  }
0xb: {  	[smem:$0x3F93] =	sst s3  }
0xc: {  	[smem:$0x3F94] =	sst s4  }
0xd: {  	[smem:$0x3F95] =	sst s5  }
0xe: {  	[smem:$0x3F96] =	sst s6  }
0xf: {  	[smem:$0x3F97] =	sst s7  }
0x10: {  	[smem:$0x3F98] =	sst s8  }
0x11: {  	[smem:$0x3F99] =	sst s9;
	s0 =	simm.s32 @!p0 $0x0  }
0x12: {  	s1 =	sld [smem:$0x3F7F];
	s0 =	simm.s32 @p0 $0x1  }
0x13: {  	[smem:$0x3F9A] =	sst s0;
	s0 =	simm.s32 @!p1 $0x0  }
0x14: {  	s2 =	sld [smem:$0x3F7E];
	s0 =	simm.s32 @p1 $0x1  }
0x15: {  	[smem:$0x3F9B] =	sst s0;
	s0 =	simm.s32 @!p2 $0x0  }
0x16: {  	s3 =	sld [smem:$0x3FDB];
	s0 =	simm.s32 @p2 $0x1  }
0x17: {  	s4 =	simm.s32 $0x1BF5;
	[smem:$0x3F9D] =	sst s0  }
0x18: {  	s0 =	sld [smem:$0x3F80];
	_ =	swait.ge [sflag:s4], $0x0  }
0x19: {  	s7 =	sld [smem:$0x3F81]  }
0x1a: {  	s8 =	sadd.s32 $0xFFFFE003, lr  }
0x1b: {  	s9 =	sadd.s32 $0xFFFFFEF7, lr;
	s5 =	simm.s32 $0xFFFFFFFF;
	p2 =	slt.u32 s8, $0xFFFFF086  }
0x1c: {  	p1 =	slt.u32 s9, $0xF7A;
	s5 =	simm.s32 @!p2 $0x0  }
0x1d: {  	s5 =	simm.s32 @p1 $0x1;
	p0 =	seq.s32 s7, s2  }
0x1e: {  	s7 =	smul.u32 @!p0 $0xF7A, s2;
	p2 =	seq.s32 @!p0 s5, $0x0  }
0x1f: {  	s9 =	smul.u32 $0xF7A, s1;
	s8 =	simm.s32 @!p0 $0x1BF5;
	p2 =	por !p2, p0  }
0x20: {  	[sflag:s8] =	ssyncset.s32 @!p0 $0xFFFFF086;
	s6 =	sadd.s32 @!p0 s3, s7;
	s7 =	simm.s32 @!p0 $0x108  }
0x21: {  	s3 =	sadd.s32 s3, s9;
	s6 =	sadd.s32 @!p0 $0x88, s6;
	s7 =	simm.s32 @p2 $0x1082  }
0x22: {  	[simem:s7], [sflag:s8] =	dma.local @!p0 [hbm:s6], $0xF7A  }
0x23: {  	s9 =	sor.u32 $0xD0000000, s2;
	s6 =	simm.s32 $0x108;
	_ =	swait.ge @!p0 [sflag:s8], $0x0  }
0x24: {  	s3 =	sadd.s32 $0x88, s3;
	s6 =	simm.s32 @!p1 $0x1082;
	[sflag:s4] =	ssyncset.s32 $0xFFFFF086  }
0x25: {  	[simem:s6], [sflag:s4] =	dma.local [hbm:s3], $0xF7A  }
0x26: {  	[smem:$0x3F81] =	sst s1;
	(tag) =	ssettag s2;
	_ =	strace s9  }
0x27: {  	s1 =	sld [smem:$0x3F91]  }
0x28: {  	s2 =	sld [smem:$0x3F92]  }
0x29: {  	s4 =	sld [smem:$0x3F94]  }
0x2a: {  	p0 =	seq.s32 s5, $0x0;
	s5 =	sld [smem:$0x3F95]  }
0x2b: {  	s6 =	sld [smem:$0x3F96]  }
0x2c: {  	s7 =	sld [smem:$0x3F97]  }
0x2d: {  	s3 =	simm.s32 $0x108;
	s8 =	sld [smem:$0x3F98]  }
0x2e: {  	s3 =	simm.s32 @!p0 $0x1082;
	s9 =	sld [smem:$0x3F99]  }
0x2f: {  	lr =	sadd.s32 s0, s3;
	s0 =	sld [smem:$0x3F90]  }
0x30: {  	s3 =	sld [smem:$0x3F93]  }
0x31: {  	[smem:$0x3F9C] =	sst s10  }
0x32: {  	s10 =	sld [smem:$0x3F9A];
	_ =	sdelay $0x3  }
0x33: {  	p0 =	seq.s32 s10, $0x1;
	s10 =	sld [smem:$0x3F9C];
	_ =	sdelay $0x3  }
0x34: {  	[smem:$0x3F9C] =	sst s10  }
0x35: {  	s10 =	sld [smem:$0x3F9B];
	_ =	sdelay $0x3  }
0x36: {  	p1 =	seq.s32 s10, $0x1;
	s10 =	sld [smem:$0x3F9C];
	_ =	sdelay $0x3  }
0x37: {  	[smem:$0x3F9C] =	sst s10  }
0x38: {  	s10 =	sld [smem:$0x3F9D]  }
0x39: {  	_ = 	snop;
	(pc) =	sbr.ind lr, $3  }
0x3a: {  	_ = 	snop  }
0x3b: {  	_ = 	snop  }
0x3c: {  	p2 =	seq.s32 s10, $0x1;
	s10 =	sld [smem:$0x3F9C]  }
0x3d: {  	_ =	shalt  }
0x3e: {  	_ =	shalt  }
0x3f: {  	_ =	shalt  }
0x40: {  	_ =	shalt  }
0x41: {  	_ =	shalt  }
0x42: {  	_ =	shalt  }
0x43: {  	_ =	shalt  }
0x44: {  	_ =	shalt  }
0x45: {  	_ =	shalt  }
0x46: {  	_ =	shalt  }
0x47: {  	_ =	shalt  }
0x48: {  	_ =	shalt  }
0x49: {  	_ =	shalt  }
0x4a: {  	_ =	shalt  }
0x4b: {  	_ =	shalt  }
0x4c: {  	_ =	shalt  }
0x4d: {  	_ =	shalt  }
0x4e: {  	_ =	shalt  }
0x4f: {  	_ =	shalt  }
0x50: {  	_ =	shalt  }
0x51: {  	_ =	shalt  }
0x52: {  	_ =	shalt  }
0x53: {  	_ =	shalt  }
0x54: {  	_ =	shalt  }
0x55: {  	_ =	shalt  }
0x56: {  	_ =	shalt  }
0x57: {  	_ =	shalt  }
0x58: {  	_ =	shalt  }
0x59: {  	_ =	shalt  }
0x5a: {  	_ =	shalt  }
0x5b: {  	_ =	shalt  }
0x5c: {  	_ =	shalt  }
0x5d: {  	_ =	shalt  }
0x5e: {  	_ =	shalt  }
0x5f: {  	_ =	shalt  }
0x60: {  	_ =	shalt  }
0x61: {  	_ =	shalt  }
0x62: {  	_ =	shalt  }
0x63: {  	_ =	shalt  }
0x64: {  	_ =	shalt  }
0x65: {  	_ =	shalt  }
0x66: {  	_ =	shalt  }
0x67: {  	_ =	shalt  }
0x68: {  	_ =	shalt  }
0x69: {  	_ =	shalt  }
0x6a: {  	_ =	shalt  }
0x6b: {  	_ =	shalt  }
0x6c: {  	_ =	shalt  }
0x6d: {  	_ =	shalt  }
0x6e: {  	_ =	shalt  }
0x6f: {  	_ =	shalt  }
0x70: {  	_ =	shalt  }
0x71: {  	_ =	shalt  }
0x72: {  	_ =	shalt  }
0x73: {  	_ =	shalt  }
0x74: {  	_ =	shalt  }
0x75: {  	_ =	shalt  }
0x76: {  	_ =	shalt  }
0x77: {  	_ =	shalt  }
0x78: {  	_ =	shalt  }
0x79: {  	_ =	shalt  }
0x7a: {  	_ =	shalt  }
0x7b: {  	_ =	shalt  }
0x7c: {  	_ =	shalt  }
0x7d: {  	_ =	shalt  }
0x7e: {  	_ =	shalt  }
0x7f: {  	_ =	shalt  }
0x80: {  	_ =	shalt  }
0x81: {  	_ =	shalt  }
0x82: {  	_ =	shalt  }
0x83: {  	_ =	shalt  }
0x84: {  	_ =	shalt  }
0x85: {  	_ =	shalt  }
0x86: {  	_ =	shalt  }
0x87: {  	_ =	shalt  }
.Lfunc_end0:
.L_simem_size_0:
called_computation.5_lowered:
.L_overlay_start_0:
0x88: {  	s2 =	sld [smem:$0x3FD9]  }
0x89: {  	s3 =	sld [smem:$0x3FFE];
	_ =	sdelay $0x1  }
0x8a: {  	s1 =	srdreg.scid  }
0x8b: {  	s0 =	sand.u32 $0x1, s1  }
0x8c: {  	s16 =	sshll.u32 s0, $0xA;
	s2 =	sadd.s32 s3, s2  }
0x8d: {  	s2 =	sadd.s32 s2, s16  }
0x8e: {  	[smem:$0x3FA8] =	sst s2  }
0x8f: {  	_ = 	snop  }
0x90: {  	(tm) =	ssettm $0x1  }
0x91: {  	s17 =	sld [smem:$0x3FFB];
	_ =	sdelay $0x3  }
0x92: {  	_ =	strace s17  }
0x93: {  	s2 =	sld [smem:$0x3FFC];
	_ =	sdelay $0x3  }
0x94: {  	_ =	strace s2  }
0x95: {  	s2 =	sld [smem:$0x3FFD];
	_ =	sdelay $0x3  }
0x96: {  	_ =	strace s2  }
0x97: {  	_ =	strace $0x8FFFFFFF  }
0x98: {  	s18 =	sld [smem:$0x3FDB];
	_ =	sdelay $0x1  }
0x99: {  	s19 =	simm.s32 $_scs_section_size  }
0x9a: {  	s4 =	simm.s32 $_size__tile_overlayer_lowered;
	s5 =	simm.s32 $_tile_overlayer_lowered  }
0x9b: {  	s22 =	simm.s32 $0x1BFF;
	s21 =	sshll.u32 s5, $0x1;
	s2 =	sadd.s32 s19, s18  }
0x9c: {  	s6 =	simm.s32 $0x0;
	s20 =	sshll.u32 s4, $0x1;
	s4 =	sadd.s32 s21, s2  }
0x9d: {  	[timem:s6], [sflag:s22] =	dma.local [hbm:s4], s20  }
0x9e: {  	_ =	swait.ge [sflag:s22], s20  }
0x9f: {  	s3 =	ssub.s32 $0x0, s20;
	[sflag:s22] =	ssyncset.done $0x0  }
0xa0: {  	[sflag:s22] =	ssyncadd.s32 s3;
	_ =	sdelay $0x1  }
0xa1: {  	s23 =	simm.s32 $0x1B8B  }
0xa2: {  	_ =	swait.ge [sflag:s23], $0x1  }
0xa3: {  	[sflag:s23] =	ssyncset.done $0x0  }
0xa4: {  	s25 =	simm.s32 $0x1B8E;
	s24 =	sld [smem:$0x3FFE];
	[sflag:s23] =	ssyncadd.s32 $0xFFFFFFFF  }
0xa5: {  	s26 =	simm.s32 $execute0_lowered;
	[smem:$0x3FD2] =	sst s25  }
0xa6: {  	s4 =	sshll.u32 s26, $0x1;
	_ =	strace $0x80000055;
	[dreg:$0x1] =	wrdreg $0xFFFFFFFF  }
0xa7: {  	s28 =	simm.s32 $_size_execute0_lowered;
	s2 =	sadd.s32 s2, s4;
	[dreg:$0x0] =	wrdreg $0x0  }
0xa8: {  	s4 =	sshll.u32 s28, $0x1;
	[dreg:$0x2] =	wrdreg s2  }
0xa9: {  	[dreg:$0x3] =	wrdreg s4  }
0xaa: {  	[dreg:$0x4] =	wrdreg $0xC0  }
0xab: {  	_ =	task [dreg:s6], $0x5FFFF  }
0xac: {  	[dreg:$0x1] =	wrdreg $0xFFFFFFFF  }
0xad: {  	[dreg:$0x0] =	wrdreg $0x60  }
0xae: {  	[dreg:$0x2] =	wrdreg s24  }
0xaf: {  	[dreg:$0x3] =	wrdreg $0x8800  }
0xb0: {  	[dreg:$0x4] =	wrdreg $0x9  }
0xb1: {  	_ =	task.clear_ibuf [dreg:s6], $0x5FFFF;
	_ =	strace $0x90000055  }
0xb2: {  	s29 =	simm.s32 $0x9;
	_ =	strace $0x80000057  }
0xb3: {  	_ =	swait.ge [sflag:s29], $0x1  }
0xb4: {  	[sflag:s29] =	ssyncadd.s32 $0xFFFFFFFF  }
0xb5: {  	_ =	strace $0x90000057  }
0xb6: {  	_ =	sfence  }
0xb7: {  	s30 =	sld [smem:$0x0];
	_ =	sdelay $0x2  }
0xb8: {  	s31 =	sshll.u32 s1, $0xD;
	s1 =	sshrl.u32 s1, $0x2  }
0xb9: {  	s3 =	sand.u32 $0x4000, s31;
	s1 =	sadd.s32 s1, s30  }
0xba: {  	s0 =	sor.u32 s3, s0;
	s1 =	sshll.u32 s1, $0x11  }
0xbb: {  	s0 =	sor.u32 s1, s0  }
0xbc: {  	s0 =	sadd.s32 $0x8F2B, s0  }
0xbd: {  	[sflag:s0] =	ssyncadd.remote.s32 $0x1  }
0xbe: {  	_ =	sfence.sel $0xFFFF  }
0xbf: {  	[dreg:$0x0] =	wrdreg $0xFFFFFFFF;
	(pc) =	sbr.abs _section_cstart, $3  }
0xc0: {  	[dreg:$0x1] =	wrdreg $0xFFFFFFFF  }
0xc1: {  	_ =	task.clear_ibuf [dreg:s6], $0x2FFFF;
	_ =	strace $0x9FFFFFFF  }
0xc2: {  	(tm) =	ssettm $0x7FFFFFFF  }
0xc3: {  	_ =	shalt  }
tec
execute0_lowered:
.L_overlay_start_1:
0x0: {  	(tag) =	ssettag $0x1  }
0x1: {  	s3 =	rddreg [dreg:$0x0]  }
0x2: {  	s1 =	rddreg [dreg:$0x1]  }
0x3: {  	s0 =	rddreg [dreg:$0x2];
	s4 =	srdreg.scid  }
0x4: {  	s16 =	stileid.u32;
	s2 =	simm.s32 $0x0;
	s11 =	sand.u32 $0x1, s4  }
0x5: {  	s25 =	smul.u32 $0x2710, s16;
	[smem:$0x7FF] =	sst s2;
	s12 =	sadd.s32 $0x71E00, s3  }
0x6: {  	s6 =	smul.u32 $0x9C40, s16;
	s13 =	sadd.s32 $0xB000, s3;
	s18 =	sshll.u32 s16, $0x8  }
0x7: {  	s29 =	sshll.u32 s16, $0x9;
	s31 =	sshll.u32 s16, $0x6;
	p0 =	sne.s32 s16, $0x0  }
0x8: {  	s5 =	smul.u32 $0x27100, s11;
	_ =	strace $0x80000056;
	s7 =	ssub.s32 $0x2, s11  }
0x9: {  	s15 =	sshll.u32 s11, $0x7;
	s30 =	sshll.u32 s11, $0x8;
	s16 =	sor.u32 $0x1C01, s31  }
0xa: {  	s8 =	sshrl.u32 s7, $0x1;
	s6 =	sshrl.u32 s6, $0x2;
	s28 =	sor.u32 $0x27000, s15  }
0xb: {  	s15 =	sor.u32 s15, s18;
	s5 =	sadd.s32 s25, s5;
	s14 =	ssub.s32 s7, s8  }
0xc: {  	s26 =	sadd.s32 s6, s1;
	s9 =	sshrl.u32 s28, $0x3;
	s17 =	sshll.u32 s28, $0x1  }
0xd: {  	s15 =	sshrl.u32 s15, $0x3;
	s5 =	sshrl.u32 s5, $0x3;
	s4 =	sadd.s32 $0x7D0, s26  }
0xe: {  	s6 =	sadd.s32 $0x1770, s26;
	s7 =	sadd.s32 $0x1F40, s26;
	s8 =	sadd.s32 s13, s9  }
0xf: {  	s9 =	sadd.s32 s12, s17;
	s17 =	sadd.s32 s29, s12;
	s11 =	smax.u32 s14, $0x1  }
0x10: {  	s12 =	sadd.s32 s15, s13;
	s14 =	simm.s32 $0x80;
	s15 =	simm.s32 $0x1  }
0x11: {  	s10 =	sadd.s32 s5, s3;
	s3 =	sadd.s32 s25, s1;
	s5 =	sadd.s32 $0xFA0, s26  }
0x12: {  	v0 =	vimm.f32 $0.0e+00;
	s13 =	sadd.s32 s30, s17;
	s17 =	simm.s32 $0x0;
	s10 =	sadd.s32 $0x10000, s10  }
.LBB2_1:
0x13: {  	s18 =	simm.s32 $0x40;
	s19 =	simm.s32 $0x0  }
.LBB2_2:
0x14: {  	p1 =	sne.s32 s18, $0x1FC0;
	[tilespmem:s19+$0x80] =	vst v0;
	s19 =	smov.u32 s18;
	s18 =	sadd.s32 $0x40, s18  }
.Ltmp0:
0x15: {  	(pc) =	sbr.rel @p1 .LBB2_2-.Ltmp0, $2  }
0x16: {  	_ =	sdelay $0x2  }
0x17: {  	s19 =	sshra.s32 s19, $0x2  }
0x18: {  	[tilespmem:s19+$0x80] =	vst v0  }
0x19: {  	[spmem:s3] =	stream.linear.scatter [tilespmem:s14], [sflag:$0x1], $0x7D0, $0x38;
	[tilespmem:$0x2F90] =	vst v63  }
0x1a: {  	_ =	swait.ge [sflag:s15], $0x7D0  }
0x1b: {  	[sflag:s15] =	ssyncset.done $0x0  }
0x1c: {  	[sflag:s15] =	ssyncadd.s32 $0xFFFFF830  }
0x1d: {  	[spmem:s4] =	stream.linear.scatter [tilespmem:s14], [sflag:$0x1], $0x7D0, $0x38;
	[tilespmem:$0x2F90] =	vst v63  }
0x1e: {  	_ =	swait.ge [sflag:s15], $0x7D0  }
0x1f: {  	[sflag:s15] =	ssyncset.done $0x0  }
0x20: {  	[sflag:s15] =	ssyncadd.s32 $0xFFFFF830  }
0x21: {  	[spmem:s5] =	stream.linear.scatter [tilespmem:s14], [sflag:$0x1], $0x7D0, $0x38;
	[tilespmem:$0x2F90] =	vst v63  }
0x22: {  	_ =	swait.ge [sflag:s15], $0x7D0  }
0x23: {  	[sflag:s15] =	ssyncset.done $0x0  }
0x24: {  	[sflag:s15] =	ssyncadd.s32 $0xFFFFF830  }
0x25: {  	[spmem:s6] =	stream.linear.scatter [tilespmem:s14], [sflag:$0x1], $0x7D0, $0x38;
	[tilespmem:$0x2F90] =	vst v63  }
0x26: {  	_ =	swait.ge [sflag:s15], $0x7D0  }
0x27: {  	[sflag:s15] =	ssyncset.done $0x0  }
0x28: {  	[sflag:s15] =	ssyncadd.s32 $0xFFFFF830  }
0x29: {  	[spmem:s7] =	stream.linear.scatter [tilespmem:s14], [sflag:$0x1], $0x7D0, $0x38;
	[tilespmem:$0x2F90] =	vst v63  }
0x2a: {  	_ =	swait.ge [sflag:s15], $0x7D0  }
0x2b: {  	[sflag:s15] =	ssyncset.done $0x0  }
0x2c: {  	[sflag:s15] =	ssyncadd.s32 $0xFFFFF830  }
0x2d: {  	s18 =	sadd.s32 $0x0, s12;
	[bflag:$0x0] =	sbarrier.arrive $0xFFFF  }
0x2e: {  	[tilespmem:s2], [sflag:$0x1] =	stream.linear.gather [hbm4b:s18+s2], $0x80, $0x38;
	[tilespmem:$0x2F90] =	vst v63  }
0x2f: {  	_ =	swait.ge [sflag:s15], $0x80  }
0x30: {  	[sflag:s15] =	ssyncset.done $0x0  }
0x31: {  	[sflag:s15] =	ssyncadd.s32 $0xFFFFFF80  }
0x32: {  	[tilespmem:s14], [sflag:$0x1] =	stream.linear.gather [hbm4b:s13+s2], $0x800, $0x38;
	[tilespmem:$0x2F90] =	vst v63  }
0x33: {  	_ =	swait.ge [sflag:s15], $0x800  }
0x34: {  	[sflag:s15] =	ssyncset.done $0x0  }
0x35: {  	[sflag:s15] =	ssyncadd.s32 $0xFFFFF800  }
0x36: {  	[spmem:s1] =	stream.indirect.scatter.add.f32 [tilespmem:s14], [sflag:$0x1], $0x10, s2, s14, $0xb8;
	[tilespmem:$0x2F90] =	vst v63  }
0x37: {  	s19 =	simm.s32 $0x200;
	_ =	swait.ge [sflag:s15], $0x800  }
0x38: {  	s20 =	simm.s32 $0x400;
	s18 =	sadd.s32 $0x2000, s13;
	[sflag:s15] =	ssyncset.done $0x0  }
.LBB2_4:
0x39: {  	s21 =	sadd.s32 s19, s12  }
0x3a: {  	[sflag:s15] =	ssyncadd.s32 $0xFFFFF800;
	s19 =	smov.u32 s20;
	s22 =	sadd.s32 $0x200, s20  }
0x3b: {  	[tilespmem:s2], [sflag:$0x1] =	stream.linear.gather [hbm4b:s21+s2], $0x80, $0x38;
	[tilespmem:$0x2F90] =	vst v63  }
0x3c: {  	p1 =	sne.s32 s20, $0x4C00;
	_ =	swait.ge [sflag:s15], $0x80  }
0x3d: {  	[sflag:s15] =	ssyncset.done $0x0  }
0x3e: {  	[sflag:s15] =	ssyncadd.s32 $0xFFFFFF80  }
0x3f: {  	[tilespmem:s14], [sflag:$0x1] =	stream.linear.gather [hbm4b:s18+s2], $0x800, $0x38;
	[tilespmem:$0x2F90] =	vst v63  }
0x40: {  	_ =	swait.ge [sflag:s15], $0x800  }
.Ltmp1:
0x41: {  	[sflag:s15] =	ssyncset.done $0x0;
	(pc) =	sbr.rel @p1 .LBB2_4-.Ltmp1, $4  }
0x42: {  	[sflag:s15] =	ssyncadd.s32 $0xFFFFF800  }
0x43: {  	[spmem:s1] =	stream.indirect.scatter.add.f32 [tilespmem:s14], [sflag:$0x1], $0x10, s2, s14, $0xb8;
	[tilespmem:$0x2F90] =	vst v63  }
0x44: {  	_ =	swait.ge [sflag:s15], $0x800  }
0x45: {  	s20 =	smov.u32 s22;
	s18 =	sadd.s32 $0x2000, s18;
	[sflag:s15] =	ssyncset.done $0x0  }
0x46: {  	s19 =	sadd.s32 s19, s12;
	[sflag:s15] =	ssyncadd.s32 $0xFFFFF800  }
0x47: {  	[tilespmem:s2], [sflag:$0x1] =	stream.linear.gather [hbm4b:s19+s2], $0x80, $0x38;
	[tilespmem:$0x2F90] =	vst v63  }
0x48: {  	_ =	swait.ge [sflag:s15], $0x80  }
0x49: {  	[sflag:s15] =	ssyncset.done $0x0  }
0x4a: {  	[sflag:s15] =	ssyncadd.s32 $0xFFFFFF80  }
0x4b: {  	[tilespmem:s14], [sflag:$0x1] =	stream.linear.gather [hbm4b:s18+s2], $0x800, $0x38;
	[tilespmem:$0x2F90] =	vst v63  }
0x4c: {  	_ =	swait.ge [sflag:s15], $0x800  }
0x4d: {  	[sflag:s15] =	ssyncset.done $0x0  }
0x4e: {  	[sflag:s15] =	ssyncadd.s32 $0xFFFFF800  }
0x4f: {  	[spmem:s1] =	stream.indirect.scatter.add.f32 [tilespmem:s14], [sflag:$0x1], $0x10, s2, s14, $0xb8;
	[tilespmem:$0x2F90] =	vst v63  }
0x50: {  	_ =	swait.ge [sflag:s15], $0x800  }
0x51: {  	[sflag:s15] =	ssyncset.done $0x0  }
0x52: {  	s19 =	simm.s32 @!p0 $0x1;
	s18 =	simm.s32 @!p0 $0x0;
	[sflag:s15] =	ssyncadd.s32 $0xFFFFF800  }
0x53: {  	[tilespmem:s18], [sflag:$0x1] =	stream.linear.gather @!p0 [hbm4b:s8+s18], $0x80, $0x38;
	[tilespmem:$0x2F90] =	vst v63  }
0x54: {  	_ =	swait.ge @!p0 [sflag:s19], $0x80  }
0x55: {  	[sflag:s19] =	ssyncset.done @!p0 $0x0  }
0x56: {  	s20 =	simm.s32 @!p0 $0x80;
	[sflag:s19] =	ssyncadd.s32 @!p0 $0xFFFFFF80  }
0x57: {  	[tilespmem:s20], [sflag:$0x1] =	stream.linear.gather @!p0 [hbm4b:s9+s18], $0x800, $0x38;
	[tilespmem:$0x2F90] =	vst v63  }
0x58: {  	_ =	swait.ge @!p0 [sflag:s19], $0x800  }
0x59: {  	[sflag:s19] =	ssyncset.done @!p0 $0x0  }
0x5a: {  	[sflag:s19] =	ssyncadd.s32 @!p0 $0xFFFFF800  }
0x5b: {  	[spmem:s1] =	stream.indirect.scatter.add.f32 @!p0 [tilespmem:s20], [sflag:$0x1], $0x10, s18, s20, $0xb8;
	[tilespmem:$0x2F90] =	vst v63  }
0x5c: {  	_ =	swait.ge @!p0 [sflag:s19], $0x800  }
0x5d: {  	s17 =	sadd.s32 $0x1, s17;
	[sflag:s19] =	ssyncset.done @!p0 $0x0  }
0x5e: {  	p1 =	sne.s32 s17, s11;
	[sflag:s19] =	ssyncadd.s32 @!p0 $0xFFFFF800  }
.Ltmp2:
0x5f: {  	s31 =	sshrl.u32 s3, $0x3;
	[bflag:$0x0] =	sbarrier.arrive $0xFFFF;
	(pc) =	sbr.rel @p1 .LBB2_1-.Ltmp2, $4  }
0x60: {  	[hbm:s10], [sflag:s16] =	dma.local [spmem:s31], $0x4E2  }
0x61: {  	_ =	swait.ge [sflag:s15], $0x4E2  }
0x62: {  	[sflag:s15] =	ssyncset.done $0x0  }
0x63: {  	[sflag:s15] =	ssyncadd.s32 $0xFFFFFB1E  }
0x64: {  	_ =	sfence.sel $0x180000  }
0x65: {  	[bflag:$0x0] =	sbarrier.arrive $0xFFFF  }
0x66: {  	_ =	strace $0x90000056  }
0x67: {  	s0 =	sadd.s32 @!p0 $0x100000, s0;
	[bflag:$0x2] =	sbarrier.arrive $0xFFFF  }
0x68: {  	[sflag:s0] =	ssyncadd.tile.s32 @!p0 $0x1;
	_ =	shalt  }
.Lfunc_end2:
_tile_overlayer_lowered:
.L_overlay_start_2:
0x69: {  	(tag) =	ssettag $0x2  }
0x6a: {  	s0 =	rddreg [dreg:$0x0];
	s2 =	stileid.u32  }
0x6b: {  	s1 =	rddreg [dreg:$0x1];
	p0 =	sne.s32 s2, $0x0  }
0x6c: {  	s3 =	rddreg [dreg:$0x2];
	[bflag:$0x3] =	sbarrier.arrive $0xFFFF;
	s2 =	simm.s32 @!p0 $0x1C01  }
0x6d: {  	[timem:s3], [sflag:s2] =	dma.local @!p0 [hbm:s0], s1  }
0x6e: {  	s0 =	simm.s32 @!p0 $0x1  }
0x6f: {  	_ =	swait.ge @!p0 [sflag:s0], s1  }
0x70: {  	s1 =	ssub.s32 @!p0 $0x0, s1;
	[sflag:s0] =	ssyncset.done @!p0 $0x0  }
0x71: {  	[sflag:s0] =	ssyncadd.s32 @!p0 s1  }
0x72: {  	[bflag:$0x3] =	sbarrier.arrive $0xFFFF  }
0x73: {  	_ =	shalt  }

</sc_bundles>
